<compile_context>
chip_gen: v7x
topology: tpu7x:2x2x1
jax: 0.10.2.dev20260603
libtpu: 0.0.44.dev20260713+nightly
codegen_flags: <defaults>
</compile_context>

<pallas_src>
import functools

import jax
import jax.numpy as jnp
from jax import lax
from jax.experimental import pallas as pl
from jax.experimental.pallas import tpu as pltpu
from jax.experimental.pallas import tpu_sc as plsc

_B, _C, _H, _W = 16, 512, 32, 32
_D = 256


def _sc_body(col_hbm, row_hbm, out_hbm, tile_v, rowbuf, sem):
    nc = 2
    wid = lax.axis_index("s") * nc + lax.axis_index("c")
    pltpu.sync_copy(col_hbm.at[pl.ds(0, _W)], tile_v.at[0, :, pl.ds(0, _D)])
    pltpu.sync_copy(row_hbm.at[pl.ds(wid, 1)], rowbuf)
    for j in range(_D // 16):
        v = rowbuf[0, pl.ds(16 * j, 16)]
        for w in range(_W):
            tile_v[0, w, pl.ds(_D + 16 * j, 16)] = v
    copies = [
        pltpu.async_copy(tile_v, out_hbm.at[b, pl.ds(wid, 1)], sem)
        for b in range(_B)
    ]
    for c in copies:
        c.wait()


def kernel(x, row_embed, col_embed):
    b = x.shape[0]
    mesh = plsc.VectorSubcoreMesh(core_axis_name="c", subcore_axis_name="s")
    sc_fn = functools.partial(
        pl.kernel,
        mesh=mesh,
        out_type=jax.ShapeDtypeStruct((b, _H, _W, _C), jnp.float32),
        scratch_types=[
            pltpu.VMEM((1, _W, _C), jnp.float32),
            pltpu.VMEM((1, _D), jnp.float32),
            pltpu.SemaphoreType.DMA,
        ],
    )(_sc_body)
    out = sc_fn(col_embed, row_embed)
    return jnp.transpose(out, (0, 3, 1, 2))

# --- scband reference (transcript-rebuilt; emitter-appended) ---
"""Pipeline reference for scband-position-embedding-learned-15960098471993 (READ-ONLY COPY).

The authoritative reference and input builder live on the scoring server;
editing this copy changes nothing except your own understanding.
"""

import jax, jax.numpy as jnp
import numpy as np

NUM_POS_FEATS = 256

def setup_inputs(seed: int = 0) -> dict:
    key = jax.random.key(seed)
    k1, k2, k3 = jax.random.split(key, 3)
    x = jax.random.normal(k1, (16, 768, 32, 32), dtype=jnp.float32)
    # learned embedding tables, init uniform[0,1) per reset_parameters
    row_embed = jax.random.uniform(k2, (50, NUM_POS_FEATS), dtype=jnp.float32)
    col_embed = jax.random.uniform(k3, (50, NUM_POS_FEATS), dtype=jnp.float32)
    return {"x": x, "row_embed": row_embed, "col_embed": col_embed}

def reference(x, row_embed, col_embed):
    b = x.shape[0]
    h, w = x.shape[-2], x.shape[-1]
    i = jnp.arange(w)
    j = jnp.arange(h)
    x_emb = jnp.take(col_embed, i, axis=0)  # [w, d]
    y_emb = jnp.take(row_embed, j, axis=0)  # [h, d]
    d = x_emb.shape[-1]
    x_part = jnp.broadcast_to(x_emb[None, :, :], (h, w, d))  # repeat over rows
    y_part = jnp.broadcast_to(y_emb[:, None, :], (h, w, d))  # repeat over cols
    pos = jnp.concatenate([x_part, y_part], axis=-1)  # [h, w, 2d]
    pos = jnp.transpose(pos, (2, 0, 1))[None, :, :, :]  # [1, 2d, h, w]
    pos = jnp.broadcast_to(pos, (b, 2 * d, h, w))
    return pos

if __name__ == "__main__":
    import jax
    _d = setup_inputs()
    print(jax.jit(kernel)(*tuple(_d.values())))

</pallas_src>

<mosaic_0001>
#map = affine_map<(d0, d1) -> (0, 0)>
#map1 = affine_map<(d0, d1) -> (0, 0, 0, 0)>
module attributes {stable_mosaic.version = 14 : i64} {
  func.func @_sc_body(%arg0: i32, %arg1: i32, %arg2: memref<50x256xf32, #tpu.memory_space<hbm>>, %arg3: memref<50x256xf32, #tpu.memory_space<hbm>>, %arg4: memref<16x32x32x512xf32, #tpu.memory_space<hbm>>, %arg5: memref<1x32x512xf32, #tpu.memory_space<vmem>>, %arg6: memref<1x256xf32, #tpu.memory_space<vmem>>, %arg7: memref<!tpu.dma_semaphore, #tpu.memory_space<semaphore_mem>>) attributes {dimension_semantics = [#tpu.dimension_semantics<core_parallel>, #tpu.dimension_semantics<subcore_parallel>], iteration_bounds = array<i64: 2, 16>, scalar_prefetch = 0 : i64, scratch_operands = 3 : i64, tpu.core_type = #tpu.core_type<sc_vector_subcore>, window_params = [{transform_indices = #map}, {transform_indices = #map}, {transform_indices = #map1}]} {
    %mul3A = arith.constant 2 : i32
    %mul3A_0 = arith.muli %arg1, %mul3A : i32
    %add3A = arith.addi %mul3A_0, %arg0 : i32
    %run_scoped3A = arith.constant 0 : i32
    "tpu.region"() ({
      %run_scoped3A_4461 = tpu.sem_alloc : memref<!tpu.dma_semaphore, #tpu.memory_space<semaphore_mem>>
      %dma_start3A_4462 = arith.constant 0 : i32
      %dma_start3A_4463 = arith.constant 0 : i32
      %dma_start3A_4464 = tpu.memref_slice %arg5[%run_scoped3A, %dma_start3A_4462, %dma_start3A_4463] : memref<1x32x512xf32, #tpu.memory_space<vmem>> -> memref<1x32x256xf32, #tpu.memory_space<vmem>>
      %dma_start3A_4465 = tpu.memref_squeeze %dma_start3A_4464 : memref<1x32x256xf32, #tpu.memory_space<vmem>> -> memref<32x256xf32, #tpu.memory_space<vmem>>
      %dma_start3A_4466 = arith.constant 0 : i32
      %dma_start3A_4467 = arith.constant 0 : i32
      %dma_start3A_4468 = tpu.memref_slice %arg2[%dma_start3A_4466, %dma_start3A_4467] : memref<50x256xf32, #tpu.memory_space<hbm>> -> memref<32x256xf32, #tpu.memory_space<hbm>>
      %dma_start3A_4469 = arith.constant 0 : i32
      %dma_start3A_4470 = arith.constant 0 : i32
      %dma_start3A_4471 = tpu.memref_slice %arg5[%run_scoped3A, %dma_start3A_4469, %dma_start3A_4470] : memref<1x32x512xf32, #tpu.memory_space<vmem>> -> memref<1x32x256xf32, #tpu.memory_space<vmem>>
      %dma_start3A_4472 = tpu.memref_squeeze %dma_start3A_4471 : memref<1x32x256xf32, #tpu.memory_space<vmem>> -> memref<32x256xf32, #tpu.memory_space<vmem>>
      %dma_start3A_4473 = arith.constant 0 : i32
      %dma_start3A_4474 = arith.constant 0 : i32
      %dma_start3A_4475 = tpu.memref_slice %arg2[%dma_start3A_4473, %dma_start3A_4474] : memref<50x256xf32, #tpu.memory_space<hbm>> -> memref<32x256xf32, #tpu.memory_space<hbm>>
      tpu.enqueue_dma source(%dma_start3A_4475 : memref<32x256xf32, #tpu.memory_space<hbm>>) target(%dma_start3A_4472 : memref<32x256xf32, #tpu.memory_space<vmem>>) target_semaphore(%run_scoped3A_4461 : memref<!tpu.dma_semaphore, #tpu.memory_space<semaphore_mem>>)
      %dma_wait3A_4476 = arith.constant 0 : i32
      %dma_wait3A_4477 = arith.constant 0 : i32
      %dma_wait3A_4478 = tpu.memref_slice %arg5[%run_scoped3A, %dma_wait3A_4476, %dma_wait3A_4477] : memref<1x32x512xf32, #tpu.memory_space<vmem>> -> memref<1x32x256xf32, #tpu.memory_space<vmem>>
      %dma_wait3A_4479 = tpu.memref_squeeze %dma_wait3A_4478 : memref<1x32x256xf32, #tpu.memory_space<vmem>> -> memref<32x256xf32, #tpu.memory_space<vmem>>
      %dma_wait3A_4480 = arith.constant 0 : i32
      %dma_wait3A_4481 = arith.constant 0 : i32
      %dma_wait3A_4482 = tpu.memref_slice %arg2[%dma_wait3A_4480, %dma_wait3A_4481] : memref<50x256xf32, #tpu.memory_space<hbm>> -> memref<32x256xf32, #tpu.memory_space<hbm>>
      %dma_wait3A_4483 = arith.constant 0 : i32
      %dma_wait3A_4484 = arith.constant 0 : i32
      %dma_wait3A_4485 = tpu.memref_slice %arg5[%run_scoped3A, %dma_wait3A_4483, %dma_wait3A_4484] : memref<1x32x512xf32, #tpu.memory_space<vmem>> -> memref<1x32x256xf32, #tpu.memory_space<vmem>>
      %dma_wait3A_4486 = tpu.memref_squeeze %dma_wait3A_4485 : memref<1x32x256xf32, #tpu.memory_space<vmem>> -> memref<32x256xf32, #tpu.memory_space<vmem>>
      %dma_wait3A_4487 = arith.constant 0 : i32
      %dma_wait3A_4488 = arith.constant 0 : i32
      %dma_wait3A_4489 = tpu.memref_slice %arg2[%dma_wait3A_4487, %dma_wait3A_4488] : memref<50x256xf32, #tpu.memory_space<hbm>> -> memref<32x256xf32, #tpu.memory_space<hbm>>
      tpu.wait_dma2 semaphore(%run_scoped3A_4461 : memref<!tpu.dma_semaphore, #tpu.memory_space<semaphore_mem>>) src(%dma_wait3A_4489 : memref<32x256xf32, #tpu.memory_space<hbm>>) dst(%dma_wait3A_4486 : memref<32x256xf32, #tpu.memory_space<vmem>>)
      tpu.yield
    }) : () -> ()
    "tpu.region"() ({
      %run_scoped3A_4461 = tpu.sem_alloc : memref<!tpu.dma_semaphore, #tpu.memory_space<semaphore_mem>>
      %dma_start3A_4462 = arith.constant 0 : i32
      %dma_start3A_4463 = tpu.memref_slice %arg3[%add3A, %dma_start3A_4462] : memref<50x256xf32, #tpu.memory_space<hbm>> -> memref<1x256xf32, #tpu.memory_space<hbm>>
      %dma_start3A_4464 = arith.constant 0 : i32
      %dma_start3A_4465 = tpu.memref_slice %arg3[%add3A, %dma_start3A_4464] : memref<50x256xf32, #tpu.memory_space<hbm>> -> memref<1x256xf32, #tpu.memory_space<hbm>>
      tpu.enqueue_dma source(%dma_start3A_4465 : memref<1x256xf32, #tpu.memory_space<hbm>>) target(%arg6 : memref<1x256xf32, #tpu.memory_space<vmem>>) target_semaphore(%run_scoped3A_4461 : memref<!tpu.dma_semaphore, #tpu.memory_space<semaphore_mem>>)
      %dma_wait3A_4466 = arith.constant 0 : i32
      %dma_wait3A_4467 = tpu.memref_slice %arg3[%add3A, %dma_wait3A_4466] : memref<50x256xf32, #tpu.memory_space<hbm>> -> memref<1x256xf32, #tpu.memory_space<hbm>>
      %dma_wait3A_4468 = arith.constant 0 : i32
      %dma_wait3A_4469 = tpu.memref_slice %arg3[%add3A, %dma_wait3A_4468] : memref<50x256xf32, #tpu.memory_space<hbm>> -> memref<1x256xf32, #tpu.memory_space<hbm>>
      tpu.wait_dma2 semaphore(%run_scoped3A_4461 : memref<!tpu.dma_semaphore, #tpu.memory_space<semaphore_mem>>) src(%dma_wait3A_4469 : memref<1x256xf32, #tpu.memory_space<hbm>>) dst(%arg6 : memref<1x256xf32, #tpu.memory_space<vmem>>)
      tpu.yield
    }) : () -> ()
    %get3A = arith.constant 0 : i32
    %get3A_1 = arith.index_cast %get3A : i32 to index
    %get3A_2 = arith.constant 0 : index
    %get3A_3 = tpu.vector_load %arg6[%get3A_1, %get3A_2] {strides = array<i32>} : memref<1x256xf32, #tpu.memory_space<vmem>>, vector<1x16xf32>,
    %get3A_4 = vector.shape_cast %get3A_3 : vector<1x16xf32> to vector<16xf32>
    %swap3A = arith.constant 0 : i32
    %swap3A_5 = arith.constant 0 : i32
    %swap3A_6 = arith.index_cast %swap3A : i32 to index
    %swap3A_7 = arith.index_cast %swap3A_5 : i32 to index
    %swap3A_8 = arith.constant 256 : index
    %swap3A_9 = tpu.vector_load %arg5[%swap3A_6, %swap3A_7, %swap3A_8] {strides = array<i32>} : memref<1x32x512xf32, #tpu.memory_space<vmem>>, vector<1x1x16xf32>,
    %swap3A_10 = vector.shape_cast %swap3A_9 : vector<1x1x16xf32> to vector<16xf32>
    %swap3A_11 = vector.shape_cast %get3A_4 : vector<16xf32> to vector<1x1x16xf32>
    tpu.vector_store %arg5[%swap3A_6, %swap3A_7, %swap3A_8], %swap3A_11 {strides = array<i32>} : memref<1x32x512xf32, #tpu.memory_space<vmem>>, vector<1x1x16xf32>,
    %swap3A_12 = arith.constant 0 : i32
    %swap3A_13 = arith.constant 1 : i32
    %swap3A_14 = arith.index_cast %swap3A_12 : i32 to index
    %swap3A_15 = arith.index_cast %swap3A_13 : i32 to index
    %swap3A_16 = arith.constant 256 : index
    %swap3A_17 = tpu.vector_load %arg5[%swap3A_14, %swap3A_15, %swap3A_16] {strides = array<i32>} : memref<1x32x512xf32, #tpu.memory_space<vmem>>, vector<1x1x16xf32>,
    %swap3A_18 = vector.shape_cast %swap3A_17 : vector<1x1x16xf32> to vector<16xf32>
    %swap3A_19 = vector.shape_cast %get3A_4 : vector<16xf32> to vector<1x1x16xf32>
    tpu.vector_store %arg5[%swap3A_14, %swap3A_15, %swap3A_16], %swap3A_19 {strides = array<i32>} : memref<1x32x512xf32, #tpu.memory_space<vmem>>, vector<1x1x16xf32>,
    %swap3A_20 = arith.constant 0 : i32
    %swap3A_21 = arith.constant 2 : i32
    %swap3A_22 = arith.index_cast %swap3A_20 : i32 to index
    %swap3A_23 = arith.index_cast %swap3A_21 : i32 to index
    %swap3A_24 = arith.constant 256 : index
    %swap3A_25 = tpu.vector_load %arg5[%swap3A_22, %swap3A_23, %swap3A_24] {strides = array<i32>} : memref<1x32x512xf32, #tpu.memory_space<vmem>>, vector<1x1x16xf32>,
    %swap3A_26 = vector.shape_cast %swap3A_25 : vector<1x1x16xf32> to vector<16xf32>
    %swap3A_27 = vector.shape_cast %get3A_4 : vector<16xf32> to vector<1x1x16xf32>
    tpu.vector_store %arg5[%swap3A_22, %swap3A_23, %swap3A_24], %swap3A_27 {strides = array<i32>} : memref<1x32x512xf32, #tpu.memory_space<vmem>>, vector<1x1x16xf32>,
    %swap3A_28 = arith.constant 0 : i32
    %swap3A_29 = arith.constant 3 : i32
    %swap3A_30 = arith.index_cast %swap3A_28 : i32 to index
    %swap3A_31 = arith.index_cast %swap3A_29 : i32 to index
    %swap3A_32 = arith.constant 256 : index
    %swap3A_33 = tpu.vector_load %arg5[%swap3A_30, %swap3A_31, %swap3A_32] {strides = array<i32>} : memref<1x32x512xf32, #tpu.memory_space<vmem>>, vector<1x1x16xf32>,
    %swap3A_34 = vector.shape_cast %swap3A_33 : vector<1x1x16xf32> to vector<16xf32>
    %swap3A_35 = vector.shape_cast %get3A_4 : vector<16xf32> to vector<1x1x16xf32>
    tpu.vector_store %arg5[%swap3A_30, %swap3A_31, %swap3A_32], %swap3A_35 {strides = array<i32>} : memref<1x32x512xf32, #tpu.memory_space<vmem>>, vector<1x1x16xf32>,
    %swap3A_36 = arith.constant 0 : i32
    %swap3A_37 = arith.constant 4 : i32
    %swap3A_38 = arith.index_cast %swap3A_36 : i32 to index
    %swap3A_39 = arith.index_cast %swap3A_37 : i32 to index
    %swap3A_40 = arith.constant 256 : index
    %swap3A_41 = tpu.vector_load %arg5[%swap3A_38, %swap3A_39, %swap3A_40] {strides = array<i32>} : memref<1x32x512xf32, #tpu.memory_space<vmem>>, vector<1x1x16xf32>,
    %swap3A_42 = vector.shape_cast %swap3A_41 : vector<1x1x16xf32> to vector<16xf32>
    %swap3A_43 = vector.shape_cast %get3A_4 : vector<16xf32> to vector<1x1x16xf32>
    tpu.vector_store %arg5[%swap3A_38, %swap3A_39, %swap3A_40], %swap3A_43 {strides = array<i32>} : memref<1x32x512xf32, #tpu.memory_space<vmem>>, vector<1x1x16xf32>,
    %swap3A_44 = arith.constant 0 : i32
    %swap3A_45 = arith.constant 5 : i32
    %swap3A_46 = arith.index_cast %swap3A_44 : i32 to index
    %swap3A_47 = arith.index_cast %swap3A_45 : i32 to index
    %swap3A_48 = arith.constant 256 : index
    %swap3A_49 = tpu.vector_load %arg5[%swap3A_46, %swap3A_47, %swap3A_48] {strides = array<i32>} : memref<1x32x512xf32, #tpu.memory_space<vmem>>, vector<1x1x16xf32>,
    %swap3A_50 = vector.shape_cast %swap3A_49 : vector<1x1x16xf32> to vector<16xf32>
    %swap3A_51 = vector.shape_cast %get3A_4 : vector<16xf32> to vector<1x1x16xf32>
    tpu.vector_store %arg5[%swap3A_46, %swap3A_47, %swap3A_48], %swap3A_51 {strides = array<i32>} : memref<1x32x512xf32, #tpu.memory_space<vmem>>, vector<1x1x16xf32>,
    %swap3A_52 = arith.constant 0 : i32
    %swap3A_53 = arith.constant 6 : i32
    %swap3A_54 = arith.index_cast %swap3A_52 : i32 to index
    %swap3A_55 = arith.index_cast %swap3A_53 : i32 to index
    %swap3A_56 = arith.constant 256 : index
    %swap3A_57 = tpu.vector_load %arg5[%swap3A_54, %swap3A_55, %swap3A_56] {strides = array<i32>} : memref<1x32x512xf32, #tpu.memory_space<vmem>>, vector<1x1x16xf32>,
    %swap3A_58 = vector.shape_cast %swap3A_57 : vector<1x1x16xf32> to vector<16xf32>
    %swap3A_59 = vector.shape_cast %get3A_4 : vector<16xf32> to vector<1x1x16xf32>
    tpu.vector_store %arg5[%swap3A_54, %swap3A_55, %swap3A_56], %swap3A_59 {strides = array<i32>} : memref<1x32x512xf32, #tpu.memory_space<vmem>>, vector<1x1x16xf32>,
    %swap3A_60 = arith.constant 0 : i32
    %swap3A_61 = arith.constant 7 : i32
    %swap3A_62 = arith.index_cast %swap3A_60 : i32 to index
    %swap3A_63 = arith.index_cast %swap3A_61 : i32 to index
    %swap3A_64 = arith.constant 256 : index
    %swap3A_65 = tpu.vector_load %arg5[%swap3A_62, %swap3A_63, %swap3A_64] {strides = array<i32>} : memref<1x32x512xf32, #tpu.memory_space<vmem>>, vector<1x1x16xf32>,
    %swap3A_66 = vector.shape_cast %swap3A_65 : vector<1x1x16xf32> to vector<16xf32>
    %swap3A_67 = vector.shape_cast %get3A_4 : vector<16xf32> to vector<1x1x16xf32>
    tpu.vector_store %arg5[%swap3A_62, %swap3A_63, %swap3A_64], %swap3A_67 {strides = array<i32>} : memref<1x32x512xf32, #tpu.memory_space<vmem>>, vector<1x1x16xf32>,
    %swap3A_68 = arith.constant 0 : i32
    %swap3A_69 = arith.constant 8 : i32
    %swap3A_70 = arith.index_cast %swap3A_68 : i32 to index
    %swap3A_71 = arith.index_cast %swap3A_69 : i32 to index
    %swap3A_72 = arith.constant 256 : index
    %swap3A_73 = tpu.vector_load %arg5[%swap3A_70, %swap3A_71, %swap3A_72] {strides = array<i32>} : memref<1x32x512xf32, #tpu.memory_space<vmem>>, vector<1x1x16xf32>,
    %swap3A_74 = vector.shape_cast %swap3A_73 : vector<1x1x16xf32> to vector<16xf32>
    %swap3A_75 = vector.shape_cast %get3A_4 : vector<16xf32> to vector<1x1x16xf32>
    tpu.vector_store %arg5[%swap3A_70, %swap3A_71, %swap3A_72], %swap3A_75 {strides = array<i32>} : memref<1x32x512xf32, #tpu.memory_space<vmem>>, vector<1x1x16xf32>,
    %swap3A_76 = arith.constant 0 : i32
    %swap3A_77 = arith.constant 9 : i32
    %swap3A_78 = arith.index_cast %swap3A_76 : i32 to index
    %swap3A_79 = arith.index_cast %swap3A_77 : i32 to index
    %swap3A_80 = arith.constant 256 : index
    %swap3A_81 = tpu.vector_load %arg5[%swap3A_78, %swap3A_79, %swap3A_80] {strides = array<i32>} : memref<1x32x512xf32, #tpu.memory_space<vmem>>, vector<1x1x16xf32>,
    %swap3A_82 = vector.shape_cast %swap3A_81 : vector<1x1x16xf32> to vector<16xf32>
    %swap3A_83 = vector.shape_cast %get3A_4 : vector<16xf32> to vector<1x1x16xf32>
    tpu.vector_store %arg5[%swap3A_78, %swap3A_79, %swap3A_80], %swap3A_83 {strides = array<i32>} : memref<1x32x512xf32, #tpu.memory_space<vmem>>, vector<1x1x16xf32>,
    %swap3A_84 = arith.constant 0 : i32
    %swap3A_85 = arith.constant 10 : i32
    %swap3A_86 = arith.index_cast %swap3A_84 : i32 to index
    %swap3A_87 = arith.index_cast %swap3A_85 : i32 to index
    %swap3A_88 = arith.constant 256 : index
    %swap3A_89 = tpu.vector_load %arg5[%swap3A_86, %swap3A_87, %swap3A_88] {strides = array<i32>} : memref<1x32x512xf32, #tpu.memory_space<vmem>>, vector<1x1x16xf32>,
    %swap3A_90 = vector.shape_cast %swap3A_89 : vector<1x1x16xf32> to vector<16xf32>
    %swap3A_91 = vector.shape_cast %get3A_4 : vector<16xf32> to vector<1x1x16xf32>
    tpu.vector_store %arg5[%swap3A_86, %swap3A_87, %swap3A_88], %swap3A_91 {strides = array<i32>} : memref<1x32x512xf32, #tpu.memory_space<vmem>>, vector<1x1x16xf32>,
    %swap3A_92 = arith.constant 0 : i32
    %swap3A_93 = arith.constant 11 : i32
    %swap3A_94 = arith.index_cast %swap3A_92 : i32 to index
    %swap3A_95 = arith.index_cast %swap3A_93 : i32 to index
    %swap3A_96 = arith.constant 256 : index
    %swap3A_97 = tpu.vector_load %arg5[%swap3A_94, %swap3A_95, %swap3A_96] {strides = array<i32>} : memref<1x32x512xf32, #tpu.memory_space<vmem>>, vector<1x1x16xf32>,
    %swap3A_98 = vector.shape_cast %swap3A_97 : vector<1x1x16xf32> to vector<16xf32>
    %swap3A_99 = vector.shape_cast %get3A_4 : vector<16xf32> to vector<1x1x16xf32>
    tpu.vector_store %arg5[%swap3A_94, %swap3A_95, %swap3A_96], %swap3A_99 {strides = array<i32>} : memref<1x32x512xf32, #tpu.memory_space<vmem>>, vector<1x1x16xf32>,
    %swap3A_100 = arith.constant 0 : i32
    %swap3A_101 = arith.constant 12 : i32
    %swap3A_102 = arith.index_cast %swap3A_100 : i32 to index
    %swap3A_103 = arith.index_cast %swap3A_101 : i32 to index
    %swap3A_104 = arith.constant 256 : index
    %swap3A_105 = tpu.vector_load %arg5[%swap3A_102, %swap3A_103, %swap3A_104] {strides = array<i32>} : memref<1x32x512xf32, #tpu.memory_space<vmem>>, vector<1x1x16xf32>,
    %swap3A_106 = vector.shape_cast %swap3A_105 : vector<1x1x16xf32> to vector<16xf32>
    %swap3A_107 = vector.shape_cast %get3A_4 : vector<16xf32> to vector<1x1x16xf32>
    tpu.vector_store %arg5[%swap3A_102, %swap3A_103, %swap3A_104], %swap3A_107 {strides = array<i32>} : memref<1x32x512xf32, #tpu.memory_space<vmem>>, vector<1x1x16xf32>,
    %swap3A_108 = arith.constant 0 : i32
    %swap3A_109 = arith.constant 13 : i32
    %swap3A_110 = arith.index_cast %swap3A_108 : i32 to index
    %swap3A_111 = arith.index_cast %swap3A_109 : i32 to index
    %swap3A_112 = arith.constant 256 : index
    %swap3A_113 = tpu.vector_load %arg5[%swap3A_110, %swap3A_111, %swap3A_112] {strides = array<i32>} : memref<1x32x512xf32, #tpu.memory_space<vmem>>, vector<1x1x16xf32>,
    %swap3A_114 = vector.shape_cast %swap3A_113 : vector<1x1x16xf32> to vector<16xf32>
    %swap3A_115 = vector.shape_cast %get3A_4 : vector<16xf32> to vector<1x1x16xf32>
    tpu.vector_store %arg5[%swap3A_110, %swap3A_111, %swap3A_112], %swap3A_115 {strides = array<i32>} : memref<1x32x512xf32, #tpu.memory_space<vmem>>, vector<1x1x16xf32>,
    %swap3A_116 = arith.constant 0 : i32
    %swap3A_117 = arith.constant 14 : i32
    %swap3A_118 = arith.index_cast %swap3A_116 : i32 to index
    %swap3A_119 = arith.index_cast %swap3A_117 : i32 to index
    %swap3A_120 = arith.constant 256 : index
    %swap3A_121 = tpu.vector_load %arg5[%swap3A_118, %swap3A_119, %swap3A_120] {strides = array<i32>} : memref<1x32x512xf32, #tpu.memory_space<vmem>>, vector<1x1x16xf32>,
    %swap3A_122 = vector.shape_cast %swap3A_121 : vector<1x1x16xf32> to vector<16xf32>
    %swap3A_123 = vector.shape_cast %get3A_4 : vector<16xf32> to vector<1x1x16xf32>
    tpu.vector_store %arg5[%swap3A_118, %swap3A_119, %swap3A_120], %swap3A_123 {strides = array<i32>} : memref<1x32x512xf32, #tpu.memory_space<vmem>>, vector<1x1x16xf32>,
    %swap3A_124 = arith.constant 0 : i32
    %swap3A_125 = arith.constant 15 : i32
    %swap3A_126 = arith.index_cast %swap3A_124 : i32 to index
    %swap3A_127 = arith.index_cast %swap3A_125 : i32 to index
    %swap3A_128 = arith.constant 256 : index
    %swap3A_129 = tpu.vector_load %arg5[%swap3A_126, %swap3A_127, %swap3A_128] {strides = array<i32>} : memref<1x32x512xf32, #tpu.memory_space<vmem>>, vector<1x1x16xf32>,
    %swap3A_130 = vector.shape_cast %swap3A_129 : vector<1x1x16xf32> to vector<16xf32>
    %swap3A_131 = vector.shape_cast %get3A_4 : vector<16xf32> to vector<1x1x16xf32>
    tpu.vector_store %arg5[%swap3A_126, %swap3A_127, %swap3A_128], %swap3A_131 {strides = array<i32>} : memref<1x32x512xf32, #tpu.memory_space<vmem>>, vector<1x1x16xf32>,
    %swap3A_132 = arith.constant 0 : i32
    %swap3A_133 = arith.constant 16 : i32
    %swap3A_134 = arith.index_cast %swap3A_132 : i32 to index
    %swap3A_135 = arith.index_cast %swap3A_133 : i32 to index
    %swap3A_136 = arith.constant 256 : index
    %swap3A_137 = tpu.vector_load %arg5[%swap3A_134, %swap3A_135, %swap3A_136] {strides = array<i32>} : memref<1x32x512xf32, #tpu.memory_space<vmem>>, vector<1x1x16xf32>,
    %swap3A_138 = vector.shape_cast %swap3A_137 : vector<1x1x16xf32> to vector<16xf32>
    %swap3A_139 = vector.shape_cast %get3A_4 : vector<16xf32> to vector<1x1x16xf32>
    tpu.vector_store %arg5[%swap3A_134, %swap3A_135, %swap3A_136], %swap3A_139 {strides = array<i32>} : memref<1x32x512xf32, #tpu.memory_space<vmem>>, vector<1x1x16xf32>,
    %swap3A_140 = arith.constant 0 : i32
    %swap3A_141 = arith.constant 17 : i32
    %swap3A_142 = arith.index_cast %swap3A_140 : i32 to index
    %swap3A_143 = arith.index_cast %swap3A_141 : i32 to index
    %swap3A_144 = arith.constant 256 : index
    %swap3A_145 = tpu.vector_load %arg5[%swap3A_142, %swap3A_143, %swap3A_144] {strides = array<i32>} : memref<1x32x512xf32, #tpu.memory_space<vmem>>, vector<1x1x16xf32>,
    %swap3A_146 = vector.shape_cast %swap3A_145 : vector<1x1x16xf32> to vector<16xf32>
    %swap3A_147 = vector.shape_cast %get3A_4 : vector<16xf32> to vector<1x1x16xf32>
    tpu.vector_store %arg5[%swap3A_142, %swap3A_143, %swap3A_144], %swap3A_147 {strides = array<i32>} : memref<1x32x512xf32, #tpu.memory_space<vmem>>, vector<1x1x16xf32>,
    %swap3A_148 = arith.constant 0 : i32
    %swap3A_149 = arith.constant 18 : i32
    %swap3A_150 = arith.index_cast %swap3A_148 : i32 to index
    %swap3A_151 = arith.index_cast %swap3A_149 : i32 to index
    %swap3A_152 = arith.constant 256 : index
    %swap3A_153 = tpu.vector_load %arg5[%swap3A_150, %swap3A_151, %swap3A_152] {strides = array<i32>} : memref<1x32x512xf32, #tpu.memory_space<vmem>>, vector<1x1x16xf32>,
    %swap3A_154 = vector.shape_cast %swap3A_153 : vector<1x1x16xf32> to vector<16xf32>
    %swap3A_155 = vector.shape_cast %get3A_4 : vector<16xf32> to vector<1x1x16xf32>
    tpu.vector_store %arg5[%swap3A_150, %swap3A_151, %swap3A_152], %swap3A_155 {strides = array<i32>} : memref<1x32x512xf32, #tpu.memory_space<vmem>>, vector<1x1x16xf32>,
    %swap3A_156 = arith.constant 0 : i32
    %swap3A_157 = arith.constant 19 : i32
    %swap3A_158 = arith.index_cast %swap3A_156 : i32 to index
    %swap3A_159 = arith.index_cast %swap3A_157 : i32 to index
    %swap3A_160 = arith.constant 256 : index
    %swap3A_161 = tpu.vector_load %arg5[%swap3A_158, %swap3A_159, %swap3A_160] {strides = array<i32>} : memref<1x32x512xf32, #tpu.memory_space<vmem>>, vector<1x1x16xf32>,
    %swap3A_162 = vector.shape_cast %swap3A_161 : vector<1x1x16xf32> to vector<16xf32>
    %swap3A_163 = vector.shape_cast %get3A_4 : vector<16xf32> to vector<1x1x16xf32>
    tpu.vector_store %arg5[%swap3A_158, %swap3A_159, %swap3A_160], %swap3A_163 {strides = array<i32>} : memref<1x32x512xf32, #tpu.memory_space<vmem>>, vector<1x1x16xf32>,
    %swap3A_164 = arith.constant 0 : i32
    %swap3A_165 = arith.constant 20 : i32
    %swap3A_166 = arith.index_cast %swap3A_164 : i32 to index
    %swap3A_167 = arith.index_cast %swap3A_165 : i32 to index
    %swap3A_168 = arith.constant 256 : index
    %swap3A_169 = tpu.vector_load %arg5[%swap3A_166, %swap3A_167, %swap3A_168] {strides = array<i32>} : memref<1x32x512xf32, #tpu.memory_space<vmem>>, vector<1x1x16xf32>,
    %swap3A_170 = vector.shape_cast %swap3A_169 : vector<1x1x16xf32> to vector<16xf32>
    %swap3A_171 = vector.shape_cast %get3A_4 : vector<16xf32> to vector<1x1x16xf32>
    tpu.vector_store %arg5[%swap3A_166, %swap3A_167, %swap3A_168], %swap3A_171 {strides = array<i32>} : memref<1x32x512xf32, #tpu.memory_space<vmem>>, vector<1x1x16xf32>,
    %swap3A_172 = arith.constant 0 : i32
    %swap3A_173 = arith.constant 21 : i32
    %swap3A_174 = arith.index_cast %swap3A_172 : i32 to index
    %swap3A_175 = arith.index_cast %swap3A_173 : i32 to index
    %swap3A_176 = arith.constant 256 : index
    %swap3A_177 = tpu.vector_load %arg5[%swap3A_174, %swap3A_175, %swap3A_176] {strides = array<i32>} : memref<1x32x512xf32, #tpu.memory_space<vmem>>, vector<1x1x16xf32>,
    %swap3A_178 = vector.shape_cast %swap3A_177 : vector<1x1x16xf32> to vector<16xf32>
    %swap3A_179 = vector.shape_cast %get3A_4 : vector<16xf32> to vector<1x1x16xf32>
    tpu.vector_store %arg5[%swap3A_174, %swap3A_175, %swap3A_176], %swap3A_179 {strides = array<i32>} : memref<1x32x512xf32, #tpu.memory_space<vmem>>, vector<1x1x16xf32>,
    %swap3A_180 = arith.constant 0 : i32
    %swap3A_181 = arith.constant 22 : i32
    %swap3A_182 = arith.index_cast %swap3A_180 : i32 to index
    %swap3A_183 = arith.index_cast %swap3A_181 : i32 to index
    %swap3A_184 = arith.constant 256 : index
    %swap3A_185 = tpu.vector_load %arg5[%swap3A_182, %swap3A_183, %swap3A_184] {strides = array<i32>} : memref<1x32x512xf32, #tpu.memory_space<vmem>>, vector<1x1x16xf32>,
    %swap3A_186 = vector.shape_cast %swap3A_185 : vector<1x1x16xf32> to vector<16xf32>
    %swap3A_187 = vector.shape_cast %get3A_4 : vector<16xf32> to vector<1x1x16xf32>
    tpu.vector_store %arg5[%swap3A_182, %swap3A_183, %swap3A_184], %swap3A_187 {strides = array<i32>} : memref<1x32x512xf32, #tpu.memory_space<vmem>>, vector<1x1x16xf32>,
    %swap3A_188 = arith.constant 0 : i32
    %swap3A_189 = arith.constant 23 : i32
    %swap3A_190 = arith.index_cast %swap3A_188 : i32 to index
    %swap3A_191 = arith.index_cast %swap3A_189 : i32 to index
    %swap3A_192 = arith.constant 256 : index
    %swap3A_193 = tpu.vector_load %arg5[%swap3A_190, %swap3A_191, %swap3A_192] {strides = array<i32>} : memref<1x32x512xf32, #tpu.memory_space<vmem>>, vector<1x1x16xf32>,
    %swap3A_194 = vector.shape_cast %swap3A_193 : vector<1x1x16xf32> to vector<16xf32>
    %swap3A_195 = vector.shape_cast %get3A_4 : vector<16xf32> to vector<1x1x16xf32>
    tpu.vector_store %arg5[%swap3A_190, %swap3A_191, %swap3A_192], %swap3A_195 {strides = array<i32>} : memref<1x32x512xf32, #tpu.memory_space<vmem>>, vector<1x1x16xf32>,
    %swap3A_196 = arith.constant 0 : i32
    %swap3A_197 = arith.constant 24 : i32
    %swap3A_198 = arith.index_cast %swap3A_196 : i32 to index
    %swap3A_199 = arith.index_cast %swap3A_197 : i32 to index
    %swap3A_200 = arith.constant 256 : index
    %swap3A_201 = tpu.vector_load %arg5[%swap3A_198, %swap3A_199, %swap3A_200] {strides = array<i32>} : memref<1x32x512xf32, #tpu.memory_space<vmem>>, vector<1x1x16xf32>,
    %swap3A_202 = vector.shape_cast %swap3A_201 : vector<1x1x16xf32> to vector<16xf32>
    %swap3A_203 = vector.shape_cast %get3A_4 : vector<16xf32> to vector<1x1x16xf32>
    tpu.vector_store %arg5[%swap3A_198, %swap3A_199, %swap3A_200], %swap3A_203 {strides = array<i32>} : memref<1x32x512xf32, #tpu.memory_space<vmem>>, vector<1x1x16xf32>,
    %swap3A_204 = arith.constant 0 : i32
    %swap3A_205 = arith.constant 25 : i32
    %swap3A_206 = arith.index_cast %swap3A_204 : i32 to index
    %swap3A_207 = arith.index_cast %swap3A_205 : i32 to index
    %swap3A_208 = arith.constant 256 : index
    %swap3A_209 = tpu.vector_load %arg5[%swap3A_206, %swap3A_207, %swap3A_208] {strides = array<i32>} : memref<1x32x512xf32, #tpu.memory_space<vmem>>, vector<1x1x16xf32>,
    %swap3A_210 = vector.shape_cast %swap3A_209 : vector<1x1x16xf32> to vector<16xf32>
    %swap3A_211 = vector.shape_cast %get3A_4 : vector<16xf32> to vector<1x1x16xf32>
    tpu.vector_store %arg5[%swap3A_206, %swap3A_207, %swap3A_208], %swap3A_211 {strides = array<i32>} : memref<1x32x512xf32, #tpu.memory_space<vmem>>, vector<1x1x16xf32>,
    %swap3A_212 = arith.constant 0 : i32
    %swap3A_213 = arith.constant 26 : i32
    %swap3A_214 = arith.index_cast %swap3A_212 : i32 to index
    %swap3A_215 = arith.index_cast %swap3A_213 : i32 to index
    %swap3A_216 = arith.constant 256 : index
    %swap3A_217 = tpu.vector_load %arg5[%swap3A_214, %swap3A_215, %swap3A_216] {strides = array<i32>} : memref<1x32x512xf32, #tpu.memory_space<vmem>>, vector<1x1x16xf32>,
    %swap3A_218 = vector.shape_cast %swap3A_217 : vector<1x1x16xf32> to vector<16xf32>
    %swap3A_219 = vector.shape_cast %get3A_4 : vector<16xf32> to vector<1x1x16xf32>
    tpu.vector_store %arg5[%swap3A_214, %swap3A_215, %swap3A_216], %swap3A_219 {strides = array<i32>} : memref<1x32x512xf32, #tpu.memory_space<vmem>>, vector<1x1x16xf32>,
    %swap3A_220 = arith.constant 0 : i32
    %swap3A_221 = arith.constant 27 : i32
    %swap3A_222 = arith.index_cast %swap3A_220 : i32 to index
    %swap3A_223 = arith.index_cast %swap3A_221 : i32 to index
    %swap3A_224 = arith.constant 256 : index
    %swap3A_225 = tpu.vector_load %arg5[%swap3A_222, %swap3A_223, %swap3A_224] {strides = array<i32>} : memref<1x32x512xf32, #tpu.memory_space<vmem>>, vector<1x1x16xf32>,
    %swap3A_226 = vector.shape_cast %swap3A_225 : vector<1x1x16xf32> to vector<16xf32>
    %swap3A_227 = vector.shape_cast %get3A_4 : vector<16xf32> to vector<1x1x16xf32>
    tpu.vector_store %arg5[%swap3A_222, %swap3A_223, %swap3A_224], %swap3A_227 {strides = array<i32>} : memref<1x32x512xf32, #tpu.memory_space<vmem>>, vector<1x1x16xf32>,
    %swap3A_228 = arith.constant 0 : i32
    %swap3A_229 = arith.constant 28 : i32
    %swap3A_230 = arith.index_cast %swap3A_228 : i32 to index
    %swap3A_231 = arith.index_cast %swap3A_229 : i32 to index
    %swap3A_232 = arith.constant 256 : index
    %swap3A_233 = tpu.vector_load %arg5[%swap3A_230, %swap3A_231, %swap3A_232] {strides = array<i32>} : memref<1x32x512xf32, #tpu.memory_space<vmem>>, vector<1x1x16xf32>,
    %swap3A_234 = vector.shape_cast %swap3A_233 : vector<1x1x16xf32> to vector<16xf32>
    %swap3A_235 = vector.shape_cast %get3A_4 : vector<16xf32> to vector<1x1x16xf32>
    tpu.vector_store %arg5[%swap3A_230, %swap3A_231, %swap3A_232], %swap3A_235 {strides = array<i32>} : memref<1x32x512xf32, #tpu.memory_space<vmem>>, vector<1x1x16xf32>,
    %swap3A_236 = arith.constant 0 : i32
    %swap3A_237 = arith.constant 29 : i32
    %swap3A_238 = arith.index_cast %swap3A_236 : i32 to index
    %swap3A_239 = arith.index_cast %swap3A_237 : i32 to index
    %swap3A_240 = arith.constant 256 : index
    %swap3A_241 = tpu.vector_load %arg5[%swap3A_238, %swap3A_239, %swap3A_240] {strides = array<i32>} : memref<1x32x512xf32, #tpu.memory_space<vmem>>, vector<1x1x16xf32>,
    %swap3A_242 = vector.shape_cast %swap3A_241 : vector<1x1x16xf32> to vector<16xf32>
    %swap3A_243 = vector.shape_cast %get3A_4 : vector<16xf32> to vector<1x1x16xf32>
    tpu.vector_store %arg5[%swap3A_238, %swap3A_239, %swap3A_240], %swap3A_243 {strides = array<i32>} : memref<1x32x512xf32, #tpu.memory_space<vmem>>, vector<1x1x16xf32>,
    %swap3A_244 = arith.constant 0 : i32
    %swap3A_245 = arith.constant 30 : i32
    %swap3A_246 = arith.index_cast %swap3A_244 : i32 to index
    %swap3A_247 = arith.index_cast %swap3A_245 : i32 to index
    %swap3A_248 = arith.constant 256 : index
    %swap3A_249 = tpu.vector_load %arg5[%swap3A_246, %swap3A_247, %swap3A_248] {strides = array<i32>} : memref<1x32x512xf32, #tpu.memory_space<vmem>>, vector<1x1x16xf32>,
    %swap3A_250 = vector.shape_cast %swap3A_249 : vector<1x1x16xf32> to vector<16xf32>
    %swap3A_251 = vector.shape_cast %get3A_4 : vector<16xf32> to vector<1x1x16xf32>
    tpu.vector_store %arg5[%swap3A_246, %swap3A_247, %swap3A_248], %swap3A_251 {strides = array<i32>} : memref<1x32x512xf32, #tpu.memory_space<vmem>>, vector<1x1x16xf32>,
    %swap3A_252 = arith.constant 0 : i32
    %swap3A_253 = arith.constant 31 : i32
    %swap3A_254 = arith.index_cast %swap3A_252 : i32 to index
    %swap3A_255 = arith.index_cast %swap3A_253 : i32 to index
    %swap3A_256 = arith.constant 256 : index
    %swap3A_257 = tpu.vector_load %arg5[%swap3A_254, %swap3A_255, %swap3A_256] {strides = array<i32>} : memref<1x32x512xf32, #tpu.memory_space<vmem>>, vector<1x1x16xf32>,
    %swap3A_258 = vector.shape_cast %swap3A_257 : vector<1x1x16xf32> to vector<16xf32>
    %swap3A_259 = vector.shape_cast %get3A_4 : vector<16xf32> to vector<1x1x16xf32>
    tpu.vector_store %arg5[%swap3A_254, %swap3A_255, %swap3A_256], %swap3A_259 {strides = array<i32>} : memref<1x32x512xf32, #tpu.memory_space<vmem>>, vector<1x1x16xf32>,
    %get3A_260 = arith.constant 0 : i32
    %get3A_261 = arith.index_cast %get3A_260 : i32 to index
    %get3A_262 = arith.constant 16 : index
    %get3A_263 = tpu.vector_load %arg6[%get3A_261, %get3A_262] {strides = array<i32>} : memref<1x256xf32, #tpu.memory_space<vmem>>, vector<1x16xf32>,
    %get3A_264 = vector.shape_cast %get3A_263 : vector<1x16xf32> to vector<16xf32>
    %swap3A_265 = arith.constant 0 : i32
    %swap3A_266 = arith.constant 0 : i32
    %swap3A_267 = arith.index_cast %swap3A_265 : i32 to index
    %swap3A_268 = arith.index_cast %swap3A_266 : i32 to index
    %swap3A_269 = arith.constant 272 : index
    %swap3A_270 = tpu.vector_load %arg5[%swap3A_267, %swap3A_268, %swap3A_269] {strides = array<i32>} : memref<1x32x512xf32, #tpu.memory_space<vmem>>, vector<1x1x16xf32>,
    %swap3A_271 = vector.shape_cast %swap3A_270 : vector<1x1x16xf32> to vector<16xf32>
    %swap3A_272 = vector.shape_cast %get3A_264 : vector<16xf32> to vector<1x1x16xf32>
    tpu.vector_store %arg5[%swap3A_267, %swap3A_268, %swap3A_269], %swap3A_272 {strides = array<i32>} : memref<1x32x512xf32, #tpu.memory_space<vmem>>, vector<1x1x16xf32>,
    %swap3A_273 = arith.constant 0 : i32
    %swap3A_274 = arith.constant 1 : i32
    %swap3A_275 = arith.index_cast %swap3A_273 : i32 to index
    %swap3A_276 = arith.index_cast %swap3A_274 : i32 to index
    %swap3A_277 = arith.constant 272 : index
    %swap3A_278 = tpu.vector_load %arg5[%swap3A_275, %swap3A_276, %swap3A_277] {strides = array<i32>} : memref<1x32x512xf32, #tpu.memory_space<vmem>>, vector<1x1x16xf32>,
    %swap3A_279 = vector.shape_cast %swap3A_278 : vector<1x1x16xf32> to vector<16xf32>
    %swap3A_280 = vector.shape_cast %get3A_264 : vector<16xf32> to vector<1x1x16xf32>
    tpu.vector_store %arg5[%swap3A_275, %swap3A_276, %swap3A_277], %swap3A_280 {strides = array<i32>} : memref<1x32x512xf32, #tpu.memory_space<vmem>>, vector<1x1x16xf32>,
    %swap3A_281 = arith.constant 0 : i32
    %swap3A_282 = arith.constant 2 : i32
    %swap3A_283 = arith.index_cast %swap3A_281 : i32 to index
    %swap3A_284 = arith.index_cast %swap3A_282 : i32 to index
    %swap3A_285 = arith.constant 272 : index
    %swap3A_286 = tpu.vector_load %arg5[%swap3A_283, %swap3A_284, %swap3A_285] {strides = array<i32>} : memref<1x32x512xf32, #tpu.memory_space<vmem>>, vector<1x1x16xf32>,
    %swap3A_287 = vector.shape_cast %swap3A_286 : vector<1x1x16xf32> to vector<16xf32>
    %swap3A_288 = vector.shape_cast %get3A_264 : vector<16xf32> to vector<1x1x16xf32>
    tpu.vector_store %arg5[%swap3A_283, %swap3A_284, %swap3A_285], %swap3A_288 {strides = array<i32>} : memref<1x32x512xf32, #tpu.memory_space<vmem>>, vector<1x1x16xf32>,
    %swap3A_289 = arith.constant 0 : i32
    %swap3A_290 = arith.constant 3 : i32
    %swap3A_291 = arith.index_cast %swap3A_289 : i32 to index
    %swap3A_292 = arith.index_cast %swap3A_290 : i32 to index
    %swap3A_293 = arith.constant 272 : index
    %swap3A_294 = tpu.vector_load %arg5[%swap3A_291, %swap3A_292, %swap3A_293] {strides = array<i32>} : memref<1x32x512xf32, #tpu.memory_space<vmem>>, vector<1x1x16xf32>,
    %swap3A_295 = vector.shape_cast %swap3A_294 : vector<1x1x16xf32> to vector<16xf32>
    %swap3A_296 = vector.shape_cast %get3A_264 : vector<16xf32> to vector<1x1x16xf32>
    tpu.vector_store %arg5[%swap3A_291, %swap3A_292, %swap3A_293], %swap3A_296 {strides = array<i32>} : memref<1x32x512xf32, #tpu.memory_space<vmem>>, vector<1x1x16xf32>,
    %swap3A_297 = arith.constant 0 : i32
    %swap3A_298 = arith.constant 4 : i32
    %swap3A_299 = arith.index_cast %swap3A_297 : i32 to index
    %swap3A_300 = arith.index_cast %swap3A_298 : i32 to index
    %swap3A_301 = arith.constant 272 : index
    %swap3A_302 = tpu.vector_load %arg5[%swap3A_299, %swap3A_300, %swap3A_301] {strides = array<i32>} : memref<1x32x512xf32, #tpu.memory_space<vmem>>, vector<1x1x16xf32>,
    %swap3A_303 = vector.shape_cast %swap3A_302 : vector<1x1x16xf32> to vector<16xf32>
    %swap3A_304 = vector.shape_cast %get3A_264 : vector<16xf32> to vector<1x1x16xf32>
    tpu.vector_store %arg5[%swap3A_299, %swap3A_300, %swap3A_301], %swap3A_304 {strides = array<i32>} : memref<1x32x512xf32, #tpu.memory_space<vmem>>, vector<1x1x16xf32>,
    %swap3A_305 = arith.constant 0 : i32
    %swap3A_306 = arith.constant 5 : i32
    %swap3A_307 = arith.index_cast %swap3A_305 : i32 to index
    %swap3A_308 = arith.index_cast %swap3A_306 : i32 to index
    %swap3A_309 = arith.constant 272 : index
    %swap3A_310 = tpu.vector_load %arg5[%swap3A_307, %swap3A_308, %swap3A_309] {strides = array<i32>} : memref<1x32x512xf32, #tpu.memory_space<vmem>>, vector<1x1x16xf32>,
    %swap3A_311 = vector.shape_cast %swap3A_310 : vector<1x1x16xf32> to vector<16xf32>
    %swap3A_312 = vector.shape_cast %get3A_264 : vector<16xf32> to vector<1x1x16xf32>
    tpu.vector_store %arg5[%swap3A_307, %swap3A_308, %swap3A_309], %swap3A_312 {strides = array<i32>} : memref<1x32x512xf32, #tpu.memory_space<vmem>>, vector<1x1x16xf32>,
    %swap3A_313 = arith.constant 0 : i32
    %swap3A_314 = arith.constant 6 : i32
    %swap3A_315 = arith.index_cast %swap3A_313 : i32 to index
    %swap3A_316 = arith.index_cast %swap3A_314 : i32 to index
    %swap3A_317 = arith.constant 272 : index
    %swap3A_318 = tpu.vector_load %arg5[%swap3A_315, %swap3A_316, %swap3A_317] {strides = array<i32>} : memref<1x32x512xf32, #tpu.memory_space<vmem>>, vector<1x1x16xf32>,
    %swap3A_319 = vector.shape_cast %swap3A_318 : vector<1x1x16xf32> to vector<16xf32>
    %swap3A_320 = vector.shape_cast %get3A_264 : vector<16xf32> to vector<1x1x16xf32>
    tpu.vector_store %arg5[%swap3A_315, %swap3A_316, %swap3A_317], %swap3A_320 {strides = array<i32>} : memref<1x32x512xf32, #tpu.memory_space<vmem>>, vector<1x1x16xf32>,
    %swap3A_321 = arith.constant 0 : i32
    %swap3A_322 = arith.constant 7 : i32
    %swap3A_323 = arith.index_cast %swap3A_321 : i32 to index
    %swap3A_324 = arith.index_cast %swap3A_322 : i32 to index
    %swap3A_325 = arith.constant 272 : index
    %swap3A_326 = tpu.vector_load %arg5[%swap3A_323, %swap3A_324, %swap3A_325] {strides = array<i32>} : memref<1x32x512xf32, #tpu.memory_space<vmem>>, vector<1x1x16xf32>,
    %swap3A_327 = vector.shape_cast %swap3A_326 : vector<1x1x16xf32> to vector<16xf32>
    %swap3A_328 = vector.shape_cast %get3A_264 : vector<16xf32> to vector<1x1x16xf32>
    tpu.vector_store %arg5[%swap3A_323, %swap3A_324, %swap3A_325], %swap3A_328 {strides = array<i32>} : memref<1x32x512xf32, #tpu.memory_space<vmem>>, vector<1x1x16xf32>,
    %swap3A_329 = arith.constant 0 : i32
    %swap3A_330 = arith.constant 8 : i32
    %swap3A_331 = arith.index_cast %swap3A_329 : i32 to index
    %swap3A_332 = arith.index_cast %swap3A_330 : i32 to index
    %swap3A_333 = arith.constant 272 : index
    %swap3A_334 = tpu.vector_load %arg5[%swap3A_331, %swap3A_332, %swap3A_333] {strides = array<i32>} : memref<1x32x512xf32, #tpu.memory_space<vmem>>, vector<1x1x16xf32>,
    %swap3A_335 = vector.shape_cast %swap3A_334 : vector<1x1x16xf32> to vector<16xf32>
    %swap3A_336 = vector.shape_cast %get3A_264 : vector<16xf32> to vector<1x1x16xf32>
    tpu.vector_store %arg5[%swap3A_331, %swap3A_332, %swap3A_333], %swap3A_336 {strides = array<i32>} : memref<1x32x512xf32, #tpu.memory_space<vmem>>, vector<1x1x16xf32>,
    %swap3A_337 = arith.constant 0 : i32
    %swap3A_338 = arith.constant 9 : i32
    %swap3A_339 = arith.index_cast %swap3A_337 : i32 to index
    %swap3A_340 = arith.index_cast %swap3A_338 : i32 to index
    %swap3A_341 = arith.constant 272 : index
    %swap3A_342 = tpu.vector_load %arg5[%swap3A_339, %swap3A_340, %swap3A_341] {strides = array<i32>} : memref<1x32x512xf32, #tpu.memory_space<vmem>>, vector<1x1x16xf32>,
    %swap3A_343 = vector.shape_cast %swap3A_342 : vector<1x1x16xf32> to vector<16xf32>
    %swap3A_344 = vector.shape_cast %get3A_264 : vector<16xf32> to vector<1x1x16xf32>
    tpu.vector_store %arg5[%swap3A_339, %swap3A_340, %swap3A_341], %swap3A_344 {strides = array<i32>} : memref<1x32x512xf32, #tpu.memory_space<vmem>>, vector<1x1x16xf32>,
    %swap3A_345 = arith.constant 0 : i32
    %swap3A_346 = arith.constant 10 : i32
    %swap3A_347 = arith.index_cast %swap3A_345 : i32 to index
    %swap3A_348 = arith.index_cast %swap3A_346 : i32 to index
    %swap3A_349 = arith.constant 272 : index
    %swap3A_350 = tpu.vector_load %arg5[%swap3A_347, %swap3A_348, %swap3A_349] {strides = array<i32>} : memref<1x32x512xf32, #tpu.memory_space<vmem>>, vector<1x1x16xf32>,
    %swap3A_351 = vector.shape_cast %swap3A_350 : vector<1x1x16xf32> to vector<16xf32>
    %swap3A_352 = vector.shape_cast %get3A_264 : vector<16xf32> to vector<1x1x16xf32>
    tpu.vector_store %arg5[%swap3A_347, %swap3A_348, %swap3A_349], %swap3A_352 {strides = array<i32>} : memref<1x32x512xf32, #tpu.memory_space<vmem>>, vector<1x1x16xf32>,
    %swap3A_353 = arith.constant 0 : i32
    %swap3A_354 = arith.constant 11 : i32
    %swap3A_355 = arith.index_cast %swap3A_353 : i32 to index
    %swap3A_356 = arith.index_cast %swap3A_354 : i32 to index
    %swap3A_357 = arith.constant 272 : index
    %swap3A_358 = tpu.vector_load %arg5[%swap3A_355, %swap3A_356, %swap3A_357] {strides = array<i32>} : memref<1x32x512xf32, #tpu.memory_space<vmem>>, vector<1x1x16xf32>,
    %swap3A_359 = vector.shape_cast %swap3A_358 : vector<1x1x16xf32> to vector<16xf32>
    %swap3A_360 = vector.shape_cast %get3A_264 : vector<16xf32> to vector<1x1x16xf32>
    tpu.vector_store %arg5[%swap3A_355, %swap3A_356, %swap3A_357], %swap3A_360 {strides = array<i32>} : memref<1x32x512xf32, #tpu.memory_space<vmem>>, vector<1x1x16xf32>,
    %swap3A_361 = arith.constant 0 : i32
    %swap3A_362 = arith.constant 12 : i32
    %swap3A_363 = arith.index_cast %swap3A_361 : i32 to index
    %swap3A_364 = arith.index_cast %swap3A_362 : i32 to index
    %swap3A_365 = arith.constant 272 : index
    %swap3A_366 = tpu.vector_load %arg5[%swap3A_363, %swap3A_364, %swap3A_365] {strides = array<i32>} : memref<1x32x512xf32, #tpu.memory_space<vmem>>, vector<1x1x16xf32>,
    %swap3A_367 = vector.shape_cast %swap3A_366 : vector<1x1x16xf32> to vector<16xf32>
    %swap3A_368 = vector.shape_cast %get3A_264 : vector<16xf32> to vector<1x1x16xf32>
    tpu.vector_store %arg5[%swap3A_363, %swap3A_364, %swap3A_365], %swap3A_368 {strides = array<i32>} : memref<1x32x512xf32, #tpu.memory_space<vmem>>, vector<1x1x16xf32>,
    %swap3A_369 = arith.constant 0 : i32
    %swap3A_370 = arith.constant 13 : i32
    %swap3A_371 = arith.index_cast %swap3A_369 : i32 to index
    %swap3A_372 = arith.index_cast %swap3A_370 : i32 to index
    %swap3A_373 = arith.constant 272 : index
    %swap3A_374 = tpu.vector_load %arg5[%swap3A_371, %swap3A_372, %swap3A_373] {strides = array<i32>} : memref<1x32x512xf32, #tpu.memory_space<vmem>>, vector<1x1x16xf32>,
    %swap3A_375 = vector.shape_cast %swap3A_374 : vector<1x1x16xf32> to vector<16xf32>
    %swap3A_376 = vector.shape_cast %get3A_264 : vector<16xf32> to vector<1x1x16xf32>
    tpu.vector_store %arg5[%swap3A_371, %swap3A_372, %swap3A_373], %swap3A_376 {strides = array<i32>} : memref<1x32x512xf32, #tpu.memory_space<vmem>>, vector<1x1x16xf32>,
    %swap3A_377 = arith.constant 0 : i32
    %swap3A_378 = arith.constant 14 : i32
    %swap3A_379 = arith.index_cast %swap3A_377 : i32 to index
    %swap3A_380 = arith.index_cast %swap3A_378 : i32 to index
    %swap3A_381 = arith.constant 272 : index
    %swap3A_382 = tpu.vector_load %arg5[%swap3A_379, %swap3A_380, %swap3A_381] {strides = array<i32>} : memref<1x32x512xf32, #tpu.memory_space<vmem>>, vector<1x1x16xf32>,
    %swap3A_383 = vector.shape_cast %swap3A_382 : vector<1x1x16xf32> to vector<16xf32>
    %swap3A_384 = vector.shape_cast %get3A_264 : vector<16xf32> to vector<1x1x16xf32>
    tpu.vector_store %arg5[%swap3A_379, %swap3A_380, %swap3A_381], %swap3A_384 {strides = array<i32>} : memref<1x32x512xf32, #tpu.memory_space<vmem>>, vector<1x1x16xf32>,
    %swap3A_385 = arith.constant 0 : i32
    %swap3A_386 = arith.constant 15 : i32
    %swap3A_387 = arith.index_cast %swap3A_385 : i32 to index
    %swap3A_388 = arith.index_cast %swap3A_386 : i32 to index
    %swap3A_389 = arith.constant 272 : index
    %swap3A_390 = tpu.vector_load %arg5[%swap3A_387, %swap3A_388, %swap3A_389] {strides = array<i32>} : memref<1x32x512xf32, #tpu.memory_space<vmem>>, vector<1x1x16xf32>,
    %swap3A_391 = vector.shape_cast %swap3A_390 : vector<1x1x16xf32> to vector<16xf32>
    %swap3A_392 = vector.shape_cast %get3A_264 : vector<16xf32> to vector<1x1x16xf32>
    tpu.vector_store %arg5[%swap3A_387, %swap3A_388, %swap3A_389], %swap3A_392 {strides = array<i32>} : memref<1x32x512xf32, #tpu.memory_space<vmem>>, vector<1x1x16xf32>,
    %swap3A_393 = arith.constant 0 : i32
    %swap3A_394 = arith.constant 16 : i32
    %swap3A_395 = arith.index_cast %swap3A_393 : i32 to index
    %swap3A_396 = arith.index_cast %swap3A_394 : i32 to index
    %swap3A_397 = arith.constant 272 : index
    %swap3A_398 = tpu.vector_load %arg5[%swap3A_395, %swap3A_396, %swap3A_397] {strides = array<i32>} : memref<1x32x512xf32, #tpu.memory_space<vmem>>, vector<1x1x16xf32>,
    %swap3A_399 = vector.shape_cast %swap3A_398 : vector<1x1x16xf32> to vector<16xf32>
    %swap3A_400 = vector.shape_cast %get3A_264 : vector<16xf32> to vector<1x1x16xf32>
    tpu.vector_store %arg5[%swap3A_395, %swap3A_396, %swap3A_397], %swap3A_400 {strides = array<i32>} : memref<1x32x512xf32, #tpu.memory_space<vmem>>, vector<1x1x16xf32>,
    %swap3A_401 = arith.constant 0 : i32
    %swap3A_402 = arith.constant 17 : i32
    %swap3A_403 = arith.index_cast %swap3A_401 : i32 to index
    %swap3A_404 = arith.index_cast %swap3A_402 : i32 to index
    %swap3A_405 = arith.constant 272 : index
    %swap3A_406 = tpu.vector_load %arg5[%swap3A_403, %swap3A_404, %swap3A_405] {strides = array<i32>} : memref<1x32x512xf32, #tpu.memory_space<vmem>>, vector<1x1x16xf32>,
    %swap3A_407 = vector.shape_cast %swap3A_406 : vector<1x1x16xf32> to vector<16xf32>
    %swap3A_408 = vector.shape_cast %get3A_264 : vector<16xf32> to vector<1x1x16xf32>
    tpu.vector_store %arg5[%swap3A_403, %swap3A_404, %swap3A_405], %swap3A_408 {strides = array<i32>} : memref<1x32x512xf32, #tpu.memory_space<vmem>>, vector<1x1x16xf32>,
    %swap3A_409 = arith.constant 0 : i32
    %swap3A_410 = arith.constant 18 : i32
    %swap3A_411 = arith.index_cast %swap3A_409 : i32 to index
    %swap3A_412 = arith.index_cast %swap3A_410 : i32 to index
    %swap3A_413 = arith.constant 272 : index
    %swap3A_414 = tpu.vector_load %arg5[%swap3A_411, %swap3A_412, %swap3A_413] {strides = array<i32>} : memref<1x32x512xf32, #tpu.memory_space<vmem>>, vector<1x1x16xf32>,
    %swap3A_415 = vector.shape_cast %swap3A_414 : vector<1x1x16xf32> to vector<16xf32>
    %swap3A_416 = vector.shape_cast %get3A_264 : vector<16xf32> to vector<1x1x16xf32>
    tpu.vector_store %arg5[%swap3A_411, %swap3A_412, %swap3A_413], %swap3A_416 {strides = array<i32>} : memref<1x32x512xf32, #tpu.memory_space<vmem>>, vector<1x1x16xf32>,
    %swap3A_417 = arith.constant 0 : i32
    %swap3A_418 = arith.constant 19 : i32
    %swap3A_419 = arith.index_cast %swap3A_417 : i32 to index
    %swap3A_420 = arith.index_cast %swap3A_418 : i32 to index
    %swap3A_421 = arith.constant 272 : index
    %swap3A_422 = tpu.vector_load %arg5[%swap3A_419, %swap3A_420, %swap3A_421] {strides = array<i32>} : memref<1x32x512xf32, #tpu.memory_space<vmem>>, vector<1x1x16xf32>,
    %swap3A_423 = vector.shape_cast %swap3A_422 : vector<1x1x16xf32> to vector<16xf32>
    %swap3A_424 = vector.shape_cast %get3A_264 : vector<16xf32> to vector<1x1x16xf32>
    tpu.vector_store %arg5[%swap3A_419, %swap3A_420, %swap3A_421], %swap3A_424 {strides = array<i32>} : memref<1x32x512xf32, #tpu.memory_space<vmem>>, vector<1x1x16xf32>,
    %swap3A_425 = arith.constant 0 : i32
    %swap3A_426 = arith.constant 20 : i32
    %swap3A_427 = arith.index_cast %swap3A_425 : i32 to index
    %swap3A_428 = arith.index_cast %swap3A_426 : i32 to index
    %swap3A_429 = arith.constant 272 : index
    %swap3A_430 = tpu.vector_load %arg5[%swap3A_427, %swap3A_428, %swap3A_429] {strides = array<i32>} : memref<1x32x512xf32, #tpu.memory_space<vmem>>, vector<1x1x16xf32>,
    %swap3A_431 = vector.shape_cast %swap3A_430 : vector<1x1x16xf32> to vector<16xf32>
    %swap3A_432 = vector.shape_cast %get3A_264 : vector<16xf32> to vector<1x1x16xf32>
    tpu.vector_store %arg5[%swap3A_427, %swap3A_428, %swap3A_429], %swap3A_432 {strides = array<i32>} : memref<1x32x512xf32, #tpu.memory_space<vmem>>, vector<1x1x16xf32>,
    %swap3A_433 = arith.constant 0 : i32
    %swap3A_434 = arith.constant 21 : i32
    %swap3A_435 = arith.index_cast %swap3A_433 : i32 to index
    %swap3A_436 = arith.index_cast %swap3A_434 : i32 to index
    %swap3A_437 = arith.constant 272 : index
    %swap3A_438 = tpu.vector_load %arg5[%swap3A_435, %swap3A_436, %swap3A_437] {strides = array<i32>} : memref<1x32x512xf32, #tpu.memory_space<vmem>>, vector<1x1x16xf32>,
    %swap3A_439 = vector.shape_cast %swap3A_438 : vector<1x1x16xf32> to vector<16xf32>
    %swap3A_440 = vector.shape_cast %get3A_264 : vector<16xf32> to vector<1x1x16xf32>
    tpu.vector_store %arg5[%swap3A_435, %swap3A_436, %swap3A_437], %swap3A_440 {strides = array<i32>} : memref<1x32x512xf32, #tpu.memory_space<vmem>>, vector<1x1x16xf32>,
    %swap3A_441 = arith.constant 0 : i32
    %swap3A_442 = arith.constant 22 : i32
    %swap3A_443 = arith.index_cast %swap3A_441 : i32 to index
    %swap3A_444 = arith.index_cast %swap3A_442 : i32 to index
    %swap3A_445 = arith.constant 272 : index
    %swap3A_446 = tpu.vector_load %arg5[%swap3A_443, %swap3A_444, %swap3A_445] {strides = array<i32>} : memref<1x32x512xf32, #tpu.memory_space<vmem>>, vector<1x1x16xf32>,
    %swap3A_447 = vector.shape_cast %swap3A_446 : vector<1x1x16xf32> to vector<16xf32>
    %swap3A_448 = vector.shape_cast %get3A_264 : vector<16xf32> to vector<1x1x16xf32>
    tpu.vector_store %arg5[%swap3A_443, %swap3A_444, %swap3A_445], %swap3A_448 {strides = array<i32>} : memref<1x32x512xf32, #tpu.memory_space<vmem>>, vector<1x1x16xf32>,
    %swap3A_449 = arith.constant 0 : i32
    %swap3A_450 = arith.constant 23 : i32
    %swap3A_451 = arith.index_cast %swap3A_449 : i32 to index
    %swap3A_452 = arith.index_cast %swap3A_450 : i32 to index
    %swap3A_453 = arith.constant 272 : index
    %swap3A_454 = tpu.vector_load %arg5[%swap3A_451, %swap3A_452, %swap3A_453] {strides = array<i32>} : memref<1x32x512xf32, #tpu.memory_space<vmem>>, vector<1x1x16xf32>,
    %swap3A_455 = vector.shape_cast %swap3A_454 : vector<1x1x16xf32> to vector<16xf32>
    %swap3A_456 = vector.shape_cast %get3A_264 : vector<16xf32> to vector<1x1x16xf32>
    tpu.vector_store %arg5[%swap3A_451, %swap3A_452, %swap3A_453], %swap3A_456 {strides = array<i32>} : memref<1x32x512xf32, #tpu.memory_space<vmem>>, vector<1x1x16xf32>,
    %swap3A_457 = arith.constant 0 : i32
    %swap3A_458 = arith.constant 24 : i32
    %swap3A_459 = arith.index_cast %swap3A_457 : i32 to index
    %swap3A_460 = arith.index_cast %swap3A_458 : i32 to index
    %swap3A_461 = arith.constant 272 : index
    %swap3A_462 = tpu.vector_load %arg5[%swap3A_459, %swap3A_460, %swap3A_461] {strides = array<i32>} : memref<1x32x512xf32, #tpu.memory_space<vmem>>, vector<1x1x16xf32>,
    %swap3A_463 = vector.shape_cast %swap3A_462 : vector<1x1x16xf32> to vector<16xf32>
    %swap3A_464 = vector.shape_cast %get3A_264 : vector<16xf32> to vector<1x1x16xf32>
    tpu.vector_store %arg5[%swap3A_459, %swap3A_460, %swap3A_461], %swap3A_464 {strides = array<i32>} : memref<1x32x512xf32, #tpu.memory_space<vmem>>, vector<1x1x16xf32>,
    %swap3A_465 = arith.constant 0 : i32
    %swap3A_466 = arith.constant 25 : i32
    %swap3A_467 = arith.index_cast %swap3A_465 : i32 to index
    %swap3A_468 = arith.index_cast %swap3A_466 : i32 to index
    %swap3A_469 = arith.constant 272 : index
    %swap3A_470 = tpu.vector_load %arg5[%swap3A_467, %swap3A_468, %swap3A_469] {strides = array<i32>} : memref<1x32x512xf32, #tpu.memory_space<vmem>>, vector<1x1x16xf32>,
    %swap3A_471 = vector.shape_cast %swap3A_470 : vector<1x1x16xf32> to vector<16xf32>
    %swap3A_472 = vector.shape_cast %get3A_264 : vector<16xf32> to vector<1x1x16xf32>
    tpu.vector_store %arg5[%swap3A_467, %swap3A_468, %swap3A_469], %swap3A_472 {strides = array<i32>} : memref<1x32x512xf32, #tpu.memory_space<vmem>>, vector<1x1x16xf32>,
    %swap3A_473 = arith.constant 0 : i32
    %swap3A_474 = arith.constant 26 : i32
    %swap3A_475 = arith.index_cast %swap3A_473 : i32 to index
    %swap3A_476 = arith.index_cast %swap3A_474 : i32 to index
    %swap3A_477 = arith.constant 272 : index
    %swap3A_478 = tpu.vector_load %arg5[%swap3A_475, %swap3A_476, %swap3A_477] {strides = array<i32>} : memref<1x32x512xf32, #tpu.memory_space<vmem>>, vector<1x1x16xf32>,
    %swap3A_479 = vector.shape_cast %swap3A_478 : vector<1x1x16xf32> to vector<16xf32>
    %swap3A_480 = vector.shape_cast %get3A_264 : vector<16xf32> to vector<1x1x16xf32>
    tpu.vector_store %arg5[%swap3A_475, %swap3A_476, %swap3A_477], %swap3A_480 {strides = array<i32>} : memref<1x32x512xf32, #tpu.memory_space<vmem>>, vector<1x1x16xf32>,
    %swap3A_481 = arith.constant 0 : i32
    %swap3A_482 = arith.constant 27 : i32
    %swap3A_483 = arith.index_cast %swap3A_481 : i32 to index
    %swap3A_484 = arith.index_cast %swap3A_482 : i32 to index
    %swap3A_485 = arith.constant 272 : index
    %swap3A_486 = tpu.vector_load %arg5[%swap3A_483, %swap3A_484, %swap3A_485] {strides = array<i32>} : memref<1x32x512xf32, #tpu.memory_space<vmem>>, vector<1x1x16xf32>,
    %swap3A_487 = vector.shape_cast %swap3A_486 : vector<1x1x16xf32> to vector<16xf32>
    %swap3A_488 = vector.shape_cast %get3A_264 : vector<16xf32> to vector<1x1x16xf32>
    tpu.vector_store %arg5[%swap3A_483, %swap3A_484, %swap3A_485], %swap3A_488 {strides = array<i32>} : memref<1x32x512xf32, #tpu.memory_space<vmem>>, vector<1x1x16xf32>,
    %swap3A_489 = arith.constant 0 : i32
    %swap3A_490 = arith.constant 28 : i32
    %swap3A_491 = arith.index_cast %swap3A_489 : i32 to index
    %swap3A_492 = arith.index_cast %swap3A_490 : i32 to index
    %swap3A_493 = arith.constant 272 : index
    %swap3A_494 = tpu.vector_load %arg5[%swap3A_491, %swap3A_492, %swap3A_493] {strides = array<i32>} : memref<1x32x512xf32, #tpu.memory_space<vmem>>, vector<1x1x16xf32>,
    %swap3A_495 = vector.shape_cast %swap3A_494 : vector<1x1x16xf32> to vector<16xf32>
    %swap3A_496 = vector.shape_cast %get3A_264 : vector<16xf32> to vector<1x1x16xf32>
    tpu.vector_store %arg5[%swap3A_491, %swap3A_492, %swap3A_493], %swap3A_496 {strides = array<i32>} : memref<1x32x512xf32, #tpu.memory_space<vmem>>, vector<1x1x16xf32>,
    %swap3A_497 = arith.constant 0 : i32
    %swap3A_498 = arith.constant 29 : i32
    %swap3A_499 = arith.index_cast %swap3A_497 : i32 to index
    %swap3A_500 = arith.index_cast %swap3A_498 : i32 to index
    %swap3A_501 = arith.constant 272 : index
    %swap3A_502 = tpu.vector_load %arg5[%swap3A_499, %swap3A_500, %swap3A_501] {strides = array<i32>} : memref<1x32x512xf32, #tpu.memory_space<vmem>>, vector<1x1x16xf32>,
    %swap3A_503 = vector.shape_cast %swap3A_502 : vector<1x1x16xf32> to vector<16xf32>
    %swap3A_504 = vector.shape_cast %get3A_264 : vector<16xf32> to vector<1x1x16xf32>
    tpu.vector_store %arg5[%swap3A_499, %swap3A_500, %swap3A_501], %swap3A_504 {strides = array<i32>} : memref<1x32x512xf32, #tpu.memory_space<vmem>>, vector<1x1x16xf32>,
    %swap3A_505 = arith.constant 0 : i32
    %swap3A_506 = arith.constant 30 : i32
    %swap3A_507 = arith.index_cast %swap3A_505 : i32 to index
    %swap3A_508 = arith.index_cast %swap3A_506 : i32 to index
    %swap3A_509 = arith.constant 272 : index
    %swap3A_510 = tpu.vector_load %arg5[%swap3A_507, %swap3A_508, %swap3A_509] {strides = array<i32>} : memref<1x32x512xf32, #tpu.memory_space<vmem>>, vector<1x1x16xf32>,
    %swap3A_511 = vector.shape_cast %swap3A_510 : vector<1x1x16xf32> to vector<16xf32>
    %swap3A_512 = vector.shape_cast %get3A_264 : vector<16xf32> to vector<1x1x16xf32>
    tpu.vector_store %arg5[%swap3A_507, %swap3A_508, %swap3A_509], %swap3A_512 {strides = array<i32>} : memref<1x32x512xf32, #tpu.memory_space<vmem>>, vector<1x1x16xf32>,
    %swap3A_513 = arith.constant 0 : i32
    %swap3A_514 = arith.constant 31 : i32
    %swap3A_515 = arith.index_cast %swap3A_513 : i32 to index
    %swap3A_516 = arith.index_cast %swap3A_514 : i32 to index
    %swap3A_517 = arith.constant 272 : index
    %swap3A_518 = tpu.vector_load %arg5[%swap3A_515, %swap3A_516, %swap3A_517] {strides = array<i32>} : memref<1x32x512xf32, #tpu.memory_space<vmem>>, vector<1x1x16xf32>,
    %swap3A_519 = vector.shape_cast %swap3A_518 : vector<1x1x16xf32> to vector<16xf32>
    %swap3A_520 = vector.shape_cast %get3A_264 : vector<16xf32> to vector<1x1x16xf32>
    tpu.vector_store %arg5[%swap3A_515, %swap3A_516, %swap3A_517], %swap3A_520 {strides = array<i32>} : memref<1x32x512xf32, #tpu.memory_space<vmem>>, vector<1x1x16xf32>,
    %get3A_521 = arith.constant 0 : i32
    %get3A_522 = arith.index_cast %get3A_521 : i32 to index
    %get3A_523 = arith.constant 32 : index
    %get3A_524 = tpu.vector_load %arg6[%get3A_522, %get3A_523] {strides = array<i32>} : memref<1x256xf32, #tpu.memory_space<vmem>>, vector<1x16xf32>,
    %get3A_525 = vector.shape_cast %get3A_524 : vector<1x16xf32> to vector<16xf32>
    %swap3A_526 = arith.constant 0 : i32
    %swap3A_527 = arith.constant 0 : i32
    %swap3A_528 = arith.index_cast %swap3A_526 : i32 to index
    %swap3A_529 = arith.index_cast %swap3A_527 : i32 to index
    %swap3A_530 = arith.constant 288 : index
    %swap3A_531 = tpu.vector_load %arg5[%swap3A_528, %swap3A_529, %swap3A_530] {strides = array<i32>} : memref<1x32x512xf32, #tpu.memory_space<vmem>>, vector<1x1x16xf32>,
    %swap3A_532 = vector.shape_cast %swap3A_531 : vector<1x1x16xf32> to vector<16xf32>
    %swap3A_533 = vector.shape_cast %get3A_525 : vector<16xf32> to vector<1x1x16xf32>
    tpu.vector_store %arg5[%swap3A_528, %swap3A_529, %swap3A_530], %swap3A_533 {strides = array<i32>} : memref<1x32x512xf32, #tpu.memory_space<vmem>>, vector<1x1x16xf32>,
    %swap3A_534 = arith.constant 0 : i32
    %swap3A_535 = arith.constant 1 : i32
    %swap3A_536 = arith.index_cast %swap3A_534 : i32 to index
    %swap3A_537 = arith.index_cast %swap3A_535 : i32 to index
    %swap3A_538 = arith.constant 288 : index
    %swap3A_539 = tpu.vector_load %arg5[%swap3A_536, %swap3A_537, %swap3A_538] {strides = array<i32>} : memref<1x32x512xf32, #tpu.memory_space<vmem>>, vector<1x1x16xf32>,
    %swap3A_540 = vector.shape_cast %swap3A_539 : vector<1x1x16xf32> to vector<16xf32>
    %swap3A_541 = vector.shape_cast %get3A_525 : vector<16xf32> to vector<1x1x16xf32>
    tpu.vector_store %arg5[%swap3A_536, %swap3A_537, %swap3A_538], %swap3A_541 {strides = array<i32>} : memref<1x32x512xf32, #tpu.memory_space<vmem>>, vector<1x1x16xf32>,
    %swap3A_542 = arith.constant 0 : i32
    %swap3A_543 = arith.constant 2 : i32
    %swap3A_544 = arith.index_cast %swap3A_542 : i32 to index
    %swap3A_545 = arith.index_cast %swap3A_543 : i32 to index
    %swap3A_546 = arith.constant 288 : index
    %swap3A_547 = tpu.vector_load %arg5[%swap3A_544, %swap3A_545, %swap3A_546] {strides = array<i32>} : memref<1x32x512xf32, #tpu.memory_space<vmem>>, vector<1x1x16xf32>,
    %swap3A_548 = vector.shape_cast %swap3A_547 : vector<1x1x16xf32> to vector<16xf32>
    %swap3A_549 = vector.shape_cast %get3A_525 : vector<16xf32> to vector<1x1x16xf32>
    tpu.vector_store %arg5[%swap3A_544, %swap3A_545, %swap3A_546], %swap3A_549 {strides = array<i32>} : memref<1x32x512xf32, #tpu.memory_space<vmem>>, vector<1x1x16xf32>,
    %swap3A_550 = arith.constant 0 : i32
    %swap3A_551 = arith.constant 3 : i32
    %swap3A_552 = arith.index_cast %swap3A_550 : i32 to index
    %swap3A_553 = arith.index_cast %swap3A_551 : i32 to index
    %swap3A_554 = arith.constant 288 : index
    %swap3A_555 = tpu.vector_load %arg5[%swap3A_552, %swap3A_553, %swap3A_554] {strides = array<i32>} : memref<1x32x512xf32, #tpu.memory_space<vmem>>, vector<1x1x16xf32>,
    %swap3A_556 = vector.shape_cast %swap3A_555 : vector<1x1x16xf32> to vector<16xf32>
    %swap3A_557 = vector.shape_cast %get3A_525 : vector<16xf32> to vector<1x1x16xf32>
    tpu.vector_store %arg5[%swap3A_552, %swap3A_553, %swap3A_554], %swap3A_557 {strides = array<i32>} : memref<1x32x512xf32, #tpu.memory_space<vmem>>, vector<1x1x16xf32>,
    %swap3A_558 = arith.constant 0 : i32
    %swap3A_559 = arith.constant 4 : i32
    %swap3A_560 = arith.index_cast %swap3A_558 : i32 to index
    %swap3A_561 = arith.index_cast %swap3A_559 : i32 to index
    %swap3A_562 = arith.constant 288 : index
    %swap3A_563 = tpu.vector_load %arg5[%swap3A_560, %swap3A_561, %swap3A_562] {strides = array<i32>} : memref<1x32x512xf32, #tpu.memory_space<vmem>>, vector<1x1x16xf32>,
    %swap3A_564 = vector.shape_cast %swap3A_563 : vector<1x1x16xf32> to vector<16xf32>
    %swap3A_565 = vector.shape_cast %get3A_525 : vector<16xf32> to vector<1x1x16xf32>
    tpu.vector_store %arg5[%swap3A_560, %swap3A_561, %swap3A_562], %swap3A_565 {strides = array<i32>} : memref<1x32x512xf32, #tpu.memory_space<vmem>>, vector<1x1x16xf32>,
    %swap3A_566 = arith.constant 0 : i32
    %swap3A_567 = arith.constant 5 : i32
    %swap3A_568 = arith.index_cast %swap3A_566 : i32 to index
    %swap3A_569 = arith.index_cast %swap3A_567 : i32 to index
    %swap3A_570 = arith.constant 288 : index
    %swap3A_571 = tpu.vector_load %arg5[%swap3A_568, %swap3A_569, %swap3A_570] {strides = array<i32>} : memref<1x32x512xf32, #tpu.memory_space<vmem>>, vector<1x1x16xf32>,
    %swap3A_572 = vector.shape_cast %swap3A_571 : vector<1x1x16xf32> to vector<16xf32>
    %swap3A_573 = vector.shape_cast %get3A_525 : vector<16xf32> to vector<1x1x16xf32>
    tpu.vector_store %arg5[%swap3A_568, %swap3A_569, %swap3A_570], %swap3A_573 {strides = array<i32>} : memref<1x32x512xf32, #tpu.memory_space<vmem>>, vector<1x1x16xf32>,
    %swap3A_574 = arith.constant 0 : i32
    %swap3A_575 = arith.constant 6 : i32
    %swap3A_576 = arith.index_cast %swap3A_574 : i32 to index
    %swap3A_577 = arith.index_cast %swap3A_575 : i32 to index
    %swap3A_578 = arith.constant 288 : index
    %swap3A_579 = tpu.vector_load %arg5[%swap3A_576, %swap3A_577, %swap3A_578] {strides = array<i32>} : memref<1x32x512xf32, #tpu.memory_space<vmem>>, vector<1x1x16xf32>,
    %swap3A_580 = vector.shape_cast %swap3A_579 : vector<1x1x16xf32> to vector<16xf32>
    %swap3A_581 = vector.shape_cast %get3A_525 : vector<16xf32> to vector<1x1x16xf32>
    tpu.vector_store %arg5[%swap3A_576, %swap3A_577, %swap3A_578], %swap3A_581 {strides = array<i32>} : memref<1x32x512xf32, #tpu.memory_space<vmem>>, vector<1x1x16xf32>,
    %swap3A_582 = arith.constant 0 : i32
    %swap3A_583 = arith.constant 7 : i32
    %swap3A_584 = arith.index_cast %swap3A_582 : i32 to index
    %swap3A_585 = arith.index_cast %swap3A_583 : i32 to index
    %swap3A_586 = arith.constant 288 : index
    %swap3A_587 = tpu.vector_load %arg5[%swap3A_584, %swap3A_585, %swap3A_586] {strides = array<i32>} : memref<1x32x512xf32, #tpu.memory_space<vmem>>, vector<1x1x16xf32>,
    %swap3A_588 = vector.shape_cast %swap3A_587 : vector<1x1x16xf32> to vector<16xf32>
    %swap3A_589 = vector.shape_cast %get3A_525 : vector<16xf32> to vector<1x1x16xf32>
    tpu.vector_store %arg5[%swap3A_584, %swap3A_585, %swap3A_586], %swap3A_589 {strides = array<i32>} : memref<1x32x512xf32, #tpu.memory_space<vmem>>, vector<1x1x16xf32>,
    %swap3A_590 = arith.constant 0 : i32
    %swap3A_591 = arith.constant 8 : i32
    %swap3A_592 = arith.index_cast %swap3A_590 : i32 to index
    %swap3A_593 = arith.index_cast %swap3A_591 : i32 to index
    %swap3A_594 = arith.constant 288 : index
    %swap3A_595 = tpu.vector_load %arg5[%swap3A_592, %swap3A_593, %swap3A_594] {strides = array<i32>} : memref<1x32x512xf32, #tpu.memory_space<vmem>>, vector<1x1x16xf32>,
    %swap3A_596 = vector.shape_cast %swap3A_595 : vector<1x1x16xf32> to vector<16xf32>
    %swap3A_597 = vector.shape_cast %get3A_525 : vector<16xf32> to vector<1x1x16xf32>
    tpu.vector_store %arg5[%swap3A_592, %swap3A_593, %swap3A_594], %swap3A_597 {strides = array<i32>} : memref<1x32x512xf32, #tpu.memory_space<vmem>>, vector<1x1x16xf32>,
    %swap3A_598 = arith.constant 0 : i32
    %swap3A_599 = arith.constant 9 : i32
    %swap3A_600 = arith.index_cast %swap3A_598 : i32 to index
    %swap3A_601 = arith.index_cast %swap3A_599 : i32 to index
    %swap3A_602 = arith.constant 288 : index
    %swap3A_603 = tpu.vector_load %arg5[%swap3A_600, %swap3A_601, %swap3A_602] {strides = array<i32>} : memref<1x32x512xf32, #tpu.memory_space<vmem>>, vector<1x1x16xf32>,
    %swap3A_604 = vector.shape_cast %swap3A_603 : vector<1x1x16xf32> to vector<16xf32>
    %swap3A_605 = vector.shape_cast %get3A_525 : vector<16xf32> to vector<1x1x16xf32>
    tpu.vector_store %arg5[%swap3A_600, %swap3A_601, %swap3A_602], %swap3A_605 {strides = array<i32>} : memref<1x32x512xf32, #tpu.memory_space<vmem>>, vector<1x1x16xf32>,
    %swap3A_606 = arith.constant 0 : i32
    %swap3A_607 = arith.constant 10 : i32
    %swap3A_608 = arith.index_cast %swap3A_606 : i32 to index
    %swap3A_609 = arith.index_cast %swap3A_607 : i32 to index
    %swap3A_610 = arith.constant 288 : index
    %swap3A_611 = tpu.vector_load %arg5[%swap3A_608, %swap3A_609, %swap3A_610] {strides = array<i32>} : memref<1x32x512xf32, #tpu.memory_space<vmem>>, vector<1x1x16xf32>,
    %swap3A_612 = vector.shape_cast %swap3A_611 : vector<1x1x16xf32> to vector<16xf32>
    %swap3A_613 = vector.shape_cast %get3A_525 : vector<16xf32> to vector<1x1x16xf32>
    tpu.vector_store %arg5[%swap3A_608, %swap3A_609, %swap3A_610], %swap3A_613 {strides = array<i32>} : memref<1x32x512xf32, #tpu.memory_space<vmem>>, vector<1x1x16xf32>,
    %swap3A_614 = arith.constant 0 : i32
    %swap3A_615 = arith.constant 11 : i32
    %swap3A_616 = arith.index_cast %swap3A_614 : i32 to index
    %swap3A_617 = arith.index_cast %swap3A_615 : i32 to index
    %swap3A_618 = arith.constant 288 : index
    %swap3A_619 = tpu.vector_load %arg5[%swap3A_616, %swap3A_617, %swap3A_618] {strides = array<i32>} : memref<1x32x512xf32, #tpu.memory_space<vmem>>, vector<1x1x16xf32>,
    %swap3A_620 = vector.shape_cast %swap3A_619 : vector<1x1x16xf32> to vector<16xf32>
    %swap3A_621 = vector.shape_cast %get3A_525 : vector<16xf32> to vector<1x1x16xf32>
    tpu.vector_store %arg5[%swap3A_616, %swap3A_617, %swap3A_618], %swap3A_621 {strides = array<i32>} : memref<1x32x512xf32, #tpu.memory_space<vmem>>, vector<1x1x16xf32>,
    %swap3A_622 = arith.constant 0 : i32
    %swap3A_623 = arith.constant 12 : i32
    %swap3A_624 = arith.index_cast %swap3A_622 : i32 to index
    %swap3A_625 = arith.index_cast %swap3A_623 : i32 to index
    %swap3A_626 = arith.constant 288 : index
    %swap3A_627 = tpu.vector_load %arg5[%swap3A_624, %swap3A_625, %swap3A_626] {strides = array<i32>} : memref<1x32x512xf32, #tpu.memory_space<vmem>>, vector<1x1x16xf32>,
    %swap3A_628 = vector.shape_cast %swap3A_627 : vector<1x1x16xf32> to vector<16xf32>
    %swap3A_629 = vector.shape_cast %get3A_525 : vector<16xf32> to vector<1x1x16xf32>
    tpu.vector_store %arg5[%swap3A_624, %swap3A_625, %swap3A_626], %swap3A_629 {strides = array<i32>} : memref<1x32x512xf32, #tpu.memory_space<vmem>>, vector<1x1x16xf32>,
    %swap3A_630 = arith.constant 0 : i32
    %swap3A_631 = arith.constant 13 : i32
    %swap3A_632 = arith.index_cast %swap3A_630 : i32 to index
    %swap3A_633 = arith.index_cast %swap3A_631 : i32 to index
    %swap3A_634 = arith.constant 288 : index
    %swap3A_635 = tpu.vector_load %arg5[%swap3A_632, %swap3A_633, %swap3A_634] {strides = array<i32>} : memref<1x32x512xf32, #tpu.memory_space<vmem>>, vector<1x1x16xf32>,
    %swap3A_636 = vector.shape_cast %swap3A_635 : vector<1x1x16xf32> to vector<16xf32>
    %swap3A_637 = vector.shape_cast %get3A_525 : vector<16xf32> to vector<1x1x16xf32>
    tpu.vector_store %arg5[%swap3A_632, %swap3A_633, %swap3A_634], %swap3A_637 {strides = array<i32>} : memref<1x32x512xf32, #tpu.memory_space<vmem>>, vector<1x1x16xf32>,
    %swap3A_638 = arith.constant 0 : i32
    %swap3A_639 = arith.constant 14 : i32
    %swap3A_640 = arith.index_cast %swap3A_638 : i32 to index
    %swap3A_641 = arith.index_cast %swap3A_639 : i32 to index
    %swap3A_642 = arith.constant 288 : index
    %swap3A_643 = tpu.vector_load %arg5[%swap3A_640, %swap3A_641, %swap3A_642] {strides = array<i32>} : memref<1x32x512xf32, #tpu.memory_space<vmem>>, vector<1x1x16xf32>,
    %swap3A_644 = vector.shape_cast %swap3A_643 : vector<1x1x16xf32> to vector<16xf32>
    %swap3A_645 = vector.shape_cast %get3A_525 : vector<16xf32> to vector<1x1x16xf32>
    tpu.vector_store %arg5[%swap3A_640, %swap3A_641, %swap3A_642], %swap3A_645 {strides = array<i32>} : memref<1x32x512xf32, #tpu.memory_space<vmem>>, vector<1x1x16xf32>,
    %swap3A_646 = arith.constant 0 : i32
    %swap3A_647 = arith.constant 15 : i32
    %swap3A_648 = arith.index_cast %swap3A_646 : i32 to index
    %swap3A_649 = arith.index_cast %swap3A_647 : i32 to index
    %swap3A_650 = arith.constant 288 : index
    %swap3A_651 = tpu.vector_load %arg5[%swap3A_648, %swap3A_649, %swap3A_650] {strides = array<i32>} : memref<1x32x512xf32, #tpu.memory_space<vmem>>, vector<1x1x16xf32>,
    %swap3A_652 = vector.shape_cast %swap3A_651 : vector<1x1x16xf32> to vector<16xf32>
    %swap3A_653 = vector.shape_cast %get3A_525 : vector<16xf32> to vector<1x1x16xf32>
    tpu.vector_store %arg5[%swap3A_648, %swap3A_649, %swap3A_650], %swap3A_653 {strides = array<i32>} : memref<1x32x512xf32, #tpu.memory_space<vmem>>, vector<1x1x16xf32>,
    %swap3A_654 = arith.constant 0 : i32
    %swap3A_655 = arith.constant 16 : i32
    %swap3A_656 = arith.index_cast %swap3A_654 : i32 to index
    %swap3A_657 = arith.index_cast %swap3A_655 : i32 to index
    %swap3A_658 = arith.constant 288 : index
    %swap3A_659 = tpu.vector_load %arg5[%swap3A_656, %swap3A_657, %swap3A_658] {strides = array<i32>} : memref<1x32x512xf32, #tpu.memory_space<vmem>>, vector<1x1x16xf32>,
    %swap3A_660 = vector.shape_cast %swap3A_659 : vector<1x1x16xf32> to vector<16xf32>
    %swap3A_661 = vector.shape_cast %get3A_525 : vector<16xf32> to vector<1x1x16xf32>
    tpu.vector_store %arg5[%swap3A_656, %swap3A_657, %swap3A_658], %swap3A_661 {strides = array<i32>} : memref<1x32x512xf32, #tpu.memory_space<vmem>>, vector<1x1x16xf32>,
    %swap3A_662 = arith.constant 0 : i32
    %swap3A_663 = arith.constant 17 : i32
    %swap3A_664 = arith.index_cast %swap3A_662 : i32 to index
    %swap3A_665 = arith.index_cast %swap3A_663 : i32 to index
    %swap3A_666 = arith.constant 288 : index
    %swap3A_667 = tpu.vector_load %arg5[%swap3A_664, %swap3A_665, %swap3A_666] {strides = array<i32>} : memref<1x32x512xf32, #tpu.memory_space<vmem>>, vector<1x1x16xf32>,
    %swap3A_668 = vector.shape_cast %swap3A_667 : vector<1x1x16xf32> to vector<16xf32>
    %swap3A_669 = vector.shape_cast %get3A_525 : vector<16xf32> to vector<1x1x16xf32>
    tpu.vector_store %arg5[%swap3A_664, %swap3A_665, %swap3A_666], %swap3A_669 {strides = array<i32>} : memref<1x32x512xf32, #tpu.memory_space<vmem>>, vector<1x1x16xf32>,
    %swap3A_670 = arith.constant 0 : i32
    %swap3A_671 = arith.constant 18 : i32
    %swap3A_672 = arith.index_cast %swap3A_670 : i32 to index
    %swap3A_673 = arith.index_cast %swap3A_671 : i32 to index
    %swap3A_674 = arith.constant 288 : index
    %swap3A_675 = tpu.vector_load %arg5[%swap3A_672, %swap3A_673, %swap3A_674] {strides = array<i32>} : memref<1x32x512xf32, #tpu.memory_space<vmem>>, vector<1x1x16xf32>,
    %swap3A_676 = vector.shape_cast %swap3A_675 : vector<1x1x16xf32> to vector<16xf32>
    %swap3A_677 = vector.shape_cast %get3A_525 : vector<16xf32> to vector<1x1x16xf32>
    tpu.vector_store %arg5[%swap3A_672, %swap3A_673, %swap3A_674], %swap3A_677 {strides = array<i32>} : memref<1x32x512xf32, #tpu.memory_space<vmem>>, vector<1x1x16xf32>,
    %swap3A_678 = arith.constant 0 : i32
    %swap3A_679 = arith.constant 19 : i32
    %swap3A_680 = arith.index_cast %swap3A_678 : i32 to index
    %swap3A_681 = arith.index_cast %swap3A_679 : i32 to index
    %swap3A_682 = arith.constant 288 : index
    %swap3A_683 = tpu.vector_load %arg5[%swap3A_680, %swap3A_681, %swap3A_682] {strides = array<i32>} : memref<1x32x512xf32, #tpu.memory_space<vmem>>, vector<1x1x16xf32>,
    %swap3A_684 = vector.shape_cast %swap3A_683 : vector<1x1x16xf32> to vector<16xf32>
    %swap3A_685 = vector.shape_cast %get3A_525 : vector<16xf32> to vector<1x1x16xf32>
    tpu.vector_store %arg5[%swap3A_680, %swap3A_681, %swap3A_682], %swap3A_685 {strides = array<i32>} : memref<1x32x512xf32, #tpu.memory_space<vmem>>, vector<1x1x16xf32>,
    %swap3A_686 = arith.constant 0 : i32
    %swap3A_687 = arith.constant 20 : i32
    %swap3A_688 = arith.index_cast %swap3A_686 : i32 to index
    %swap3A_689 = arith.index_cast %swap3A_687 : i32 to index
    %swap3A_690 = arith.constant 288 : index
    %swap3A_691 = tpu.vector_load %arg5[%swap3A_688, %swap3A_689, %swap3A_690] {strides = array<i32>} : memref<1x32x512xf32, #tpu.memory_space<vmem>>, vector<1x1x16xf32>,
    %swap3A_692 = vector.shape_cast %swap3A_691 : vector<1x1x16xf32> to vector<16xf32>
    %swap3A_693 = vector.shape_cast %get3A_525 : vector<16xf32> to vector<1x1x16xf32>
    tpu.vector_store %arg5[%swap3A_688, %swap3A_689, %swap3A_690], %swap3A_693 {strides = array<i32>} : memref<1x32x512xf32, #tpu.memory_space<vmem>>, vector<1x1x16xf32>,
    %swap3A_694 = arith.constant 0 : i32
    %swap3A_695 = arith.constant 21 : i32
    %swap3A_696 = arith.index_cast %swap3A_694 : i32 to index
    %swap3A_697 = arith.index_cast %swap3A_695 : i32 to index
    %swap3A_698 = arith.constant 288 : index
    %swap3A_699 = tpu.vector_load %arg5[%swap3A_696, %swap3A_697, %swap3A_698] {strides = array<i32>} : memref<1x32x512xf32, #tpu.memory_space<vmem>>, vector<1x1x16xf32>,
    %swap3A_700 = vector.shape_cast %swap3A_699 : vector<1x1x16xf32> to vector<16xf32>
    %swap3A_701 = vector.shape_cast %get3A_525 : vector<16xf32> to vector<1x1x16xf32>
    tpu.vector_store %arg5[%swap3A_696, %swap3A_697, %swap3A_698], %swap3A_701 {strides = array<i32>} : memref<1x32x512xf32, #tpu.memory_space<vmem>>, vector<1x1x16xf32>,
    %swap3A_702 = arith.constant 0 : i32
    %swap3A_703 = arith.constant 22 : i32
    %swap3A_704 = arith.index_cast %swap3A_702 : i32 to index
    %swap3A_705 = arith.index_cast %swap3A_703 : i32 to index
    %swap3A_706 = arith.constant 288 : index
    %swap3A_707 = tpu.vector_load %arg5[%swap3A_704, %swap3A_705, %swap3A_706] {strides = array<i32>} : memref<1x32x512xf32, #tpu.memory_space<vmem>>, vector<1x1x16xf32>,
    %swap3A_708 = vector.shape_cast %swap3A_707 : vector<1x1x16xf32> to vector<16xf32>
    %swap3A_709 = vector.shape_cast %get3A_525 : vector<16xf32> to vector<1x1x16xf32>
    tpu.vector_store %arg5[%swap3A_704, %swap3A_705, %swap3A_706], %swap3A_709 {strides = array<i32>} : memref<1x32x512xf32, #tpu.memory_space<vmem>>, vector<1x1x16xf32>,
    %swap3A_710 = arith.constant 0 : i32
    %swap3A_711 = arith.constant 23 : i32
    %swap3A_712 = arith.index_cast %swap3A_710 : i32 to index
    %swap3A_713 = arith.index_cast %swap3A_711 : i32 to index
    %swap3A_714 = arith.constant 288 : index
    %swap3A_715 = tpu.vector_load %arg5[%swap3A_712, %swap3A_713, %swap3A_714] {strides = array<i32>} : memref<1x32x512xf32, #tpu.memory_space<vmem>>, vector<1x1x16xf32>,
    %swap3A_716 = vector.shape_cast %swap3A_715 : vector<1x1x16xf32> to vector<16xf32>
    %swap3A_717 = vector.shape_cast %get3A_525 : vector<16xf32> to vector<1x1x16xf32>
    tpu.vector_store %arg5[%swap3A_712, %swap3A_713, %swap3A_714], %swap3A_717 {strides = array<i32>} : memref<1x32x512xf32, #tpu.memory_space<vmem>>, vector<1x1x16xf32>,
    %swap3A_718 = arith.constant 0 : i32
    %swap3A_719 = arith.constant 24 : i32
    %swap3A_720 = arith.index_cast %swap3A_718 : i32 to index
    %swap3A_721 = arith.index_cast %swap3A_719 : i32 to index
    %swap3A_722 = arith.constant 288 : index
    %swap3A_723 = tpu.vector_load %arg5[%swap3A_720, %swap3A_721, %swap3A_722] {strides = array<i32>} : memref<1x32x512xf32, #tpu.memory_space<vmem>>, vector<1x1x16xf32>,
    %swap3A_724 = vector.shape_cast %swap3A_723 : vector<1x1x16xf32> to vector<16xf32>
    %swap3A_725 = vector.shape_cast %get3A_525 : vector<16xf32> to vector<1x1x16xf32>
    tpu.vector_store %arg5[%swap3A_720, %swap3A_721, %swap3A_722], %swap3A_725 {strides = array<i32>} : memref<1x32x512xf32, #tpu.memory_space<vmem>>, vector<1x1x16xf32>,
    %swap3A_726 = arith.constant 0 : i32
    %swap3A_727 = arith.constant 25 : i32
    %swap3A_728 = arith.index_cast %swap3A_726 : i32 to index
    %swap3A_729 = arith.index_cast %swap3A_727 : i32 to index
    %swap3A_730 = arith.constant 288 : index
    %swap3A_731 = tpu.vector_load %arg5[%swap3A_728, %swap3A_729, %swap3A_730] {strides = array<i32>} : memref<1x32x512xf32, #tpu.memory_space<vmem>>, vector<1x1x16xf32>,
    %swap3A_732 = vector.shape_cast %swap3A_731 : vector<1x1x16xf32> to vector<16xf32>
    %swap3A_733 = vector.shape_cast %get3A_525 : vector<16xf32> to vector<1x1x16xf32>
    tpu.vector_store %arg5[%swap3A_728, %swap3A_729, %swap3A_730], %swap3A_733 {strides = array<i32>} : memref<1x32x512xf32, #tpu.memory_space<vmem>>, vector<1x1x16xf32>,
    %swap3A_734 = arith.constant 0 : i32
    %swap3A_735 = arith.constant 26 : i32
    %swap3A_736 = arith.index_cast %swap3A_734 : i32 to index
    %swap3A_737 = arith.index_cast %swap3A_735 : i32 to index
    %swap3A_738 = arith.constant 288 : index
    %swap3A_739 = tpu.vector_load %arg5[%swap3A_736, %swap3A_737, %swap3A_738] {strides = array<i32>} : memref<1x32x512xf32, #tpu.memory_space<vmem>>, vector<1x1x16xf32>,
    %swap3A_740 = vector.shape_cast %swap3A_739 : vector<1x1x16xf32> to vector<16xf32>
    %swap3A_741 = vector.shape_cast %get3A_525 : vector<16xf32> to vector<1x1x16xf32>
    tpu.vector_store %arg5[%swap3A_736, %swap3A_737, %swap3A_738], %swap3A_741 {strides = array<i32>} : memref<1x32x512xf32, #tpu.memory_space<vmem>>, vector<1x1x16xf32>,
    %swap3A_742 = arith.constant 0 : i32
    %swap3A_743 = arith.constant 27 : i32
    %swap3A_744 = arith.index_cast %swap3A_742 : i32 to index
    %swap3A_745 = arith.index_cast %swap3A_743 : i32 to index
    %swap3A_746 = arith.constant 288 : index
    %swap3A_747 = tpu.vector_load %arg5[%swap3A_744, %swap3A_745, %swap3A_746] {strides = array<i32>} : memref<1x32x512xf32, #tpu.memory_space<vmem>>, vector<1x1x16xf32>,
    %swap3A_748 = vector.shape_cast %swap3A_747 : vector<1x1x16xf32> to vector<16xf32>
    %swap3A_749 = vector.shape_cast %get3A_525 : vector<16xf32> to vector<1x1x16xf32>
    tpu.vector_store %arg5[%swap3A_744, %swap3A_745, %swap3A_746], %swap3A_749 {strides = array<i32>} : memref<1x32x512xf32, #tpu.memory_space<vmem>>, vector<1x1x16xf32>,
    %swap3A_750 = arith.constant 0 : i32
    %swap3A_751 = arith.constant 28 : i32
    %swap3A_752 = arith.index_cast %swap3A_750 : i32 to index
    %swap3A_753 = arith.index_cast %swap3A_751 : i32 to index
    %swap3A_754 = arith.constant 288 : index
    %swap3A_755 = tpu.vector_load %arg5[%swap3A_752, %swap3A_753, %swap3A_754] {strides = array<i32>} : memref<1x32x512xf32, #tpu.memory_space<vmem>>, vector<1x1x16xf32>,
    %swap3A_756 = vector.shape_cast %swap3A_755 : vector<1x1x16xf32> to vector<16xf32>
    %swap3A_757 = vector.shape_cast %get3A_525 : vector<16xf32> to vector<1x1x16xf32>
    tpu.vector_store %arg5[%swap3A_752, %swap3A_753, %swap3A_754], %swap3A_757 {strides = array<i32>} : memref<1x32x512xf32, #tpu.memory_space<vmem>>, vector<1x1x16xf32>,
    %swap3A_758 = arith.constant 0 : i32
    %swap3A_759 = arith.constant 29 : i32
    %swap3A_760 = arith.index_cast %swap3A_758 : i32 to index
    %swap3A_761 = arith.index_cast %swap3A_759 : i32 to index
    %swap3A_762 = arith.constant 288 : index
    %swap3A_763 = tpu.vector_load %arg5[%swap3A_760, %swap3A_761, %swap3A_762] {strides = array<i32>} : memref<1x32x512xf32, #tpu.memory_space<vmem>>, vector<1x1x16xf32>,
    %swap3A_764 = vector.shape_cast %swap3A_763 : vector<1x1x16xf32> to vector<16xf32>
    %swap3A_765 = vector.shape_cast %get3A_525 : vector<16xf32> to vector<1x1x16xf32>
    tpu.vector_store %arg5[%swap3A_760, %swap3A_761, %swap3A_762], %swap3A_765 {strides = array<i32>} : memref<1x32x512xf32, #tpu.memory_space<vmem>>, vector<1x1x16xf32>,
    %swap3A_766 = arith.constant 0 : i32
    %swap3A_767 = arith.constant 30 : i32
    %swap3A_768 = arith.index_cast %swap3A_766 : i32 to index
    %swap3A_769 = arith.index_cast %swap3A_767 : i32 to index
    %swap3A_770 = arith.constant 288 : index
    %swap3A_771 = tpu.vector_load %arg5[%swap3A_768, %swap3A_769, %swap3A_770] {strides = array<i32>} : memref<1x32x512xf32, #tpu.memory_space<vmem>>, vector<1x1x16xf32>,
    %swap3A_772 = vector.shape_cast %swap3A_771 : vector<1x1x16xf32> to vector<16xf32>
    %swap3A_773 = vector.shape_cast %get3A_525 : vector<16xf32> to vector<1x1x16xf32>
    tpu.vector_store %arg5[%swap3A_768, %swap3A_769, %swap3A_770], %swap3A_773 {strides = array<i32>} : memref<1x32x512xf32, #tpu.memory_space<vmem>>, vector<1x1x16xf32>,
    %swap3A_774 = arith.constant 0 : i32
    %swap3A_775 = arith.constant 31 : i32
    %swap3A_776 = arith.index_cast %swap3A_774 : i32 to index
    %swap3A_777 = arith.index_cast %swap3A_775 : i32 to index
    %swap3A_778 = arith.constant 288 : index
    %swap3A_779 = tpu.vector_load %arg5[%swap3A_776, %swap3A_777, %swap3A_778] {strides = array<i32>} : memref<1x32x512xf32, #tpu.memory_space<vmem>>, vector<1x1x16xf32>,
    %swap3A_780 = vector.shape_cast %swap3A_779 : vector<1x1x16xf32> to vector<16xf32>
    %swap3A_781 = vector.shape_cast %get3A_525 : vector<16xf32> to vector<1x1x16xf32>
    tpu.vector_store %arg5[%swap3A_776, %swap3A_777, %swap3A_778], %swap3A_781 {strides = array<i32>} : memref<1x32x512xf32, #tpu.memory_space<vmem>>, vector<1x1x16xf32>,
    %get3A_782 = arith.constant 0 : i32
    %get3A_783 = arith.index_cast %get3A_782 : i32 to index
    %get3A_784 = arith.constant 48 : index
    %get3A_785 = tpu.vector_load %arg6[%get3A_783, %get3A_784] {strides = array<i32>} : memref<1x256xf32, #tpu.memory_space<vmem>>, vector<1x16xf32>,
    %get3A_786 = vector.shape_cast %get3A_785 : vector<1x16xf32> to vector<16xf32>
    %swap3A_787 = arith.constant 0 : i32
    %swap3A_788 = arith.constant 0 : i32
    %swap3A_789 = arith.index_cast %swap3A_787 : i32 to index
    %swap3A_790 = arith.index_cast %swap3A_788 : i32 to index
    %swap3A_791 = arith.constant 304 : index
    %swap3A_792 = tpu.vector_load %arg5[%swap3A_789, %swap3A_790, %swap3A_791] {strides = array<i32>} : memref<1x32x512xf32, #tpu.memory_space<vmem>>, vector<1x1x16xf32>,
    %swap3A_793 = vector.shape_cast %swap3A_792 : vector<1x1x16xf32> to vector<16xf32>
    %swap3A_794 = vector.shape_cast %get3A_786 : vector<16xf32> to vector<1x1x16xf32>
    tpu.vector_store %arg5[%swap3A_789, %swap3A_790, %swap3A_791], %swap3A_794 {strides = array<i32>} : memref<1x32x512xf32, #tpu.memory_space<vmem>>, vector<1x1x16xf32>,
    %swap3A_795 = arith.constant 0 : i32
    %swap3A_796 = arith.constant 1 : i32
    %swap3A_797 = arith.index_cast %swap3A_795 : i32 to index
    %swap3A_798 = arith.index_cast %swap3A_796 : i32 to index
    %swap3A_799 = arith.constant 304 : index
    %swap3A_800 = tpu.vector_load %arg5[%swap3A_797, %swap3A_798, %swap3A_799] {strides = array<i32>} : memref<1x32x512xf32, #tpu.memory_space<vmem>>, vector<1x1x16xf32>,
    %swap3A_801 = vector.shape_cast %swap3A_800 : vector<1x1x16xf32> to vector<16xf32>
    %swap3A_802 = vector.shape_cast %get3A_786 : vector<16xf32> to vector<1x1x16xf32>
    tpu.vector_store %arg5[%swap3A_797, %swap3A_798, %swap3A_799], %swap3A_802 {strides = array<i32>} : memref<1x32x512xf32, #tpu.memory_space<vmem>>, vector<1x1x16xf32>,
    %swap3A_803 = arith.constant 0 : i32
    %swap3A_804 = arith.constant 2 : i32
    %swap3A_805 = arith.index_cast %swap3A_803 : i32 to index
    %swap3A_806 = arith.index_cast %swap3A_804 : i32 to index
    %swap3A_807 = arith.constant 304 : index
    %swap3A_808 = tpu.vector_load %arg5[%swap3A_805, %swap3A_806, %swap3A_807] {strides = array<i32>} : memref<1x32x512xf32, #tpu.memory_space<vmem>>, vector<1x1x16xf32>,
    %swap3A_809 = vector.shape_cast %swap3A_808 : vector<1x1x16xf32> to vector<16xf32>
    %swap3A_810 = vector.shape_cast %get3A_786 : vector<16xf32> to vector<1x1x16xf32>
    tpu.vector_store %arg5[%swap3A_805, %swap3A_806, %swap3A_807], %swap3A_810 {strides = array<i32>} : memref<1x32x512xf32, #tpu.memory_space<vmem>>, vector<1x1x16xf32>,
    %swap3A_811 = arith.constant 0 : i32
    %swap3A_812 = arith.constant 3 : i32
    %swap3A_813 = arith.index_cast %swap3A_811 : i32 to index
    %swap3A_814 = arith.index_cast %swap3A_812 : i32 to index
    %swap3A_815 = arith.constant 304 : index
    %swap3A_816 = tpu.vector_load %arg5[%swap3A_813, %swap3A_814, %swap3A_815] {strides = array<i32>} : memref<1x32x512xf32, #tpu.memory_space<vmem>>, vector<1x1x16xf32>,
    %swap3A_817 = vector.shape_cast %swap3A_816 : vector<1x1x16xf32> to vector<16xf32>
    %swap3A_818 = vector.shape_cast %get3A_786 : vector<16xf32> to vector<1x1x16xf32>
    tpu.vector_store %arg5[%swap3A_813, %swap3A_814, %swap3A_815], %swap3A_818 {strides = array<i32>} : memref<1x32x512xf32, #tpu.memory_space<vmem>>, vector<1x1x16xf32>,
    %swap3A_819 = arith.constant 0 : i32
    %swap3A_820 = arith.constant 4 : i32
    %swap3A_821 = arith.index_cast %swap3A_819 : i32 to index
    %swap3A_822 = arith.index_cast %swap3A_820 : i32 to index
    %swap3A_823 = arith.constant 304 : index
    %swap3A_824 = tpu.vector_load %arg5[%swap3A_821, %swap3A_822, %swap3A_823] {strides = array<i32>} : memref<1x32x512xf32, #tpu.memory_space<vmem>>, vector<1x1x16xf32>,
    %swap3A_825 = vector.shape_cast %swap3A_824 : vector<1x1x16xf32> to vector<16xf32>
    %swap3A_826 = vector.shape_cast %get3A_786 : vector<16xf32> to vector<1x1x16xf32>
    tpu.vector_store %arg5[%swap3A_821, %swap3A_822, %swap3A_823], %swap3A_826 {strides = array<i32>} : memref<1x32x512xf32, #tpu.memory_space<vmem>>, vector<1x1x16xf32>,
    %swap3A_827 = arith.constant 0 : i32
    %swap3A_828 = arith.constant 5 : i32
    %swap3A_829 = arith.index_cast %swap3A_827 : i32 to index
    %swap3A_830 = arith.index_cast %swap3A_828 : i32 to index
    %swap3A_831 = arith.constant 304 : index
    %swap3A_832 = tpu.vector_load %arg5[%swap3A_829, %swap3A_830, %swap3A_831] {strides = array<i32>} : memref<1x32x512xf32, #tpu.memory_space<vmem>>, vector<1x1x16xf32>,
    %swap3A_833 = vector.shape_cast %swap3A_832 : vector<1x1x16xf32> to vector<16xf32>
    %swap3A_834 = vector.shape_cast %get3A_786 : vector<16xf32> to vector<1x1x16xf32>
    tpu.vector_store %arg5[%swap3A_829, %swap3A_830, %swap3A_831], %swap3A_834 {strides = array<i32>} : memref<1x32x512xf32, #tpu.memory_space<vmem>>, vector<1x1x16xf32>,
    %swap3A_835 = arith.constant 0 : i32
    %swap3A_836 = arith.constant 6 : i32
    %swap3A_837 = arith.index_cast %swap3A_835 : i32 to index
    %swap3A_838 = arith.index_cast %swap3A_836 : i32 to index
    %swap3A_839 = arith.constant 304 : index
    %swap3A_840 = tpu.vector_load %arg5[%swap3A_837, %swap3A_838, %swap3A_839] {strides = array<i32>} : memref<1x32x512xf32, #tpu.memory_space<vmem>>, vector<1x1x16xf32>,
    %swap3A_841 = vector.shape_cast %swap3A_840 : vector<1x1x16xf32> to vector<16xf32>
    %swap3A_842 = vector.shape_cast %get3A_786 : vector<16xf32> to vector<1x1x16xf32>
    tpu.vector_store %arg5[%swap3A_837, %swap3A_838, %swap3A_839], %swap3A_842 {strides = array<i32>} : memref<1x32x512xf32, #tpu.memory_space<vmem>>, vector<1x1x16xf32>,
    %swap3A_843 = arith.constant 0 : i32
    %swap3A_844 = arith.constant 7 : i32
    %swap3A_845 = arith.index_cast %swap3A_843 : i32 to index
    %swap3A_846 = arith.index_cast %swap3A_844 : i32 to index
    %swap3A_847 = arith.constant 304 : index
    %swap3A_848 = tpu.vector_load %arg5[%swap3A_845, %swap3A_846, %swap3A_847] {strides = array<i32>} : memref<1x32x512xf32, #tpu.memory_space<vmem>>, vector<1x1x16xf32>,
    %swap3A_849 = vector.shape_cast %swap3A_848 : vector<1x1x16xf32> to vector<16xf32>
    %swap3A_850 = vector.shape_cast %get3A_786 : vector<16xf32> to vector<1x1x16xf32>
    tpu.vector_store %arg5[%swap3A_845, %swap3A_846, %swap3A_847], %swap3A_850 {strides = array<i32>} : memref<1x32x512xf32, #tpu.memory_space<vmem>>, vector<1x1x16xf32>,
    %swap3A_851 = arith.constant 0 : i32
    %swap3A_852 = arith.constant 8 : i32
    %swap3A_853 = arith.index_cast %swap3A_851 : i32 to index
    %swap3A_854 = arith.index_cast %swap3A_852 : i32 to index
    %swap3A_855 = arith.constant 304 : index
    %swap3A_856 = tpu.vector_load %arg5[%swap3A_853, %swap3A_854, %swap3A_855] {strides = array<i32>} : memref<1x32x512xf32, #tpu.memory_space<vmem>>, vector<1x1x16xf32>,
    %swap3A_857 = vector.shape_cast %swap3A_856 : vector<1x1x16xf32> to vector<16xf32>
    %swap3A_858 = vector.shape_cast %get3A_786 : vector<16xf32> to vector<1x1x16xf32>
    tpu.vector_store %arg5[%swap3A_853, %swap3A_854, %swap3A_855], %swap3A_858 {strides = array<i32>} : memref<1x32x512xf32, #tpu.memory_space<vmem>>, vector<1x1x16xf32>,
    %swap3A_859 = arith.constant 0 : i32
    %swap3A_860 = arith.constant 9 : i32
    %swap3A_861 = arith.index_cast %swap3A_859 : i32 to index
    %swap3A_862 = arith.index_cast %swap3A_860 : i32 to index
    %swap3A_863 = arith.constant 304 : index
    %swap3A_864 = tpu.vector_load %arg5[%swap3A_861, %swap3A_862, %swap3A_863] {strides = array<i32>} : memref<1x32x512xf32, #tpu.memory_space<vmem>>, vector<1x1x16xf32>,
    %swap3A_865 = vector.shape_cast %swap3A_864 : vector<1x1x16xf32> to vector<16xf32>
    %swap3A_866 = vector.shape_cast %get3A_786 : vector<16xf32> to vector<1x1x16xf32>
    tpu.vector_store %arg5[%swap3A_861, %swap3A_862, %swap3A_863], %swap3A_866 {strides = array<i32>} : memref<1x32x512xf32, #tpu.memory_space<vmem>>, vector<1x1x16xf32>,
    %swap3A_867 = arith.constant 0 : i32
    %swap3A_868 = arith.constant 10 : i32
    %swap3A_869 = arith.index_cast %swap3A_867 : i32 to index
    %swap3A_870 = arith.index_cast %swap3A_868 : i32 to index
    %swap3A_871 = arith.constant 304 : index
    %swap3A_872 = tpu.vector_load %arg5[%swap3A_869, %swap3A_870, %swap3A_871] {strides = array<i32>} : memref<1x32x512xf32, #tpu.memory_space<vmem>>, vector<1x1x16xf32>,
    %swap3A_873 = vector.shape_cast %swap3A_872 : vector<1x1x16xf32> to vector<16xf32>
    %swap3A_874 = vector.shape_cast %get3A_786 : vector<16xf32> to vector<1x1x16xf32>
    tpu.vector_store %arg5[%swap3A_869, %swap3A_870, %swap3A_871], %swap3A_874 {strides = array<i32>} : memref<1x32x512xf32, #tpu.memory_space<vmem>>, vector<1x1x16xf32>,
    %swap3A_875 = arith.constant 0 : i32
    %swap3A_876 = arith.constant 11 : i32
    %swap3A_877 = arith.index_cast %swap3A_875 : i32 to index
    %swap3A_878 = arith.index_cast %swap3A_876 : i32 to index
    %swap3A_879 = arith.constant 304 : index
    %swap3A_880 = tpu.vector_load %arg5[%swap3A_877, %swap3A_878, %swap3A_879] {strides = array<i32>} : memref<1x32x512xf32, #tpu.memory_space<vmem>>, vector<1x1x16xf32>,
    %swap3A_881 = vector.shape_cast %swap3A_880 : vector<1x1x16xf32> to vector<16xf32>
    %swap3A_882 = vector.shape_cast %get3A_786 : vector<16xf32> to vector<1x1x16xf32>
    tpu.vector_store %arg5[%swap3A_877, %swap3A_878, %swap3A_879], %swap3A_882 {strides = array<i32>} : memref<1x32x512xf32, #tpu.memory_space<vmem>>, vector<1x1x16xf32>,
    %swap3A_883 = arith.constant 0 : i32
    %swap3A_884 = arith.constant 12 : i32
    %swap3A_885 = arith.index_cast %swap3A_883 : i32 to index
    %swap3A_886 = arith.index_cast %swap3A_884 : i32 to index
    %swap3A_887 = arith.constant 304 : index
    %swap3A_888 = tpu.vector_load %arg5[%swap3A_885, %swap3A_886, %swap3A_887] {strides = array<i32>} : memref<1x32x512xf32, #tpu.memory_space<vmem>>, vector<1x1x16xf32>,
    %swap3A_889 = vector.shape_cast %swap3A_888 : vector<1x1x16xf32> to vector<16xf32>
    %swap3A_890 = vector.shape_cast %get3A_786 : vector<16xf32> to vector<1x1x16xf32>
    tpu.vector_store %arg5[%swap3A_885, %swap3A_886, %swap3A_887], %swap3A_890 {strides = array<i32>} : memref<1x32x512xf32, #tpu.memory_space<vmem>>, vector<1x1x16xf32>,
    %swap3A_891 = arith.constant 0 : i32
    %swap3A_892 = arith.constant 13 : i32
    %swap3A_893 = arith.index_cast %swap3A_891 : i32 to index
    %swap3A_894 = arith.index_cast %swap3A_892 : i32 to index
    %swap3A_895 = arith.constant 304 : index
    %swap3A_896 = tpu.vector_load %arg5[%swap3A_893, %swap3A_894, %swap3A_895] {strides = array<i32>} : memref<1x32x512xf32, #tpu.memory_space<vmem>>, vector<1x1x16xf32>,
    %swap3A_897 = vector.shape_cast %swap3A_896 : vector<1x1x16xf32> to vector<16xf32>
    %swap3A_898 = vector.shape_cast %get3A_786 : vector<16xf32> to vector<1x1x16xf32>
    tpu.vector_store %arg5[%swap3A_893, %swap3A_894, %swap3A_895], %swap3A_898 {strides = array<i32>} : memref<1x32x512xf32, #tpu.memory_space<vmem>>, vector<1x1x16xf32>,
    %swap3A_899 = arith.constant 0 : i32
    %swap3A_900 = arith.constant 14 : i32
    %swap3A_901 = arith.index_cast %swap3A_899 : i32 to index
    %swap3A_902 = arith.index_cast %swap3A_900 : i32 to index
    %swap3A_903 = arith.constant 304 : index
    %swap3A_904 = tpu.vector_load %arg5[%swap3A_901, %swap3A_902, %swap3A_903] {strides = array<i32>} : memref<1x32x512xf32, #tpu.memory_space<vmem>>, vector<1x1x16xf32>,
    %swap3A_905 = vector.shape_cast %swap3A_904 : vector<1x1x16xf32> to vector<16xf32>
    %swap3A_906 = vector.shape_cast %get3A_786 : vector<16xf32> to vector<1x1x16xf32>
    tpu.vector_store %arg5[%swap3A_901, %swap3A_902, %swap3A_903], %swap3A_906 {strides = array<i32>} : memref<1x32x512xf32, #tpu.memory_space<vmem>>, vector<1x1x16xf32>,
    %swap3A_907 = arith.constant 0 : i32
    %swap3A_908 = arith.constant 15 : i32
    %swap3A_909 = arith.index_cast %swap3A_907 : i32 to index
    %swap3A_910 = arith.index_cast %swap3A_908 : i32 to index
    %swap3A_911 = arith.constant 304 : index
    %swap3A_912 = tpu.vector_load %arg5[%swap3A_909, %swap3A_910, %swap3A_911] {strides = array<i32>} : memref<1x32x512xf32, #tpu.memory_space<vmem>>, vector<1x1x16xf32>,
    %swap3A_913 = vector.shape_cast %swap3A_912 : vector<1x1x16xf32> to vector<16xf32>
    %swap3A_914 = vector.shape_cast %get3A_786 : vector<16xf32> to vector<1x1x16xf32>
    tpu.vector_store %arg5[%swap3A_909, %swap3A_910, %swap3A_911], %swap3A_914 {strides = array<i32>} : memref<1x32x512xf32, #tpu.memory_space<vmem>>, vector<1x1x16xf32>,
    %swap3A_915 = arith.constant 0 : i32
    %swap3A_916 = arith.constant 16 : i32
    %swap3A_917 = arith.index_cast %swap3A_915 : i32 to index
    %swap3A_918 = arith.index_cast %swap3A_916 : i32 to index
    %swap3A_919 = arith.constant 304 : index
    %swap3A_920 = tpu.vector_load %arg5[%swap3A_917, %swap3A_918, %swap3A_919] {strides = array<i32>} : memref<1x32x512xf32, #tpu.memory_space<vmem>>, vector<1x1x16xf32>,
    %swap3A_921 = vector.shape_cast %swap3A_920 : vector<1x1x16xf32> to vector<16xf32>
    %swap3A_922 = vector.shape_cast %get3A_786 : vector<16xf32> to vector<1x1x16xf32>
    tpu.vector_store %arg5[%swap3A_917, %swap3A_918, %swap3A_919], %swap3A_922 {strides = array<i32>} : memref<1x32x512xf32, #tpu.memory_space<vmem>>, vector<1x1x16xf32>,
    %swap3A_923 = arith.constant 0 : i32
    %swap3A_924 = arith.constant 17 : i32
    %swap3A_925 = arith.index_cast %swap3A_923 : i32 to index
    %swap3A_926 = arith.index_cast %swap3A_924 : i32 to index
    %swap3A_927 = arith.constant 304 : index
    %swap3A_928 = tpu.vector_load %arg5[%swap3A_925, %swap3A_926, %swap3A_927] {strides = array<i32>} : memref<1x32x512xf32, #tpu.memory_space<vmem>>, vector<1x1x16xf32>,
    %swap3A_929 = vector.shape_cast %swap3A_928 : vector<1x1x16xf32> to vector<16xf32>
    %swap3A_930 = vector.shape_cast %get3A_786 : vector<16xf32> to vector<1x1x16xf32>
    tpu.vector_store %arg5[%swap3A_925, %swap3A_926, %swap3A_927], %swap3A_930 {strides = array<i32>} : memref<1x32x512xf32, #tpu.memory_space<vmem>>, vector<1x1x16xf32>,
    %swap3A_931 = arith.constant 0 : i32
    %swap3A_932 = arith.constant 18 : i32
    %swap3A_933 = arith.index_cast %swap3A_931 : i32 to index
    %swap3A_934 = arith.index_cast %swap3A_932 : i32 to index
    %swap3A_935 = arith.constant 304 : index
    %swap3A_936 = tpu.vector_load %arg5[%swap3A_933, %swap3A_934, %swap3A_935] {strides = array<i32>} : memref<1x32x512xf32, #tpu.memory_space<vmem>>, vector<1x1x16xf32>,
    %swap3A_937 = vector.shape_cast %swap3A_936 : vector<1x1x16xf32> to vector<16xf32>
    %swap3A_938 = vector.shape_cast %get3A_786 : vector<16xf32> to vector<1x1x16xf32>
    tpu.vector_store %arg5[%swap3A_933, %swap3A_934, %swap3A_935], %swap3A_938 {strides = array<i32>} : memref<1x32x512xf32, #tpu.memory_space<vmem>>, vector<1x1x16xf32>,
    %swap3A_939 = arith.constant 0 : i32
    %swap3A_940 = arith.constant 19 : i32
    %swap3A_941 = arith.index_cast %swap3A_939 : i32 to index
    %swap3A_942 = arith.index_cast %swap3A_940 : i32 to index
    %swap3A_943 = arith.constant 304 : index
    %swap3A_944 = tpu.vector_load %arg5[%swap3A_941, %swap3A_942, %swap3A_943] {strides = array<i32>} : memref<1x32x512xf32, #tpu.memory_space<vmem>>, vector<1x1x16xf32>,
    %swap3A_945 = vector.shape_cast %swap3A_944 : vector<1x1x16xf32> to vector<16xf32>
    %swap3A_946 = vector.shape_cast %get3A_786 : vector<16xf32> to vector<1x1x16xf32>
    tpu.vector_store %arg5[%swap3A_941, %swap3A_942, %swap3A_943], %swap3A_946 {strides = array<i32>} : memref<1x32x512xf32, #tpu.memory_space<vmem>>, vector<1x1x16xf32>,
    %swap3A_947 = arith.constant 0 : i32
    %swap3A_948 = arith.constant 20 : i32
    %swap3A_949 = arith.index_cast %swap3A_947 : i32 to index
    %swap3A_950 = arith.index_cast %swap3A_948 : i32 to index
    %swap3A_951 = arith.constant 304 : index
    %swap3A_952 = tpu.vector_load %arg5[%swap3A_949, %swap3A_950, %swap3A_951] {strides = array<i32>} : memref<1x32x512xf32, #tpu.memory_space<vmem>>, vector<1x1x16xf32>,
    %swap3A_953 = vector.shape_cast %swap3A_952 : vector<1x1x16xf32> to vector<16xf32>
    %swap3A_954 = vector.shape_cast %get3A_786 : vector<16xf32> to vector<1x1x16xf32>
    tpu.vector_store %arg5[%swap3A_949, %swap3A_950, %swap3A_951], %swap3A_954 {strides = array<i32>} : memref<1x32x512xf32, #tpu.memory_space<vmem>>, vector<1x1x16xf32>,
    %swap3A_955 = arith.constant 0 : i32
    %swap3A_956 = arith.constant 21 : i32
    %swap3A_957 = arith.index_cast %swap3A_955 : i32 to index
    %swap3A_958 = arith.index_cast %swap3A_956 : i32 to index
    %swap3A_959 = arith.constant 304 : index
    %swap3A_960 = tpu.vector_load %arg5[%swap3A_957, %swap3A_958, %swap3A_959] {strides = array<i32>} : memref<1x32x512xf32, #tpu.memory_space<vmem>>, vector<1x1x16xf32>,
    %swap3A_961 = vector.shape_cast %swap3A_960 : vector<1x1x16xf32> to vector<16xf32>
    %swap3A_962 = vector.shape_cast %get3A_786 : vector<16xf32> to vector<1x1x16xf32>
    tpu.vector_store %arg5[%swap3A_957, %swap3A_958, %swap3A_959], %swap3A_962 {strides = array<i32>} : memref<1x32x512xf32, #tpu.memory_space<vmem>>, vector<1x1x16xf32>,
    %swap3A_963 = arith.constant 0 : i32
    %swap3A_964 = arith.constant 22 : i32
    %swap3A_965 = arith.index_cast %swap3A_963 : i32 to index
    %swap3A_966 = arith.index_cast %swap3A_964 : i32 to index
    %swap3A_967 = arith.constant 304 : index
    %swap3A_968 = tpu.vector_load %arg5[%swap3A_965, %swap3A_966, %swap3A_967] {strides = array<i32>} : memref<1x32x512xf32, #tpu.memory_space<vmem>>, vector<1x1x16xf32>,
    %swap3A_969 = vector.shape_cast %swap3A_968 : vector<1x1x16xf32> to vector<16xf32>
    %swap3A_970 = vector.shape_cast %get3A_786 : vector<16xf32> to vector<1x1x16xf32>
    tpu.vector_store %arg5[%swap3A_965, %swap3A_966, %swap3A_967], %swap3A_970 {strides = array<i32>} : memref<1x32x512xf32, #tpu.memory_space<vmem>>, vector<1x1x16xf32>,
    %swap3A_971 = arith.constant 0 : i32
    %swap3A_972 = arith.constant 23 : i32
    %swap3A_973 = arith.index_cast %swap3A_971 : i32 to index
    %swap3A_974 = arith.index_cast %swap3A_972 : i32 to index
    %swap3A_975 = arith.constant 304 : index
    %swap3A_976 = tpu.vector_load %arg5[%swap3A_973, %swap3A_974, %swap3A_975] {strides = array<i32>} : memref<1x32x512xf32, #tpu.memory_space<vmem>>, vector<1x1x16xf32>,
    %swap3A_977 = vector.shape_cast %swap3A_976 : vector<1x1x16xf32> to vector<16xf32>
    %swap3A_978 = vector.shape_cast %get3A_786 : vector<16xf32> to vector<1x1x16xf32>
    tpu.vector_store %arg5[%swap3A_973, %swap3A_974, %swap3A_975], %swap3A_978 {strides = array<i32>} : memref<1x32x512xf32, #tpu.memory_space<vmem>>, vector<1x1x16xf32>,
    %swap3A_979 = arith.constant 0 : i32
    %swap3A_980 = arith.constant 24 : i32
    %swap3A_981 = arith.index_cast %swap3A_979 : i32 to index
    %swap3A_982 = arith.index_cast %swap3A_980 : i32 to index
    %swap3A_983 = arith.constant 304 : index
    %swap3A_984 = tpu.vector_load %arg5[%swap3A_981, %swap3A_982, %swap3A_983] {strides = array<i32>} : memref<1x32x512xf32, #tpu.memory_space<vmem>>, vector<1x1x16xf32>,
    %swap3A_985 = vector.shape_cast %swap3A_984 : vector<1x1x16xf32> to vector<16xf32>
    %swap3A_986 = vector.shape_cast %get3A_786 : vector<16xf32> to vector<1x1x16xf32>
    tpu.vector_store %arg5[%swap3A_981, %swap3A_982, %swap3A_983], %swap3A_986 {strides = array<i32>} : memref<1x32x512xf32, #tpu.memory_space<vmem>>, vector<1x1x16xf32>,
    %swap3A_987 = arith.constant 0 : i32
    %swap3A_988 = arith.constant 25 : i32
    %swap3A_989 = arith.index_cast %swap3A_987 : i32 to index
    %swap3A_990 = arith.index_cast %swap3A_988 : i32 to index
    %swap3A_991 = arith.constant 304 : index
    %swap3A_992 = tpu.vector_load %arg5[%swap3A_989, %swap3A_990, %swap3A_991] {strides = array<i32>} : memref<1x32x512xf32, #tpu.memory_space<vmem>>, vector<1x1x16xf32>,
    %swap3A_993 = vector.shape_cast %swap3A_992 : vector<1x1x16xf32> to vector<16xf32>
    %swap3A_994 = vector.shape_cast %get3A_786 : vector<16xf32> to vector<1x1x16xf32>
    tpu.vector_store %arg5[%swap3A_989, %swap3A_990, %swap3A_991], %swap3A_994 {strides = array<i32>} : memref<1x32x512xf32, #tpu.memory_space<vmem>>, vector<1x1x16xf32>,
    %swap3A_995 = arith.constant 0 : i32
    %swap3A_996 = arith.constant 26 : i32
    %swap3A_997 = arith.index_cast %swap3A_995 : i32 to index
    %swap3A_998 = arith.index_cast %swap3A_996 : i32 to index
    %swap3A_999 = arith.constant 304 : index
    %swap3A_1000 = tpu.vector_load %arg5[%swap3A_997, %swap3A_998, %swap3A_999] {strides = array<i32>} : memref<1x32x512xf32, #tpu.memory_space<vmem>>, vector<1x1x16xf32>,
    %swap3A_1001 = vector.shape_cast %swap3A_1000 : vector<1x1x16xf32> to vector<16xf32>
    %swap3A_1002 = vector.shape_cast %get3A_786 : vector<16xf32> to vector<1x1x16xf32>
    tpu.vector_store %arg5[%swap3A_997, %swap3A_998, %swap3A_999], %swap3A_1002 {strides = array<i32>} : memref<1x32x512xf32, #tpu.memory_space<vmem>>, vector<1x1x16xf32>,
    %swap3A_1003 = arith.constant 0 : i32
    %swap3A_1004 = arith.constant 27 : i32
    %swap3A_1005 = arith.index_cast %swap3A_1003 : i32 to index
    %swap3A_1006 = arith.index_cast %swap3A_1004 : i32 to index
    %swap3A_1007 = arith.constant 304 : index
    %swap3A_1008 = tpu.vector_load %arg5[%swap3A_1005, %swap3A_1006, %swap3A_1007] {strides = array<i32>} : memref<1x32x512xf32, #tpu.memory_space<vmem>>, vector<1x1x16xf32>,
    %swap3A_1009 = vector.shape_cast %swap3A_1008 : vector<1x1x16xf32> to vector<16xf32>
    %swap3A_1010 = vector.shape_cast %get3A_786 : vector<16xf32> to vector<1x1x16xf32>
    tpu.vector_store %arg5[%swap3A_1005, %swap3A_1006, %swap3A_1007], %swap3A_1010 {strides = array<i32>} : memref<1x32x512xf32, #tpu.memory_space<vmem>>, vector<1x1x16xf32>,
    %swap3A_1011 = arith.constant 0 : i32
    %swap3A_1012 = arith.constant 28 : i32
    %swap3A_1013 = arith.index_cast %swap3A_1011 : i32 to index
    %swap3A_1014 = arith.index_cast %swap3A_1012 : i32 to index
    %swap3A_1015 = arith.constant 304 : index
    %swap3A_1016 = tpu.vector_load %arg5[%swap3A_1013, %swap3A_1014, %swap3A_1015] {strides = array<i32>} : memref<1x32x512xf32, #tpu.memory_space<vmem>>, vector<1x1x16xf32>,
    %swap3A_1017 = vector.shape_cast %swap3A_1016 : vector<1x1x16xf32> to vector<16xf32>
    %swap3A_1018 = vector.shape_cast %get3A_786 : vector<16xf32> to vector<1x1x16xf32>
    tpu.vector_store %arg5[%swap3A_1013, %swap3A_1014, %swap3A_1015], %swap3A_1018 {strides = array<i32>} : memref<1x32x512xf32, #tpu.memory_space<vmem>>, vector<1x1x16xf32>,
    %swap3A_1019 = arith.constant 0 : i32
    %swap3A_1020 = arith.constant 29 : i32
    %swap3A_1021 = arith.index_cast %swap3A_1019 : i32 to index
    %swap3A_1022 = arith.index_cast %swap3A_1020 : i32 to index
    %swap3A_1023 = arith.constant 304 : index
    %swap3A_1024 = tpu.vector_load %arg5[%swap3A_1021, %swap3A_1022, %swap3A_1023] {strides = array<i32>} : memref<1x32x512xf32, #tpu.memory_space<vmem>>, vector<1x1x16xf32>,
    %swap3A_1025 = vector.shape_cast %swap3A_1024 : vector<1x1x16xf32> to vector<16xf32>
    %swap3A_1026 = vector.shape_cast %get3A_786 : vector<16xf32> to vector<1x1x16xf32>
    tpu.vector_store %arg5[%swap3A_1021, %swap3A_1022, %swap3A_1023], %swap3A_1026 {strides = array<i32>} : memref<1x32x512xf32, #tpu.memory_space<vmem>>, vector<1x1x16xf32>,
    %swap3A_1027 = arith.constant 0 : i32
    %swap3A_1028 = arith.constant 30 : i32
    %swap3A_1029 = arith.index_cast %swap3A_1027 : i32 to index
    %swap3A_1030 = arith.index_cast %swap3A_1028 : i32 to index
    %swap3A_1031 = arith.constant 304 : index
    %swap3A_1032 = tpu.vector_load %arg5[%swap3A_1029, %swap3A_1030, %swap3A_1031] {strides = array<i32>} : memref<1x32x512xf32, #tpu.memory_space<vmem>>, vector<1x1x16xf32>,
    %swap3A_1033 = vector.shape_cast %swap3A_1032 : vector<1x1x16xf32> to vector<16xf32>
    %swap3A_1034 = vector.shape_cast %get3A_786 : vector<16xf32> to vector<1x1x16xf32>
    tpu.vector_store %arg5[%swap3A_1029, %swap3A_1030, %swap3A_1031], %swap3A_1034 {strides = array<i32>} : memref<1x32x512xf32, #tpu.memory_space<vmem>>, vector<1x1x16xf32>,
    %swap3A_1035 = arith.constant 0 : i32
    %swap3A_1036 = arith.constant 31 : i32
    %swap3A_1037 = arith.index_cast %swap3A_1035 : i32 to index
    %swap3A_1038 = arith.index_cast %swap3A_1036 : i32 to index
    %swap3A_1039 = arith.constant 304 : index
    %swap3A_1040 = tpu.vector_load %arg5[%swap3A_1037, %swap3A_1038, %swap3A_1039] {strides = array<i32>} : memref<1x32x512xf32, #tpu.memory_space<vmem>>, vector<1x1x16xf32>,
    %swap3A_1041 = vector.shape_cast %swap3A_1040 : vector<1x1x16xf32> to vector<16xf32>
    %swap3A_1042 = vector.shape_cast %get3A_786 : vector<16xf32> to vector<1x1x16xf32>
    tpu.vector_store %arg5[%swap3A_1037, %swap3A_1038, %swap3A_1039], %swap3A_1042 {strides = array<i32>} : memref<1x32x512xf32, #tpu.memory_space<vmem>>, vector<1x1x16xf32>,
    %get3A_1043 = arith.constant 0 : i32
    %get3A_1044 = arith.index_cast %get3A_1043 : i32 to index
    %get3A_1045 = arith.constant 64 : index
    %get3A_1046 = tpu.vector_load %arg6[%get3A_1044, %get3A_1045] {strides = array<i32>} : memref<1x256xf32, #tpu.memory_space<vmem>>, vector<1x16xf32>,
    %get3A_1047 = vector.shape_cast %get3A_1046 : vector<1x16xf32> to vector<16xf32>
    %swap3A_1048 = arith.constant 0 : i32
    %swap3A_1049 = arith.constant 0 : i32
    %swap3A_1050 = arith.index_cast %swap3A_1048 : i32 to index
    %swap3A_1051 = arith.index_cast %swap3A_1049 : i32 to index
    %swap3A_1052 = arith.constant 320 : index
    %swap3A_1053 = tpu.vector_load %arg5[%swap3A_1050, %swap3A_1051, %swap3A_1052] {strides = array<i32>} : memref<1x32x512xf32, #tpu.memory_space<vmem>>, vector<1x1x16xf32>,
    %swap3A_1054 = vector.shape_cast %swap3A_1053 : vector<1x1x16xf32> to vector<16xf32>
    %swap3A_1055 = vector.shape_cast %get3A_1047 : vector<16xf32> to vector<1x1x16xf32>
    tpu.vector_store %arg5[%swap3A_1050, %swap3A_1051, %swap3A_1052], %swap3A_1055 {strides = array<i32>} : memref<1x32x512xf32, #tpu.memory_space<vmem>>, vector<1x1x16xf32>,
    %swap3A_1056 = arith.constant 0 : i32
    %swap3A_1057 = arith.constant 1 : i32
    %swap3A_1058 = arith.index_cast %swap3A_1056 : i32 to index
    %swap3A_1059 = arith.index_cast %swap3A_1057 : i32 to index
    %swap3A_1060 = arith.constant 320 : index
    %swap3A_1061 = tpu.vector_load %arg5[%swap3A_1058, %swap3A_1059, %swap3A_1060] {strides = array<i32>} : memref<1x32x512xf32, #tpu.memory_space<vmem>>, vector<1x1x16xf32>,
    %swap3A_1062 = vector.shape_cast %swap3A_1061 : vector<1x1x16xf32> to vector<16xf32>
    %swap3A_1063 = vector.shape_cast %get3A_1047 : vector<16xf32> to vector<1x1x16xf32>
    tpu.vector_store %arg5[%swap3A_1058, %swap3A_1059, %swap3A_1060], %swap3A_1063 {strides = array<i32>} : memref<1x32x512xf32, #tpu.memory_space<vmem>>, vector<1x1x16xf32>,
    %swap3A_1064 = arith.constant 0 : i32
    %swap3A_1065 = arith.constant 2 : i32
    %swap3A_1066 = arith.index_cast %swap3A_1064 : i32 to index
    %swap3A_1067 = arith.index_cast %swap3A_1065 : i32 to index
    %swap3A_1068 = arith.constant 320 : index
    %swap3A_1069 = tpu.vector_load %arg5[%swap3A_1066, %swap3A_1067, %swap3A_1068] {strides = array<i32>} : memref<1x32x512xf32, #tpu.memory_space<vmem>>, vector<1x1x16xf32>,
    %swap3A_1070 = vector.shape_cast %swap3A_1069 : vector<1x1x16xf32> to vector<16xf32>
    %swap3A_1071 = vector.shape_cast %get3A_1047 : vector<16xf32> to vector<1x1x16xf32>
    tpu.vector_store %arg5[%swap3A_1066, %swap3A_1067, %swap3A_1068], %swap3A_1071 {strides = array<i32>} : memref<1x32x512xf32, #tpu.memory_space<vmem>>, vector<1x1x16xf32>,
    %swap3A_1072 = arith.constant 0 : i32
    %swap3A_1073 = arith.constant 3 : i32
    %swap3A_1074 = arith.index_cast %swap3A_1072 : i32 to index
    %swap3A_1075 = arith.index_cast %swap3A_1073 : i32 to index
    %swap3A_1076 = arith.constant 320 : index
    %swap3A_1077 = tpu.vector_load %arg5[%swap3A_1074, %swap3A_1075, %swap3A_1076] {strides = array<i32>} : memref<1x32x512xf32, #tpu.memory_space<vmem>>, vector<1x1x16xf32>,
    %swap3A_1078 = vector.shape_cast %swap3A_1077 : vector<1x1x16xf32> to vector<16xf32>
    %swap3A_1079 = vector.shape_cast %get3A_1047 : vector<16xf32> to vector<1x1x16xf32>
    tpu.vector_store %arg5[%swap3A_1074, %swap3A_1075, %swap3A_1076], %swap3A_1079 {strides = array<i32>} : memref<1x32x512xf32, #tpu.memory_space<vmem>>, vector<1x1x16xf32>,
    %swap3A_1080 = arith.constant 0 : i32
    %swap3A_1081 = arith.constant 4 : i32
    %swap3A_1082 = arith.index_cast %swap3A_1080 : i32 to index
    %swap3A_1083 = arith.index_cast %swap3A_1081 : i32 to index
    %swap3A_1084 = arith.constant 320 : index
    %swap3A_1085 = tpu.vector_load %arg5[%swap3A_1082, %swap3A_1083, %swap3A_1084] {strides = array<i32>} : memref<1x32x512xf32, #tpu.memory_space<vmem>>, vector<1x1x16xf32>,
    %swap3A_1086 = vector.shape_cast %swap3A_1085 : vector<1x1x16xf32> to vector<16xf32>
    %swap3A_1087 = vector.shape_cast %get3A_1047 : vector<16xf32> to vector<1x1x16xf32>
    tpu.vector_store %arg5[%swap3A_1082, %swap3A_1083, %swap3A_1084], %swap3A_1087 {strides = array<i32>} : memref<1x32x512xf32, #tpu.memory_space<vmem>>, vector<1x1x16xf32>,
    %swap3A_1088 = arith.constant 0 : i32
    %swap3A_1089 = arith.constant 5 : i32
    %swap3A_1090 = arith.index_cast %swap3A_1088 : i32 to index
    %swap3A_1091 = arith.index_cast %swap3A_1089 : i32 to index
    %swap3A_1092 = arith.constant 320 : index
    %swap3A_1093 = tpu.vector_load %arg5[%swap3A_1090, %swap3A_1091, %swap3A_1092] {strides = array<i32>} : memref<1x32x512xf32, #tpu.memory_space<vmem>>, vector<1x1x16xf32>,
    %swap3A_1094 = vector.shape_cast %swap3A_1093 : vector<1x1x16xf32> to vector<16xf32>
    %swap3A_1095 = vector.shape_cast %get3A_1047 : vector<16xf32> to vector<1x1x16xf32>
    tpu.vector_store %arg5[%swap3A_1090, %swap3A_1091, %swap3A_1092], %swap3A_1095 {strides = array<i32>} : memref<1x32x512xf32, #tpu.memory_space<vmem>>, vector<1x1x16xf32>,
    %swap3A_1096 = arith.constant 0 : i32
    %swap3A_1097 = arith.constant 6 : i32
    %swap3A_1098 = arith.index_cast %swap3A_1096 : i32 to index
    %swap3A_1099 = arith.index_cast %swap3A_1097 : i32 to index
    %swap3A_1100 = arith.constant 320 : index
    %swap3A_1101 = tpu.vector_load %arg5[%swap3A_1098, %swap3A_1099, %swap3A_1100] {strides = array<i32>} : memref<1x32x512xf32, #tpu.memory_space<vmem>>, vector<1x1x16xf32>,
    %swap3A_1102 = vector.shape_cast %swap3A_1101 : vector<1x1x16xf32> to vector<16xf32>
    %swap3A_1103 = vector.shape_cast %get3A_1047 : vector<16xf32> to vector<1x1x16xf32>
    tpu.vector_store %arg5[%swap3A_1098, %swap3A_1099, %swap3A_1100], %swap3A_1103 {strides = array<i32>} : memref<1x32x512xf32, #tpu.memory_space<vmem>>, vector<1x1x16xf32>,
    %swap3A_1104 = arith.constant 0 : i32
    %swap3A_1105 = arith.constant 7 : i32
    %swap3A_1106 = arith.index_cast %swap3A_1104 : i32 to index
    %swap3A_1107 = arith.index_cast %swap3A_1105 : i32 to index
    %swap3A_1108 = arith.constant 320 : index
    %swap3A_1109 = tpu.vector_load %arg5[%swap3A_1106, %swap3A_1107, %swap3A_1108] {strides = array<i32>} : memref<1x32x512xf32, #tpu.memory_space<vmem>>, vector<1x1x16xf32>,
    %swap3A_1110 = vector.shape_cast %swap3A_1109 : vector<1x1x16xf32> to vector<16xf32>
    %swap3A_1111 = vector.shape_cast %get3A_1047 : vector<16xf32> to vector<1x1x16xf32>
    tpu.vector_store %arg5[%swap3A_1106, %swap3A_1107, %swap3A_1108], %swap3A_1111 {strides = array<i32>} : memref<1x32x512xf32, #tpu.memory_space<vmem>>, vector<1x1x16xf32>,
    %swap3A_1112 = arith.constant 0 : i32
    %swap3A_1113 = arith.constant 8 : i32
    %swap3A_1114 = arith.index_cast %swap3A_1112 : i32 to index
    %swap3A_1115 = arith.index_cast %swap3A_1113 : i32 to index
    %swap3A_1116 = arith.constant 320 : index
    %swap3A_1117 = tpu.vector_load %arg5[%swap3A_1114, %swap3A_1115, %swap3A_1116] {strides = array<i32>} : memref<1x32x512xf32, #tpu.memory_space<vmem>>, vector<1x1x16xf32>,
    %swap3A_1118 = vector.shape_cast %swap3A_1117 : vector<1x1x16xf32> to vector<16xf32>
    %swap3A_1119 = vector.shape_cast %get3A_1047 : vector<16xf32> to vector<1x1x16xf32>
    tpu.vector_store %arg5[%swap3A_1114, %swap3A_1115, %swap3A_1116], %swap3A_1119 {strides = array<i32>} : memref<1x32x512xf32, #tpu.memory_space<vmem>>, vector<1x1x16xf32>,
    %swap3A_1120 = arith.constant 0 : i32
    %swap3A_1121 = arith.constant 9 : i32
    %swap3A_1122 = arith.index_cast %swap3A_1120 : i32 to index
    %swap3A_1123 = arith.index_cast %swap3A_1121 : i32 to index
    %swap3A_1124 = arith.constant 320 : index
    %swap3A_1125 = tpu.vector_load %arg5[%swap3A_1122, %swap3A_1123, %swap3A_1124] {strides = array<i32>} : memref<1x32x512xf32, #tpu.memory_space<vmem>>, vector<1x1x16xf32>,
    %swap3A_1126 = vector.shape_cast %swap3A_1125 : vector<1x1x16xf32> to vector<16xf32>
    %swap3A_1127 = vector.shape_cast %get3A_1047 : vector<16xf32> to vector<1x1x16xf32>
    tpu.vector_store %arg5[%swap3A_1122, %swap3A_1123, %swap3A_1124], %swap3A_1127 {strides = array<i32>} : memref<1x32x512xf32, #tpu.memory_space<vmem>>, vector<1x1x16xf32>,
    %swap3A_1128 = arith.constant 0 : i32
    %swap3A_1129 = arith.constant 10 : i32
    %swap3A_1130 = arith.index_cast %swap3A_1128 : i32 to index
    %swap3A_1131 = arith.index_cast %swap3A_1129 : i32 to index
    %swap3A_1132 = arith.constant 320 : index
    %swap3A_1133 = tpu.vector_load %arg5[%swap3A_1130, %swap3A_1131, %swap3A_1132] {strides = array<i32>} : memref<1x32x512xf32, #tpu.memory_space<vmem>>, vector<1x1x16xf32>,
    %swap3A_1134 = vector.shape_cast %swap3A_1133 : vector<1x1x16xf32> to vector<16xf32>
    %swap3A_1135 = vector.shape_cast %get3A_1047 : vector<16xf32> to vector<1x1x16xf32>
    tpu.vector_store %arg5[%swap3A_1130, %swap3A_1131, %swap3A_1132], %swap3A_1135 {strides = array<i32>} : memref<1x32x512xf32, #tpu.memory_space<vmem>>, vector<1x1x16xf32>,
    %swap3A_1136 = arith.constant 0 : i32
    %swap3A_1137 = arith.constant 11 : i32
    %swap3A_1138 = arith.index_cast %swap3A_1136 : i32 to index
    %swap3A_1139 = arith.index_cast %swap3A_1137 : i32 to index
    %swap3A_1140 = arith.constant 320 : index
    %swap3A_1141 = tpu.vector_load %arg5[%swap3A_1138, %swap3A_1139, %swap3A_1140] {strides = array<i32>} : memref<1x32x512xf32, #tpu.memory_space<vmem>>, vector<1x1x16xf32>,
    %swap3A_1142 = vector.shape_cast %swap3A_1141 : vector<1x1x16xf32> to vector<16xf32>
    %swap3A_1143 = vector.shape_cast %get3A_1047 : vector<16xf32> to vector<1x1x16xf32>
    tpu.vector_store %arg5[%swap3A_1138, %swap3A_1139, %swap3A_1140], %swap3A_1143 {strides = array<i32>} : memref<1x32x512xf32, #tpu.memory_space<vmem>>, vector<1x1x16xf32>,
    %swap3A_1144 = arith.constant 0 : i32
    %swap3A_1145 = arith.constant 12 : i32
    %swap3A_1146 = arith.index_cast %swap3A_1144 : i32 to index
    %swap3A_1147 = arith.index_cast %swap3A_1145 : i32 to index
    %swap3A_1148 = arith.constant 320 : index
    %swap3A_1149 = tpu.vector_load %arg5[%swap3A_1146, %swap3A_1147, %swap3A_1148] {strides = array<i32>} : memref<1x32x512xf32, #tpu.memory_space<vmem>>, vector<1x1x16xf32>,
    %swap3A_1150 = vector.shape_cast %swap3A_1149 : vector<1x1x16xf32> to vector<16xf32>
    %swap3A_1151 = vector.shape_cast %get3A_1047 : vector<16xf32> to vector<1x1x16xf32>
    tpu.vector_store %arg5[%swap3A_1146, %swap3A_1147, %swap3A_1148], %swap3A_1151 {strides = array<i32>} : memref<1x32x512xf32, #tpu.memory_space<vmem>>, vector<1x1x16xf32>,
    %swap3A_1152 = arith.constant 0 : i32
    %swap3A_1153 = arith.constant 13 : i32
    %swap3A_1154 = arith.index_cast %swap3A_1152 : i32 to index
    %swap3A_1155 = arith.index_cast %swap3A_1153 : i32 to index
    %swap3A_1156 = arith.constant 320 : index
    %swap3A_1157 = tpu.vector_load %arg5[%swap3A_1154, %swap3A_1155, %swap3A_1156] {strides = array<i32>} : memref<1x32x512xf32, #tpu.memory_space<vmem>>, vector<1x1x16xf32>,
    %swap3A_1158 = vector.shape_cast %swap3A_1157 : vector<1x1x16xf32> to vector<16xf32>
    %swap3A_1159 = vector.shape_cast %get3A_1047 : vector<16xf32> to vector<1x1x16xf32>
    tpu.vector_store %arg5[%swap3A_1154, %swap3A_1155, %swap3A_1156], %swap3A_1159 {strides = array<i32>} : memref<1x32x512xf32, #tpu.memory_space<vmem>>, vector<1x1x16xf32>,
    %swap3A_1160 = arith.constant 0 : i32
    %swap3A_1161 = arith.constant 14 : i32
    %swap3A_1162 = arith.index_cast %swap3A_1160 : i32 to index
    %swap3A_1163 = arith.index_cast %swap3A_1161 : i32 to index
    %swap3A_1164 = arith.constant 320 : index
    %swap3A_1165 = tpu.vector_load %arg5[%swap3A_1162, %swap3A_1163, %swap3A_1164] {strides = array<i32>} : memref<1x32x512xf32, #tpu.memory_space<vmem>>, vector<1x1x16xf32>,
    %swap3A_1166 = vector.shape_cast %swap3A_1165 : vector<1x1x16xf32> to vector<16xf32>
    %swap3A_1167 = vector.shape_cast %get3A_1047 : vector<16xf32> to vector<1x1x16xf32>
    tpu.vector_store %arg5[%swap3A_1162, %swap3A_1163, %swap3A_1164], %swap3A_1167 {strides = array<i32>} : memref<1x32x512xf32, #tpu.memory_space<vmem>>, vector<1x1x16xf32>,
    %swap3A_1168 = arith.constant 0 : i32
    %swap3A_1169 = arith.constant 15 : i32
    %swap3A_1170 = arith.index_cast %swap3A_1168 : i32 to index
    %swap3A_1171 = arith.index_cast %swap3A_1169 : i32 to index
    %swap3A_1172 = arith.constant 320 : index
    %swap3A_1173 = tpu.vector_load %arg5[%swap3A_1170, %swap3A_1171, %swap3A_1172] {strides = array<i32>} : memref<1x32x512xf32, #tpu.memory_space<vmem>>, vector<1x1x16xf32>,
    %swap3A_1174 = vector.shape_cast %swap3A_1173 : vector<1x1x16xf32> to vector<16xf32>
    %swap3A_1175 = vector.shape_cast %get3A_1047 : vector<16xf32> to vector<1x1x16xf32>
    tpu.vector_store %arg5[%swap3A_1170, %swap3A_1171, %swap3A_1172], %swap3A_1175 {strides = array<i32>} : memref<1x32x512xf32, #tpu.memory_space<vmem>>, vector<1x1x16xf32>,
    %swap3A_1176 = arith.constant 0 : i32
    %swap3A_1177 = arith.constant 16 : i32
    %swap3A_1178 = arith.index_cast %swap3A_1176 : i32 to index
    %swap3A_1179 = arith.index_cast %swap3A_1177 : i32 to index
    %swap3A_1180 = arith.constant 320 : index
    %swap3A_1181 = tpu.vector_load %arg5[%swap3A_1178, %swap3A_1179, %swap3A_1180] {strides = array<i32>} : memref<1x32x512xf32, #tpu.memory_space<vmem>>, vector<1x1x16xf32>,
    %swap3A_1182 = vector.shape_cast %swap3A_1181 : vector<1x1x16xf32> to vector<16xf32>
    %swap3A_1183 = vector.shape_cast %get3A_1047 : vector<16xf32> to vector<1x1x16xf32>
    tpu.vector_store %arg5[%swap3A_1178, %swap3A_1179, %swap3A_1180], %swap3A_1183 {strides = array<i32>} : memref<1x32x512xf32, #tpu.memory_space<vmem>>, vector<1x1x16xf32>,
    %swap3A_1184 = arith.constant 0 : i32
    %swap3A_1185 = arith.constant 17 : i32
    %swap3A_1186 = arith.index_cast %swap3A_1184 : i32 to index
    %swap3A_1187 = arith.index_cast %swap3A_1185 : i32 to index
    %swap3A_1188 = arith.constant 320 : index
    %swap3A_1189 = tpu.vector_load %arg5[%swap3A_1186, %swap3A_1187, %swap3A_1188] {strides = array<i32>} : memref<1x32x512xf32, #tpu.memory_space<vmem>>, vector<1x1x16xf32>,
    %swap3A_1190 = vector.shape_cast %swap3A_1189 : vector<1x1x16xf32> to vector<16xf32>
    %swap3A_1191 = vector.shape_cast %get3A_1047 : vector<16xf32> to vector<1x1x16xf32>
    tpu.vector_store %arg5[%swap3A_1186, %swap3A_1187, %swap3A_1188], %swap3A_1191 {strides = array<i32>} : memref<1x32x512xf32, #tpu.memory_space<vmem>>, vector<1x1x16xf32>,
    %swap3A_1192 = arith.constant 0 : i32
    %swap3A_1193 = arith.constant 18 : i32
    %swap3A_1194 = arith.index_cast %swap3A_1192 : i32 to index
    %swap3A_1195 = arith.index_cast %swap3A_1193 : i32 to index
    %swap3A_1196 = arith.constant 320 : index
    %swap3A_1197 = tpu.vector_load %arg5[%swap3A_1194, %swap3A_1195, %swap3A_1196] {strides = array<i32>} : memref<1x32x512xf32, #tpu.memory_space<vmem>>, vector<1x1x16xf32>,
    %swap3A_1198 = vector.shape_cast %swap3A_1197 : vector<1x1x16xf32> to vector<16xf32>
    %swap3A_1199 = vector.shape_cast %get3A_1047 : vector<16xf32> to vector<1x1x16xf32>
    tpu.vector_store %arg5[%swap3A_1194, %swap3A_1195, %swap3A_1196], %swap3A_1199 {strides = array<i32>} : memref<1x32x512xf32, #tpu.memory_space<vmem>>, vector<1x1x16xf32>,
    %swap3A_1200 = arith.constant 0 : i32
    %swap3A_1201 = arith.constant 19 : i32
    %swap3A_1202 = arith.index_cast %swap3A_1200 : i32 to index
    %swap3A_1203 = arith.index_cast %swap3A_1201 : i32 to index
    %swap3A_1204 = arith.constant 320 : index
    %swap3A_1205 = tpu.vector_load %arg5[%swap3A_1202, %swap3A_1203, %swap3A_1204] {strides = array<i32>} : memref<1x32x512xf32, #tpu.memory_space<vmem>>, vector<1x1x16xf32>,
    %swap3A_1206 = vector.shape_cast %swap3A_1205 : vector<1x1x16xf32> to vector<16xf32>
    %swap3A_1207 = vector.shape_cast %get3A_1047 : vector<16xf32> to vector<1x1x16xf32>
    tpu.vector_store %arg5[%swap3A_1202, %swap3A_1203, %swap3A_1204], %swap3A_1207 {strides = array<i32>} : memref<1x32x512xf32, #tpu.memory_space<vmem>>, vector<1x1x16xf32>,
    %swap3A_1208 = arith.constant 0 : i32
    %swap3A_1209 = arith.constant 20 : i32
    %swap3A_1210 = arith.index_cast %swap3A_1208 : i32 to index
    %swap3A_1211 = arith.index_cast %swap3A_1209 : i32 to index
    %swap3A_1212 = arith.constant 320 : index
    %swap3A_1213 = tpu.vector_load %arg5[%swap3A_1210, %swap3A_1211, %swap3A_1212] {strides = array<i32>} : memref<1x32x512xf32, #tpu.memory_space<vmem>>, vector<1x1x16xf32>,
    %swap3A_1214 = vector.shape_cast %swap3A_1213 : vector<1x1x16xf32> to vector<16xf32>
    %swap3A_1215 = vector.shape_cast %get3A_1047 : vector<16xf32> to vector<1x1x16xf32>
    tpu.vector_store %arg5[%swap3A_1210, %swap3A_1211, %swap3A_1212], %swap3A_1215 {strides = array<i32>} : memref<1x32x512xf32, #tpu.memory_space<vmem>>, vector<1x1x16xf32>,
    %swap3A_1216 = arith.constant 0 : i32
    %swap3A_1217 = arith.constant 21 : i32
    %swap3A_1218 = arith.index_cast %swap3A_1216 : i32 to index
    %swap3A_1219 = arith.index_cast %swap3A_1217 : i32 to index
    %swap3A_1220 = arith.constant 320 : index
    %swap3A_1221 = tpu.vector_load %arg5[%swap3A_1218, %swap3A_1219, %swap3A_1220] {strides = array<i32>} : memref<1x32x512xf32, #tpu.memory_space<vmem>>, vector<1x1x16xf32>,
    %swap3A_1222 = vector.shape_cast %swap3A_1221 : vector<1x1x16xf32> to vector<16xf32>
    %swap3A_1223 = vector.shape_cast %get3A_1047 : vector<16xf32> to vector<1x1x16xf32>
    tpu.vector_store %arg5[%swap3A_1218, %swap3A_1219, %swap3A_1220], %swap3A_1223 {strides = array<i32>} : memref<1x32x512xf32, #tpu.memory_space<vmem>>, vector<1x1x16xf32>,
    %swap3A_1224 = arith.constant 0 : i32
    %swap3A_1225 = arith.constant 22 : i32
    %swap3A_1226 = arith.index_cast %swap3A_1224 : i32 to index
    %swap3A_1227 = arith.index_cast %swap3A_1225 : i32 to index
    %swap3A_1228 = arith.constant 320 : index
    %swap3A_1229 = tpu.vector_load %arg5[%swap3A_1226, %swap3A_1227, %swap3A_1228] {strides = array<i32>} : memref<1x32x512xf32, #tpu.memory_space<vmem>>, vector<1x1x16xf32>,
    %swap3A_1230 = vector.shape_cast %swap3A_1229 : vector<1x1x16xf32> to vector<16xf32>
    %swap3A_1231 = vector.shape_cast %get3A_1047 : vector<16xf32> to vector<1x1x16xf32>
    tpu.vector_store %arg5[%swap3A_1226, %swap3A_1227, %swap3A_1228], %swap3A_1231 {strides = array<i32>} : memref<1x32x512xf32, #tpu.memory_space<vmem>>, vector<1x1x16xf32>,
    %swap3A_1232 = arith.constant 0 : i32
    %swap3A_1233 = arith.constant 23 : i32
    %swap3A_1234 = arith.index_cast %swap3A_1232 : i32 to index
    %swap3A_1235 = arith.index_cast %swap3A_1233 : i32 to index
    %swap3A_1236 = arith.constant 320 : index
    %swap3A_1237 = tpu.vector_load %arg5[%swap3A_1234, %swap3A_1235, %swap3A_1236] {strides = array<i32>} : memref<1x32x512xf32, #tpu.memory_space<vmem>>, vector<1x1x16xf32>,
    %swap3A_1238 = vector.shape_cast %swap3A_1237 : vector<1x1x16xf32> to vector<16xf32>
    %swap3A_1239 = vector.shape_cast %get3A_1047 : vector<16xf32> to vector<1x1x16xf32>
    tpu.vector_store %arg5[%swap3A_1234, %swap3A_1235, %swap3A_1236], %swap3A_1239 {strides = array<i32>} : memref<1x32x512xf32, #tpu.memory_space<vmem>>, vector<1x1x16xf32>,
    %swap3A_1240 = arith.constant 0 : i32
    %swap3A_1241 = arith.constant 24 : i32
    %swap3A_1242 = arith.index_cast %swap3A_1240 : i32 to index
    %swap3A_1243 = arith.index_cast %swap3A_1241 : i32 to index
    %swap3A_1244 = arith.constant 320 : index
    %swap3A_1245 = tpu.vector_load %arg5[%swap3A_1242, %swap3A_1243, %swap3A_1244] {strides = array<i32>} : memref<1x32x512xf32, #tpu.memory_space<vmem>>, vector<1x1x16xf32>,
    %swap3A_1246 = vector.shape_cast %swap3A_1245 : vector<1x1x16xf32> to vector<16xf32>
    %swap3A_1247 = vector.shape_cast %get3A_1047 : vector<16xf32> to vector<1x1x16xf32>
    tpu.vector_store %arg5[%swap3A_1242, %swap3A_1243, %swap3A_1244], %swap3A_1247 {strides = array<i32>} : memref<1x32x512xf32, #tpu.memory_space<vmem>>, vector<1x1x16xf32>,
    %swap3A_1248 = arith.constant 0 : i32
    %swap3A_1249 = arith.constant 25 : i32
    %swap3A_1250 = arith.index_cast %swap3A_1248 : i32 to index
    %swap3A_1251 = arith.index_cast %swap3A_1249 : i32 to index
    %swap3A_1252 = arith.constant 320 : index
    %swap3A_1253 = tpu.vector_load %arg5[%swap3A_1250, %swap3A_1251, %swap3A_1252] {strides = array<i32>} : memref<1x32x512xf32, #tpu.memory_space<vmem>>, vector<1x1x16xf32>,
    %swap3A_1254 = vector.shape_cast %swap3A_1253 : vector<1x1x16xf32> to vector<16xf32>
    %swap3A_1255 = vector.shape_cast %get3A_1047 : vector<16xf32> to vector<1x1x16xf32>
    tpu.vector_store %arg5[%swap3A_1250, %swap3A_1251, %swap3A_1252], %swap3A_1255 {strides = array<i32>} : memref<1x32x512xf32, #tpu.memory_space<vmem>>, vector<1x1x16xf32>,
    %swap3A_1256 = arith.constant 0 : i32
    %swap3A_1257 = arith.constant 26 : i32
    %swap3A_1258 = arith.index_cast %swap3A_1256 : i32 to index
    %swap3A_1259 = arith.index_cast %swap3A_1257 : i32 to index
    %swap3A_1260 = arith.constant 320 : index
    %swap3A_1261 = tpu.vector_load %arg5[%swap3A_1258, %swap3A_1259, %swap3A_1260] {strides = array<i32>} : memref<1x32x512xf32, #tpu.memory_space<vmem>>, vector<1x1x16xf32>,
    %swap3A_1262 = vector.shape_cast %swap3A_1261 : vector<1x1x16xf32> to vector<16xf32>
    %swap3A_1263 = vector.shape_cast %get3A_1047 : vector<16xf32> to vector<1x1x16xf32>
    tpu.vector_store %arg5[%swap3A_1258, %swap3A_1259, %swap3A_1260], %swap3A_1263 {strides = array<i32>} : memref<1x32x512xf32, #tpu.memory_space<vmem>>, vector<1x1x16xf32>,
    %swap3A_1264 = arith.constant 0 : i32
    %swap3A_1265 = arith.constant 27 : i32
    %swap3A_1266 = arith.index_cast %swap3A_1264 : i32 to index
    %swap3A_1267 = arith.index_cast %swap3A_1265 : i32 to index
    %swap3A_1268 = arith.constant 320 : index
    %swap3A_1269 = tpu.vector_load %arg5[%swap3A_1266, %swap3A_1267, %swap3A_1268] {strides = array<i32>} : memref<1x32x512xf32, #tpu.memory_space<vmem>>, vector<1x1x16xf32>,
    %swap3A_1270 = vector.shape_cast %swap3A_1269 : vector<1x1x16xf32> to vector<16xf32>
    %swap3A_1271 = vector.shape_cast %get3A_1047 : vector<16xf32> to vector<1x1x16xf32>
    tpu.vector_store %arg5[%swap3A_1266, %swap3A_1267, %swap3A_1268], %swap3A_1271 {strides = array<i32>} : memref<1x32x512xf32, #tpu.memory_space<vmem>>, vector<1x1x16xf32>,
    %swap3A_1272 = arith.constant 0 : i32
    %swap3A_1273 = arith.constant 28 : i32
    %swap3A_1274 = arith.index_cast %swap3A_1272 : i32 to index
    %swap3A_1275 = arith.index_cast %swap3A_1273 : i32 to index
    %swap3A_1276 = arith.constant 320 : index
    %swap3A_1277 = tpu.vector_load %arg5[%swap3A_1274, %swap3A_1275, %swap3A_1276] {strides = array<i32>} : memref<1x32x512xf32, #tpu.memory_space<vmem>>, vector<1x1x16xf32>,
    %swap3A_1278 = vector.shape_cast %swap3A_1277 : vector<1x1x16xf32> to vector<16xf32>
    %swap3A_1279 = vector.shape_cast %get3A_1047 : vector<16xf32> to vector<1x1x16xf32>
    tpu.vector_store %arg5[%swap3A_1274, %swap3A_1275, %swap3A_1276], %swap3A_1279 {strides = array<i32>} : memref<1x32x512xf32, #tpu.memory_space<vmem>>, vector<1x1x16xf32>,
    %swap3A_1280 = arith.constant 0 : i32
    %swap3A_1281 = arith.constant 29 : i32
    %swap3A_1282 = arith.index_cast %swap3A_1280 : i32 to index
    %swap3A_1283 = arith.index_cast %swap3A_1281 : i32 to index
    %swap3A_1284 = arith.constant 320 : index
    %swap3A_1285 = tpu.vector_load %arg5[%swap3A_1282, %swap3A_1283, %swap3A_1284] {strides = array<i32>} : memref<1x32x512xf32, #tpu.memory_space<vmem>>, vector<1x1x16xf32>,
    %swap3A_1286 = vector.shape_cast %swap3A_1285 : vector<1x1x16xf32> to vector<16xf32>
    %swap3A_1287 = vector.shape_cast %get3A_1047 : vector<16xf32> to vector<1x1x16xf32>
    tpu.vector_store %arg5[%swap3A_1282, %swap3A_1283, %swap3A_1284], %swap3A_1287 {strides = array<i32>} : memref<1x32x512xf32, #tpu.memory_space<vmem>>, vector<1x1x16xf32>,
    %swap3A_1288 = arith.constant 0 : i32
    %swap3A_1289 = arith.constant 30 : i32
    %swap3A_1290 = arith.index_cast %swap3A_1288 : i32 to index
    %swap3A_1291 = arith.index_cast %swap3A_1289 : i32 to index
    %swap3A_1292 = arith.constant 320 : index
    %swap3A_1293 = tpu.vector_load %arg5[%swap3A_1290, %swap3A_1291, %swap3A_1292] {strides = array<i32>} : memref<1x32x512xf32, #tpu.memory_space<vmem>>, vector<1x1x16xf32>,
    %swap3A_1294 = vector.shape_cast %swap3A_1293 : vector<1x1x16xf32> to vector<16xf32>
    %swap3A_1295 = vector.shape_cast %get3A_1047 : vector<16xf32> to vector<1x1x16xf32>
    tpu.vector_store %arg5[%swap3A_1290, %swap3A_1291, %swap3A_1292], %swap3A_1295 {strides = array<i32>} : memref<1x32x512xf32, #tpu.memory_space<vmem>>, vector<1x1x16xf32>,
    %swap3A_1296 = arith.constant 0 : i32
    %swap3A_1297 = arith.constant 31 : i32
    %swap3A_1298 = arith.index_cast %swap3A_1296 : i32 to index
    %swap3A_1299 = arith.index_cast %swap3A_1297 : i32 to index
    %swap3A_1300 = arith.constant 320 : index
    %swap3A_1301 = tpu.vector_load %arg5[%swap3A_1298, %swap3A_1299, %swap3A_1300] {strides = array<i32>} : memref<1x32x512xf32, #tpu.memory_space<vmem>>, vector<1x1x16xf32>,
    %swap3A_1302 = vector.shape_cast %swap3A_1301 : vector<1x1x16xf32> to vector<16xf32>
    %swap3A_1303 = vector.shape_cast %get3A_1047 : vector<16xf32> to vector<1x1x16xf32>
    tpu.vector_store %arg5[%swap3A_1298, %swap3A_1299, %swap3A_1300], %swap3A_1303 {strides = array<i32>} : memref<1x32x512xf32, #tpu.memory_space<vmem>>, vector<1x1x16xf32>,
    %get3A_1304 = arith.constant 0 : i32
    %get3A_1305 = arith.index_cast %get3A_1304 : i32 to index
    %get3A_1306 = arith.constant 80 : index
    %get3A_1307 = tpu.vector_load %arg6[%get3A_1305, %get3A_1306] {strides = array<i32>} : memref<1x256xf32, #tpu.memory_space<vmem>>, vector<1x16xf32>,
    %get3A_1308 = vector.shape_cast %get3A_1307 : vector<1x16xf32> to vector<16xf32>
    %swap3A_1309 = arith.constant 0 : i32
    %swap3A_1310 = arith.constant 0 : i32
    %swap3A_1311 = arith.index_cast %swap3A_1309 : i32 to index
    %swap3A_1312 = arith.index_cast %swap3A_1310 : i32 to index
    %swap3A_1313 = arith.constant 336 : index
    %swap3A_1314 = tpu.vector_load %arg5[%swap3A_1311, %swap3A_1312, %swap3A_1313] {strides = array<i32>} : memref<1x32x512xf32, #tpu.memory_space<vmem>>, vector<1x1x16xf32>,
    %swap3A_1315 = vector.shape_cast %swap3A_1314 : vector<1x1x16xf32> to vector<16xf32>
    %swap3A_1316 = vector.shape_cast %get3A_1308 : vector<16xf32> to vector<1x1x16xf32>
    tpu.vector_store %arg5[%swap3A_1311, %swap3A_1312, %swap3A_1313], %swap3A_1316 {strides = array<i32>} : memref<1x32x512xf32, #tpu.memory_space<vmem>>, vector<1x1x16xf32>,
    %swap3A_1317 = arith.constant 0 : i32
    %swap3A_1318 = arith.constant 1 : i32
    %swap3A_1319 = arith.index_cast %swap3A_1317 : i32 to index
    %swap3A_1320 = arith.index_cast %swap3A_1318 : i32 to index
    %swap3A_1321 = arith.constant 336 : index
    %swap3A_1322 = tpu.vector_load %arg5[%swap3A_1319, %swap3A_1320, %swap3A_1321] {strides = array<i32>} : memref<1x32x512xf32, #tpu.memory_space<vmem>>, vector<1x1x16xf32>,
    %swap3A_1323 = vector.shape_cast %swap3A_1322 : vector<1x1x16xf32> to vector<16xf32>
    %swap3A_1324 = vector.shape_cast %get3A_1308 : vector<16xf32> to vector<1x1x16xf32>
    tpu.vector_store %arg5[%swap3A_1319, %swap3A_1320, %swap3A_1321], %swap3A_1324 {strides = array<i32>} : memref<1x32x512xf32, #tpu.memory_space<vmem>>, vector<1x1x16xf32>,
    %swap3A_1325 = arith.constant 0 : i32
    %swap3A_1326 = arith.constant 2 : i32
    %swap3A_1327 = arith.index_cast %swap3A_1325 : i32 to index
    %swap3A_1328 = arith.index_cast %swap3A_1326 : i32 to index
    %swap3A_1329 = arith.constant 336 : index
    %swap3A_1330 = tpu.vector_load %arg5[%swap3A_1327, %swap3A_1328, %swap3A_1329] {strides = array<i32>} : memref<1x32x512xf32, #tpu.memory_space<vmem>>, vector<1x1x16xf32>,
    %swap3A_1331 = vector.shape_cast %swap3A_1330 : vector<1x1x16xf32> to vector<16xf32>
    %swap3A_1332 = vector.shape_cast %get3A_1308 : vector<16xf32> to vector<1x1x16xf32>
    tpu.vector_store %arg5[%swap3A_1327, %swap3A_1328, %swap3A_1329], %swap3A_1332 {strides = array<i32>} : memref<1x32x512xf32, #tpu.memory_space<vmem>>, vector<1x1x16xf32>,
    %swap3A_1333 = arith.constant 0 : i32
    %swap3A_1334 = arith.constant 3 : i32
    %swap3A_1335 = arith.index_cast %swap3A_1333 : i32 to index
    %swap3A_1336 = arith.index_cast %swap3A_1334 : i32 to index
    %swap3A_1337 = arith.constant 336 : index
    %swap3A_1338 = tpu.vector_load %arg5[%swap3A_1335, %swap3A_1336, %swap3A_1337] {strides = array<i32>} : memref<1x32x512xf32, #tpu.memory_space<vmem>>, vector<1x1x16xf32>,
    %swap3A_1339 = vector.shape_cast %swap3A_1338 : vector<1x1x16xf32> to vector<16xf32>
    %swap3A_1340 = vector.shape_cast %get3A_1308 : vector<16xf32> to vector<1x1x16xf32>
    tpu.vector_store %arg5[%swap3A_1335, %swap3A_1336, %swap3A_1337], %swap3A_1340 {strides = array<i32>} : memref<1x32x512xf32, #tpu.memory_space<vmem>>, vector<1x1x16xf32>,
    %swap3A_1341 = arith.constant 0 : i32
    %swap3A_1342 = arith.constant 4 : i32
    %swap3A_1343 = arith.index_cast %swap3A_1341 : i32 to index
    %swap3A_1344 = arith.index_cast %swap3A_1342 : i32 to index
    %swap3A_1345 = arith.constant 336 : index
    %swap3A_1346 = tpu.vector_load %arg5[%swap3A_1343, %swap3A_1344, %swap3A_1345] {strides = array<i32>} : memref<1x32x512xf32, #tpu.memory_space<vmem>>, vector<1x1x16xf32>,
    %swap3A_1347 = vector.shape_cast %swap3A_1346 : vector<1x1x16xf32> to vector<16xf32>
    %swap3A_1348 = vector.shape_cast %get3A_1308 : vector<16xf32> to vector<1x1x16xf32>
    tpu.vector_store %arg5[%swap3A_1343, %swap3A_1344, %swap3A_1345], %swap3A_1348 {strides = array<i32>} : memref<1x32x512xf32, #tpu.memory_space<vmem>>, vector<1x1x16xf32>,
    %swap3A_1349 = arith.constant 0 : i32
    %swap3A_1350 = arith.constant 5 : i32
    %swap3A_1351 = arith.index_cast %swap3A_1349 : i32 to index
    %swap3A_1352 = arith.index_cast %swap3A_1350 : i32 to index
    %swap3A_1353 = arith.constant 336 : index
    %swap3A_1354 = tpu.vector_load %arg5[%swap3A_1351, %swap3A_1352, %swap3A_1353] {strides = array<i32>} : memref<1x32x512xf32, #tpu.memory_space<vmem>>, vector<1x1x16xf32>,
    %swap3A_1355 = vector.shape_cast %swap3A_1354 : vector<1x1x16xf32> to vector<16xf32>
    %swap3A_1356 = vector.shape_cast %get3A_1308 : vector<16xf32> to vector<1x1x16xf32>
    tpu.vector_store %arg5[%swap3A_1351, %swap3A_1352, %swap3A_1353], %swap3A_1356 {strides = array<i32>} : memref<1x32x512xf32, #tpu.memory_space<vmem>>, vector<1x1x16xf32>,
    %swap3A_1357 = arith.constant 0 : i32
    %swap3A_1358 = arith.constant 6 : i32
    %swap3A_1359 = arith.index_cast %swap3A_1357 : i32 to index
    %swap3A_1360 = arith.index_cast %swap3A_1358 : i32 to index
    %swap3A_1361 = arith.constant 336 : index
    %swap3A_1362 = tpu.vector_load %arg5[%swap3A_1359, %swap3A_1360, %swap3A_1361] {strides = array<i32>} : memref<1x32x512xf32, #tpu.memory_space<vmem>>, vector<1x1x16xf32>,
    %swap3A_1363 = vector.shape_cast %swap3A_1362 : vector<1x1x16xf32> to vector<16xf32>
    %swap3A_1364 = vector.shape_cast %get3A_1308 : vector<16xf32> to vector<1x1x16xf32>
    tpu.vector_store %arg5[%swap3A_1359, %swap3A_1360, %swap3A_1361], %swap3A_1364 {strides = array<i32>} : memref<1x32x512xf32, #tpu.memory_space<vmem>>, vector<1x1x16xf32>,
    %swap3A_1365 = arith.constant 0 : i32
    %swap3A_1366 = arith.constant 7 : i32
    %swap3A_1367 = arith.index_cast %swap3A_1365 : i32 to index
    %swap3A_1368 = arith.index_cast %swap3A_1366 : i32 to index
    %swap3A_1369 = arith.constant 336 : index
    %swap3A_1370 = tpu.vector_load %arg5[%swap3A_1367, %swap3A_1368, %swap3A_1369] {strides = array<i32>} : memref<1x32x512xf32, #tpu.memory_space<vmem>>, vector<1x1x16xf32>,
    %swap3A_1371 = vector.shape_cast %swap3A_1370 : vector<1x1x16xf32> to vector<16xf32>
    %swap3A_1372 = vector.shape_cast %get3A_1308 : vector<16xf32> to vector<1x1x16xf32>
    tpu.vector_store %arg5[%swap3A_1367, %swap3A_1368, %swap3A_1369], %swap3A_1372 {strides = array<i32>} : memref<1x32x512xf32, #tpu.memory_space<vmem>>, vector<1x1x16xf32>,
    %swap3A_1373 = arith.constant 0 : i32
    %swap3A_1374 = arith.constant 8 : i32
    %swap3A_1375 = arith.index_cast %swap3A_1373 : i32 to index
    %swap3A_1376 = arith.index_cast %swap3A_1374 : i32 to index
    %swap3A_1377 = arith.constant 336 : index
    %swap3A_1378 = tpu.vector_load %arg5[%swap3A_1375, %swap3A_1376, %swap3A_1377] {strides = array<i32>} : memref<1x32x512xf32, #tpu.memory_space<vmem>>, vector<1x1x16xf32>,
    %swap3A_1379 = vector.shape_cast %swap3A_1378 : vector<1x1x16xf32> to vector<16xf32>
    %swap3A_1380 = vector.shape_cast %get3A_1308 : vector<16xf32> to vector<1x1x16xf32>
    tpu.vector_store %arg5[%swap3A_1375, %swap3A_1376, %swap3A_1377], %swap3A_1380 {strides = array<i32>} : memref<1x32x512xf32, #tpu.memory_space<vmem>>, vector<1x1x16xf32>,
    %swap3A_1381 = arith.constant 0 : i32
    %swap3A_1382 = arith.constant 9 : i32
    %swap3A_1383 = arith.index_cast %swap3A_1381 : i32 to index
    %swap3A_1384 = arith.index_cast %swap3A_1382 : i32 to index
    %swap3A_1385 = arith.constant 336 : index
    %swap3A_1386 = tpu.vector_load %arg5[%swap3A_1383, %swap3A_1384, %swap3A_1385] {strides = array<i32>} : memref<1x32x512xf32, #tpu.memory_space<vmem>>, vector<1x1x16xf32>,
    %swap3A_1387 = vector.shape_cast %swap3A_1386 : vector<1x1x16xf32> to vector<16xf32>
    %swap3A_1388 = vector.shape_cast %get3A_1308 : vector<16xf32> to vector<1x1x16xf32>
    tpu.vector_store %arg5[%swap3A_1383, %swap3A_1384, %swap3A_1385], %swap3A_1388 {strides = array<i32>} : memref<1x32x512xf32, #tpu.memory_space<vmem>>, vector<1x1x16xf32>,
    %swap3A_1389 = arith.constant 0 : i32
    %swap3A_1390 = arith.constant 10 : i32
    %swap3A_1391 = arith.index_cast %swap3A_1389 : i32 to index
    %swap3A_1392 = arith.index_cast %swap3A_1390 : i32 to index
    %swap3A_1393 = arith.constant 336 : index
    %swap3A_1394 = tpu.vector_load %arg5[%swap3A_1391, %swap3A_1392, %swap3A_1393] {strides = array<i32>} : memref<1x32x512xf32, #tpu.memory_space<vmem>>, vector<1x1x16xf32>,
    %swap3A_1395 = vector.shape_cast %swap3A_1394 : vector<1x1x16xf32> to vector<16xf32>
    %swap3A_1396 = vector.shape_cast %get3A_1308 : vector<16xf32> to vector<1x1x16xf32>
    tpu.vector_store %arg5[%swap3A_1391, %swap3A_1392, %swap3A_1393], %swap3A_1396 {strides = array<i32>} : memref<1x32x512xf32, #tpu.memory_space<vmem>>, vector<1x1x16xf32>,
    %swap3A_1397 = arith.constant 0 : i32
    %swap3A_1398 = arith.constant 11 : i32
    %swap3A_1399 = arith.index_cast %swap3A_1397 : i32 to index
    %swap3A_1400 = arith.index_cast %swap3A_1398 : i32 to index
    %swap3A_1401 = arith.constant 336 : index
    %swap3A_1402 = tpu.vector_load %arg5[%swap3A_1399, %swap3A_1400, %swap3A_1401] {strides = array<i32>} : memref<1x32x512xf32, #tpu.memory_space<vmem>>, vector<1x1x16xf32>,
    %swap3A_1403 = vector.shape_cast %swap3A_1402 : vector<1x1x16xf32> to vector<16xf32>
    %swap3A_1404 = vector.shape_cast %get3A_1308 : vector<16xf32> to vector<1x1x16xf32>
    tpu.vector_store %arg5[%swap3A_1399, %swap3A_1400, %swap3A_1401], %swap3A_1404 {strides = array<i32>} : memref<1x32x512xf32, #tpu.memory_space<vmem>>, vector<1x1x16xf32>,
    %swap3A_1405 = arith.constant 0 : i32
    %swap3A_1406 = arith.constant 12 : i32
    %swap3A_1407 = arith.index_cast %swap3A_1405 : i32 to index
    %swap3A_1408 = arith.index_cast %swap3A_1406 : i32 to index
    %swap3A_1409 = arith.constant 336 : index
    %swap3A_1410 = tpu.vector_load %arg5[%swap3A_1407, %swap3A_1408, %swap3A_1409] {strides = array<i32>} : memref<1x32x512xf32, #tpu.memory_space<vmem>>, vector<1x1x16xf32>,
    %swap3A_1411 = vector.shape_cast %swap3A_1410 : vector<1x1x16xf32> to vector<16xf32>
    %swap3A_1412 = vector.shape_cast %get3A_1308 : vector<16xf32> to vector<1x1x16xf32>
    tpu.vector_store %arg5[%swap3A_1407, %swap3A_1408, %swap3A_1409], %swap3A_1412 {strides = array<i32>} : memref<1x32x512xf32, #tpu.memory_space<vmem>>, vector<1x1x16xf32>,
    %swap3A_1413 = arith.constant 0 : i32
    %swap3A_1414 = arith.constant 13 : i32
    %swap3A_1415 = arith.index_cast %swap3A_1413 : i32 to index
    %swap3A_1416 = arith.index_cast %swap3A_1414 : i32 to index
    %swap3A_1417 = arith.constant 336 : index
    %swap3A_1418 = tpu.vector_load %arg5[%swap3A_1415, %swap3A_1416, %swap3A_1417] {strides = array<i32>} : memref<1x32x512xf32, #tpu.memory_space<vmem>>, vector<1x1x16xf32>,
    %swap3A_1419 = vector.shape_cast %swap3A_1418 : vector<1x1x16xf32> to vector<16xf32>
    %swap3A_1420 = vector.shape_cast %get3A_1308 : vector<16xf32> to vector<1x1x16xf32>
    tpu.vector_store %arg5[%swap3A_1415, %swap3A_1416, %swap3A_1417], %swap3A_1420 {strides = array<i32>} : memref<1x32x512xf32, #tpu.memory_space<vmem>>, vector<1x1x16xf32>,
    %swap3A_1421 = arith.constant 0 : i32
    %swap3A_1422 = arith.constant 14 : i32
    %swap3A_1423 = arith.index_cast %swap3A_1421 : i32 to index
    %swap3A_1424 = arith.index_cast %swap3A_1422 : i32 to index
    %swap3A_1425 = arith.constant 336 : index
    %swap3A_1426 = tpu.vector_load %arg5[%swap3A_1423, %swap3A_1424, %swap3A_1425] {strides = array<i32>} : memref<1x32x512xf32, #tpu.memory_space<vmem>>, vector<1x1x16xf32>,
    %swap3A_1427 = vector.shape_cast %swap3A_1426 : vector<1x1x16xf32> to vector<16xf32>
    %swap3A_1428 = vector.shape_cast %get3A_1308 : vector<16xf32> to vector<1x1x16xf32>
    tpu.vector_store %arg5[%swap3A_1423, %swap3A_1424, %swap3A_1425], %swap3A_1428 {strides = array<i32>} : memref<1x32x512xf32, #tpu.memory_space<vmem>>, vector<1x1x16xf32>,
    %swap3A_1429 = arith.constant 0 : i32
    %swap3A_1430 = arith.constant 15 : i32
    %swap3A_1431 = arith.index_cast %swap3A_1429 : i32 to index
    %swap3A_1432 = arith.index_cast %swap3A_1430 : i32 to index
    %swap3A_1433 = arith.constant 336 : index
    %swap3A_1434 = tpu.vector_load %arg5[%swap3A_1431, %swap3A_1432, %swap3A_1433] {strides = array<i32>} : memref<1x32x512xf32, #tpu.memory_space<vmem>>, vector<1x1x16xf32>,
    %swap3A_1435 = vector.shape_cast %swap3A_1434 : vector<1x1x16xf32> to vector<16xf32>
    %swap3A_1436 = vector.shape_cast %get3A_1308 : vector<16xf32> to vector<1x1x16xf32>
    tpu.vector_store %arg5[%swap3A_1431, %swap3A_1432, %swap3A_1433], %swap3A_1436 {strides = array<i32>} : memref<1x32x512xf32, #tpu.memory_space<vmem>>, vector<1x1x16xf32>,
    %swap3A_1437 = arith.constant 0 : i32
    %swap3A_1438 = arith.constant 16 : i32
    %swap3A_1439 = arith.index_cast %swap3A_1437 : i32 to index
    %swap3A_1440 = arith.index_cast %swap3A_1438 : i32 to index
    %swap3A_1441 = arith.constant 336 : index
    %swap3A_1442 = tpu.vector_load %arg5[%swap3A_1439, %swap3A_1440, %swap3A_1441] {strides = array<i32>} : memref<1x32x512xf32, #tpu.memory_space<vmem>>, vector<1x1x16xf32>,
    %swap3A_1443 = vector.shape_cast %swap3A_1442 : vector<1x1x16xf32> to vector<16xf32>
    %swap3A_1444 = vector.shape_cast %get3A_1308 : vector<16xf32> to vector<1x1x16xf32>
    tpu.vector_store %arg5[%swap3A_1439, %swap3A_1440, %swap3A_1441], %swap3A_1444 {strides = array<i32>} : memref<1x32x512xf32, #tpu.memory_space<vmem>>, vector<1x1x16xf32>,
    %swap3A_1445 = arith.constant 0 : i32
    %swap3A_1446 = arith.constant 17 : i32
    %swap3A_1447 = arith.index_cast %swap3A_1445 : i32 to index
    %swap3A_1448 = arith.index_cast %swap3A_1446 : i32 to index
    %swap3A_1449 = arith.constant 336 : index
    %swap3A_1450 = tpu.vector_load %arg5[%swap3A_1447, %swap3A_1448, %swap3A_1449] {strides = array<i32>} : memref<1x32x512xf32, #tpu.memory_space<vmem>>, vector<1x1x16xf32>,
    %swap3A_1451 = vector.shape_cast %swap3A_1450 : vector<1x1x16xf32> to vector<16xf32>
    %swap3A_1452 = vector.shape_cast %get3A_1308 : vector<16xf32> to vector<1x1x16xf32>
    tpu.vector_store %arg5[%swap3A_1447, %swap3A_1448, %swap3A_1449], %swap3A_1452 {strides = array<i32>} : memref<1x32x512xf32, #tpu.memory_space<vmem>>, vector<1x1x16xf32>,
    %swap3A_1453 = arith.constant 0 : i32
    %swap3A_1454 = arith.constant 18 : i32
    %swap3A_1455 = arith.index_cast %swap3A_1453 : i32 to index
    %swap3A_1456 = arith.index_cast %swap3A_1454 : i32 to index
    %swap3A_1457 = arith.constant 336 : index
    %swap3A_1458 = tpu.vector_load %arg5[%swap3A_1455, %swap3A_1456, %swap3A_1457] {strides = array<i32>} : memref<1x32x512xf32, #tpu.memory_space<vmem>>, vector<1x1x16xf32>,
    %swap3A_1459 = vector.shape_cast %swap3A_1458 : vector<1x1x16xf32> to vector<16xf32>
    %swap3A_1460 = vector.shape_cast %get3A_1308 : vector<16xf32> to vector<1x1x16xf32>
    tpu.vector_store %arg5[%swap3A_1455, %swap3A_1456, %swap3A_1457], %swap3A_1460 {strides = array<i32>} : memref<1x32x512xf32, #tpu.memory_space<vmem>>, vector<1x1x16xf32>,
    %swap3A_1461 = arith.constant 0 : i32
    %swap3A_1462 = arith.constant 19 : i32
    %swap3A_1463 = arith.index_cast %swap3A_1461 : i32 to index
    %swap3A_1464 = arith.index_cast %swap3A_1462 : i32 to index
    %swap3A_1465 = arith.constant 336 : index
    %swap3A_1466 = tpu.vector_load %arg5[%swap3A_1463, %swap3A_1464, %swap3A_1465] {strides = array<i32>} : memref<1x32x512xf32, #tpu.memory_space<vmem>>, vector<1x1x16xf32>,
    %swap3A_1467 = vector.shape_cast %swap3A_1466 : vector<1x1x16xf32> to vector<16xf32>
    %swap3A_1468 = vector.shape_cast %get3A_1308 : vector<16xf32> to vector<1x1x16xf32>
    tpu.vector_store %arg5[%swap3A_1463, %swap3A_1464, %swap3A_1465], %swap3A_1468 {strides = array<i32>} : memref<1x32x512xf32, #tpu.memory_space<vmem>>, vector<1x1x16xf32>,
    %swap3A_1469 = arith.constant 0 : i32
    %swap3A_1470 = arith.constant 20 : i32
    %swap3A_1471 = arith.index_cast %swap3A_1469 : i32 to index
    %swap3A_1472 = arith.index_cast %swap3A_1470 : i32 to index
    %swap3A_1473 = arith.constant 336 : index
    %swap3A_1474 = tpu.vector_load %arg5[%swap3A_1471, %swap3A_1472, %swap3A_1473] {strides = array<i32>} : memref<1x32x512xf32, #tpu.memory_space<vmem>>, vector<1x1x16xf32>,
    %swap3A_1475 = vector.shape_cast %swap3A_1474 : vector<1x1x16xf32> to vector<16xf32>
    %swap3A_1476 = vector.shape_cast %get3A_1308 : vector<16xf32> to vector<1x1x16xf32>
    tpu.vector_store %arg5[%swap3A_1471, %swap3A_1472, %swap3A_1473], %swap3A_1476 {strides = array<i32>} : memref<1x32x512xf32, #tpu.memory_space<vmem>>, vector<1x1x16xf32>,
    %swap3A_1477 = arith.constant 0 : i32
    %swap3A_1478 = arith.constant 21 : i32
    %swap3A_1479 = arith.index_cast %swap3A_1477 : i32 to index
    %swap3A_1480 = arith.index_cast %swap3A_1478 : i32 to index
    %swap3A_1481 = arith.constant 336 : index
    %swap3A_1482 = tpu.vector_load %arg5[%swap3A_1479, %swap3A_1480, %swap3A_1481] {strides = array<i32>} : memref<1x32x512xf32, #tpu.memory_space<vmem>>, vector<1x1x16xf32>,
    %swap3A_1483 = vector.shape_cast %swap3A_1482 : vector<1x1x16xf32> to vector<16xf32>
    %swap3A_1484 = vector.shape_cast %get3A_1308 : vector<16xf32> to vector<1x1x16xf32>
    tpu.vector_store %arg5[%swap3A_1479, %swap3A_1480, %swap3A_1481], %swap3A_1484 {strides = array<i32>} : memref<1x32x512xf32, #tpu.memory_space<vmem>>, vector<1x1x16xf32>,
    %swap3A_1485 = arith.constant 0 : i32
    %swap3A_1486 = arith.constant 22 : i32
    %swap3A_1487 = arith.index_cast %swap3A_1485 : i32 to index
    %swap3A_1488 = arith.index_cast %swap3A_1486 : i32 to index
    %swap3A_1489 = arith.constant 336 : index
    %swap3A_1490 = tpu.vector_load %arg5[%swap3A_1487, %swap3A_1488, %swap3A_1489] {strides = array<i32>} : memref<1x32x512xf32, #tpu.memory_space<vmem>>, vector<1x1x16xf32>,
    %swap3A_1491 = vector.shape_cast %swap3A_1490 : vector<1x1x16xf32> to vector<16xf32>
    %swap3A_1492 = vector.shape_cast %get3A_1308 : vector<16xf32> to vector<1x1x16xf32>
    tpu.vector_store %arg5[%swap3A_1487, %swap3A_1488, %swap3A_1489], %swap3A_1492 {strides = array<i32>} : memref<1x32x512xf32, #tpu.memory_space<vmem>>, vector<1x1x16xf32>,
    %swap3A_1493 = arith.constant 0 : i32
    %swap3A_1494 = arith.constant 23 : i32
    %swap3A_1495 = arith.index_cast %swap3A_1493 : i32 to index
    %swap3A_1496 = arith.index_cast %swap3A_1494 : i32 to index
    %swap3A_1497 = arith.constant 336 : index
    %swap3A_1498 = tpu.vector_load %arg5[%swap3A_1495, %swap3A_1496, %swap3A_1497] {strides = array<i32>} : memref<1x32x512xf32, #tpu.memory_space<vmem>>, vector<1x1x16xf32>,
    %swap3A_1499 = vector.shape_cast %swap3A_1498 : vector<1x1x16xf32> to vector<16xf32>
    %swap3A_1500 = vector.shape_cast %get3A_1308 : vector<16xf32> to vector<1x1x16xf32>
    tpu.vector_store %arg5[%swap3A_1495, %swap3A_1496, %swap3A_1497], %swap3A_1500 {strides = array<i32>} : memref<1x32x512xf32, #tpu.memory_space<vmem>>, vector<1x1x16xf32>,
    %swap3A_1501 = arith.constant 0 : i32
    %swap3A_1502 = arith.constant 24 : i32
    %swap3A_1503 = arith.index_cast %swap3A_1501 : i32 to index
    %swap3A_1504 = arith.index_cast %swap3A_1502 : i32 to index
    %swap3A_1505 = arith.constant 336 : index
    %swap3A_1506 = tpu.vector_load %arg5[%swap3A_1503, %swap3A_1504, %swap3A_1505] {strides = array<i32>} : memref<1x32x512xf32, #tpu.memory_space<vmem>>, vector<1x1x16xf32>,
    %swap3A_1507 = vector.shape_cast %swap3A_1506 : vector<1x1x16xf32> to vector<16xf32>
    %swap3A_1508 = vector.shape_cast %get3A_1308 : vector<16xf32> to vector<1x1x16xf32>
    tpu.vector_store %arg5[%swap3A_1503, %swap3A_1504, %swap3A_1505], %swap3A_1508 {strides = array<i32>} : memref<1x32x512xf32, #tpu.memory_space<vmem>>, vector<1x1x16xf32>,
    %swap3A_1509 = arith.constant 0 : i32
    %swap3A_1510 = arith.constant 25 : i32
    %swap3A_1511 = arith.index_cast %swap3A_1509 : i32 to index
    %swap3A_1512 = arith.index_cast %swap3A_1510 : i32 to index
    %swap3A_1513 = arith.constant 336 : index
    %swap3A_1514 = tpu.vector_load %arg5[%swap3A_1511, %swap3A_1512, %swap3A_1513] {strides = array<i32>} : memref<1x32x512xf32, #tpu.memory_space<vmem>>, vector<1x1x16xf32>,
    %swap3A_1515 = vector.shape_cast %swap3A_1514 : vector<1x1x16xf32> to vector<16xf32>
    %swap3A_1516 = vector.shape_cast %get3A_1308 : vector<16xf32> to vector<1x1x16xf32>
    tpu.vector_store %arg5[%swap3A_1511, %swap3A_1512, %swap3A_1513], %swap3A_1516 {strides = array<i32>} : memref<1x32x512xf32, #tpu.memory_space<vmem>>, vector<1x1x16xf32>,
    %swap3A_1517 = arith.constant 0 : i32
    %swap3A_1518 = arith.constant 26 : i32
    %swap3A_1519 = arith.index_cast %swap3A_1517 : i32 to index
    %swap3A_1520 = arith.index_cast %swap3A_1518 : i32 to index
    %swap3A_1521 = arith.constant 336 : index
    %swap3A_1522 = tpu.vector_load %arg5[%swap3A_1519, %swap3A_1520, %swap3A_1521] {strides = array<i32>} : memref<1x32x512xf32, #tpu.memory_space<vmem>>, vector<1x1x16xf32>,
    %swap3A_1523 = vector.shape_cast %swap3A_1522 : vector<1x1x16xf32> to vector<16xf32>
    %swap3A_1524 = vector.shape_cast %get3A_1308 : vector<16xf32> to vector<1x1x16xf32>
    tpu.vector_store %arg5[%swap3A_1519, %swap3A_1520, %swap3A_1521], %swap3A_1524 {strides = array<i32>} : memref<1x32x512xf32, #tpu.memory_space<vmem>>, vector<1x1x16xf32>,
    %swap3A_1525 = arith.constant 0 : i32
    %swap3A_1526 = arith.constant 27 : i32
    %swap3A_1527 = arith.index_cast %swap3A_1525 : i32 to index
    %swap3A_1528 = arith.index_cast %swap3A_1526 : i32 to index
    %swap3A_1529 = arith.constant 336 : index
    %swap3A_1530 = tpu.vector_load %arg5[%swap3A_1527, %swap3A_1528, %swap3A_1529] {strides = array<i32>} : memref<1x32x512xf32, #tpu.memory_space<vmem>>, vector<1x1x16xf32>,
    %swap3A_1531 = vector.shape_cast %swap3A_1530 : vector<1x1x16xf32> to vector<16xf32>
    %swap3A_1532 = vector.shape_cast %get3A_1308 : vector<16xf32> to vector<1x1x16xf32>
    tpu.vector_store %arg5[%swap3A_1527, %swap3A_1528, %swap3A_1529], %swap3A_1532 {strides = array<i32>} : memref<1x32x512xf32, #tpu.memory_space<vmem>>, vector<1x1x16xf32>,
    %swap3A_1533 = arith.constant 0 : i32
    %swap3A_1534 = arith.constant 28 : i32
    %swap3A_1535 = arith.index_cast %swap3A_1533 : i32 to index
    %swap3A_1536 = arith.index_cast %swap3A_1534 : i32 to index
    %swap3A_1537 = arith.constant 336 : index
    %swap3A_1538 = tpu.vector_load %arg5[%swap3A_1535, %swap3A_1536, %swap3A_1537] {strides = array<i32>} : memref<1x32x512xf32, #tpu.memory_space<vmem>>, vector<1x1x16xf32>,
    %swap3A_1539 = vector.shape_cast %swap3A_1538 : vector<1x1x16xf32> to vector<16xf32>
    %swap3A_1540 = vector.shape_cast %get3A_1308 : vector<16xf32> to vector<1x1x16xf32>
    tpu.vector_store %arg5[%swap3A_1535, %swap3A_1536, %swap3A_1537], %swap3A_1540 {strides = array<i32>} : memref<1x32x512xf32, #tpu.memory_space<vmem>>, vector<1x1x16xf32>,
    %swap3A_1541 = arith.constant 0 : i32
    %swap3A_1542 = arith.constant 29 : i32
    %swap3A_1543 = arith.index_cast %swap3A_1541 : i32 to index
    %swap3A_1544 = arith.index_cast %swap3A_1542 : i32 to index
    %swap3A_1545 = arith.constant 336 : index
    %swap3A_1546 = tpu.vector_load %arg5[%swap3A_1543, %swap3A_1544, %swap3A_1545] {strides = array<i32>} : memref<1x32x512xf32, #tpu.memory_space<vmem>>, vector<1x1x16xf32>,
    %swap3A_1547 = vector.shape_cast %swap3A_1546 : vector<1x1x16xf32> to vector<16xf32>
    %swap3A_1548 = vector.shape_cast %get3A_1308 : vector<16xf32> to vector<1x1x16xf32>
    tpu.vector_store %arg5[%swap3A_1543, %swap3A_1544, %swap3A_1545], %swap3A_1548 {strides = array<i32>} : memref<1x32x512xf32, #tpu.memory_space<vmem>>, vector<1x1x16xf32>,
    %swap3A_1549 = arith.constant 0 : i32
    %swap3A_1550 = arith.constant 30 : i32
    %swap3A_1551 = arith.index_cast %swap3A_1549 : i32 to index
    %swap3A_1552 = arith.index_cast %swap3A_1550 : i32 to index
    %swap3A_1553 = arith.constant 336 : index
    %swap3A_1554 = tpu.vector_load %arg5[%swap3A_1551, %swap3A_1552, %swap3A_1553] {strides = array<i32>} : memref<1x32x512xf32, #tpu.memory_space<vmem>>, vector<1x1x16xf32>,
    %swap3A_1555 = vector.shape_cast %swap3A_1554 : vector<1x1x16xf32> to vector<16xf32>
    %swap3A_1556 = vector.shape_cast %get3A_1308 : vector<16xf32> to vector<1x1x16xf32>
    tpu.vector_store %arg5[%swap3A_1551, %swap3A_1552, %swap3A_1553], %swap3A_1556 {strides = array<i32>} : memref<1x32x512xf32, #tpu.memory_space<vmem>>, vector<1x1x16xf32>,
    %swap3A_1557 = arith.constant 0 : i32
    %swap3A_1558 = arith.constant 31 : i32
    %swap3A_1559 = arith.index_cast %swap3A_1557 : i32 to index
    %swap3A_1560 = arith.index_cast %swap3A_1558 : i32 to index
    %swap3A_1561 = arith.constant 336 : index
    %swap3A_1562 = tpu.vector_load %arg5[%swap3A_1559, %swap3A_1560, %swap3A_1561] {strides = array<i32>} : memref<1x32x512xf32, #tpu.memory_space<vmem>>, vector<1x1x16xf32>,
    %swap3A_1563 = vector.shape_cast %swap3A_1562 : vector<1x1x16xf32> to vector<16xf32>
    %swap3A_1564 = vector.shape_cast %get3A_1308 : vector<16xf32> to vector<1x1x16xf32>
    tpu.vector_store %arg5[%swap3A_1559, %swap3A_1560, %swap3A_1561], %swap3A_1564 {strides = array<i32>} : memref<1x32x512xf32, #tpu.memory_space<vmem>>, vector<1x1x16xf32>,
    %get3A_1565 = arith.constant 0 : i32
    %get3A_1566 = arith.index_cast %get3A_1565 : i32 to index
    %get3A_1567 = arith.constant 96 : index
    %get3A_1568 = tpu.vector_load %arg6[%get3A_1566, %get3A_1567] {strides = array<i32>} : memref<1x256xf32, #tpu.memory_space<vmem>>, vector<1x16xf32>,
    %get3A_1569 = vector.shape_cast %get3A_1568 : vector<1x16xf32> to vector<16xf32>
    %swap3A_1570 = arith.constant 0 : i32
    %swap3A_1571 = arith.constant 0 : i32
    %swap3A_1572 = arith.index_cast %swap3A_1570 : i32 to index
    %swap3A_1573 = arith.index_cast %swap3A_1571 : i32 to index
    %swap3A_1574 = arith.constant 352 : index
    %swap3A_1575 = tpu.vector_load %arg5[%swap3A_1572, %swap3A_1573, %swap3A_1574] {strides = array<i32>} : memref<1x32x512xf32, #tpu.memory_space<vmem>>, vector<1x1x16xf32>,
    %swap3A_1576 = vector.shape_cast %swap3A_1575 : vector<1x1x16xf32> to vector<16xf32>
    %swap3A_1577 = vector.shape_cast %get3A_1569 : vector<16xf32> to vector<1x1x16xf32>
    tpu.vector_store %arg5[%swap3A_1572, %swap3A_1573, %swap3A_1574], %swap3A_1577 {strides = array<i32>} : memref<1x32x512xf32, #tpu.memory_space<vmem>>, vector<1x1x16xf32>,
    %swap3A_1578 = arith.constant 0 : i32
    %swap3A_1579 = arith.constant 1 : i32
    %swap3A_1580 = arith.index_cast %swap3A_1578 : i32 to index
    %swap3A_1581 = arith.index_cast %swap3A_1579 : i32 to index
    %swap3A_1582 = arith.constant 352 : index
    %swap3A_1583 = tpu.vector_load %arg5[%swap3A_1580, %swap3A_1581, %swap3A_1582] {strides = array<i32>} : memref<1x32x512xf32, #tpu.memory_space<vmem>>, vector<1x1x16xf32>,
    %swap3A_1584 = vector.shape_cast %swap3A_1583 : vector<1x1x16xf32> to vector<16xf32>
    %swap3A_1585 = vector.shape_cast %get3A_1569 : vector<16xf32> to vector<1x1x16xf32>
    tpu.vector_store %arg5[%swap3A_1580, %swap3A_1581, %swap3A_1582], %swap3A_1585 {strides = array<i32>} : memref<1x32x512xf32, #tpu.memory_space<vmem>>, vector<1x1x16xf32>,
    %swap3A_1586 = arith.constant 0 : i32
    %swap3A_1587 = arith.constant 2 : i32
    %swap3A_1588 = arith.index_cast %swap3A_1586 : i32 to index
    %swap3A_1589 = arith.index_cast %swap3A_1587 : i32 to index
    %swap3A_1590 = arith.constant 352 : index
    %swap3A_1591 = tpu.vector_load %arg5[%swap3A_1588, %swap3A_1589, %swap3A_1590] {strides = array<i32>} : memref<1x32x512xf32, #tpu.memory_space<vmem>>, vector<1x1x16xf32>,
    %swap3A_1592 = vector.shape_cast %swap3A_1591 : vector<1x1x16xf32> to vector<16xf32>
    %swap3A_1593 = vector.shape_cast %get3A_1569 : vector<16xf32> to vector<1x1x16xf32>
    tpu.vector_store %arg5[%swap3A_1588, %swap3A_1589, %swap3A_1590], %swap3A_1593 {strides = array<i32>} : memref<1x32x512xf32, #tpu.memory_space<vmem>>, vector<1x1x16xf32>,
    %swap3A_1594 = arith.constant 0 : i32
    %swap3A_1595 = arith.constant 3 : i32
    %swap3A_1596 = arith.index_cast %swap3A_1594 : i32 to index
    %swap3A_1597 = arith.index_cast %swap3A_1595 : i32 to index
    %swap3A_1598 = arith.constant 352 : index
    %swap3A_1599 = tpu.vector_load %arg5[%swap3A_1596, %swap3A_1597, %swap3A_1598] {strides = array<i32>} : memref<1x32x512xf32, #tpu.memory_space<vmem>>, vector<1x1x16xf32>,
    %swap3A_1600 = vector.shape_cast %swap3A_1599 : vector<1x1x16xf32> to vector<16xf32>
    %swap3A_1601 = vector.shape_cast %get3A_1569 : vector<16xf32> to vector<1x1x16xf32>
    tpu.vector_store %arg5[%swap3A_1596, %swap3A_1597, %swap3A_1598], %swap3A_1601 {strides = array<i32>} : memref<1x32x512xf32, #tpu.memory_space<vmem>>, vector<1x1x16xf32>,
    %swap3A_1602 = arith.constant 0 : i32
    %swap3A_1603 = arith.constant 4 : i32
    %swap3A_1604 = arith.index_cast %swap3A_1602 : i32 to index
    %swap3A_1605 = arith.index_cast %swap3A_1603 : i32 to index
    %swap3A_1606 = arith.constant 352 : index
    %swap3A_1607 = tpu.vector_load %arg5[%swap3A_1604, %swap3A_1605, %swap3A_1606] {strides = array<i32>} : memref<1x32x512xf32, #tpu.memory_space<vmem>>, vector<1x1x16xf32>,
    %swap3A_1608 = vector.shape_cast %swap3A_1607 : vector<1x1x16xf32> to vector<16xf32>
    %swap3A_1609 = vector.shape_cast %get3A_1569 : vector<16xf32> to vector<1x1x16xf32>
    tpu.vector_store %arg5[%swap3A_1604, %swap3A_1605, %swap3A_1606], %swap3A_1609 {strides = array<i32>} : memref<1x32x512xf32, #tpu.memory_space<vmem>>, vector<1x1x16xf32>,
    %swap3A_1610 = arith.constant 0 : i32
    %swap3A_1611 = arith.constant 5 : i32
    %swap3A_1612 = arith.index_cast %swap3A_1610 : i32 to index
    %swap3A_1613 = arith.index_cast %swap3A_1611 : i32 to index
    %swap3A_1614 = arith.constant 352 : index
    %swap3A_1615 = tpu.vector_load %arg5[%swap3A_1612, %swap3A_1613, %swap3A_1614] {strides = array<i32>} : memref<1x32x512xf32, #tpu.memory_space<vmem>>, vector<1x1x16xf32>,
    %swap3A_1616 = vector.shape_cast %swap3A_1615 : vector<1x1x16xf32> to vector<16xf32>
    %swap3A_1617 = vector.shape_cast %get3A_1569 : vector<16xf32> to vector<1x1x16xf32>
    tpu.vector_store %arg5[%swap3A_1612, %swap3A_1613, %swap3A_1614], %swap3A_1617 {strides = array<i32>} : memref<1x32x512xf32, #tpu.memory_space<vmem>>, vector<1x1x16xf32>,
    %swap3A_1618 = arith.constant 0 : i32
    %swap3A_1619 = arith.constant 6 : i32
    %swap3A_1620 = arith.index_cast %swap3A_1618 : i32 to index
    %swap3A_1621 = arith.index_cast %swap3A_1619 : i32 to index
    %swap3A_1622 = arith.constant 352 : index
    %swap3A_1623 = tpu.vector_load %arg5[%swap3A_1620, %swap3A_1621, %swap3A_1622] {strides = array<i32>} : memref<1x32x512xf32, #tpu.memory_space<vmem>>, vector<1x1x16xf32>,
    %swap3A_1624 = vector.shape_cast %swap3A_1623 : vector<1x1x16xf32> to vector<16xf32>
    %swap3A_1625 = vector.shape_cast %get3A_1569 : vector<16xf32> to vector<1x1x16xf32>
    tpu.vector_store %arg5[%swap3A_1620, %swap3A_1621, %swap3A_1622], %swap3A_1625 {strides = array<i32>} : memref<1x32x512xf32, #tpu.memory_space<vmem>>, vector<1x1x16xf32>,
    %swap3A_1626 = arith.constant 0 : i32
    %swap3A_1627 = arith.constant 7 : i32
    %swap3A_1628 = arith.index_cast %swap3A_1626 : i32 to index
    %swap3A_1629 = arith.index_cast %swap3A_1627 : i32 to index
    %swap3A_1630 = arith.constant 352 : index
    %swap3A_1631 = tpu.vector_load %arg5[%swap3A_1628, %swap3A_1629, %swap3A_1630] {strides = array<i32>} : memref<1x32x512xf32, #tpu.memory_space<vmem>>, vector<1x1x16xf32>,
    %swap3A_1632 = vector.shape_cast %swap3A_1631 : vector<1x1x16xf32> to vector<16xf32>
    %swap3A_1633 = vector.shape_cast %get3A_1569 : vector<16xf32> to vector<1x1x16xf32>
    tpu.vector_store %arg5[%swap3A_1628, %swap3A_1629, %swap3A_1630], %swap3A_1633 {strides = array<i32>} : memref<1x32x512xf32, #tpu.memory_space<vmem>>, vector<1x1x16xf32>,
    %swap3A_1634 = arith.constant 0 : i32
    %swap3A_1635 = arith.constant 8 : i32
    %swap3A_1636 = arith.index_cast %swap3A_1634 : i32 to index
    %swap3A_1637 = arith.index_cast %swap3A_1635 : i32 to index
    %swap3A_1638 = arith.constant 352 : index
    %swap3A_1639 = tpu.vector_load %arg5[%swap3A_1636, %swap3A_1637, %swap3A_1638] {strides = array<i32>} : memref<1x32x512xf32, #tpu.memory_space<vmem>>, vector<1x1x16xf32>,
    %swap3A_1640 = vector.shape_cast %swap3A_1639 : vector<1x1x16xf32> to vector<16xf32>
    %swap3A_1641 = vector.shape_cast %get3A_1569 : vector<16xf32> to vector<1x1x16xf32>
    tpu.vector_store %arg5[%swap3A_1636, %swap3A_1637, %swap3A_1638], %swap3A_1641 {strides = array<i32>} : memref<1x32x512xf32, #tpu.memory_space<vmem>>, vector<1x1x16xf32>,
    %swap3A_1642 = arith.constant 0 : i32
    %swap3A_1643 = arith.constant 9 : i32
    %swap3A_1644 = arith.index_cast %swap3A_1642 : i32 to index
    %swap3A_1645 = arith.index_cast %swap3A_1643 : i32 to index
    %swap3A_1646 = arith.constant 352 : index
    %swap3A_1647 = tpu.vector_load %arg5[%swap3A_1644, %swap3A_1645, %swap3A_1646] {strides = array<i32>} : memref<1x32x512xf32, #tpu.memory_space<vmem>>, vector<1x1x16xf32>,
    %swap3A_1648 = vector.shape_cast %swap3A_1647 : vector<1x1x16xf32> to vector<16xf32>
    %swap3A_1649 = vector.shape_cast %get3A_1569 : vector<16xf32> to vector<1x1x16xf32>
    tpu.vector_store %arg5[%swap3A_1644, %swap3A_1645, %swap3A_1646], %swap3A_1649 {strides = array<i32>} : memref<1x32x512xf32, #tpu.memory_space<vmem>>, vector<1x1x16xf32>,
    %swap3A_1650 = arith.constant 0 : i32
    %swap3A_1651 = arith.constant 10 : i32
    %swap3A_1652 = arith.index_cast %swap3A_1650 : i32 to index
    %swap3A_1653 = arith.index_cast %swap3A_1651 : i32 to index
    %swap3A_1654 = arith.constant 352 : index
    %swap3A_1655 = tpu.vector_load %arg5[%swap3A_1652, %swap3A_1653, %swap3A_1654] {strides = array<i32>} : memref<1x32x512xf32, #tpu.memory_space<vmem>>, vector<1x1x16xf32>,
    %swap3A_1656 = vector.shape_cast %swap3A_1655 : vector<1x1x16xf32> to vector<16xf32>
    %swap3A_1657 = vector.shape_cast %get3A_1569 : vector<16xf32> to vector<1x1x16xf32>
    tpu.vector_store %arg5[%swap3A_1652, %swap3A_1653, %swap3A_1654], %swap3A_1657 {strides = array<i32>} : memref<1x32x512xf32, #tpu.memory_space<vmem>>, vector<1x1x16xf32>,
    %swap3A_1658 = arith.constant 0 : i32
    %swap3A_1659 = arith.constant 11 : i32
    %swap3A_1660 = arith.index_cast %swap3A_1658 : i32 to index
    %swap3A_1661 = arith.index_cast %swap3A_1659 : i32 to index
    %swap3A_1662 = arith.constant 352 : index
    %swap3A_1663 = tpu.vector_load %arg5[%swap3A_1660, %swap3A_1661, %swap3A_1662] {strides = array<i32>} : memref<1x32x512xf32, #tpu.memory_space<vmem>>, vector<1x1x16xf32>,
    %swap3A_1664 = vector.shape_cast %swap3A_1663 : vector<1x1x16xf32> to vector<16xf32>
    %swap3A_1665 = vector.shape_cast %get3A_1569 : vector<16xf32> to vector<1x1x16xf32>
    tpu.vector_store %arg5[%swap3A_1660, %swap3A_1661, %swap3A_1662], %swap3A_1665 {strides = array<i32>} : memref<1x32x512xf32, #tpu.memory_space<vmem>>, vector<1x1x16xf32>,
    %swap3A_1666 = arith.constant 0 : i32
    %swap3A_1667 = arith.constant 12 : i32
    %swap3A_1668 = arith.index_cast %swap3A_1666 : i32 to index
    %swap3A_1669 = arith.index_cast %swap3A_1667 : i32 to index
    %swap3A_1670 = arith.constant 352 : index
    %swap3A_1671 = tpu.vector_load %arg5[%swap3A_1668, %swap3A_1669, %swap3A_1670] {strides = array<i32>} : memref<1x32x512xf32, #tpu.memory_space<vmem>>, vector<1x1x16xf32>,
    %swap3A_1672 = vector.shape_cast %swap3A_1671 : vector<1x1x16xf32> to vector<16xf32>
    %swap3A_1673 = vector.shape_cast %get3A_1569 : vector<16xf32> to vector<1x1x16xf32>
    tpu.vector_store %arg5[%swap3A_1668, %swap3A_1669, %swap3A_1670], %swap3A_1673 {strides = array<i32>} : memref<1x32x512xf32, #tpu.memory_space<vmem>>, vector<1x1x16xf32>,
    %swap3A_1674 = arith.constant 0 : i32
    %swap3A_1675 = arith.constant 13 : i32
    %swap3A_1676 = arith.index_cast %swap3A_1674 : i32 to index
    %swap3A_1677 = arith.index_cast %swap3A_1675 : i32 to index
    %swap3A_1678 = arith.constant 352 : index
    %swap3A_1679 = tpu.vector_load %arg5[%swap3A_1676, %swap3A_1677, %swap3A_1678] {strides = array<i32>} : memref<1x32x512xf32, #tpu.memory_space<vmem>>, vector<1x1x16xf32>,
    %swap3A_1680 = vector.shape_cast %swap3A_1679 : vector<1x1x16xf32> to vector<16xf32>
    %swap3A_1681 = vector.shape_cast %get3A_1569 : vector<16xf32> to vector<1x1x16xf32>
    tpu.vector_store %arg5[%swap3A_1676, %swap3A_1677, %swap3A_1678], %swap3A_1681 {strides = array<i32>} : memref<1x32x512xf32, #tpu.memory_space<vmem>>, vector<1x1x16xf32>,
    %swap3A_1682 = arith.constant 0 : i32
    %swap3A_1683 = arith.constant 14 : i32
    %swap3A_1684 = arith.index_cast %swap3A_1682 : i32 to index
    %swap3A_1685 = arith.index_cast %swap3A_1683 : i32 to index
    %swap3A_1686 = arith.constant 352 : index
    %swap3A_1687 = tpu.vector_load %arg5[%swap3A_1684, %swap3A_1685, %swap3A_1686] {strides = array<i32>} : memref<1x32x512xf32, #tpu.memory_space<vmem>>, vector<1x1x16xf32>,
    %swap3A_1688 = vector.shape_cast %swap3A_1687 : vector<1x1x16xf32> to vector<16xf32>
    %swap3A_1689 = vector.shape_cast %get3A_1569 : vector<16xf32> to vector<1x1x16xf32>
    tpu.vector_store %arg5[%swap3A_1684, %swap3A_1685, %swap3A_1686], %swap3A_1689 {strides = array<i32>} : memref<1x32x512xf32, #tpu.memory_space<vmem>>, vector<1x1x16xf32>,
    %swap3A_1690 = arith.constant 0 : i32
    %swap3A_1691 = arith.constant 15 : i32
    %swap3A_1692 = arith.index_cast %swap3A_1690 : i32 to index
    %swap3A_1693 = arith.index_cast %swap3A_1691 : i32 to index
    %swap3A_1694 = arith.constant 352 : index
    %swap3A_1695 = tpu.vector_load %arg5[%swap3A_1692, %swap3A_1693, %swap3A_1694] {strides = array<i32>} : memref<1x32x512xf32, #tpu.memory_space<vmem>>, vector<1x1x16xf32>,
    %swap3A_1696 = vector.shape_cast %swap3A_1695 : vector<1x1x16xf32> to vector<16xf32>
    %swap3A_1697 = vector.shape_cast %get3A_1569 : vector<16xf32> to vector<1x1x16xf32>
    tpu.vector_store %arg5[%swap3A_1692, %swap3A_1693, %swap3A_1694], %swap3A_1697 {strides = array<i32>} : memref<1x32x512xf32, #tpu.memory_space<vmem>>, vector<1x1x16xf32>,
    %swap3A_1698 = arith.constant 0 : i32
    %swap3A_1699 = arith.constant 16 : i32
    %swap3A_1700 = arith.index_cast %swap3A_1698 : i32 to index
    %swap3A_1701 = arith.index_cast %swap3A_1699 : i32 to index
    %swap3A_1702 = arith.constant 352 : index
    %swap3A_1703 = tpu.vector_load %arg5[%swap3A_1700, %swap3A_1701, %swap3A_1702] {strides = array<i32>} : memref<1x32x512xf32, #tpu.memory_space<vmem>>, vector<1x1x16xf32>,
    %swap3A_1704 = vector.shape_cast %swap3A_1703 : vector<1x1x16xf32> to vector<16xf32>
    %swap3A_1705 = vector.shape_cast %get3A_1569 : vector<16xf32> to vector<1x1x16xf32>
    tpu.vector_store %arg5[%swap3A_1700, %swap3A_1701, %swap3A_1702], %swap3A_1705 {strides = array<i32>} : memref<1x32x512xf32, #tpu.memory_space<vmem>>, vector<1x1x16xf32>,
    %swap3A_1706 = arith.constant 0 : i32
    %swap3A_1707 = arith.constant 17 : i32
    %swap3A_1708 = arith.index_cast %swap3A_1706 : i32 to index
    %swap3A_1709 = arith.index_cast %swap3A_1707 : i32 to index
    %swap3A_1710 = arith.constant 352 : index
    %swap3A_1711 = tpu.vector_load %arg5[%swap3A_1708, %swap3A_1709, %swap3A_1710] {strides = array<i32>} : memref<1x32x512xf32, #tpu.memory_space<vmem>>, vector<1x1x16xf32>,
    %swap3A_1712 = vector.shape_cast %swap3A_1711 : vector<1x1x16xf32> to vector<16xf32>
    %swap3A_1713 = vector.shape_cast %get3A_1569 : vector<16xf32> to vector<1x1x16xf32>
    tpu.vector_store %arg5[%swap3A_1708, %swap3A_1709, %swap3A_1710], %swap3A_1713 {strides = array<i32>} : memref<1x32x512xf32, #tpu.memory_space<vmem>>, vector<1x1x16xf32>,
    %swap3A_1714 = arith.constant 0 : i32
    %swap3A_1715 = arith.constant 18 : i32
    %swap3A_1716 = arith.index_cast %swap3A_1714 : i32 to index
    %swap3A_1717 = arith.index_cast %swap3A_1715 : i32 to index
    %swap3A_1718 = arith.constant 352 : index
    %swap3A_1719 = tpu.vector_load %arg5[%swap3A_1716, %swap3A_1717, %swap3A_1718] {strides = array<i32>} : memref<1x32x512xf32, #tpu.memory_space<vmem>>, vector<1x1x16xf32>,
    %swap3A_1720 = vector.shape_cast %swap3A_1719 : vector<1x1x16xf32> to vector<16xf32>
    %swap3A_1721 = vector.shape_cast %get3A_1569 : vector<16xf32> to vector<1x1x16xf32>
    tpu.vector_store %arg5[%swap3A_1716, %swap3A_1717, %swap3A_1718], %swap3A_1721 {strides = array<i32>} : memref<1x32x512xf32, #tpu.memory_space<vmem>>, vector<1x1x16xf32>,
    %swap3A_1722 = arith.constant 0 : i32
    %swap3A_1723 = arith.constant 19 : i32
    %swap3A_1724 = arith.index_cast %swap3A_1722 : i32 to index
    %swap3A_1725 = arith.index_cast %swap3A_1723 : i32 to index
    %swap3A_1726 = arith.constant 352 : index
    %swap3A_1727 = tpu.vector_load %arg5[%swap3A_1724, %swap3A_1725, %swap3A_1726] {strides = array<i32>} : memref<1x32x512xf32, #tpu.memory_space<vmem>>, vector<1x1x16xf32>,
    %swap3A_1728 = vector.shape_cast %swap3A_1727 : vector<1x1x16xf32> to vector<16xf32>
    %swap3A_1729 = vector.shape_cast %get3A_1569 : vector<16xf32> to vector<1x1x16xf32>
    tpu.vector_store %arg5[%swap3A_1724, %swap3A_1725, %swap3A_1726], %swap3A_1729 {strides = array<i32>} : memref<1x32x512xf32, #tpu.memory_space<vmem>>, vector<1x1x16xf32>,
    %swap3A_1730 = arith.constant 0 : i32
    %swap3A_1731 = arith.constant 20 : i32
    %swap3A_1732 = arith.index_cast %swap3A_1730 : i32 to index
    %swap3A_1733 = arith.index_cast %swap3A_1731 : i32 to index
    %swap3A_1734 = arith.constant 352 : index
    %swap3A_1735 = tpu.vector_load %arg5[%swap3A_1732, %swap3A_1733, %swap3A_1734] {strides = array<i32>} : memref<1x32x512xf32, #tpu.memory_space<vmem>>, vector<1x1x16xf32>,
    %swap3A_1736 = vector.shape_cast %swap3A_1735 : vector<1x1x16xf32> to vector<16xf32>
    %swap3A_1737 = vector.shape_cast %get3A_1569 : vector<16xf32> to vector<1x1x16xf32>
    tpu.vector_store %arg5[%swap3A_1732, %swap3A_1733, %swap3A_1734], %swap3A_1737 {strides = array<i32>} : memref<1x32x512xf32, #tpu.memory_space<vmem>>, vector<1x1x16xf32>,
    %swap3A_1738 = arith.constant 0 : i32
    %swap3A_1739 = arith.constant 21 : i32
    %swap3A_1740 = arith.index_cast %swap3A_1738 : i32 to index
    %swap3A_1741 = arith.index_cast %swap3A_1739 : i32 to index
    %swap3A_1742 = arith.constant 352 : index
    %swap3A_1743 = tpu.vector_load %arg5[%swap3A_1740, %swap3A_1741, %swap3A_1742] {strides = array<i32>} : memref<1x32x512xf32, #tpu.memory_space<vmem>>, vector<1x1x16xf32>,
    %swap3A_1744 = vector.shape_cast %swap3A_1743 : vector<1x1x16xf32> to vector<16xf32>
    %swap3A_1745 = vector.shape_cast %get3A_1569 : vector<16xf32> to vector<1x1x16xf32>
    tpu.vector_store %arg5[%swap3A_1740, %swap3A_1741, %swap3A_1742], %swap3A_1745 {strides = array<i32>} : memref<1x32x512xf32, #tpu.memory_space<vmem>>, vector<1x1x16xf32>,
    %swap3A_1746 = arith.constant 0 : i32
    %swap3A_1747 = arith.constant 22 : i32
    %swap3A_1748 = arith.index_cast %swap3A_1746 : i32 to index
    %swap3A_1749 = arith.index_cast %swap3A_1747 : i32 to index
    %swap3A_1750 = arith.constant 352 : index
    %swap3A_1751 = tpu.vector_load %arg5[%swap3A_1748, %swap3A_1749, %swap3A_1750] {strides = array<i32>} : memref<1x32x512xf32, #tpu.memory_space<vmem>>, vector<1x1x16xf32>,
    %swap3A_1752 = vector.shape_cast %swap3A_1751 : vector<1x1x16xf32> to vector<16xf32>
    %swap3A_1753 = vector.shape_cast %get3A_1569 : vector<16xf32> to vector<1x1x16xf32>
    tpu.vector_store %arg5[%swap3A_1748, %swap3A_1749, %swap3A_1750], %swap3A_1753 {strides = array<i32>} : memref<1x32x512xf32, #tpu.memory_space<vmem>>, vector<1x1x16xf32>,
    %swap3A_1754 = arith.constant 0 : i32
    %swap3A_1755 = arith.constant 23 : i32
    %swap3A_1756 = arith.index_cast %swap3A_1754 : i32 to index
    %swap3A_1757 = arith.index_cast %swap3A_1755 : i32 to index
    %swap3A_1758 = arith.constant 352 : index
    %swap3A_1759 = tpu.vector_load %arg5[%swap3A_1756, %swap3A_1757, %swap3A_1758] {strides = array<i32>} : memref<1x32x512xf32, #tpu.memory_space<vmem>>, vector<1x1x16xf32>,
    %swap3A_1760 = vector.shape_cast %swap3A_1759 : vector<1x1x16xf32> to vector<16xf32>
    %swap3A_1761 = vector.shape_cast %get3A_1569 : vector<16xf32> to vector<1x1x16xf32>
    tpu.vector_store %arg5[%swap3A_1756, %swap3A_1757, %swap3A_1758], %swap3A_1761 {strides = array<i32>} : memref<1x32x512xf32, #tpu.memory_space<vmem>>, vector<1x1x16xf32>,
    %swap3A_1762 = arith.constant 0 : i32
    %swap3A_1763 = arith.constant 24 : i32
    %swap3A_1764 = arith.index_cast %swap3A_1762 : i32 to index
    %swap3A_1765 = arith.index_cast %swap3A_1763 : i32 to index
    %swap3A_1766 = arith.constant 352 : index
    %swap3A_1767 = tpu.vector_load %arg5[%swap3A_1764, %swap3A_1765, %swap3A_1766] {strides = array<i32>} : memref<1x32x512xf32, #tpu.memory_space<vmem>>, vector<1x1x16xf32>,
    %swap3A_1768 = vector.shape_cast %swap3A_1767 : vector<1x1x16xf32> to vector<16xf32>
    %swap3A_1769 = vector.shape_cast %get3A_1569 : vector<16xf32> to vector<1x1x16xf32>
    tpu.vector_store %arg5[%swap3A_1764, %swap3A_1765, %swap3A_1766], %swap3A_1769 {strides = array<i32>} : memref<1x32x512xf32, #tpu.memory_space<vmem>>, vector<1x1x16xf32>,
    %swap3A_1770 = arith.constant 0 : i32
    %swap3A_1771 = arith.constant 25 : i32
    %swap3A_1772 = arith.index_cast %swap3A_1770 : i32 to index
    %swap3A_1773 = arith.index_cast %swap3A_1771 : i32 to index
    %swap3A_1774 = arith.constant 352 : index
    %swap3A_1775 = tpu.vector_load %arg5[%swap3A_1772, %swap3A_1773, %swap3A_1774] {strides = array<i32>} : memref<1x32x512xf32, #tpu.memory_space<vmem>>, vector<1x1x16xf32>,
    %swap3A_1776 = vector.shape_cast %swap3A_1775 : vector<1x1x16xf32> to vector<16xf32>
    %swap3A_1777 = vector.shape_cast %get3A_1569 : vector<16xf32> to vector<1x1x16xf32>
    tpu.vector_store %arg5[%swap3A_1772, %swap3A_1773, %swap3A_1774], %swap3A_1777 {strides = array<i32>} : memref<1x32x512xf32, #tpu.memory_space<vmem>>, vector<1x1x16xf32>,
    %swap3A_1778 = arith.constant 0 : i32
    %swap3A_1779 = arith.constant 26 : i32
    %swap3A_1780 = arith.index_cast %swap3A_1778 : i32 to index
    %swap3A_1781 = arith.index_cast %swap3A_1779 : i32 to index
    %swap3A_1782 = arith.constant 352 : index
    %swap3A_1783 = tpu.vector_load %arg5[%swap3A_1780, %swap3A_1781, %swap3A_1782] {strides = array<i32>} : memref<1x32x512xf32, #tpu.memory_space<vmem>>, vector<1x1x16xf32>,
    %swap3A_1784 = vector.shape_cast %swap3A_1783 : vector<1x1x16xf32> to vector<16xf32>
    %swap3A_1785 = vector.shape_cast %get3A_1569 : vector<16xf32> to vector<1x1x16xf32>
    tpu.vector_store %arg5[%swap3A_1780, %swap3A_1781, %swap3A_1782], %swap3A_1785 {strides = array<i32>} : memref<1x32x512xf32, #tpu.memory_space<vmem>>, vector<1x1x16xf32>,
    %swap3A_1786 = arith.constant 0 : i32
    %swap3A_1787 = arith.constant 27 : i32
    %swap3A_1788 = arith.index_cast %swap3A_1786 : i32 to index
    %swap3A_1789 = arith.index_cast %swap3A_1787 : i32 to index
    %swap3A_1790 = arith.constant 352 : index
    %swap3A_1791 = tpu.vector_load %arg5[%swap3A_1788, %swap3A_1789, %swap3A_1790] {strides = array<i32>} : memref<1x32x512xf32, #tpu.memory_space<vmem>>, vector<1x1x16xf32>,
    %swap3A_1792 = vector.shape_cast %swap3A_1791 : vector<1x1x16xf32> to vector<16xf32>
    %swap3A_1793 = vector.shape_cast %get3A_1569 : vector<16xf32> to vector<1x1x16xf32>
    tpu.vector_store %arg5[%swap3A_1788, %swap3A_1789, %swap3A_1790], %swap3A_1793 {strides = array<i32>} : memref<1x32x512xf32, #tpu.memory_space<vmem>>, vector<1x1x16xf32>,
    %swap3A_1794 = arith.constant 0 : i32
    %swap3A_1795 = arith.constant 28 : i32
    %swap3A_1796 = arith.index_cast %swap3A_1794 : i32 to index
    %swap3A_1797 = arith.index_cast %swap3A_1795 : i32 to index
    %swap3A_1798 = arith.constant 352 : index
    %swap3A_1799 = tpu.vector_load %arg5[%swap3A_1796, %swap3A_1797, %swap3A_1798] {strides = array<i32>} : memref<1x32x512xf32, #tpu.memory_space<vmem>>, vector<1x1x16xf32>,
    %swap3A_1800 = vector.shape_cast %swap3A_1799 : vector<1x1x16xf32> to vector<16xf32>
    %swap3A_1801 = vector.shape_cast %get3A_1569 : vector<16xf32> to vector<1x1x16xf32>
    tpu.vector_store %arg5[%swap3A_1796, %swap3A_1797, %swap3A_1798], %swap3A_1801 {strides = array<i32>} : memref<1x32x512xf32, #tpu.memory_space<vmem>>, vector<1x1x16xf32>,
    %swap3A_1802 = arith.constant 0 : i32
    %swap3A_1803 = arith.constant 29 : i32
    %swap3A_1804 = arith.index_cast %swap3A_1802 : i32 to index
    %swap3A_1805 = arith.index_cast %swap3A_1803 : i32 to index
    %swap3A_1806 = arith.constant 352 : index
    %swap3A_1807 = tpu.vector_load %arg5[%swap3A_1804, %swap3A_1805, %swap3A_1806] {strides = array<i32>} : memref<1x32x512xf32, #tpu.memory_space<vmem>>, vector<1x1x16xf32>,
    %swap3A_1808 = vector.shape_cast %swap3A_1807 : vector<1x1x16xf32> to vector<16xf32>
    %swap3A_1809 = vector.shape_cast %get3A_1569 : vector<16xf32> to vector<1x1x16xf32>
    tpu.vector_store %arg5[%swap3A_1804, %swap3A_1805, %swap3A_1806], %swap3A_1809 {strides = array<i32>} : memref<1x32x512xf32, #tpu.memory_space<vmem>>, vector<1x1x16xf32>,
    %swap3A_1810 = arith.constant 0 : i32
    %swap3A_1811 = arith.constant 30 : i32
    %swap3A_1812 = arith.index_cast %swap3A_1810 : i32 to index
    %swap3A_1813 = arith.index_cast %swap3A_1811 : i32 to index
    %swap3A_1814 = arith.constant 352 : index
    %swap3A_1815 = tpu.vector_load %arg5[%swap3A_1812, %swap3A_1813, %swap3A_1814] {strides = array<i32>} : memref<1x32x512xf32, #tpu.memory_space<vmem>>, vector<1x1x16xf32>,
    %swap3A_1816 = vector.shape_cast %swap3A_1815 : vector<1x1x16xf32> to vector<16xf32>
    %swap3A_1817 = vector.shape_cast %get3A_1569 : vector<16xf32> to vector<1x1x16xf32>
    tpu.vector_store %arg5[%swap3A_1812, %swap3A_1813, %swap3A_1814], %swap3A_1817 {strides = array<i32>} : memref<1x32x512xf32, #tpu.memory_space<vmem>>, vector<1x1x16xf32>,
    %swap3A_1818 = arith.constant 0 : i32
    %swap3A_1819 = arith.constant 31 : i32
    %swap3A_1820 = arith.index_cast %swap3A_1818 : i32 to index
    %swap3A_1821 = arith.index_cast %swap3A_1819 : i32 to index
    %swap3A_1822 = arith.constant 352 : index
    %swap3A_1823 = tpu.vector_load %arg5[%swap3A_1820, %swap3A_1821, %swap3A_1822] {strides = array<i32>} : memref<1x32x512xf32, #tpu.memory_space<vmem>>, vector<1x1x16xf32>,
    %swap3A_1824 = vector.shape_cast %swap3A_1823 : vector<1x1x16xf32> to vector<16xf32>
    %swap3A_1825 = vector.shape_cast %get3A_1569 : vector<16xf32> to vector<1x1x16xf32>
    tpu.vector_store %arg5[%swap3A_1820, %swap3A_1821, %swap3A_1822], %swap3A_1825 {strides = array<i32>} : memref<1x32x512xf32, #tpu.memory_space<vmem>>, vector<1x1x16xf32>,
    %get3A_1826 = arith.constant 0 : i32
    %get3A_1827 = arith.index_cast %get3A_1826 : i32 to index
    %get3A_1828 = arith.constant 112 : index
    %get3A_1829 = tpu.vector_load %arg6[%get3A_1827, %get3A_1828] {strides = array<i32>} : memref<1x256xf32, #tpu.memory_space<vmem>>, vector<1x16xf32>,
    %get3A_1830 = vector.shape_cast %get3A_1829 : vector<1x16xf32> to vector<16xf32>
    %swap3A_1831 = arith.constant 0 : i32
    %swap3A_1832 = arith.constant 0 : i32
    %swap3A_1833 = arith.index_cast %swap3A_1831 : i32 to index
    %swap3A_1834 = arith.index_cast %swap3A_1832 : i32 to index
    %swap3A_1835 = arith.constant 368 : index
    %swap3A_1836 = tpu.vector_load %arg5[%swap3A_1833, %swap3A_1834, %swap3A_1835] {strides = array<i32>} : memref<1x32x512xf32, #tpu.memory_space<vmem>>, vector<1x1x16xf32>,
    %swap3A_1837 = vector.shape_cast %swap3A_1836 : vector<1x1x16xf32> to vector<16xf32>
    %swap3A_1838 = vector.shape_cast %get3A_1830 : vector<16xf32> to vector<1x1x16xf32>
    tpu.vector_store %arg5[%swap3A_1833, %swap3A_1834, %swap3A_1835], %swap3A_1838 {strides = array<i32>} : memref<1x32x512xf32, #tpu.memory_space<vmem>>, vector<1x1x16xf32>,
    %swap3A_1839 = arith.constant 0 : i32
    %swap3A_1840 = arith.constant 1 : i32
    %swap3A_1841 = arith.index_cast %swap3A_1839 : i32 to index
    %swap3A_1842 = arith.index_cast %swap3A_1840 : i32 to index
    %swap3A_1843 = arith.constant 368 : index
    %swap3A_1844 = tpu.vector_load %arg5[%swap3A_1841, %swap3A_1842, %swap3A_1843] {strides = array<i32>} : memref<1x32x512xf32, #tpu.memory_space<vmem>>, vector<1x1x16xf32>,
    %swap3A_1845 = vector.shape_cast %swap3A_1844 : vector<1x1x16xf32> to vector<16xf32>
    %swap3A_1846 = vector.shape_cast %get3A_1830 : vector<16xf32> to vector<1x1x16xf32>
    tpu.vector_store %arg5[%swap3A_1841, %swap3A_1842, %swap3A_1843], %swap3A_1846 {strides = array<i32>} : memref<1x32x512xf32, #tpu.memory_space<vmem>>, vector<1x1x16xf32>,
    %swap3A_1847 = arith.constant 0 : i32
    %swap3A_1848 = arith.constant 2 : i32
    %swap3A_1849 = arith.index_cast %swap3A_1847 : i32 to index
    %swap3A_1850 = arith.index_cast %swap3A_1848 : i32 to index
    %swap3A_1851 = arith.constant 368 : index
    %swap3A_1852 = tpu.vector_load %arg5[%swap3A_1849, %swap3A_1850, %swap3A_1851] {strides = array<i32>} : memref<1x32x512xf32, #tpu.memory_space<vmem>>, vector<1x1x16xf32>,
    %swap3A_1853 = vector.shape_cast %swap3A_1852 : vector<1x1x16xf32> to vector<16xf32>
    %swap3A_1854 = vector.shape_cast %get3A_1830 : vector<16xf32> to vector<1x1x16xf32>
    tpu.vector_store %arg5[%swap3A_1849, %swap3A_1850, %swap3A_1851], %swap3A_1854 {strides = array<i32>} : memref<1x32x512xf32, #tpu.memory_space<vmem>>, vector<1x1x16xf32>,
    %swap3A_1855 = arith.constant 0 : i32
    %swap3A_1856 = arith.constant 3 : i32
    %swap3A_1857 = arith.index_cast %swap3A_1855 : i32 to index
    %swap3A_1858 = arith.index_cast %swap3A_1856 : i32 to index
    %swap3A_1859 = arith.constant 368 : index
    %swap3A_1860 = tpu.vector_load %arg5[%swap3A_1857, %swap3A_1858, %swap3A_1859] {strides = array<i32>} : memref<1x32x512xf32, #tpu.memory_space<vmem>>, vector<1x1x16xf32>,
    %swap3A_1861 = vector.shape_cast %swap3A_1860 : vector<1x1x16xf32> to vector<16xf32>
    %swap3A_1862 = vector.shape_cast %get3A_1830 : vector<16xf32> to vector<1x1x16xf32>
    tpu.vector_store %arg5[%swap3A_1857, %swap3A_1858, %swap3A_1859], %swap3A_1862 {strides = array<i32>} : memref<1x32x512xf32, #tpu.memory_space<vmem>>, vector<1x1x16xf32>,
    %swap3A_1863 = arith.constant 0 : i32
    %swap3A_1864 = arith.constant 4 : i32
    %swap3A_1865 = arith.index_cast %swap3A_1863 : i32 to index
    %swap3A_1866 = arith.index_cast %swap3A_1864 : i32 to index
    %swap3A_1867 = arith.constant 368 : index
    %swap3A_1868 = tpu.vector_load %arg5[%swap3A_1865, %swap3A_1866, %swap3A_1867] {strides = array<i32>} : memref<1x32x512xf32, #tpu.memory_space<vmem>>, vector<1x1x16xf32>,
    %swap3A_1869 = vector.shape_cast %swap3A_1868 : vector<1x1x16xf32> to vector<16xf32>
    %swap3A_1870 = vector.shape_cast %get3A_1830 : vector<16xf32> to vector<1x1x16xf32>
    tpu.vector_store %arg5[%swap3A_1865, %swap3A_1866, %swap3A_1867], %swap3A_1870 {strides = array<i32>} : memref<1x32x512xf32, #tpu.memory_space<vmem>>, vector<1x1x16xf32>,
    %swap3A_1871 = arith.constant 0 : i32
    %swap3A_1872 = arith.constant 5 : i32
    %swap3A_1873 = arith.index_cast %swap3A_1871 : i32 to index
    %swap3A_1874 = arith.index_cast %swap3A_1872 : i32 to index
    %swap3A_1875 = arith.constant 368 : index
    %swap3A_1876 = tpu.vector_load %arg5[%swap3A_1873, %swap3A_1874, %swap3A_1875] {strides = array<i32>} : memref<1x32x512xf32, #tpu.memory_space<vmem>>, vector<1x1x16xf32>,
    %swap3A_1877 = vector.shape_cast %swap3A_1876 : vector<1x1x16xf32> to vector<16xf32>
    %swap3A_1878 = vector.shape_cast %get3A_1830 : vector<16xf32> to vector<1x1x16xf32>
    tpu.vector_store %arg5[%swap3A_1873, %swap3A_1874, %swap3A_1875], %swap3A_1878 {strides = array<i32>} : memref<1x32x512xf32, #tpu.memory_space<vmem>>, vector<1x1x16xf32>,
    %swap3A_1879 = arith.constant 0 : i32
    %swap3A_1880 = arith.constant 6 : i32
    %swap3A_1881 = arith.index_cast %swap3A_1879 : i32 to index
    %swap3A_1882 = arith.index_cast %swap3A_1880 : i32 to index
    %swap3A_1883 = arith.constant 368 : index
    %swap3A_1884 = tpu.vector_load %arg5[%swap3A_1881, %swap3A_1882, %swap3A_1883] {strides = array<i32>} : memref<1x32x512xf32, #tpu.memory_space<vmem>>, vector<1x1x16xf32>,
    %swap3A_1885 = vector.shape_cast %swap3A_1884 : vector<1x1x16xf32> to vector<16xf32>
    %swap3A_1886 = vector.shape_cast %get3A_1830 : vector<16xf32> to vector<1x1x16xf32>
    tpu.vector_store %arg5[%swap3A_1881, %swap3A_1882, %swap3A_1883], %swap3A_1886 {strides = array<i32>} : memref<1x32x512xf32, #tpu.memory_space<vmem>>, vector<1x1x16xf32>,
    %swap3A_1887 = arith.constant 0 : i32
    %swap3A_1888 = arith.constant 7 : i32
    %swap3A_1889 = arith.index_cast %swap3A_1887 : i32 to index
    %swap3A_1890 = arith.index_cast %swap3A_1888 : i32 to index
    %swap3A_1891 = arith.constant 368 : index
    %swap3A_1892 = tpu.vector_load %arg5[%swap3A_1889, %swap3A_1890, %swap3A_1891] {strides = array<i32>} : memref<1x32x512xf32, #tpu.memory_space<vmem>>, vector<1x1x16xf32>,
    %swap3A_1893 = vector.shape_cast %swap3A_1892 : vector<1x1x16xf32> to vector<16xf32>
    %swap3A_1894 = vector.shape_cast %get3A_1830 : vector<16xf32> to vector<1x1x16xf32>
    tpu.vector_store %arg5[%swap3A_1889, %swap3A_1890, %swap3A_1891], %swap3A_1894 {strides = array<i32>} : memref<1x32x512xf32, #tpu.memory_space<vmem>>, vector<1x1x16xf32>,
    %swap3A_1895 = arith.constant 0 : i32
    %swap3A_1896 = arith.constant 8 : i32
    %swap3A_1897 = arith.index_cast %swap3A_1895 : i32 to index
    %swap3A_1898 = arith.index_cast %swap3A_1896 : i32 to index
    %swap3A_1899 = arith.constant 368 : index
    %swap3A_1900 = tpu.vector_load %arg5[%swap3A_1897, %swap3A_1898, %swap3A_1899] {strides = array<i32>} : memref<1x32x512xf32, #tpu.memory_space<vmem>>, vector<1x1x16xf32>,
    %swap3A_1901 = vector.shape_cast %swap3A_1900 : vector<1x1x16xf32> to vector<16xf32>
    %swap3A_1902 = vector.shape_cast %get3A_1830 : vector<16xf32> to vector<1x1x16xf32>
    tpu.vector_store %arg5[%swap3A_1897, %swap3A_1898, %swap3A_1899], %swap3A_1902 {strides = array<i32>} : memref<1x32x512xf32, #tpu.memory_space<vmem>>, vector<1x1x16xf32>,
    %swap3A_1903 = arith.constant 0 : i32
    %swap3A_1904 = arith.constant 9 : i32
    %swap3A_1905 = arith.index_cast %swap3A_1903 : i32 to index
    %swap3A_1906 = arith.index_cast %swap3A_1904 : i32 to index
    %swap3A_1907 = arith.constant 368 : index
    %swap3A_1908 = tpu.vector_load %arg5[%swap3A_1905, %swap3A_1906, %swap3A_1907] {strides = array<i32>} : memref<1x32x512xf32, #tpu.memory_space<vmem>>, vector<1x1x16xf32>,
    %swap3A_1909 = vector.shape_cast %swap3A_1908 : vector<1x1x16xf32> to vector<16xf32>
    %swap3A_1910 = vector.shape_cast %get3A_1830 : vector<16xf32> to vector<1x1x16xf32>
    tpu.vector_store %arg5[%swap3A_1905, %swap3A_1906, %swap3A_1907], %swap3A_1910 {strides = array<i32>} : memref<1x32x512xf32, #tpu.memory_space<vmem>>, vector<1x1x16xf32>,
    %swap3A_1911 = arith.constant 0 : i32
    %swap3A_1912 = arith.constant 10 : i32
    %swap3A_1913 = arith.index_cast %swap3A_1911 : i32 to index
    %swap3A_1914 = arith.index_cast %swap3A_1912 : i32 to index
    %swap3A_1915 = arith.constant 368 : index
    %swap3A_1916 = tpu.vector_load %arg5[%swap3A_1913, %swap3A_1914, %swap3A_1915] {strides = array<i32>} : memref<1x32x512xf32, #tpu.memory_space<vmem>>, vector<1x1x16xf32>,
    %swap3A_1917 = vector.shape_cast %swap3A_1916 : vector<1x1x16xf32> to vector<16xf32>
    %swap3A_1918 = vector.shape_cast %get3A_1830 : vector<16xf32> to vector<1x1x16xf32>
    tpu.vector_store %arg5[%swap3A_1913, %swap3A_1914, %swap3A_1915], %swap3A_1918 {strides = array<i32>} : memref<1x32x512xf32, #tpu.memory_space<vmem>>, vector<1x1x16xf32>,
    %swap3A_1919 = arith.constant 0 : i32
    %swap3A_1920 = arith.constant 11 : i32
    %swap3A_1921 = arith.index_cast %swap3A_1919 : i32 to index
    %swap3A_1922 = arith.index_cast %swap3A_1920 : i32 to index
    %swap3A_1923 = arith.constant 368 : index
    %swap3A_1924 = tpu.vector_load %arg5[%swap3A_1921, %swap3A_1922, %swap3A_1923] {strides = array<i32>} : memref<1x32x512xf32, #tpu.memory_space<vmem>>, vector<1x1x16xf32>,
    %swap3A_1925 = vector.shape_cast %swap3A_1924 : vector<1x1x16xf32> to vector<16xf32>
    %swap3A_1926 = vector.shape_cast %get3A_1830 : vector<16xf32> to vector<1x1x16xf32>
    tpu.vector_store %arg5[%swap3A_1921, %swap3A_1922, %swap3A_1923], %swap3A_1926 {strides = array<i32>} : memref<1x32x512xf32, #tpu.memory_space<vmem>>, vector<1x1x16xf32>,
    %swap3A_1927 = arith.constant 0 : i32
    %swap3A_1928 = arith.constant 12 : i32
    %swap3A_1929 = arith.index_cast %swap3A_1927 : i32 to index
    %swap3A_1930 = arith.index_cast %swap3A_1928 : i32 to index
    %swap3A_1931 = arith.constant 368 : index
    %swap3A_1932 = tpu.vector_load %arg5[%swap3A_1929, %swap3A_1930, %swap3A_1931] {strides = array<i32>} : memref<1x32x512xf32, #tpu.memory_space<vmem>>, vector<1x1x16xf32>,
    %swap3A_1933 = vector.shape_cast %swap3A_1932 : vector<1x1x16xf32> to vector<16xf32>
    %swap3A_1934 = vector.shape_cast %get3A_1830 : vector<16xf32> to vector<1x1x16xf32>
    tpu.vector_store %arg5[%swap3A_1929, %swap3A_1930, %swap3A_1931], %swap3A_1934 {strides = array<i32>} : memref<1x32x512xf32, #tpu.memory_space<vmem>>, vector<1x1x16xf32>,
    %swap3A_1935 = arith.constant 0 : i32
    %swap3A_1936 = arith.constant 13 : i32
    %swap3A_1937 = arith.index_cast %swap3A_1935 : i32 to index
    %swap3A_1938 = arith.index_cast %swap3A_1936 : i32 to index
    %swap3A_1939 = arith.constant 368 : index
    %swap3A_1940 = tpu.vector_load %arg5[%swap3A_1937, %swap3A_1938, %swap3A_1939] {strides = array<i32>} : memref<1x32x512xf32, #tpu.memory_space<vmem>>, vector<1x1x16xf32>,
    %swap3A_1941 = vector.shape_cast %swap3A_1940 : vector<1x1x16xf32> to vector<16xf32>
    %swap3A_1942 = vector.shape_cast %get3A_1830 : vector<16xf32> to vector<1x1x16xf32>
    tpu.vector_store %arg5[%swap3A_1937, %swap3A_1938, %swap3A_1939], %swap3A_1942 {strides = array<i32>} : memref<1x32x512xf32, #tpu.memory_space<vmem>>, vector<1x1x16xf32>,
    %swap3A_1943 = arith.constant 0 : i32
    %swap3A_1944 = arith.constant 14 : i32
    %swap3A_1945 = arith.index_cast %swap3A_1943 : i32 to index
    %swap3A_1946 = arith.index_cast %swap3A_1944 : i32 to index
    %swap3A_1947 = arith.constant 368 : index
    %swap3A_1948 = tpu.vector_load %arg5[%swap3A_1945, %swap3A_1946, %swap3A_1947] {strides = array<i32>} : memref<1x32x512xf32, #tpu.memory_space<vmem>>, vector<1x1x16xf32>,
    %swap3A_1949 = vector.shape_cast %swap3A_1948 : vector<1x1x16xf32> to vector<16xf32>
    %swap3A_1950 = vector.shape_cast %get3A_1830 : vector<16xf32> to vector<1x1x16xf32>
    tpu.vector_store %arg5[%swap3A_1945, %swap3A_1946, %swap3A_1947], %swap3A_1950 {strides = array<i32>} : memref<1x32x512xf32, #tpu.memory_space<vmem>>, vector<1x1x16xf32>,
    %swap3A_1951 = arith.constant 0 : i32
    %swap3A_1952 = arith.constant 15 : i32
    %swap3A_1953 = arith.index_cast %swap3A_1951 : i32 to index
    %swap3A_1954 = arith.index_cast %swap3A_1952 : i32 to index
    %swap3A_1955 = arith.constant 368 : index
    %swap3A_1956 = tpu.vector_load %arg5[%swap3A_1953, %swap3A_1954, %swap3A_1955] {strides = array<i32>} : memref<1x32x512xf32, #tpu.memory_space<vmem>>, vector<1x1x16xf32>,
    %swap3A_1957 = vector.shape_cast %swap3A_1956 : vector<1x1x16xf32> to vector<16xf32>
    %swap3A_1958 = vector.shape_cast %get3A_1830 : vector<16xf32> to vector<1x1x16xf32>
    tpu.vector_store %arg5[%swap3A_1953, %swap3A_1954, %swap3A_1955], %swap3A_1958 {strides = array<i32>} : memref<1x32x512xf32, #tpu.memory_space<vmem>>, vector<1x1x16xf32>,
    %swap3A_1959 = arith.constant 0 : i32
    %swap3A_1960 = arith.constant 16 : i32
    %swap3A_1961 = arith.index_cast %swap3A_1959 : i32 to index
    %swap3A_1962 = arith.index_cast %swap3A_1960 : i32 to index
    %swap3A_1963 = arith.constant 368 : index
    %swap3A_1964 = tpu.vector_load %arg5[%swap3A_1961, %swap3A_1962, %swap3A_1963] {strides = array<i32>} : memref<1x32x512xf32, #tpu.memory_space<vmem>>, vector<1x1x16xf32>,
    %swap3A_1965 = vector.shape_cast %swap3A_1964 : vector<1x1x16xf32> to vector<16xf32>
    %swap3A_1966 = vector.shape_cast %get3A_1830 : vector<16xf32> to vector<1x1x16xf32>
    tpu.vector_store %arg5[%swap3A_1961, %swap3A_1962, %swap3A_1963], %swap3A_1966 {strides = array<i32>} : memref<1x32x512xf32, #tpu.memory_space<vmem>>, vector<1x1x16xf32>,
    %swap3A_1967 = arith.constant 0 : i32
    %swap3A_1968 = arith.constant 17 : i32
    %swap3A_1969 = arith.index_cast %swap3A_1967 : i32 to index
    %swap3A_1970 = arith.index_cast %swap3A_1968 : i32 to index
    %swap3A_1971 = arith.constant 368 : index
    %swap3A_1972 = tpu.vector_load %arg5[%swap3A_1969, %swap3A_1970, %swap3A_1971] {strides = array<i32>} : memref<1x32x512xf32, #tpu.memory_space<vmem>>, vector<1x1x16xf32>,
    %swap3A_1973 = vector.shape_cast %swap3A_1972 : vector<1x1x16xf32> to vector<16xf32>
    %swap3A_1974 = vector.shape_cast %get3A_1830 : vector<16xf32> to vector<1x1x16xf32>
    tpu.vector_store %arg5[%swap3A_1969, %swap3A_1970, %swap3A_1971], %swap3A_1974 {strides = array<i32>} : memref<1x32x512xf32, #tpu.memory_space<vmem>>, vector<1x1x16xf32>,
    %swap3A_1975 = arith.constant 0 : i32
    %swap3A_1976 = arith.constant 18 : i32
    %swap3A_1977 = arith.index_cast %swap3A_1975 : i32 to index
    %swap3A_1978 = arith.index_cast %swap3A_1976 : i32 to index
    %swap3A_1979 = arith.constant 368 : index
    %swap3A_1980 = tpu.vector_load %arg5[%swap3A_1977, %swap3A_1978, %swap3A_1979] {strides = array<i32>} : memref<1x32x512xf32, #tpu.memory_space<vmem>>, vector<1x1x16xf32>,
    %swap3A_1981 = vector.shape_cast %swap3A_1980 : vector<1x1x16xf32> to vector<16xf32>
    %swap3A_1982 = vector.shape_cast %get3A_1830 : vector<16xf32> to vector<1x1x16xf32>
    tpu.vector_store %arg5[%swap3A_1977, %swap3A_1978, %swap3A_1979], %swap3A_1982 {strides = array<i32>} : memref<1x32x512xf32, #tpu.memory_space<vmem>>, vector<1x1x16xf32>,
    %swap3A_1983 = arith.constant 0 : i32
    %swap3A_1984 = arith.constant 19 : i32
    %swap3A_1985 = arith.index_cast %swap3A_1983 : i32 to index
    %swap3A_1986 = arith.index_cast %swap3A_1984 : i32 to index
    %swap3A_1987 = arith.constant 368 : index
    %swap3A_1988 = tpu.vector_load %arg5[%swap3A_1985, %swap3A_1986, %swap3A_1987] {strides = array<i32>} : memref<1x32x512xf32, #tpu.memory_space<vmem>>, vector<1x1x16xf32>,
    %swap3A_1989 = vector.shape_cast %swap3A_1988 : vector<1x1x16xf32> to vector<16xf32>
    %swap3A_1990 = vector.shape_cast %get3A_1830 : vector<16xf32> to vector<1x1x16xf32>
    tpu.vector_store %arg5[%swap3A_1985, %swap3A_1986, %swap3A_1987], %swap3A_1990 {strides = array<i32>} : memref<1x32x512xf32, #tpu.memory_space<vmem>>, vector<1x1x16xf32>,
    %swap3A_1991 = arith.constant 0 : i32
    %swap3A_1992 = arith.constant 20 : i32
    %swap3A_1993 = arith.index_cast %swap3A_1991 : i32 to index
    %swap3A_1994 = arith.index_cast %swap3A_1992 : i32 to index
    %swap3A_1995 = arith.constant 368 : index
    %swap3A_1996 = tpu.vector_load %arg5[%swap3A_1993, %swap3A_1994, %swap3A_1995] {strides = array<i32>} : memref<1x32x512xf32, #tpu.memory_space<vmem>>, vector<1x1x16xf32>,
    %swap3A_1997 = vector.shape_cast %swap3A_1996 : vector<1x1x16xf32> to vector<16xf32>
    %swap3A_1998 = vector.shape_cast %get3A_1830 : vector<16xf32> to vector<1x1x16xf32>
    tpu.vector_store %arg5[%swap3A_1993, %swap3A_1994, %swap3A_1995], %swap3A_1998 {strides = array<i32>} : memref<1x32x512xf32, #tpu.memory_space<vmem>>, vector<1x1x16xf32>,
    %swap3A_1999 = arith.constant 0 : i32
    %swap3A_2000 = arith.constant 21 : i32
    %swap3A_2001 = arith.index_cast %swap3A_1999 : i32 to index
    %swap3A_2002 = arith.index_cast %swap3A_2000 : i32 to index
    %swap3A_2003 = arith.constant 368 : index
    %swap3A_2004 = tpu.vector_load %arg5[%swap3A_2001, %swap3A_2002, %swap3A_2003] {strides = array<i32>} : memref<1x32x512xf32, #tpu.memory_space<vmem>>, vector<1x1x16xf32>,
    %swap3A_2005 = vector.shape_cast %swap3A_2004 : vector<1x1x16xf32> to vector<16xf32>
    %swap3A_2006 = vector.shape_cast %get3A_1830 : vector<16xf32> to vector<1x1x16xf32>
    tpu.vector_store %arg5[%swap3A_2001, %swap3A_2002, %swap3A_2003], %swap3A_2006 {strides = array<i32>} : memref<1x32x512xf32, #tpu.memory_space<vmem>>, vector<1x1x16xf32>,
    %swap3A_2007 = arith.constant 0 : i32
    %swap3A_2008 = arith.constant 22 : i32
    %swap3A_2009 = arith.index_cast %swap3A_2007 : i32 to index
    %swap3A_2010 = arith.index_cast %swap3A_2008 : i32 to index
    %swap3A_2011 = arith.constant 368 : index
    %swap3A_2012 = tpu.vector_load %arg5[%swap3A_2009, %swap3A_2010, %swap3A_2011] {strides = array<i32>} : memref<1x32x512xf32, #tpu.memory_space<vmem>>, vector<1x1x16xf32>,
    %swap3A_2013 = vector.shape_cast %swap3A_2012 : vector<1x1x16xf32> to vector<16xf32>
    %swap3A_2014 = vector.shape_cast %get3A_1830 : vector<16xf32> to vector<1x1x16xf32>
    tpu.vector_store %arg5[%swap3A_2009, %swap3A_2010, %swap3A_2011], %swap3A_2014 {strides = array<i32>} : memref<1x32x512xf32, #tpu.memory_space<vmem>>, vector<1x1x16xf32>,
    %swap3A_2015 = arith.constant 0 : i32
    %swap3A_2016 = arith.constant 23 : i32
    %swap3A_2017 = arith.index_cast %swap3A_2015 : i32 to index
    %swap3A_2018 = arith.index_cast %swap3A_2016 : i32 to index
    %swap3A_2019 = arith.constant 368 : index
    %swap3A_2020 = tpu.vector_load %arg5[%swap3A_2017, %swap3A_2018, %swap3A_2019] {strides = array<i32>} : memref<1x32x512xf32, #tpu.memory_space<vmem>>, vector<1x1x16xf32>,
    %swap3A_2021 = vector.shape_cast %swap3A_2020 : vector<1x1x16xf32> to vector<16xf32>
    %swap3A_2022 = vector.shape_cast %get3A_1830 : vector<16xf32> to vector<1x1x16xf32>
    tpu.vector_store %arg5[%swap3A_2017, %swap3A_2018, %swap3A_2019], %swap3A_2022 {strides = array<i32>} : memref<1x32x512xf32, #tpu.memory_space<vmem>>, vector<1x1x16xf32>,
    %swap3A_2023 = arith.constant 0 : i32
    %swap3A_2024 = arith.constant 24 : i32
    %swap3A_2025 = arith.index_cast %swap3A_2023 : i32 to index
    %swap3A_2026 = arith.index_cast %swap3A_2024 : i32 to index
    %swap3A_2027 = arith.constant 368 : index
    %swap3A_2028 = tpu.vector_load %arg5[%swap3A_2025, %swap3A_2026, %swap3A_2027] {strides = array<i32>} : memref<1x32x512xf32, #tpu.memory_space<vmem>>, vector<1x1x16xf32>,
    %swap3A_2029 = vector.shape_cast %swap3A_2028 : vector<1x1x16xf32> to vector<16xf32>
    %swap3A_2030 = vector.shape_cast %get3A_1830 : vector<16xf32> to vector<1x1x16xf32>
    tpu.vector_store %arg5[%swap3A_2025, %swap3A_2026, %swap3A_2027], %swap3A_2030 {strides = array<i32>} : memref<1x32x512xf32, #tpu.memory_space<vmem>>, vector<1x1x16xf32>,
    %swap3A_2031 = arith.constant 0 : i32
    %swap3A_2032 = arith.constant 25 : i32
    %swap3A_2033 = arith.index_cast %swap3A_2031 : i32 to index
    %swap3A_2034 = arith.index_cast %swap3A_2032 : i32 to index
    %swap3A_2035 = arith.constant 368 : index
    %swap3A_2036 = tpu.vector_load %arg5[%swap3A_2033, %swap3A_2034, %swap3A_2035] {strides = array<i32>} : memref<1x32x512xf32, #tpu.memory_space<vmem>>, vector<1x1x16xf32>,
    %swap3A_2037 = vector.shape_cast %swap3A_2036 : vector<1x1x16xf32> to vector<16xf32>
    %swap3A_2038 = vector.shape_cast %get3A_1830 : vector<16xf32> to vector<1x1x16xf32>
    tpu.vector_store %arg5[%swap3A_2033, %swap3A_2034, %swap3A_2035], %swap3A_2038 {strides = array<i32>} : memref<1x32x512xf32, #tpu.memory_space<vmem>>, vector<1x1x16xf32>,
    %swap3A_2039 = arith.constant 0 : i32
    %swap3A_2040 = arith.constant 26 : i32
    %swap3A_2041 = arith.index_cast %swap3A_2039 : i32 to index
    %swap3A_2042 = arith.index_cast %swap3A_2040 : i32 to index
    %swap3A_2043 = arith.constant 368 : index
    %swap3A_2044 = tpu.vector_load %arg5[%swap3A_2041, %swap3A_2042, %swap3A_2043] {strides = array<i32>} : memref<1x32x512xf32, #tpu.memory_space<vmem>>, vector<1x1x16xf32>,
    %swap3A_2045 = vector.shape_cast %swap3A_2044 : vector<1x1x16xf32> to vector<16xf32>
    %swap3A_2046 = vector.shape_cast %get3A_1830 : vector<16xf32> to vector<1x1x16xf32>
    tpu.vector_store %arg5[%swap3A_2041, %swap3A_2042, %swap3A_2043], %swap3A_2046 {strides = array<i32>} : memref<1x32x512xf32, #tpu.memory_space<vmem>>, vector<1x1x16xf32>,
    %swap3A_2047 = arith.constant 0 : i32
    %swap3A_2048 = arith.constant 27 : i32
    %swap3A_2049 = arith.index_cast %swap3A_2047 : i32 to index
    %swap3A_2050 = arith.index_cast %swap3A_2048 : i32 to index
    %swap3A_2051 = arith.constant 368 : index
    %swap3A_2052 = tpu.vector_load %arg5[%swap3A_2049, %swap3A_2050, %swap3A_2051] {strides = array<i32>} : memref<1x32x512xf32, #tpu.memory_space<vmem>>, vector<1x1x16xf32>,
    %swap3A_2053 = vector.shape_cast %swap3A_2052 : vector<1x1x16xf32> to vector<16xf32>
    %swap3A_2054 = vector.shape_cast %get3A_1830 : vector<16xf32> to vector<1x1x16xf32>
    tpu.vector_store %arg5[%swap3A_2049, %swap3A_2050, %swap3A_2051], %swap3A_2054 {strides = array<i32>} : memref<1x32x512xf32, #tpu.memory_space<vmem>>, vector<1x1x16xf32>,
    %swap3A_2055 = arith.constant 0 : i32
    %swap3A_2056 = arith.constant 28 : i32
    %swap3A_2057 = arith.index_cast %swap3A_2055 : i32 to index
    %swap3A_2058 = arith.index_cast %swap3A_2056 : i32 to index
    %swap3A_2059 = arith.constant 368 : index
    %swap3A_2060 = tpu.vector_load %arg5[%swap3A_2057, %swap3A_2058, %swap3A_2059] {strides = array<i32>} : memref<1x32x512xf32, #tpu.memory_space<vmem>>, vector<1x1x16xf32>,
    %swap3A_2061 = vector.shape_cast %swap3A_2060 : vector<1x1x16xf32> to vector<16xf32>
    %swap3A_2062 = vector.shape_cast %get3A_1830 : vector<16xf32> to vector<1x1x16xf32>
    tpu.vector_store %arg5[%swap3A_2057, %swap3A_2058, %swap3A_2059], %swap3A_2062 {strides = array<i32>} : memref<1x32x512xf32, #tpu.memory_space<vmem>>, vector<1x1x16xf32>,
    %swap3A_2063 = arith.constant 0 : i32
    %swap3A_2064 = arith.constant 29 : i32
    %swap3A_2065 = arith.index_cast %swap3A_2063 : i32 to index
    %swap3A_2066 = arith.index_cast %swap3A_2064 : i32 to index
    %swap3A_2067 = arith.constant 368 : index
    %swap3A_2068 = tpu.vector_load %arg5[%swap3A_2065, %swap3A_2066, %swap3A_2067] {strides = array<i32>} : memref<1x32x512xf32, #tpu.memory_space<vmem>>, vector<1x1x16xf32>,
    %swap3A_2069 = vector.shape_cast %swap3A_2068 : vector<1x1x16xf32> to vector<16xf32>
    %swap3A_2070 = vector.shape_cast %get3A_1830 : vector<16xf32> to vector<1x1x16xf32>
    tpu.vector_store %arg5[%swap3A_2065, %swap3A_2066, %swap3A_2067], %swap3A_2070 {strides = array<i32>} : memref<1x32x512xf32, #tpu.memory_space<vmem>>, vector<1x1x16xf32>,
    %swap3A_2071 = arith.constant 0 : i32
    %swap3A_2072 = arith.constant 30 : i32
    %swap3A_2073 = arith.index_cast %swap3A_2071 : i32 to index
    %swap3A_2074 = arith.index_cast %swap3A_2072 : i32 to index
    %swap3A_2075 = arith.constant 368 : index
    %swap3A_2076 = tpu.vector_load %arg5[%swap3A_2073, %swap3A_2074, %swap3A_2075] {strides = array<i32>} : memref<1x32x512xf32, #tpu.memory_space<vmem>>, vector<1x1x16xf32>,
    %swap3A_2077 = vector.shape_cast %swap3A_2076 : vector<1x1x16xf32> to vector<16xf32>
    %swap3A_2078 = vector.shape_cast %get3A_1830 : vector<16xf32> to vector<1x1x16xf32>
    tpu.vector_store %arg5[%swap3A_2073, %swap3A_2074, %swap3A_2075], %swap3A_2078 {strides = array<i32>} : memref<1x32x512xf32, #tpu.memory_space<vmem>>, vector<1x1x16xf32>,
    %swap3A_2079 = arith.constant 0 : i32
    %swap3A_2080 = arith.constant 31 : i32
    %swap3A_2081 = arith.index_cast %swap3A_2079 : i32 to index
    %swap3A_2082 = arith.index_cast %swap3A_2080 : i32 to index
    %swap3A_2083 = arith.constant 368 : index
    %swap3A_2084 = tpu.vector_load %arg5[%swap3A_2081, %swap3A_2082, %swap3A_2083] {strides = array<i32>} : memref<1x32x512xf32, #tpu.memory_space<vmem>>, vector<1x1x16xf32>,
    %swap3A_2085 = vector.shape_cast %swap3A_2084 : vector<1x1x16xf32> to vector<16xf32>
    %swap3A_2086 = vector.shape_cast %get3A_1830 : vector<16xf32> to vector<1x1x16xf32>
    tpu.vector_store %arg5[%swap3A_2081, %swap3A_2082, %swap3A_2083], %swap3A_2086 {strides = array<i32>} : memref<1x32x512xf32, #tpu.memory_space<vmem>>, vector<1x1x16xf32>,
    %get3A_2087 = arith.constant 0 : i32
    %get3A_2088 = arith.index_cast %get3A_2087 : i32 to index
    %get3A_2089 = arith.constant 128 : index
    %get3A_2090 = tpu.vector_load %arg6[%get3A_2088, %get3A_2089] {strides = array<i32>} : memref<1x256xf32, #tpu.memory_space<vmem>>, vector<1x16xf32>,
    %get3A_2091 = vector.shape_cast %get3A_2090 : vector<1x16xf32> to vector<16xf32>
    %swap3A_2092 = arith.constant 0 : i32
    %swap3A_2093 = arith.constant 0 : i32
    %swap3A_2094 = arith.index_cast %swap3A_2092 : i32 to index
    %swap3A_2095 = arith.index_cast %swap3A_2093 : i32 to index
    %swap3A_2096 = arith.constant 384 : index
    %swap3A_2097 = tpu.vector_load %arg5[%swap3A_2094, %swap3A_2095, %swap3A_2096] {strides = array<i32>} : memref<1x32x512xf32, #tpu.memory_space<vmem>>, vector<1x1x16xf32>,
    %swap3A_2098 = vector.shape_cast %swap3A_2097 : vector<1x1x16xf32> to vector<16xf32>
    %swap3A_2099 = vector.shape_cast %get3A_2091 : vector<16xf32> to vector<1x1x16xf32>
    tpu.vector_store %arg5[%swap3A_2094, %swap3A_2095, %swap3A_2096], %swap3A_2099 {strides = array<i32>} : memref<1x32x512xf32, #tpu.memory_space<vmem>>, vector<1x1x16xf32>,
    %swap3A_2100 = arith.constant 0 : i32
    %swap3A_2101 = arith.constant 1 : i32
    %swap3A_2102 = arith.index_cast %swap3A_2100 : i32 to index
    %swap3A_2103 = arith.index_cast %swap3A_2101 : i32 to index
    %swap3A_2104 = arith.constant 384 : index
    %swap3A_2105 = tpu.vector_load %arg5[%swap3A_2102, %swap3A_2103, %swap3A_2104] {strides = array<i32>} : memref<1x32x512xf32, #tpu.memory_space<vmem>>, vector<1x1x16xf32>,
    %swap3A_2106 = vector.shape_cast %swap3A_2105 : vector<1x1x16xf32> to vector<16xf32>
    %swap3A_2107 = vector.shape_cast %get3A_2091 : vector<16xf32> to vector<1x1x16xf32>
    tpu.vector_store %arg5[%swap3A_2102, %swap3A_2103, %swap3A_2104], %swap3A_2107 {strides = array<i32>} : memref<1x32x512xf32, #tpu.memory_space<vmem>>, vector<1x1x16xf32>,
    %swap3A_2108 = arith.constant 0 : i32
    %swap3A_2109 = arith.constant 2 : i32
    %swap3A_2110 = arith.index_cast %swap3A_2108 : i32 to index
    %swap3A_2111 = arith.index_cast %swap3A_2109 : i32 to index
    %swap3A_2112 = arith.constant 384 : index
    %swap3A_2113 = tpu.vector_load %arg5[%swap3A_2110, %swap3A_2111, %swap3A_2112] {strides = array<i32>} : memref<1x32x512xf32, #tpu.memory_space<vmem>>, vector<1x1x16xf32>,
    %swap3A_2114 = vector.shape_cast %swap3A_2113 : vector<1x1x16xf32> to vector<16xf32>
    %swap3A_2115 = vector.shape_cast %get3A_2091 : vector<16xf32> to vector<1x1x16xf32>
    tpu.vector_store %arg5[%swap3A_2110, %swap3A_2111, %swap3A_2112], %swap3A_2115 {strides = array<i32>} : memref<1x32x512xf32, #tpu.memory_space<vmem>>, vector<1x1x16xf32>,
    %swap3A_2116 = arith.constant 0 : i32
    %swap3A_2117 = arith.constant 3 : i32
    %swap3A_2118 = arith.index_cast %swap3A_2116 : i32 to index
    %swap3A_2119 = arith.index_cast %swap3A_2117 : i32 to index
    %swap3A_2120 = arith.constant 384 : index
    %swap3A_2121 = tpu.vector_load %arg5[%swap3A_2118, %swap3A_2119, %swap3A_2120] {strides = array<i32>} : memref<1x32x512xf32, #tpu.memory_space<vmem>>, vector<1x1x16xf32>,
    %swap3A_2122 = vector.shape_cast %swap3A_2121 : vector<1x1x16xf32> to vector<16xf32>
    %swap3A_2123 = vector.shape_cast %get3A_2091 : vector<16xf32> to vector<1x1x16xf32>
    tpu.vector_store %arg5[%swap3A_2118, %swap3A_2119, %swap3A_2120], %swap3A_2123 {strides = array<i32>} : memref<1x32x512xf32, #tpu.memory_space<vmem>>, vector<1x1x16xf32>,
    %swap3A_2124 = arith.constant 0 : i32
    %swap3A_2125 = arith.constant 4 : i32
    %swap3A_2126 = arith.index_cast %swap3A_2124 : i32 to index
    %swap3A_2127 = arith.index_cast %swap3A_2125 : i32 to index
    %swap3A_2128 = arith.constant 384 : index
    %swap3A_2129 = tpu.vector_load %arg5[%swap3A_2126, %swap3A_2127, %swap3A_2128] {strides = array<i32>} : memref<1x32x512xf32, #tpu.memory_space<vmem>>, vector<1x1x16xf32>,
    %swap3A_2130 = vector.shape_cast %swap3A_2129 : vector<1x1x16xf32> to vector<16xf32>
    %swap3A_2131 = vector.shape_cast %get3A_2091 : vector<16xf32> to vector<1x1x16xf32>
    tpu.vector_store %arg5[%swap3A_2126, %swap3A_2127, %swap3A_2128], %swap3A_2131 {strides = array<i32>} : memref<1x32x512xf32, #tpu.memory_space<vmem>>, vector<1x1x16xf32>,
    %swap3A_2132 = arith.constant 0 : i32
    %swap3A_2133 = arith.constant 5 : i32
    %swap3A_2134 = arith.index_cast %swap3A_2132 : i32 to index
    %swap3A_2135 = arith.index_cast %swap3A_2133 : i32 to index
    %swap3A_2136 = arith.constant 384 : index
    %swap3A_2137 = tpu.vector_load %arg5[%swap3A_2134, %swap3A_2135, %swap3A_2136] {strides = array<i32>} : memref<1x32x512xf32, #tpu.memory_space<vmem>>, vector<1x1x16xf32>,
    %swap3A_2138 = vector.shape_cast %swap3A_2137 : vector<1x1x16xf32> to vector<16xf32>
    %swap3A_2139 = vector.shape_cast %get3A_2091 : vector<16xf32> to vector<1x1x16xf32>
    tpu.vector_store %arg5[%swap3A_2134, %swap3A_2135, %swap3A_2136], %swap3A_2139 {strides = array<i32>} : memref<1x32x512xf32, #tpu.memory_space<vmem>>, vector<1x1x16xf32>,
    %swap3A_2140 = arith.constant 0 : i32
    %swap3A_2141 = arith.constant 6 : i32
    %swap3A_2142 = arith.index_cast %swap3A_2140 : i32 to index
    %swap3A_2143 = arith.index_cast %swap3A_2141 : i32 to index
    %swap3A_2144 = arith.constant 384 : index
    %swap3A_2145 = tpu.vector_load %arg5[%swap3A_2142, %swap3A_2143, %swap3A_2144] {strides = array<i32>} : memref<1x32x512xf32, #tpu.memory_space<vmem>>, vector<1x1x16xf32>,
    %swap3A_2146 = vector.shape_cast %swap3A_2145 : vector<1x1x16xf32> to vector<16xf32>
    %swap3A_2147 = vector.shape_cast %get3A_2091 : vector<16xf32> to vector<1x1x16xf32>
    tpu.vector_store %arg5[%swap3A_2142, %swap3A_2143, %swap3A_2144], %swap3A_2147 {strides = array<i32>} : memref<1x32x512xf32, #tpu.memory_space<vmem>>, vector<1x1x16xf32>,
    %swap3A_2148 = arith.constant 0 : i32
    %swap3A_2149 = arith.constant 7 : i32
    %swap3A_2150 = arith.index_cast %swap3A_2148 : i32 to index
    %swap3A_2151 = arith.index_cast %swap3A_2149 : i32 to index
    %swap3A_2152 = arith.constant 384 : index
    %swap3A_2153 = tpu.vector_load %arg5[%swap3A_2150, %swap3A_2151, %swap3A_2152] {strides = array<i32>} : memref<1x32x512xf32, #tpu.memory_space<vmem>>, vector<1x1x16xf32>,
    %swap3A_2154 = vector.shape_cast %swap3A_2153 : vector<1x1x16xf32> to vector<16xf32>
    %swap3A_2155 = vector.shape_cast %get3A_2091 : vector<16xf32> to vector<1x1x16xf32>
    tpu.vector_store %arg5[%swap3A_2150, %swap3A_2151, %swap3A_2152], %swap3A_2155 {strides = array<i32>} : memref<1x32x512xf32, #tpu.memory_space<vmem>>, vector<1x1x16xf32>,
    %swap3A_2156 = arith.constant 0 : i32
    %swap3A_2157 = arith.constant 8 : i32
    %swap3A_2158 = arith.index_cast %swap3A_2156 : i32 to index
    %swap3A_2159 = arith.index_cast %swap3A_2157 : i32 to index
    %swap3A_2160 = arith.constant 384 : index
    %swap3A_2161 = tpu.vector_load %arg5[%swap3A_2158, %swap3A_2159, %swap3A_2160] {strides = array<i32>} : memref<1x32x512xf32, #tpu.memory_space<vmem>>, vector<1x1x16xf32>,
    %swap3A_2162 = vector.shape_cast %swap3A_2161 : vector<1x1x16xf32> to vector<16xf32>
    %swap3A_2163 = vector.shape_cast %get3A_2091 : vector<16xf32> to vector<1x1x16xf32>
    tpu.vector_store %arg5[%swap3A_2158, %swap3A_2159, %swap3A_2160], %swap3A_2163 {strides = array<i32>} : memref<1x32x512xf32, #tpu.memory_space<vmem>>, vector<1x1x16xf32>,
    %swap3A_2164 = arith.constant 0 : i32
    %swap3A_2165 = arith.constant 9 : i32
    %swap3A_2166 = arith.index_cast %swap3A_2164 : i32 to index
    %swap3A_2167 = arith.index_cast %swap3A_2165 : i32 to index
    %swap3A_2168 = arith.constant 384 : index
    %swap3A_2169 = tpu.vector_load %arg5[%swap3A_2166, %swap3A_2167, %swap3A_2168] {strides = array<i32>} : memref<1x32x512xf32, #tpu.memory_space<vmem>>, vector<1x1x16xf32>,
    %swap3A_2170 = vector.shape_cast %swap3A_2169 : vector<1x1x16xf32> to vector<16xf32>
    %swap3A_2171 = vector.shape_cast %get3A_2091 : vector<16xf32> to vector<1x1x16xf32>
    tpu.vector_store %arg5[%swap3A_2166, %swap3A_2167, %swap3A_2168], %swap3A_2171 {strides = array<i32>} : memref<1x32x512xf32, #tpu.memory_space<vmem>>, vector<1x1x16xf32>,
    %swap3A_2172 = arith.constant 0 : i32
    %swap3A_2173 = arith.constant 10 : i32
    %swap3A_2174 = arith.index_cast %swap3A_2172 : i32 to index
    %swap3A_2175 = arith.index_cast %swap3A_2173 : i32 to index
    %swap3A_2176 = arith.constant 384 : index
    %swap3A_2177 = tpu.vector_load %arg5[%swap3A_2174, %swap3A_2175, %swap3A_2176] {strides = array<i32>} : memref<1x32x512xf32, #tpu.memory_space<vmem>>, vector<1x1x16xf32>,
    %swap3A_2178 = vector.shape_cast %swap3A_2177 : vector<1x1x16xf32> to vector<16xf32>
    %swap3A_2179 = vector.shape_cast %get3A_2091 : vector<16xf32> to vector<1x1x16xf32>
    tpu.vector_store %arg5[%swap3A_2174, %swap3A_2175, %swap3A_2176], %swap3A_2179 {strides = array<i32>} : memref<1x32x512xf32, #tpu.memory_space<vmem>>, vector<1x1x16xf32>,
    %swap3A_2180 = arith.constant 0 : i32
    %swap3A_2181 = arith.constant 11 : i32
    %swap3A_2182 = arith.index_cast %swap3A_2180 : i32 to index
    %swap3A_2183 = arith.index_cast %swap3A_2181 : i32 to index
    %swap3A_2184 = arith.constant 384 : index
    %swap3A_2185 = tpu.vector_load %arg5[%swap3A_2182, %swap3A_2183, %swap3A_2184] {strides = array<i32>} : memref<1x32x512xf32, #tpu.memory_space<vmem>>, vector<1x1x16xf32>,
    %swap3A_2186 = vector.shape_cast %swap3A_2185 : vector<1x1x16xf32> to vector<16xf32>
    %swap3A_2187 = vector.shape_cast %get3A_2091 : vector<16xf32> to vector<1x1x16xf32>
    tpu.vector_store %arg5[%swap3A_2182, %swap3A_2183, %swap3A_2184], %swap3A_2187 {strides = array<i32>} : memref<1x32x512xf32, #tpu.memory_space<vmem>>, vector<1x1x16xf32>,
    %swap3A_2188 = arith.constant 0 : i32
    %swap3A_2189 = arith.constant 12 : i32
    %swap3A_2190 = arith.index_cast %swap3A_2188 : i32 to index
    %swap3A_2191 = arith.index_cast %swap3A_2189 : i32 to index
    %swap3A_2192 = arith.constant 384 : index
    %swap3A_2193 = tpu.vector_load %arg5[%swap3A_2190, %swap3A_2191, %swap3A_2192] {strides = array<i32>} : memref<1x32x512xf32, #tpu.memory_space<vmem>>, vector<1x1x16xf32>,
    %swap3A_2194 = vector.shape_cast %swap3A_2193 : vector<1x1x16xf32> to vector<16xf32>
    %swap3A_2195 = vector.shape_cast %get3A_2091 : vector<16xf32> to vector<1x1x16xf32>
    tpu.vector_store %arg5[%swap3A_2190, %swap3A_2191, %swap3A_2192], %swap3A_2195 {strides = array<i32>} : memref<1x32x512xf32, #tpu.memory_space<vmem>>, vector<1x1x16xf32>,
    %swap3A_2196 = arith.constant 0 : i32
    %swap3A_2197 = arith.constant 13 : i32
    %swap3A_2198 = arith.index_cast %swap3A_2196 : i32 to index
    %swap3A_2199 = arith.index_cast %swap3A_2197 : i32 to index
    %swap3A_2200 = arith.constant 384 : index
    %swap3A_2201 = tpu.vector_load %arg5[%swap3A_2198, %swap3A_2199, %swap3A_2200] {strides = array<i32>} : memref<1x32x512xf32, #tpu.memory_space<vmem>>, vector<1x1x16xf32>,
    %swap3A_2202 = vector.shape_cast %swap3A_2201 : vector<1x1x16xf32> to vector<16xf32>
    %swap3A_2203 = vector.shape_cast %get3A_2091 : vector<16xf32> to vector<1x1x16xf32>
    tpu.vector_store %arg5[%swap3A_2198, %swap3A_2199, %swap3A_2200], %swap3A_2203 {strides = array<i32>} : memref<1x32x512xf32, #tpu.memory_space<vmem>>, vector<1x1x16xf32>,
    %swap3A_2204 = arith.constant 0 : i32
    %swap3A_2205 = arith.constant 14 : i32
    %swap3A_2206 = arith.index_cast %swap3A_2204 : i32 to index
    %swap3A_2207 = arith.index_cast %swap3A_2205 : i32 to index
    %swap3A_2208 = arith.constant 384 : index
    %swap3A_2209 = tpu.vector_load %arg5[%swap3A_2206, %swap3A_2207, %swap3A_2208] {strides = array<i32>} : memref<1x32x512xf32, #tpu.memory_space<vmem>>, vector<1x1x16xf32>,
    %swap3A_2210 = vector.shape_cast %swap3A_2209 : vector<1x1x16xf32> to vector<16xf32>
    %swap3A_2211 = vector.shape_cast %get3A_2091 : vector<16xf32> to vector<1x1x16xf32>
    tpu.vector_store %arg5[%swap3A_2206, %swap3A_2207, %swap3A_2208], %swap3A_2211 {strides = array<i32>} : memref<1x32x512xf32, #tpu.memory_space<vmem>>, vector<1x1x16xf32>,
    %swap3A_2212 = arith.constant 0 : i32
    %swap3A_2213 = arith.constant 15 : i32
    %swap3A_2214 = arith.index_cast %swap3A_2212 : i32 to index
    %swap3A_2215 = arith.index_cast %swap3A_2213 : i32 to index
    %swap3A_2216 = arith.constant 384 : index
    %swap3A_2217 = tpu.vector_load %arg5[%swap3A_2214, %swap3A_2215, %swap3A_2216] {strides = array<i32>} : memref<1x32x512xf32, #tpu.memory_space<vmem>>, vector<1x1x16xf32>,
    %swap3A_2218 = vector.shape_cast %swap3A_2217 : vector<1x1x16xf32> to vector<16xf32>
    %swap3A_2219 = vector.shape_cast %get3A_2091 : vector<16xf32> to vector<1x1x16xf32>
    tpu.vector_store %arg5[%swap3A_2214, %swap3A_2215, %swap3A_2216], %swap3A_2219 {strides = array<i32>} : memref<1x32x512xf32, #tpu.memory_space<vmem>>, vector<1x1x16xf32>,
    %swap3A_2220 = arith.constant 0 : i32
    %swap3A_2221 = arith.constant 16 : i32
    %swap3A_2222 = arith.index_cast %swap3A_2220 : i32 to index
    %swap3A_2223 = arith.index_cast %swap3A_2221 : i32 to index
    %swap3A_2224 = arith.constant 384 : index
    %swap3A_2225 = tpu.vector_load %arg5[%swap3A_2222, %swap3A_2223, %swap3A_2224] {strides = array<i32>} : memref<1x32x512xf32, #tpu.memory_space<vmem>>, vector<1x1x16xf32>,
    %swap3A_2226 = vector.shape_cast %swap3A_2225 : vector<1x1x16xf32> to vector<16xf32>
    %swap3A_2227 = vector.shape_cast %get3A_2091 : vector<16xf32> to vector<1x1x16xf32>
    tpu.vector_store %arg5[%swap3A_2222, %swap3A_2223, %swap3A_2224], %swap3A_2227 {strides = array<i32>} : memref<1x32x512xf32, #tpu.memory_space<vmem>>, vector<1x1x16xf32>,
    %swap3A_2228 = arith.constant 0 : i32
    %swap3A_2229 = arith.constant 17 : i32
    %swap3A_2230 = arith.index_cast %swap3A_2228 : i32 to index
    %swap3A_2231 = arith.index_cast %swap3A_2229 : i32 to index
    %swap3A_2232 = arith.constant 384 : index
    %swap3A_2233 = tpu.vector_load %arg5[%swap3A_2230, %swap3A_2231, %swap3A_2232] {strides = array<i32>} : memref<1x32x512xf32, #tpu.memory_space<vmem>>, vector<1x1x16xf32>,
    %swap3A_2234 = vector.shape_cast %swap3A_2233 : vector<1x1x16xf32> to vector<16xf32>
    %swap3A_2235 = vector.shape_cast %get3A_2091 : vector<16xf32> to vector<1x1x16xf32>
    tpu.vector_store %arg5[%swap3A_2230, %swap3A_2231, %swap3A_2232], %swap3A_2235 {strides = array<i32>} : memref<1x32x512xf32, #tpu.memory_space<vmem>>, vector<1x1x16xf32>,
    %swap3A_2236 = arith.constant 0 : i32
    %swap3A_2237 = arith.constant 18 : i32
    %swap3A_2238 = arith.index_cast %swap3A_2236 : i32 to index
    %swap3A_2239 = arith.index_cast %swap3A_2237 : i32 to index
    %swap3A_2240 = arith.constant 384 : index
    %swap3A_2241 = tpu.vector_load %arg5[%swap3A_2238, %swap3A_2239, %swap3A_2240] {strides = array<i32>} : memref<1x32x512xf32, #tpu.memory_space<vmem>>, vector<1x1x16xf32>,
    %swap3A_2242 = vector.shape_cast %swap3A_2241 : vector<1x1x16xf32> to vector<16xf32>
    %swap3A_2243 = vector.shape_cast %get3A_2091 : vector<16xf32> to vector<1x1x16xf32>
    tpu.vector_store %arg5[%swap3A_2238, %swap3A_2239, %swap3A_2240], %swap3A_2243 {strides = array<i32>} : memref<1x32x512xf32, #tpu.memory_space<vmem>>, vector<1x1x16xf32>,
    %swap3A_2244 = arith.constant 0 : i32
    %swap3A_2245 = arith.constant 19 : i32
    %swap3A_2246 = arith.index_cast %swap3A_2244 : i32 to index
    %swap3A_2247 = arith.index_cast %swap3A_2245 : i32 to index
    %swap3A_2248 = arith.constant 384 : index
    %swap3A_2249 = tpu.vector_load %arg5[%swap3A_2246, %swap3A_2247, %swap3A_2248] {strides = array<i32>} : memref<1x32x512xf32, #tpu.memory_space<vmem>>, vector<1x1x16xf32>,
    %swap3A_2250 = vector.shape_cast %swap3A_2249 : vector<1x1x16xf32> to vector<16xf32>
    %swap3A_2251 = vector.shape_cast %get3A_2091 : vector<16xf32> to vector<1x1x16xf32>
    tpu.vector_store %arg5[%swap3A_2246, %swap3A_2247, %swap3A_2248], %swap3A_2251 {strides = array<i32>} : memref<1x32x512xf32, #tpu.memory_space<vmem>>, vector<1x1x16xf32>,
    %swap3A_2252 = arith.constant 0 : i32
    %swap3A_2253 = arith.constant 20 : i32
    %swap3A_2254 = arith.index_cast %swap3A_2252 : i32 to index
    %swap3A_2255 = arith.index_cast %swap3A_2253 : i32 to index
    %swap3A_2256 = arith.constant 384 : index
    %swap3A_2257 = tpu.vector_load %arg5[%swap3A_2254, %swap3A_2255, %swap3A_2256] {strides = array<i32>} : memref<1x32x512xf32, #tpu.memory_space<vmem>>, vector<1x1x16xf32>,
    %swap3A_2258 = vector.shape_cast %swap3A_2257 : vector<1x1x16xf32> to vector<16xf32>
    %swap3A_2259 = vector.shape_cast %get3A_2091 : vector<16xf32> to vector<1x1x16xf32>
    tpu.vector_store %arg5[%swap3A_2254, %swap3A_2255, %swap3A_2256], %swap3A_2259 {strides = array<i32>} : memref<1x32x512xf32, #tpu.memory_space<vmem>>, vector<1x1x16xf32>,
    %swap3A_2260 = arith.constant 0 : i32
    %swap3A_2261 = arith.constant 21 : i32
    %swap3A_2262 = arith.index_cast %swap3A_2260 : i32 to index
    %swap3A_2263 = arith.index_cast %swap3A_2261 : i32 to index
    %swap3A_2264 = arith.constant 384 : index
    %swap3A_2265 = tpu.vector_load %arg5[%swap3A_2262, %swap3A_2263, %swap3A_2264] {strides = array<i32>} : memref<1x32x512xf32, #tpu.memory_space<vmem>>, vector<1x1x16xf32>,
    %swap3A_2266 = vector.shape_cast %swap3A_2265 : vector<1x1x16xf32> to vector<16xf32>
    %swap3A_2267 = vector.shape_cast %get3A_2091 : vector<16xf32> to vector<1x1x16xf32>
    tpu.vector_store %arg5[%swap3A_2262, %swap3A_2263, %swap3A_2264], %swap3A_2267 {strides = array<i32>} : memref<1x32x512xf32, #tpu.memory_space<vmem>>, vector<1x1x16xf32>,
    %swap3A_2268 = arith.constant 0 : i32
    %swap3A_2269 = arith.constant 22 : i32
    %swap3A_2270 = arith.index_cast %swap3A_2268 : i32 to index
    %swap3A_2271 = arith.index_cast %swap3A_2269 : i32 to index
    %swap3A_2272 = arith.constant 384 : index
    %swap3A_2273 = tpu.vector_load %arg5[%swap3A_2270, %swap3A_2271, %swap3A_2272] {strides = array<i32>} : memref<1x32x512xf32, #tpu.memory_space<vmem>>, vector<1x1x16xf32>,
    %swap3A_2274 = vector.shape_cast %swap3A_2273 : vector<1x1x16xf32> to vector<16xf32>
    %swap3A_2275 = vector.shape_cast %get3A_2091 : vector<16xf32> to vector<1x1x16xf32>
    tpu.vector_store %arg5[%swap3A_2270, %swap3A_2271, %swap3A_2272], %swap3A_2275 {strides = array<i32>} : memref<1x32x512xf32, #tpu.memory_space<vmem>>, vector<1x1x16xf32>,
    %swap3A_2276 = arith.constant 0 : i32
    %swap3A_2277 = arith.constant 23 : i32
    %swap3A_2278 = arith.index_cast %swap3A_2276 : i32 to index
    %swap3A_2279 = arith.index_cast %swap3A_2277 : i32 to index
    %swap3A_2280 = arith.constant 384 : index
    %swap3A_2281 = tpu.vector_load %arg5[%swap3A_2278, %swap3A_2279, %swap3A_2280] {strides = array<i32>} : memref<1x32x512xf32, #tpu.memory_space<vmem>>, vector<1x1x16xf32>,
    %swap3A_2282 = vector.shape_cast %swap3A_2281 : vector<1x1x16xf32> to vector<16xf32>
    %swap3A_2283 = vector.shape_cast %get3A_2091 : vector<16xf32> to vector<1x1x16xf32>
    tpu.vector_store %arg5[%swap3A_2278, %swap3A_2279, %swap3A_2280], %swap3A_2283 {strides = array<i32>} : memref<1x32x512xf32, #tpu.memory_space<vmem>>, vector<1x1x16xf32>,
    %swap3A_2284 = arith.constant 0 : i32
    %swap3A_2285 = arith.constant 24 : i32
    %swap3A_2286 = arith.index_cast %swap3A_2284 : i32 to index
    %swap3A_2287 = arith.index_cast %swap3A_2285 : i32 to index
    %swap3A_2288 = arith.constant 384 : index
    %swap3A_2289 = tpu.vector_load %arg5[%swap3A_2286, %swap3A_2287, %swap3A_2288] {strides = array<i32>} : memref<1x32x512xf32, #tpu.memory_space<vmem>>, vector<1x1x16xf32>,
    %swap3A_2290 = vector.shape_cast %swap3A_2289 : vector<1x1x16xf32> to vector<16xf32>
    %swap3A_2291 = vector.shape_cast %get3A_2091 : vector<16xf32> to vector<1x1x16xf32>
    tpu.vector_store %arg5[%swap3A_2286, %swap3A_2287, %swap3A_2288], %swap3A_2291 {strides = array<i32>} : memref<1x32x512xf32, #tpu.memory_space<vmem>>, vector<1x1x16xf32>,
    %swap3A_2292 = arith.constant 0 : i32
    %swap3A_2293 = arith.constant 25 : i32
    %swap3A_2294 = arith.index_cast %swap3A_2292 : i32 to index
    %swap3A_2295 = arith.index_cast %swap3A_2293 : i32 to index
    %swap3A_2296 = arith.constant 384 : index
    %swap3A_2297 = tpu.vector_load %arg5[%swap3A_2294, %swap3A_2295, %swap3A_2296] {strides = array<i32>} : memref<1x32x512xf32, #tpu.memory_space<vmem>>, vector<1x1x16xf32>,
    %swap3A_2298 = vector.shape_cast %swap3A_2297 : vector<1x1x16xf32> to vector<16xf32>
    %swap3A_2299 = vector.shape_cast %get3A_2091 : vector<16xf32> to vector<1x1x16xf32>
    tpu.vector_store %arg5[%swap3A_2294, %swap3A_2295, %swap3A_2296], %swap3A_2299 {strides = array<i32>} : memref<1x32x512xf32, #tpu.memory_space<vmem>>, vector<1x1x16xf32>,
    %swap3A_2300 = arith.constant 0 : i32
    %swap3A_2301 = arith.constant 26 : i32
    %swap3A_2302 = arith.index_cast %swap3A_2300 : i32 to index
    %swap3A_2303 = arith.index_cast %swap3A_2301 : i32 to index
    %swap3A_2304 = arith.constant 384 : index
    %swap3A_2305 = tpu.vector_load %arg5[%swap3A_2302, %swap3A_2303, %swap3A_2304] {strides = array<i32>} : memref<1x32x512xf32, #tpu.memory_space<vmem>>, vector<1x1x16xf32>,
    %swap3A_2306 = vector.shape_cast %swap3A_2305 : vector<1x1x16xf32> to vector<16xf32>
    %swap3A_2307 = vector.shape_cast %get3A_2091 : vector<16xf32> to vector<1x1x16xf32>
    tpu.vector_store %arg5[%swap3A_2302, %swap3A_2303, %swap3A_2304], %swap3A_2307 {strides = array<i32>} : memref<1x32x512xf32, #tpu.memory_space<vmem>>, vector<1x1x16xf32>,
    %swap3A_2308 = arith.constant 0 : i32
    %swap3A_2309 = arith.constant 27 : i32
    %swap3A_2310 = arith.index_cast %swap3A_2308 : i32 to index
    %swap3A_2311 = arith.index_cast %swap3A_2309 : i32 to index
    %swap3A_2312 = arith.constant 384 : index
    %swap3A_2313 = tpu.vector_load %arg5[%swap3A_2310, %swap3A_2311, %swap3A_2312] {strides = array<i32>} : memref<1x32x512xf32, #tpu.memory_space<vmem>>, vector<1x1x16xf32>,
    %swap3A_2314 = vector.shape_cast %swap3A_2313 : vector<1x1x16xf32> to vector<16xf32>
    %swap3A_2315 = vector.shape_cast %get3A_2091 : vector<16xf32> to vector<1x1x16xf32>
    tpu.vector_store %arg5[%swap3A_2310, %swap3A_2311, %swap3A_2312], %swap3A_2315 {strides = array<i32>} : memref<1x32x512xf32, #tpu.memory_space<vmem>>, vector<1x1x16xf32>,
    %swap3A_2316 = arith.constant 0 : i32
    %swap3A_2317 = arith.constant 28 : i32
    %swap3A_2318 = arith.index_cast %swap3A_2316 : i32 to index
    %swap3A_2319 = arith.index_cast %swap3A_2317 : i32 to index
    %swap3A_2320 = arith.constant 384 : index
    %swap3A_2321 = tpu.vector_load %arg5[%swap3A_2318, %swap3A_2319, %swap3A_2320] {strides = array<i32>} : memref<1x32x512xf32, #tpu.memory_space<vmem>>, vector<1x1x16xf32>,
    %swap3A_2322 = vector.shape_cast %swap3A_2321 : vector<1x1x16xf32> to vector<16xf32>
    %swap3A_2323 = vector.shape_cast %get3A_2091 : vector<16xf32> to vector<1x1x16xf32>
    tpu.vector_store %arg5[%swap3A_2318, %swap3A_2319, %swap3A_2320], %swap3A_2323 {strides = array<i32>} : memref<1x32x512xf32, #tpu.memory_space<vmem>>, vector<1x1x16xf32>,
    %swap3A_2324 = arith.constant 0 : i32
    %swap3A_2325 = arith.constant 29 : i32
    %swap3A_2326 = arith.index_cast %swap3A_2324 : i32 to index
    %swap3A_2327 = arith.index_cast %swap3A_2325 : i32 to index
    %swap3A_2328 = arith.constant 384 : index
    %swap3A_2329 = tpu.vector_load %arg5[%swap3A_2326, %swap3A_2327, %swap3A_2328] {strides = array<i32>} : memref<1x32x512xf32, #tpu.memory_space<vmem>>, vector<1x1x16xf32>,
    %swap3A_2330 = vector.shape_cast %swap3A_2329 : vector<1x1x16xf32> to vector<16xf32>
    %swap3A_2331 = vector.shape_cast %get3A_2091 : vector<16xf32> to vector<1x1x16xf32>
    tpu.vector_store %arg5[%swap3A_2326, %swap3A_2327, %swap3A_2328], %swap3A_2331 {strides = array<i32>} : memref<1x32x512xf32, #tpu.memory_space<vmem>>, vector<1x1x16xf32>,
    %swap3A_2332 = arith.constant 0 : i32
    %swap3A_2333 = arith.constant 30 : i32
    %swap3A_2334 = arith.index_cast %swap3A_2332 : i32 to index
    %swap3A_2335 = arith.index_cast %swap3A_2333 : i32 to index
    %swap3A_2336 = arith.constant 384 : index
    %swap3A_2337 = tpu.vector_load %arg5[%swap3A_2334, %swap3A_2335, %swap3A_2336] {strides = array<i32>} : memref<1x32x512xf32, #tpu.memory_space<vmem>>, vector<1x1x16xf32>,
    %swap3A_2338 = vector.shape_cast %swap3A_2337 : vector<1x1x16xf32> to vector<16xf32>
    %swap3A_2339 = vector.shape_cast %get3A_2091 : vector<16xf32> to vector<1x1x16xf32>
    tpu.vector_store %arg5[%swap3A_2334, %swap3A_2335, %swap3A_2336], %swap3A_2339 {strides = array<i32>} : memref<1x32x512xf32, #tpu.memory_space<vmem>>, vector<1x1x16xf32>,
    %swap3A_2340 = arith.constant 0 : i32
    %swap3A_2341 = arith.constant 31 : i32
    %swap3A_2342 = arith.index_cast %swap3A_2340 : i32 to index
    %swap3A_2343 = arith.index_cast %swap3A_2341 : i32 to index
    %swap3A_2344 = arith.constant 384 : index
    %swap3A_2345 = tpu.vector_load %arg5[%swap3A_2342, %swap3A_2343, %swap3A_2344] {strides = array<i32>} : memref<1x32x512xf32, #tpu.memory_space<vmem>>, vector<1x1x16xf32>,
    %swap3A_2346 = vector.shape_cast %swap3A_2345 : vector<1x1x16xf32> to vector<16xf32>
    %swap3A_2347 = vector.shape_cast %get3A_2091 : vector<16xf32> to vector<1x1x16xf32>
    tpu.vector_store %arg5[%swap3A_2342, %swap3A_2343, %swap3A_2344], %swap3A_2347 {strides = array<i32>} : memref<1x32x512xf32, #tpu.memory_space<vmem>>, vector<1x1x16xf32>,
    %get3A_2348 = arith.constant 0 : i32
    %get3A_2349 = arith.index_cast %get3A_2348 : i32 to index
    %get3A_2350 = arith.constant 144 : index
    %get3A_2351 = tpu.vector_load %arg6[%get3A_2349, %get3A_2350] {strides = array<i32>} : memref<1x256xf32, #tpu.memory_space<vmem>>, vector<1x16xf32>,
    %get3A_2352 = vector.shape_cast %get3A_2351 : vector<1x16xf32> to vector<16xf32>
    %swap3A_2353 = arith.constant 0 : i32
    %swap3A_2354 = arith.constant 0 : i32
    %swap3A_2355 = arith.index_cast %swap3A_2353 : i32 to index
    %swap3A_2356 = arith.index_cast %swap3A_2354 : i32 to index
    %swap3A_2357 = arith.constant 400 : index
    %swap3A_2358 = tpu.vector_load %arg5[%swap3A_2355, %swap3A_2356, %swap3A_2357] {strides = array<i32>} : memref<1x32x512xf32, #tpu.memory_space<vmem>>, vector<1x1x16xf32>,
    %swap3A_2359 = vector.shape_cast %swap3A_2358 : vector<1x1x16xf32> to vector<16xf32>
    %swap3A_2360 = vector.shape_cast %get3A_2352 : vector<16xf32> to vector<1x1x16xf32>
    tpu.vector_store %arg5[%swap3A_2355, %swap3A_2356, %swap3A_2357], %swap3A_2360 {strides = array<i32>} : memref<1x32x512xf32, #tpu.memory_space<vmem>>, vector<1x1x16xf32>,
    %swap3A_2361 = arith.constant 0 : i32
    %swap3A_2362 = arith.constant 1 : i32
    %swap3A_2363 = arith.index_cast %swap3A_2361 : i32 to index
    %swap3A_2364 = arith.index_cast %swap3A_2362 : i32 to index
    %swap3A_2365 = arith.constant 400 : index
    %swap3A_2366 = tpu.vector_load %arg5[%swap3A_2363, %swap3A_2364, %swap3A_2365] {strides = array<i32>} : memref<1x32x512xf32, #tpu.memory_space<vmem>>, vector<1x1x16xf32>,
    %swap3A_2367 = vector.shape_cast %swap3A_2366 : vector<1x1x16xf32> to vector<16xf32>
    %swap3A_2368 = vector.shape_cast %get3A_2352 : vector<16xf32> to vector<1x1x16xf32>
    tpu.vector_store %arg5[%swap3A_2363, %swap3A_2364, %swap3A_2365], %swap3A_2368 {strides = array<i32>} : memref<1x32x512xf32, #tpu.memory_space<vmem>>, vector<1x1x16xf32>,
    %swap3A_2369 = arith.constant 0 : i32
    %swap3A_2370 = arith.constant 2 : i32
    %swap3A_2371 = arith.index_cast %swap3A_2369 : i32 to index
    %swap3A_2372 = arith.index_cast %swap3A_2370 : i32 to index
    %swap3A_2373 = arith.constant 400 : index
    %swap3A_2374 = tpu.vector_load %arg5[%swap3A_2371, %swap3A_2372, %swap3A_2373] {strides = array<i32>} : memref<1x32x512xf32, #tpu.memory_space<vmem>>, vector<1x1x16xf32>,
    %swap3A_2375 = vector.shape_cast %swap3A_2374 : vector<1x1x16xf32> to vector<16xf32>
    %swap3A_2376 = vector.shape_cast %get3A_2352 : vector<16xf32> to vector<1x1x16xf32>
    tpu.vector_store %arg5[%swap3A_2371, %swap3A_2372, %swap3A_2373], %swap3A_2376 {strides = array<i32>} : memref<1x32x512xf32, #tpu.memory_space<vmem>>, vector<1x1x16xf32>,
    %swap3A_2377 = arith.constant 0 : i32
    %swap3A_2378 = arith.constant 3 : i32
    %swap3A_2379 = arith.index_cast %swap3A_2377 : i32 to index
    %swap3A_2380 = arith.index_cast %swap3A_2378 : i32 to index
    %swap3A_2381 = arith.constant 400 : index
    %swap3A_2382 = tpu.vector_load %arg5[%swap3A_2379, %swap3A_2380, %swap3A_2381] {strides = array<i32>} : memref<1x32x512xf32, #tpu.memory_space<vmem>>, vector<1x1x16xf32>,
    %swap3A_2383 = vector.shape_cast %swap3A_2382 : vector<1x1x16xf32> to vector<16xf32>
    %swap3A_2384 = vector.shape_cast %get3A_2352 : vector<16xf32> to vector<1x1x16xf32>
    tpu.vector_store %arg5[%swap3A_2379, %swap3A_2380, %swap3A_2381], %swap3A_2384 {strides = array<i32>} : memref<1x32x512xf32, #tpu.memory_space<vmem>>, vector<1x1x16xf32>,
    %swap3A_2385 = arith.constant 0 : i32
    %swap3A_2386 = arith.constant 4 : i32
    %swap3A_2387 = arith.index_cast %swap3A_2385 : i32 to index
    %swap3A_2388 = arith.index_cast %swap3A_2386 : i32 to index
    %swap3A_2389 = arith.constant 400 : index
    %swap3A_2390 = tpu.vector_load %arg5[%swap3A_2387, %swap3A_2388, %swap3A_2389] {strides = array<i32>} : memref<1x32x512xf32, #tpu.memory_space<vmem>>, vector<1x1x16xf32>,
    %swap3A_2391 = vector.shape_cast %swap3A_2390 : vector<1x1x16xf32> to vector<16xf32>
    %swap3A_2392 = vector.shape_cast %get3A_2352 : vector<16xf32> to vector<1x1x16xf32>
    tpu.vector_store %arg5[%swap3A_2387, %swap3A_2388, %swap3A_2389], %swap3A_2392 {strides = array<i32>} : memref<1x32x512xf32, #tpu.memory_space<vmem>>, vector<1x1x16xf32>,
    %swap3A_2393 = arith.constant 0 : i32
    %swap3A_2394 = arith.constant 5 : i32
    %swap3A_2395 = arith.index_cast %swap3A_2393 : i32 to index
    %swap3A_2396 = arith.index_cast %swap3A_2394 : i32 to index
    %swap3A_2397 = arith.constant 400 : index
    %swap3A_2398 = tpu.vector_load %arg5[%swap3A_2395, %swap3A_2396, %swap3A_2397] {strides = array<i32>} : memref<1x32x512xf32, #tpu.memory_space<vmem>>, vector<1x1x16xf32>,
    %swap3A_2399 = vector.shape_cast %swap3A_2398 : vector<1x1x16xf32> to vector<16xf32>
    %swap3A_2400 = vector.shape_cast %get3A_2352 : vector<16xf32> to vector<1x1x16xf32>
    tpu.vector_store %arg5[%swap3A_2395, %swap3A_2396, %swap3A_2397], %swap3A_2400 {strides = array<i32>} : memref<1x32x512xf32, #tpu.memory_space<vmem>>, vector<1x1x16xf32>,
    %swap3A_2401 = arith.constant 0 : i32
    %swap3A_2402 = arith.constant 6 : i32
    %swap3A_2403 = arith.index_cast %swap3A_2401 : i32 to index
    %swap3A_2404 = arith.index_cast %swap3A_2402 : i32 to index
    %swap3A_2405 = arith.constant 400 : index
    %swap3A_2406 = tpu.vector_load %arg5[%swap3A_2403, %swap3A_2404, %swap3A_2405] {strides = array<i32>} : memref<1x32x512xf32, #tpu.memory_space<vmem>>, vector<1x1x16xf32>,
    %swap3A_2407 = vector.shape_cast %swap3A_2406 : vector<1x1x16xf32> to vector<16xf32>
    %swap3A_2408 = vector.shape_cast %get3A_2352 : vector<16xf32> to vector<1x1x16xf32>
    tpu.vector_store %arg5[%swap3A_2403, %swap3A_2404, %swap3A_2405], %swap3A_2408 {strides = array<i32>} : memref<1x32x512xf32, #tpu.memory_space<vmem>>, vector<1x1x16xf32>,
    %swap3A_2409 = arith.constant 0 : i32
    %swap3A_2410 = arith.constant 7 : i32
    %swap3A_2411 = arith.index_cast %swap3A_2409 : i32 to index
    %swap3A_2412 = arith.index_cast %swap3A_2410 : i32 to index
    %swap3A_2413 = arith.constant 400 : index
    %swap3A_2414 = tpu.vector_load %arg5[%swap3A_2411, %swap3A_2412, %swap3A_2413] {strides = array<i32>} : memref<1x32x512xf32, #tpu.memory_space<vmem>>, vector<1x1x16xf32>,
    %swap3A_2415 = vector.shape_cast %swap3A_2414 : vector<1x1x16xf32> to vector<16xf32>
    %swap3A_2416 = vector.shape_cast %get3A_2352 : vector<16xf32> to vector<1x1x16xf32>
    tpu.vector_store %arg5[%swap3A_2411, %swap3A_2412, %swap3A_2413], %swap3A_2416 {strides = array<i32>} : memref<1x32x512xf32, #tpu.memory_space<vmem>>, vector<1x1x16xf32>,
    %swap3A_2417 = arith.constant 0 : i32
    %swap3A_2418 = arith.constant 8 : i32
    %swap3A_2419 = arith.index_cast %swap3A_2417 : i32 to index
    %swap3A_2420 = arith.index_cast %swap3A_2418 : i32 to index
    %swap3A_2421 = arith.constant 400 : index
    %swap3A_2422 = tpu.vector_load %arg5[%swap3A_2419, %swap3A_2420, %swap3A_2421] {strides = array<i32>} : memref<1x32x512xf32, #tpu.memory_space<vmem>>, vector<1x1x16xf32>,
    %swap3A_2423 = vector.shape_cast %swap3A_2422 : vector<1x1x16xf32> to vector<16xf32>
    %swap3A_2424 = vector.shape_cast %get3A_2352 : vector<16xf32> to vector<1x1x16xf32>
    tpu.vector_store %arg5[%swap3A_2419, %swap3A_2420, %swap3A_2421], %swap3A_2424 {strides = array<i32>} : memref<1x32x512xf32, #tpu.memory_space<vmem>>, vector<1x1x16xf32>,
    %swap3A_2425 = arith.constant 0 : i32
    %swap3A_2426 = arith.constant 9 : i32
    %swap3A_2427 = arith.index_cast %swap3A_2425 : i32 to index
    %swap3A_2428 = arith.index_cast %swap3A_2426 : i32 to index
    %swap3A_2429 = arith.constant 400 : index
    %swap3A_2430 = tpu.vector_load %arg5[%swap3A_2427, %swap3A_2428, %swap3A_2429] {strides = array<i32>} : memref<1x32x512xf32, #tpu.memory_space<vmem>>, vector<1x1x16xf32>,
    %swap3A_2431 = vector.shape_cast %swap3A_2430 : vector<1x1x16xf32> to vector<16xf32>
    %swap3A_2432 = vector.shape_cast %get3A_2352 : vector<16xf32> to vector<1x1x16xf32>
    tpu.vector_store %arg5[%swap3A_2427, %swap3A_2428, %swap3A_2429], %swap3A_2432 {strides = array<i32>} : memref<1x32x512xf32, #tpu.memory_space<vmem>>, vector<1x1x16xf32>,
    %swap3A_2433 = arith.constant 0 : i32
    %swap3A_2434 = arith.constant 10 : i32
    %swap3A_2435 = arith.index_cast %swap3A_2433 : i32 to index
    %swap3A_2436 = arith.index_cast %swap3A_2434 : i32 to index
    %swap3A_2437 = arith.constant 400 : index
    %swap3A_2438 = tpu.vector_load %arg5[%swap3A_2435, %swap3A_2436, %swap3A_2437] {strides = array<i32>} : memref<1x32x512xf32, #tpu.memory_space<vmem>>, vector<1x1x16xf32>,
    %swap3A_2439 = vector.shape_cast %swap3A_2438 : vector<1x1x16xf32> to vector<16xf32>
    %swap3A_2440 = vector.shape_cast %get3A_2352 : vector<16xf32> to vector<1x1x16xf32>
    tpu.vector_store %arg5[%swap3A_2435, %swap3A_2436, %swap3A_2437], %swap3A_2440 {strides = array<i32>} : memref<1x32x512xf32, #tpu.memory_space<vmem>>, vector<1x1x16xf32>,
    %swap3A_2441 = arith.constant 0 : i32
    %swap3A_2442 = arith.constant 11 : i32
    %swap3A_2443 = arith.index_cast %swap3A_2441 : i32 to index
    %swap3A_2444 = arith.index_cast %swap3A_2442 : i32 to index
    %swap3A_2445 = arith.constant 400 : index
    %swap3A_2446 = tpu.vector_load %arg5[%swap3A_2443, %swap3A_2444, %swap3A_2445] {strides = array<i32>} : memref<1x32x512xf32, #tpu.memory_space<vmem>>, vector<1x1x16xf32>,
    %swap3A_2447 = vector.shape_cast %swap3A_2446 : vector<1x1x16xf32> to vector<16xf32>
    %swap3A_2448 = vector.shape_cast %get3A_2352 : vector<16xf32> to vector<1x1x16xf32>
    tpu.vector_store %arg5[%swap3A_2443, %swap3A_2444, %swap3A_2445], %swap3A_2448 {strides = array<i32>} : memref<1x32x512xf32, #tpu.memory_space<vmem>>, vector<1x1x16xf32>,
    %swap3A_2449 = arith.constant 0 : i32
    %swap3A_2450 = arith.constant 12 : i32
    %swap3A_2451 = arith.index_cast %swap3A_2449 : i32 to index
    %swap3A_2452 = arith.index_cast %swap3A_2450 : i32 to index
    %swap3A_2453 = arith.constant 400 : index
    %swap3A_2454 = tpu.vector_load %arg5[%swap3A_2451, %swap3A_2452, %swap3A_2453] {strides = array<i32>} : memref<1x32x512xf32, #tpu.memory_space<vmem>>, vector<1x1x16xf32>,
    %swap3A_2455 = vector.shape_cast %swap3A_2454 : vector<1x1x16xf32> to vector<16xf32>
    %swap3A_2456 = vector.shape_cast %get3A_2352 : vector<16xf32> to vector<1x1x16xf32>
    tpu.vector_store %arg5[%swap3A_2451, %swap3A_2452, %swap3A_2453], %swap3A_2456 {strides = array<i32>} : memref<1x32x512xf32, #tpu.memory_space<vmem>>, vector<1x1x16xf32>,
    %swap3A_2457 = arith.constant 0 : i32
    %swap3A_2458 = arith.constant 13 : i32
    %swap3A_2459 = arith.index_cast %swap3A_2457 : i32 to index
    %swap3A_2460 = arith.index_cast %swap3A_2458 : i32 to index
    %swap3A_2461 = arith.constant 400 : index
    %swap3A_2462 = tpu.vector_load %arg5[%swap3A_2459, %swap3A_2460, %swap3A_2461] {strides = array<i32>} : memref<1x32x512xf32, #tpu.memory_space<vmem>>, vector<1x1x16xf32>,
    %swap3A_2463 = vector.shape_cast %swap3A_2462 : vector<1x1x16xf32> to vector<16xf32>
    %swap3A_2464 = vector.shape_cast %get3A_2352 : vector<16xf32> to vector<1x1x16xf32>
    tpu.vector_store %arg5[%swap3A_2459, %swap3A_2460, %swap3A_2461], %swap3A_2464 {strides = array<i32>} : memref<1x32x512xf32, #tpu.memory_space<vmem>>, vector<1x1x16xf32>,
    %swap3A_2465 = arith.constant 0 : i32
    %swap3A_2466 = arith.constant 14 : i32
    %swap3A_2467 = arith.index_cast %swap3A_2465 : i32 to index
    %swap3A_2468 = arith.index_cast %swap3A_2466 : i32 to index
    %swap3A_2469 = arith.constant 400 : index
    %swap3A_2470 = tpu.vector_load %arg5[%swap3A_2467, %swap3A_2468, %swap3A_2469] {strides = array<i32>} : memref<1x32x512xf32, #tpu.memory_space<vmem>>, vector<1x1x16xf32>,
    %swap3A_2471 = vector.shape_cast %swap3A_2470 : vector<1x1x16xf32> to vector<16xf32>
    %swap3A_2472 = vector.shape_cast %get3A_2352 : vector<16xf32> to vector<1x1x16xf32>
    tpu.vector_store %arg5[%swap3A_2467, %swap3A_2468, %swap3A_2469], %swap3A_2472 {strides = array<i32>} : memref<1x32x512xf32, #tpu.memory_space<vmem>>, vector<1x1x16xf32>,
    %swap3A_2473 = arith.constant 0 : i32
    %swap3A_2474 = arith.constant 15 : i32
    %swap3A_2475 = arith.index_cast %swap3A_2473 : i32 to index
    %swap3A_2476 = arith.index_cast %swap3A_2474 : i32 to index
    %swap3A_2477 = arith.constant 400 : index
    %swap3A_2478 = tpu.vector_load %arg5[%swap3A_2475, %swap3A_2476, %swap3A_2477] {strides = array<i32>} : memref<1x32x512xf32, #tpu.memory_space<vmem>>, vector<1x1x16xf32>,
    %swap3A_2479 = vector.shape_cast %swap3A_2478 : vector<1x1x16xf32> to vector<16xf32>
    %swap3A_2480 = vector.shape_cast %get3A_2352 : vector<16xf32> to vector<1x1x16xf32>
    tpu.vector_store %arg5[%swap3A_2475, %swap3A_2476, %swap3A_2477], %swap3A_2480 {strides = array<i32>} : memref<1x32x512xf32, #tpu.memory_space<vmem>>, vector<1x1x16xf32>,
    %swap3A_2481 = arith.constant 0 : i32
    %swap3A_2482 = arith.constant 16 : i32
    %swap3A_2483 = arith.index_cast %swap3A_2481 : i32 to index
    %swap3A_2484 = arith.index_cast %swap3A_2482 : i32 to index
    %swap3A_2485 = arith.constant 400 : index
    %swap3A_2486 = tpu.vector_load %arg5[%swap3A_2483, %swap3A_2484, %swap3A_2485] {strides = array<i32>} : memref<1x32x512xf32, #tpu.memory_space<vmem>>, vector<1x1x16xf32>,
    %swap3A_2487 = vector.shape_cast %swap3A_2486 : vector<1x1x16xf32> to vector<16xf32>
    %swap3A_2488 = vector.shape_cast %get3A_2352 : vector<16xf32> to vector<1x1x16xf32>
    tpu.vector_store %arg5[%swap3A_2483, %swap3A_2484, %swap3A_2485], %swap3A_2488 {strides = array<i32>} : memref<1x32x512xf32, #tpu.memory_space<vmem>>, vector<1x1x16xf32>,
    %swap3A_2489 = arith.constant 0 : i32
    %swap3A_2490 = arith.constant 17 : i32
    %swap3A_2491 = arith.index_cast %swap3A_2489 : i32 to index
    %swap3A_2492 = arith.index_cast %swap3A_2490 : i32 to index
    %swap3A_2493 = arith.constant 400 : index
    %swap3A_2494 = tpu.vector_load %arg5[%swap3A_2491, %swap3A_2492, %swap3A_2493] {strides = array<i32>} : memref<1x32x512xf32, #tpu.memory_space<vmem>>, vector<1x1x16xf32>,
    %swap3A_2495 = vector.shape_cast %swap3A_2494 : vector<1x1x16xf32> to vector<16xf32>
    %swap3A_2496 = vector.shape_cast %get3A_2352 : vector<16xf32> to vector<1x1x16xf32>
    tpu.vector_store %arg5[%swap3A_2491, %swap3A_2492, %swap3A_2493], %swap3A_2496 {strides = array<i32>} : memref<1x32x512xf32, #tpu.memory_space<vmem>>, vector<1x1x16xf32>,
    %swap3A_2497 = arith.constant 0 : i32
    %swap3A_2498 = arith.constant 18 : i32
    %swap3A_2499 = arith.index_cast %swap3A_2497 : i32 to index
    %swap3A_2500 = arith.index_cast %swap3A_2498 : i32 to index
    %swap3A_2501 = arith.constant 400 : index
    %swap3A_2502 = tpu.vector_load %arg5[%swap3A_2499, %swap3A_2500, %swap3A_2501] {strides = array<i32>} : memref<1x32x512xf32, #tpu.memory_space<vmem>>, vector<1x1x16xf32>,
    %swap3A_2503 = vector.shape_cast %swap3A_2502 : vector<1x1x16xf32> to vector<16xf32>
    %swap3A_2504 = vector.shape_cast %get3A_2352 : vector<16xf32> to vector<1x1x16xf32>
    tpu.vector_store %arg5[%swap3A_2499, %swap3A_2500, %swap3A_2501], %swap3A_2504 {strides = array<i32>} : memref<1x32x512xf32, #tpu.memory_space<vmem>>, vector<1x1x16xf32>,
    %swap3A_2505 = arith.constant 0 : i32
    %swap3A_2506 = arith.constant 19 : i32
    %swap3A_2507 = arith.index_cast %swap3A_2505 : i32 to index
    %swap3A_2508 = arith.index_cast %swap3A_2506 : i32 to index
    %swap3A_2509 = arith.constant 400 : index
    %swap3A_2510 = tpu.vector_load %arg5[%swap3A_2507, %swap3A_2508, %swap3A_2509] {strides = array<i32>} : memref<1x32x512xf32, #tpu.memory_space<vmem>>, vector<1x1x16xf32>,
    %swap3A_2511 = vector.shape_cast %swap3A_2510 : vector<1x1x16xf32> to vector<16xf32>
    %swap3A_2512 = vector.shape_cast %get3A_2352 : vector<16xf32> to vector<1x1x16xf32>
    tpu.vector_store %arg5[%swap3A_2507, %swap3A_2508, %swap3A_2509], %swap3A_2512 {strides = array<i32>} : memref<1x32x512xf32, #tpu.memory_space<vmem>>, vector<1x1x16xf32>,
    %swap3A_2513 = arith.constant 0 : i32
    %swap3A_2514 = arith.constant 20 : i32
    %swap3A_2515 = arith.index_cast %swap3A_2513 : i32 to index
    %swap3A_2516 = arith.index_cast %swap3A_2514 : i32 to index
    %swap3A_2517 = arith.constant 400 : index
    %swap3A_2518 = tpu.vector_load %arg5[%swap3A_2515, %swap3A_2516, %swap3A_2517] {strides = array<i32>} : memref<1x32x512xf32, #tpu.memory_space<vmem>>, vector<1x1x16xf32>,
    %swap3A_2519 = vector.shape_cast %swap3A_2518 : vector<1x1x16xf32> to vector<16xf32>
    %swap3A_2520 = vector.shape_cast %get3A_2352 : vector<16xf32> to vector<1x1x16xf32>
    tpu.vector_store %arg5[%swap3A_2515, %swap3A_2516, %swap3A_2517], %swap3A_2520 {strides = array<i32>} : memref<1x32x512xf32, #tpu.memory_space<vmem>>, vector<1x1x16xf32>,
    %swap3A_2521 = arith.constant 0 : i32
    %swap3A_2522 = arith.constant 21 : i32
    %swap3A_2523 = arith.index_cast %swap3A_2521 : i32 to index
    %swap3A_2524 = arith.index_cast %swap3A_2522 : i32 to index
    %swap3A_2525 = arith.constant 400 : index
    %swap3A_2526 = tpu.vector_load %arg5[%swap3A_2523, %swap3A_2524, %swap3A_2525] {strides = array<i32>} : memref<1x32x512xf32, #tpu.memory_space<vmem>>, vector<1x1x16xf32>,
    %swap3A_2527 = vector.shape_cast %swap3A_2526 : vector<1x1x16xf32> to vector<16xf32>
    %swap3A_2528 = vector.shape_cast %get3A_2352 : vector<16xf32> to vector<1x1x16xf32>
    tpu.vector_store %arg5[%swap3A_2523, %swap3A_2524, %swap3A_2525], %swap3A_2528 {strides = array<i32>} : memref<1x32x512xf32, #tpu.memory_space<vmem>>, vector<1x1x16xf32>,
    %swap3A_2529 = arith.constant 0 : i32
    %swap3A_2530 = arith.constant 22 : i32
    %swap3A_2531 = arith.index_cast %swap3A_2529 : i32 to index
    %swap3A_2532 = arith.index_cast %swap3A_2530 : i32 to index
    %swap3A_2533 = arith.constant 400 : index
    %swap3A_2534 = tpu.vector_load %arg5[%swap3A_2531, %swap3A_2532, %swap3A_2533] {strides = array<i32>} : memref<1x32x512xf32, #tpu.memory_space<vmem>>, vector<1x1x16xf32>,
    %swap3A_2535 = vector.shape_cast %swap3A_2534 : vector<1x1x16xf32> to vector<16xf32>
    %swap3A_2536 = vector.shape_cast %get3A_2352 : vector<16xf32> to vector<1x1x16xf32>
    tpu.vector_store %arg5[%swap3A_2531, %swap3A_2532, %swap3A_2533], %swap3A_2536 {strides = array<i32>} : memref<1x32x512xf32, #tpu.memory_space<vmem>>, vector<1x1x16xf32>,
    %swap3A_2537 = arith.constant 0 : i32
    %swap3A_2538 = arith.constant 23 : i32
    %swap3A_2539 = arith.index_cast %swap3A_2537 : i32 to index
    %swap3A_2540 = arith.index_cast %swap3A_2538 : i32 to index
    %swap3A_2541 = arith.constant 400 : index
    %swap3A_2542 = tpu.vector_load %arg5[%swap3A_2539, %swap3A_2540, %swap3A_2541] {strides = array<i32>} : memref<1x32x512xf32, #tpu.memory_space<vmem>>, vector<1x1x16xf32>,
    %swap3A_2543 = vector.shape_cast %swap3A_2542 : vector<1x1x16xf32> to vector<16xf32>
    %swap3A_2544 = vector.shape_cast %get3A_2352 : vector<16xf32> to vector<1x1x16xf32>
    tpu.vector_store %arg5[%swap3A_2539, %swap3A_2540, %swap3A_2541], %swap3A_2544 {strides = array<i32>} : memref<1x32x512xf32, #tpu.memory_space<vmem>>, vector<1x1x16xf32>,
    %swap3A_2545 = arith.constant 0 : i32
    %swap3A_2546 = arith.constant 24 : i32
    %swap3A_2547 = arith.index_cast %swap3A_2545 : i32 to index
    %swap3A_2548 = arith.index_cast %swap3A_2546 : i32 to index
    %swap3A_2549 = arith.constant 400 : index
    %swap3A_2550 = tpu.vector_load %arg5[%swap3A_2547, %swap3A_2548, %swap3A_2549] {strides = array<i32>} : memref<1x32x512xf32, #tpu.memory_space<vmem>>, vector<1x1x16xf32>,
    %swap3A_2551 = vector.shape_cast %swap3A_2550 : vector<1x1x16xf32> to vector<16xf32>
    %swap3A_2552 = vector.shape_cast %get3A_2352 : vector<16xf32> to vector<1x1x16xf32>
    tpu.vector_store %arg5[%swap3A_2547, %swap3A_2548, %swap3A_2549], %swap3A_2552 {strides = array<i32>} : memref<1x32x512xf32, #tpu.memory_space<vmem>>, vector<1x1x16xf32>,
    %swap3A_2553 = arith.constant 0 : i32
    %swap3A_2554 = arith.constant 25 : i32
    %swap3A_2555 = arith.index_cast %swap3A_2553 : i32 to index
    %swap3A_2556 = arith.index_cast %swap3A_2554 : i32 to index
    %swap3A_2557 = arith.constant 400 : index
    %swap3A_2558 = tpu.vector_load %arg5[%swap3A_2555, %swap3A_2556, %swap3A_2557] {strides = array<i32>} : memref<1x32x512xf32, #tpu.memory_space<vmem>>, vector<1x1x16xf32>,
    %swap3A_2559 = vector.shape_cast %swap3A_2558 : vector<1x1x16xf32> to vector<16xf32>
    %swap3A_2560 = vector.shape_cast %get3A_2352 : vector<16xf32> to vector<1x1x16xf32>
    tpu.vector_store %arg5[%swap3A_2555, %swap3A_2556, %swap3A_2557], %swap3A_2560 {strides = array<i32>} : memref<1x32x512xf32, #tpu.memory_space<vmem>>, vector<1x1x16xf32>,
    %swap3A_2561 = arith.constant 0 : i32
    %swap3A_2562 = arith.constant 26 : i32
    %swap3A_2563 = arith.index_cast %swap3A_2561 : i32 to index
    %swap3A_2564 = arith.index_cast %swap3A_2562 : i32 to index
    %swap3A_2565 = arith.constant 400 : index
    %swap3A_2566 = tpu.vector_load %arg5[%swap3A_2563, %swap3A_2564, %swap3A_2565] {strides = array<i32>} : memref<1x32x512xf32, #tpu.memory_space<vmem>>, vector<1x1x16xf32>,
    %swap3A_2567 = vector.shape_cast %swap3A_2566 : vector<1x1x16xf32> to vector<16xf32>
    %swap3A_2568 = vector.shape_cast %get3A_2352 : vector<16xf32> to vector<1x1x16xf32>
    tpu.vector_store %arg5[%swap3A_2563, %swap3A_2564, %swap3A_2565], %swap3A_2568 {strides = array<i32>} : memref<1x32x512xf32, #tpu.memory_space<vmem>>, vector<1x1x16xf32>,
    %swap3A_2569 = arith.constant 0 : i32
    %swap3A_2570 = arith.constant 27 : i32
    %swap3A_2571 = arith.index_cast %swap3A_2569 : i32 to index
    %swap3A_2572 = arith.index_cast %swap3A_2570 : i32 to index
    %swap3A_2573 = arith.constant 400 : index
    %swap3A_2574 = tpu.vector_load %arg5[%swap3A_2571, %swap3A_2572, %swap3A_2573] {strides = array<i32>} : memref<1x32x512xf32, #tpu.memory_space<vmem>>, vector<1x1x16xf32>,
    %swap3A_2575 = vector.shape_cast %swap3A_2574 : vector<1x1x16xf32> to vector<16xf32>
    %swap3A_2576 = vector.shape_cast %get3A_2352 : vector<16xf32> to vector<1x1x16xf32>
    tpu.vector_store %arg5[%swap3A_2571, %swap3A_2572, %swap3A_2573], %swap3A_2576 {strides = array<i32>} : memref<1x32x512xf32, #tpu.memory_space<vmem>>, vector<1x1x16xf32>,
    %swap3A_2577 = arith.constant 0 : i32
    %swap3A_2578 = arith.constant 28 : i32
    %swap3A_2579 = arith.index_cast %swap3A_2577 : i32 to index
    %swap3A_2580 = arith.index_cast %swap3A_2578 : i32 to index
    %swap3A_2581 = arith.constant 400 : index
    %swap3A_2582 = tpu.vector_load %arg5[%swap3A_2579, %swap3A_2580, %swap3A_2581] {strides = array<i32>} : memref<1x32x512xf32, #tpu.memory_space<vmem>>, vector<1x1x16xf32>,
    %swap3A_2583 = vector.shape_cast %swap3A_2582 : vector<1x1x16xf32> to vector<16xf32>
    %swap3A_2584 = vector.shape_cast %get3A_2352 : vector<16xf32> to vector<1x1x16xf32>
    tpu.vector_store %arg5[%swap3A_2579, %swap3A_2580, %swap3A_2581], %swap3A_2584 {strides = array<i32>} : memref<1x32x512xf32, #tpu.memory_space<vmem>>, vector<1x1x16xf32>,
    %swap3A_2585 = arith.constant 0 : i32
    %swap3A_2586 = arith.constant 29 : i32
    %swap3A_2587 = arith.index_cast %swap3A_2585 : i32 to index
    %swap3A_2588 = arith.index_cast %swap3A_2586 : i32 to index
    %swap3A_2589 = arith.constant 400 : index
    %swap3A_2590 = tpu.vector_load %arg5[%swap3A_2587, %swap3A_2588, %swap3A_2589] {strides = array<i32>} : memref<1x32x512xf32, #tpu.memory_space<vmem>>, vector<1x1x16xf32>,
    %swap3A_2591 = vector.shape_cast %swap3A_2590 : vector<1x1x16xf32> to vector<16xf32>
    %swap3A_2592 = vector.shape_cast %get3A_2352 : vector<16xf32> to vector<1x1x16xf32>
    tpu.vector_store %arg5[%swap3A_2587, %swap3A_2588, %swap3A_2589], %swap3A_2592 {strides = array<i32>} : memref<1x32x512xf32, #tpu.memory_space<vmem>>, vector<1x1x16xf32>,
    %swap3A_2593 = arith.constant 0 : i32
    %swap3A_2594 = arith.constant 30 : i32
    %swap3A_2595 = arith.index_cast %swap3A_2593 : i32 to index
    %swap3A_2596 = arith.index_cast %swap3A_2594 : i32 to index
    %swap3A_2597 = arith.constant 400 : index
    %swap3A_2598 = tpu.vector_load %arg5[%swap3A_2595, %swap3A_2596, %swap3A_2597] {strides = array<i32>} : memref<1x32x512xf32, #tpu.memory_space<vmem>>, vector<1x1x16xf32>,
    %swap3A_2599 = vector.shape_cast %swap3A_2598 : vector<1x1x16xf32> to vector<16xf32>
    %swap3A_2600 = vector.shape_cast %get3A_2352 : vector<16xf32> to vector<1x1x16xf32>
    tpu.vector_store %arg5[%swap3A_2595, %swap3A_2596, %swap3A_2597], %swap3A_2600 {strides = array<i32>} : memref<1x32x512xf32, #tpu.memory_space<vmem>>, vector<1x1x16xf32>,
    %swap3A_2601 = arith.constant 0 : i32
    %swap3A_2602 = arith.constant 31 : i32
    %swap3A_2603 = arith.index_cast %swap3A_2601 : i32 to index
    %swap3A_2604 = arith.index_cast %swap3A_2602 : i32 to index
    %swap3A_2605 = arith.constant 400 : index
    %swap3A_2606 = tpu.vector_load %arg5[%swap3A_2603, %swap3A_2604, %swap3A_2605] {strides = array<i32>} : memref<1x32x512xf32, #tpu.memory_space<vmem>>, vector<1x1x16xf32>,
    %swap3A_2607 = vector.shape_cast %swap3A_2606 : vector<1x1x16xf32> to vector<16xf32>
    %swap3A_2608 = vector.shape_cast %get3A_2352 : vector<16xf32> to vector<1x1x16xf32>
    tpu.vector_store %arg5[%swap3A_2603, %swap3A_2604, %swap3A_2605], %swap3A_2608 {strides = array<i32>} : memref<1x32x512xf32, #tpu.memory_space<vmem>>, vector<1x1x16xf32>,
    %get3A_2609 = arith.constant 0 : i32
    %get3A_2610 = arith.index_cast %get3A_2609 : i32 to index
    %get3A_2611 = arith.constant 160 : index
    %get3A_2612 = tpu.vector_load %arg6[%get3A_2610, %get3A_2611] {strides = array<i32>} : memref<1x256xf32, #tpu.memory_space<vmem>>, vector<1x16xf32>,
    %get3A_2613 = vector.shape_cast %get3A_2612 : vector<1x16xf32> to vector<16xf32>
    %swap3A_2614 = arith.constant 0 : i32
    %swap3A_2615 = arith.constant 0 : i32
    %swap3A_2616 = arith.index_cast %swap3A_2614 : i32 to index
    %swap3A_2617 = arith.index_cast %swap3A_2615 : i32 to index
    %swap3A_2618 = arith.constant 416 : index
    %swap3A_2619 = tpu.vector_load %arg5[%swap3A_2616, %swap3A_2617, %swap3A_2618] {strides = array<i32>} : memref<1x32x512xf32, #tpu.memory_space<vmem>>, vector<1x1x16xf32>,
    %swap3A_2620 = vector.shape_cast %swap3A_2619 : vector<1x1x16xf32> to vector<16xf32>
    %swap3A_2621 = vector.shape_cast %get3A_2613 : vector<16xf32> to vector<1x1x16xf32>
    tpu.vector_store %arg5[%swap3A_2616, %swap3A_2617, %swap3A_2618], %swap3A_2621 {strides = array<i32>} : memref<1x32x512xf32, #tpu.memory_space<vmem>>, vector<1x1x16xf32>,
    %swap3A_2622 = arith.constant 0 : i32
    %swap3A_2623 = arith.constant 1 : i32
    %swap3A_2624 = arith.index_cast %swap3A_2622 : i32 to index
    %swap3A_2625 = arith.index_cast %swap3A_2623 : i32 to index
    %swap3A_2626 = arith.constant 416 : index
    %swap3A_2627 = tpu.vector_load %arg5[%swap3A_2624, %swap3A_2625, %swap3A_2626] {strides = array<i32>} : memref<1x32x512xf32, #tpu.memory_space<vmem>>, vector<1x1x16xf32>,
    %swap3A_2628 = vector.shape_cast %swap3A_2627 : vector<1x1x16xf32> to vector<16xf32>
    %swap3A_2629 = vector.shape_cast %get3A_2613 : vector<16xf32> to vector<1x1x16xf32>
    tpu.vector_store %arg5[%swap3A_2624, %swap3A_2625, %swap3A_2626], %swap3A_2629 {strides = array<i32>} : memref<1x32x512xf32, #tpu.memory_space<vmem>>, vector<1x1x16xf32>,
    %swap3A_2630 = arith.constant 0 : i32
    %swap3A_2631 = arith.constant 2 : i32
    %swap3A_2632 = arith.index_cast %swap3A_2630 : i32 to index
    %swap3A_2633 = arith.index_cast %swap3A_2631 : i32 to index
    %swap3A_2634 = arith.constant 416 : index
    %swap3A_2635 = tpu.vector_load %arg5[%swap3A_2632, %swap3A_2633, %swap3A_2634] {strides = array<i32>} : memref<1x32x512xf32, #tpu.memory_space<vmem>>, vector<1x1x16xf32>,
    %swap3A_2636 = vector.shape_cast %swap3A_2635 : vector<1x1x16xf32> to vector<16xf32>
    %swap3A_2637 = vector.shape_cast %get3A_2613 : vector<16xf32> to vector<1x1x16xf32>
    tpu.vector_store %arg5[%swap3A_2632, %swap3A_2633, %swap3A_2634], %swap3A_2637 {strides = array<i32>} : memref<1x32x512xf32, #tpu.memory_space<vmem>>, vector<1x1x16xf32>,
    %swap3A_2638 = arith.constant 0 : i32
    %swap3A_2639 = arith.constant 3 : i32
    %swap3A_2640 = arith.index_cast %swap3A_2638 : i32 to index
    %swap3A_2641 = arith.index_cast %swap3A_2639 : i32 to index
    %swap3A_2642 = arith.constant 416 : index
    %swap3A_2643 = tpu.vector_load %arg5[%swap3A_2640, %swap3A_2641, %swap3A_2642] {strides = array<i32>} : memref<1x32x512xf32, #tpu.memory_space<vmem>>, vector<1x1x16xf32>,
    %swap3A_2644 = vector.shape_cast %swap3A_2643 : vector<1x1x16xf32> to vector<16xf32>
    %swap3A_2645 = vector.shape_cast %get3A_2613 : vector<16xf32> to vector<1x1x16xf32>
    tpu.vector_store %arg5[%swap3A_2640, %swap3A_2641, %swap3A_2642], %swap3A_2645 {strides = array<i32>} : memref<1x32x512xf32, #tpu.memory_space<vmem>>, vector<1x1x16xf32>,
    %swap3A_2646 = arith.constant 0 : i32
    %swap3A_2647 = arith.constant 4 : i32
    %swap3A_2648 = arith.index_cast %swap3A_2646 : i32 to index
    %swap3A_2649 = arith.index_cast %swap3A_2647 : i32 to index
    %swap3A_2650 = arith.constant 416 : index
    %swap3A_2651 = tpu.vector_load %arg5[%swap3A_2648, %swap3A_2649, %swap3A_2650] {strides = array<i32>} : memref<1x32x512xf32, #tpu.memory_space<vmem>>, vector<1x1x16xf32>,
    %swap3A_2652 = vector.shape_cast %swap3A_2651 : vector<1x1x16xf32> to vector<16xf32>
    %swap3A_2653 = vector.shape_cast %get3A_2613 : vector<16xf32> to vector<1x1x16xf32>
    tpu.vector_store %arg5[%swap3A_2648, %swap3A_2649, %swap3A_2650], %swap3A_2653 {strides = array<i32>} : memref<1x32x512xf32, #tpu.memory_space<vmem>>, vector<1x1x16xf32>,
    %swap3A_2654 = arith.constant 0 : i32
    %swap3A_2655 = arith.constant 5 : i32
    %swap3A_2656 = arith.index_cast %swap3A_2654 : i32 to index
    %swap3A_2657 = arith.index_cast %swap3A_2655 : i32 to index
    %swap3A_2658 = arith.constant 416 : index
    %swap3A_2659 = tpu.vector_load %arg5[%swap3A_2656, %swap3A_2657, %swap3A_2658] {strides = array<i32>} : memref<1x32x512xf32, #tpu.memory_space<vmem>>, vector<1x1x16xf32>,
    %swap3A_2660 = vector.shape_cast %swap3A_2659 : vector<1x1x16xf32> to vector<16xf32>
    %swap3A_2661 = vector.shape_cast %get3A_2613 : vector<16xf32> to vector<1x1x16xf32>
    tpu.vector_store %arg5[%swap3A_2656, %swap3A_2657, %swap3A_2658], %swap3A_2661 {strides = array<i32>} : memref<1x32x512xf32, #tpu.memory_space<vmem>>, vector<1x1x16xf32>,
    %swap3A_2662 = arith.constant 0 : i32
    %swap3A_2663 = arith.constant 6 : i32
    %swap3A_2664 = arith.index_cast %swap3A_2662 : i32 to index
    %swap3A_2665 = arith.index_cast %swap3A_2663 : i32 to index
    %swap3A_2666 = arith.constant 416 : index
    %swap3A_2667 = tpu.vector_load %arg5[%swap3A_2664, %swap3A_2665, %swap3A_2666] {strides = array<i32>} : memref<1x32x512xf32, #tpu.memory_space<vmem>>, vector<1x1x16xf32>,
    %swap3A_2668 = vector.shape_cast %swap3A_2667 : vector<1x1x16xf32> to vector<16xf32>
    %swap3A_2669 = vector.shape_cast %get3A_2613 : vector<16xf32> to vector<1x1x16xf32>
    tpu.vector_store %arg5[%swap3A_2664, %swap3A_2665, %swap3A_2666], %swap3A_2669 {strides = array<i32>} : memref<1x32x512xf32, #tpu.memory_space<vmem>>, vector<1x1x16xf32>,
    %swap3A_2670 = arith.constant 0 : i32
    %swap3A_2671 = arith.constant 7 : i32
    %swap3A_2672 = arith.index_cast %swap3A_2670 : i32 to index
    %swap3A_2673 = arith.index_cast %swap3A_2671 : i32 to index
    %swap3A_2674 = arith.constant 416 : index
    %swap3A_2675 = tpu.vector_load %arg5[%swap3A_2672, %swap3A_2673, %swap3A_2674] {strides = array<i32>} : memref<1x32x512xf32, #tpu.memory_space<vmem>>, vector<1x1x16xf32>,
    %swap3A_2676 = vector.shape_cast %swap3A_2675 : vector<1x1x16xf32> to vector<16xf32>
    %swap3A_2677 = vector.shape_cast %get3A_2613 : vector<16xf32> to vector<1x1x16xf32>
    tpu.vector_store %arg5[%swap3A_2672, %swap3A_2673, %swap3A_2674], %swap3A_2677 {strides = array<i32>} : memref<1x32x512xf32, #tpu.memory_space<vmem>>, vector<1x1x16xf32>,
    %swap3A_2678 = arith.constant 0 : i32
    %swap3A_2679 = arith.constant 8 : i32
    %swap3A_2680 = arith.index_cast %swap3A_2678 : i32 to index
    %swap3A_2681 = arith.index_cast %swap3A_2679 : i32 to index
    %swap3A_2682 = arith.constant 416 : index
    %swap3A_2683 = tpu.vector_load %arg5[%swap3A_2680, %swap3A_2681, %swap3A_2682] {strides = array<i32>} : memref<1x32x512xf32, #tpu.memory_space<vmem>>, vector<1x1x16xf32>,
    %swap3A_2684 = vector.shape_cast %swap3A_2683 : vector<1x1x16xf32> to vector<16xf32>
    %swap3A_2685 = vector.shape_cast %get3A_2613 : vector<16xf32> to vector<1x1x16xf32>
    tpu.vector_store %arg5[%swap3A_2680, %swap3A_2681, %swap3A_2682], %swap3A_2685 {strides = array<i32>} : memref<1x32x512xf32, #tpu.memory_space<vmem>>, vector<1x1x16xf32>,
    %swap3A_2686 = arith.constant 0 : i32
    %swap3A_2687 = arith.constant 9 : i32
    %swap3A_2688 = arith.index_cast %swap3A_2686 : i32 to index
    %swap3A_2689 = arith.index_cast %swap3A_2687 : i32 to index
    %swap3A_2690 = arith.constant 416 : index
    %swap3A_2691 = tpu.vector_load %arg5[%swap3A_2688, %swap3A_2689, %swap3A_2690] {strides = array<i32>} : memref<1x32x512xf32, #tpu.memory_space<vmem>>, vector<1x1x16xf32>,
    %swap3A_2692 = vector.shape_cast %swap3A_2691 : vector<1x1x16xf32> to vector<16xf32>
    %swap3A_2693 = vector.shape_cast %get3A_2613 : vector<16xf32> to vector<1x1x16xf32>
    tpu.vector_store %arg5[%swap3A_2688, %swap3A_2689, %swap3A_2690], %swap3A_2693 {strides = array<i32>} : memref<1x32x512xf32, #tpu.memory_space<vmem>>, vector<1x1x16xf32>,
    %swap3A_2694 = arith.constant 0 : i32
    %swap3A_2695 = arith.constant 10 : i32
    %swap3A_2696 = arith.index_cast %swap3A_2694 : i32 to index
    %swap3A_2697 = arith.index_cast %swap3A_2695 : i32 to index
    %swap3A_2698 = arith.constant 416 : index
    %swap3A_2699 = tpu.vector_load %arg5[%swap3A_2696, %swap3A_2697, %swap3A_2698] {strides = array<i32>} : memref<1x32x512xf32, #tpu.memory_space<vmem>>, vector<1x1x16xf32>,
    %swap3A_2700 = vector.shape_cast %swap3A_2699 : vector<1x1x16xf32> to vector<16xf32>
    %swap3A_2701 = vector.shape_cast %get3A_2613 : vector<16xf32> to vector<1x1x16xf32>
    tpu.vector_store %arg5[%swap3A_2696, %swap3A_2697, %swap3A_2698], %swap3A_2701 {strides = array<i32>} : memref<1x32x512xf32, #tpu.memory_space<vmem>>, vector<1x1x16xf32>,
    %swap3A_2702 = arith.constant 0 : i32
    %swap3A_2703 = arith.constant 11 : i32
    %swap3A_2704 = arith.index_cast %swap3A_2702 : i32 to index
    %swap3A_2705 = arith.index_cast %swap3A_2703 : i32 to index
    %swap3A_2706 = arith.constant 416 : index
    %swap3A_2707 = tpu.vector_load %arg5[%swap3A_2704, %swap3A_2705, %swap3A_2706] {strides = array<i32>} : memref<1x32x512xf32, #tpu.memory_space<vmem>>, vector<1x1x16xf32>,
    %swap3A_2708 = vector.shape_cast %swap3A_2707 : vector<1x1x16xf32> to vector<16xf32>
    %swap3A_2709 = vector.shape_cast %get3A_2613 : vector<16xf32> to vector<1x1x16xf32>
    tpu.vector_store %arg5[%swap3A_2704, %swap3A_2705, %swap3A_2706], %swap3A_2709 {strides = array<i32>} : memref<1x32x512xf32, #tpu.memory_space<vmem>>, vector<1x1x16xf32>,
    %swap3A_2710 = arith.constant 0 : i32
    %swap3A_2711 = arith.constant 12 : i32
    %swap3A_2712 = arith.index_cast %swap3A_2710 : i32 to index
    %swap3A_2713 = arith.index_cast %swap3A_2711 : i32 to index
    %swap3A_2714 = arith.constant 416 : index
    %swap3A_2715 = tpu.vector_load %arg5[%swap3A_2712, %swap3A_2713, %swap3A_2714] {strides = array<i32>} : memref<1x32x512xf32, #tpu.memory_space<vmem>>, vector<1x1x16xf32>,
    %swap3A_2716 = vector.shape_cast %swap3A_2715 : vector<1x1x16xf32> to vector<16xf32>
    %swap3A_2717 = vector.shape_cast %get3A_2613 : vector<16xf32> to vector<1x1x16xf32>
    tpu.vector_store %arg5[%swap3A_2712, %swap3A_2713, %swap3A_2714], %swap3A_2717 {strides = array<i32>} : memref<1x32x512xf32, #tpu.memory_space<vmem>>, vector<1x1x16xf32>,
    %swap3A_2718 = arith.constant 0 : i32
    %swap3A_2719 = arith.constant 13 : i32
    %swap3A_2720 = arith.index_cast %swap3A_2718 : i32 to index
    %swap3A_2721 = arith.index_cast %swap3A_2719 : i32 to index
    %swap3A_2722 = arith.constant 416 : index
    %swap3A_2723 = tpu.vector_load %arg5[%swap3A_2720, %swap3A_2721, %swap3A_2722] {strides = array<i32>} : memref<1x32x512xf32, #tpu.memory_space<vmem>>, vector<1x1x16xf32>,
    %swap3A_2724 = vector.shape_cast %swap3A_2723 : vector<1x1x16xf32> to vector<16xf32>
    %swap3A_2725 = vector.shape_cast %get3A_2613 : vector<16xf32> to vector<1x1x16xf32>
    tpu.vector_store %arg5[%swap3A_2720, %swap3A_2721, %swap3A_2722], %swap3A_2725 {strides = array<i32>} : memref<1x32x512xf32, #tpu.memory_space<vmem>>, vector<1x1x16xf32>,
    %swap3A_2726 = arith.constant 0 : i32
    %swap3A_2727 = arith.constant 14 : i32
    %swap3A_2728 = arith.index_cast %swap3A_2726 : i32 to index
    %swap3A_2729 = arith.index_cast %swap3A_2727 : i32 to index
    %swap3A_2730 = arith.constant 416 : index
    %swap3A_2731 = tpu.vector_load %arg5[%swap3A_2728, %swap3A_2729, %swap3A_2730] {strides = array<i32>} : memref<1x32x512xf32, #tpu.memory_space<vmem>>, vector<1x1x16xf32>,
    %swap3A_2732 = vector.shape_cast %swap3A_2731 : vector<1x1x16xf32> to vector<16xf32>
    %swap3A_2733 = vector.shape_cast %get3A_2613 : vector<16xf32> to vector<1x1x16xf32>
    tpu.vector_store %arg5[%swap3A_2728, %swap3A_2729, %swap3A_2730], %swap3A_2733 {strides = array<i32>} : memref<1x32x512xf32, #tpu.memory_space<vmem>>, vector<1x1x16xf32>,
    %swap3A_2734 = arith.constant 0 : i32
    %swap3A_2735 = arith.constant 15 : i32
    %swap3A_2736 = arith.index_cast %swap3A_2734 : i32 to index
    %swap3A_2737 = arith.index_cast %swap3A_2735 : i32 to index
    %swap3A_2738 = arith.constant 416 : index
    %swap3A_2739 = tpu.vector_load %arg5[%swap3A_2736, %swap3A_2737, %swap3A_2738] {strides = array<i32>} : memref<1x32x512xf32, #tpu.memory_space<vmem>>, vector<1x1x16xf32>,
    %swap3A_2740 = vector.shape_cast %swap3A_2739 : vector<1x1x16xf32> to vector<16xf32>
    %swap3A_2741 = vector.shape_cast %get3A_2613 : vector<16xf32> to vector<1x1x16xf32>
    tpu.vector_store %arg5[%swap3A_2736, %swap3A_2737, %swap3A_2738], %swap3A_2741 {strides = array<i32>} : memref<1x32x512xf32, #tpu.memory_space<vmem>>, vector<1x1x16xf32>,
    %swap3A_2742 = arith.constant 0 : i32
    %swap3A_2743 = arith.constant 16 : i32
    %swap3A_2744 = arith.index_cast %swap3A_2742 : i32 to index
    %swap3A_2745 = arith.index_cast %swap3A_2743 : i32 to index
    %swap3A_2746 = arith.constant 416 : index
    %swap3A_2747 = tpu.vector_load %arg5[%swap3A_2744, %swap3A_2745, %swap3A_2746] {strides = array<i32>} : memref<1x32x512xf32, #tpu.memory_space<vmem>>, vector<1x1x16xf32>,
    %swap3A_2748 = vector.shape_cast %swap3A_2747 : vector<1x1x16xf32> to vector<16xf32>
    %swap3A_2749 = vector.shape_cast %get3A_2613 : vector<16xf32> to vector<1x1x16xf32>
    tpu.vector_store %arg5[%swap3A_2744, %swap3A_2745, %swap3A_2746], %swap3A_2749 {strides = array<i32>} : memref<1x32x512xf32, #tpu.memory_space<vmem>>, vector<1x1x16xf32>,
    %swap3A_2750 = arith.constant 0 : i32
    %swap3A_2751 = arith.constant 17 : i32
    %swap3A_2752 = arith.index_cast %swap3A_2750 : i32 to index
    %swap3A_2753 = arith.index_cast %swap3A_2751 : i32 to index
    %swap3A_2754 = arith.constant 416 : index
    %swap3A_2755 = tpu.vector_load %arg5[%swap3A_2752, %swap3A_2753, %swap3A_2754] {strides = array<i32>} : memref<1x32x512xf32, #tpu.memory_space<vmem>>, vector<1x1x16xf32>,
    %swap3A_2756 = vector.shape_cast %swap3A_2755 : vector<1x1x16xf32> to vector<16xf32>
    %swap3A_2757 = vector.shape_cast %get3A_2613 : vector<16xf32> to vector<1x1x16xf32>
    tpu.vector_store %arg5[%swap3A_2752, %swap3A_2753, %swap3A_2754], %swap3A_2757 {strides = array<i32>} : memref<1x32x512xf32, #tpu.memory_space<vmem>>, vector<1x1x16xf32>,
    %swap3A_2758 = arith.constant 0 : i32
    %swap3A_2759 = arith.constant 18 : i32
    %swap3A_2760 = arith.index_cast %swap3A_2758 : i32 to index
    %swap3A_2761 = arith.index_cast %swap3A_2759 : i32 to index
    %swap3A_2762 = arith.constant 416 : index
    %swap3A_2763 = tpu.vector_load %arg5[%swap3A_2760, %swap3A_2761, %swap3A_2762] {strides = array<i32>} : memref<1x32x512xf32, #tpu.memory_space<vmem>>, vector<1x1x16xf32>,
    %swap3A_2764 = vector.shape_cast %swap3A_2763 : vector<1x1x16xf32> to vector<16xf32>
    %swap3A_2765 = vector.shape_cast %get3A_2613 : vector<16xf32> to vector<1x1x16xf32>
    tpu.vector_store %arg5[%swap3A_2760, %swap3A_2761, %swap3A_2762], %swap3A_2765 {strides = array<i32>} : memref<1x32x512xf32, #tpu.memory_space<vmem>>, vector<1x1x16xf32>,
    %swap3A_2766 = arith.constant 0 : i32
    %swap3A_2767 = arith.constant 19 : i32
    %swap3A_2768 = arith.index_cast %swap3A_2766 : i32 to index
    %swap3A_2769 = arith.index_cast %swap3A_2767 : i32 to index
    %swap3A_2770 = arith.constant 416 : index
    %swap3A_2771 = tpu.vector_load %arg5[%swap3A_2768, %swap3A_2769, %swap3A_2770] {strides = array<i32>} : memref<1x32x512xf32, #tpu.memory_space<vmem>>, vector<1x1x16xf32>,
    %swap3A_2772 = vector.shape_cast %swap3A_2771 : vector<1x1x16xf32> to vector<16xf32>
    %swap3A_2773 = vector.shape_cast %get3A_2613 : vector<16xf32> to vector<1x1x16xf32>
    tpu.vector_store %arg5[%swap3A_2768, %swap3A_2769, %swap3A_2770], %swap3A_2773 {strides = array<i32>} : memref<1x32x512xf32, #tpu.memory_space<vmem>>, vector<1x1x16xf32>,
    %swap3A_2774 = arith.constant 0 : i32
    %swap3A_2775 = arith.constant 20 : i32
    %swap3A_2776 = arith.index_cast %swap3A_2774 : i32 to index
    %swap3A_2777 = arith.index_cast %swap3A_2775 : i32 to index
    %swap3A_2778 = arith.constant 416 : index
    %swap3A_2779 = tpu.vector_load %arg5[%swap3A_2776, %swap3A_2777, %swap3A_2778] {strides = array<i32>} : memref<1x32x512xf32, #tpu.memory_space<vmem>>, vector<1x1x16xf32>,
    %swap3A_2780 = vector.shape_cast %swap3A_2779 : vector<1x1x16xf32> to vector<16xf32>
    %swap3A_2781 = vector.shape_cast %get3A_2613 : vector<16xf32> to vector<1x1x16xf32>
    tpu.vector_store %arg5[%swap3A_2776, %swap3A_2777, %swap3A_2778], %swap3A_2781 {strides = array<i32>} : memref<1x32x512xf32, #tpu.memory_space<vmem>>, vector<1x1x16xf32>,
    %swap3A_2782 = arith.constant 0 : i32
    %swap3A_2783 = arith.constant 21 : i32
    %swap3A_2784 = arith.index_cast %swap3A_2782 : i32 to index
    %swap3A_2785 = arith.index_cast %swap3A_2783 : i32 to index
    %swap3A_2786 = arith.constant 416 : index
    %swap3A_2787 = tpu.vector_load %arg5[%swap3A_2784, %swap3A_2785, %swap3A_2786] {strides = array<i32>} : memref<1x32x512xf32, #tpu.memory_space<vmem>>, vector<1x1x16xf32>,
    %swap3A_2788 = vector.shape_cast %swap3A_2787 : vector<1x1x16xf32> to vector<16xf32>
    %swap3A_2789 = vector.shape_cast %get3A_2613 : vector<16xf32> to vector<1x1x16xf32>
    tpu.vector_store %arg5[%swap3A_2784, %swap3A_2785, %swap3A_2786], %swap3A_2789 {strides = array<i32>} : memref<1x32x512xf32, #tpu.memory_space<vmem>>, vector<1x1x16xf32>,
    %swap3A_2790 = arith.constant 0 : i32
    %swap3A_2791 = arith.constant 22 : i32
    %swap3A_2792 = arith.index_cast %swap3A_2790 : i32 to index
    %swap3A_2793 = arith.index_cast %swap3A_2791 : i32 to index
    %swap3A_2794 = arith.constant 416 : index
    %swap3A_2795 = tpu.vector_load %arg5[%swap3A_2792, %swap3A_2793, %swap3A_2794] {strides = array<i32>} : memref<1x32x512xf32, #tpu.memory_space<vmem>>, vector<1x1x16xf32>,
    %swap3A_2796 = vector.shape_cast %swap3A_2795 : vector<1x1x16xf32> to vector<16xf32>
    %swap3A_2797 = vector.shape_cast %get3A_2613 : vector<16xf32> to vector<1x1x16xf32>
    tpu.vector_store %arg5[%swap3A_2792, %swap3A_2793, %swap3A_2794], %swap3A_2797 {strides = array<i32>} : memref<1x32x512xf32, #tpu.memory_space<vmem>>, vector<1x1x16xf32>,
    %swap3A_2798 = arith.constant 0 : i32
    %swap3A_2799 = arith.constant 23 : i32
    %swap3A_2800 = arith.index_cast %swap3A_2798 : i32 to index
    %swap3A_2801 = arith.index_cast %swap3A_2799 : i32 to index
    %swap3A_2802 = arith.constant 416 : index
    %swap3A_2803 = tpu.vector_load %arg5[%swap3A_2800, %swap3A_2801, %swap3A_2802] {strides = array<i32>} : memref<1x32x512xf32, #tpu.memory_space<vmem>>, vector<1x1x16xf32>,
    %swap3A_2804 = vector.shape_cast %swap3A_2803 : vector<1x1x16xf32> to vector<16xf32>
    %swap3A_2805 = vector.shape_cast %get3A_2613 : vector<16xf32> to vector<1x1x16xf32>
    tpu.vector_store %arg5[%swap3A_2800, %swap3A_2801, %swap3A_2802], %swap3A_2805 {strides = array<i32>} : memref<1x32x512xf32, #tpu.memory_space<vmem>>, vector<1x1x16xf32>,
    %swap3A_2806 = arith.constant 0 : i32
    %swap3A_2807 = arith.constant 24 : i32
    %swap3A_2808 = arith.index_cast %swap3A_2806 : i32 to index
    %swap3A_2809 = arith.index_cast %swap3A_2807 : i32 to index
    %swap3A_2810 = arith.constant 416 : index
    %swap3A_2811 = tpu.vector_load %arg5[%swap3A_2808, %swap3A_2809, %swap3A_2810] {strides = array<i32>} : memref<1x32x512xf32, #tpu.memory_space<vmem>>, vector<1x1x16xf32>,
    %swap3A_2812 = vector.shape_cast %swap3A_2811 : vector<1x1x16xf32> to vector<16xf32>
    %swap3A_2813 = vector.shape_cast %get3A_2613 : vector<16xf32> to vector<1x1x16xf32>
    tpu.vector_store %arg5[%swap3A_2808, %swap3A_2809, %swap3A_2810], %swap3A_2813 {strides = array<i32>} : memref<1x32x512xf32, #tpu.memory_space<vmem>>, vector<1x1x16xf32>,
    %swap3A_2814 = arith.constant 0 : i32
    %swap3A_2815 = arith.constant 25 : i32
    %swap3A_2816 = arith.index_cast %swap3A_2814 : i32 to index
    %swap3A_2817 = arith.index_cast %swap3A_2815 : i32 to index
    %swap3A_2818 = arith.constant 416 : index
    %swap3A_2819 = tpu.vector_load %arg5[%swap3A_2816, %swap3A_2817, %swap3A_2818] {strides = array<i32>} : memref<1x32x512xf32, #tpu.memory_space<vmem>>, vector<1x1x16xf32>,
    %swap3A_2820 = vector.shape_cast %swap3A_2819 : vector<1x1x16xf32> to vector<16xf32>
    %swap3A_2821 = vector.shape_cast %get3A_2613 : vector<16xf32> to vector<1x1x16xf32>
    tpu.vector_store %arg5[%swap3A_2816, %swap3A_2817, %swap3A_2818], %swap3A_2821 {strides = array<i32>} : memref<1x32x512xf32, #tpu.memory_space<vmem>>, vector<1x1x16xf32>,
    %swap3A_2822 = arith.constant 0 : i32
    %swap3A_2823 = arith.constant 26 : i32
    %swap3A_2824 = arith.index_cast %swap3A_2822 : i32 to index
    %swap3A_2825 = arith.index_cast %swap3A_2823 : i32 to index
    %swap3A_2826 = arith.constant 416 : index
    %swap3A_2827 = tpu.vector_load %arg5[%swap3A_2824, %swap3A_2825, %swap3A_2826] {strides = array<i32>} : memref<1x32x512xf32, #tpu.memory_space<vmem>>, vector<1x1x16xf32>,
    %swap3A_2828 = vector.shape_cast %swap3A_2827 : vector<1x1x16xf32> to vector<16xf32>
    %swap3A_2829 = vector.shape_cast %get3A_2613 : vector<16xf32> to vector<1x1x16xf32>
    tpu.vector_store %arg5[%swap3A_2824, %swap3A_2825, %swap3A_2826], %swap3A_2829 {strides = array<i32>} : memref<1x32x512xf32, #tpu.memory_space<vmem>>, vector<1x1x16xf32>,
    %swap3A_2830 = arith.constant 0 : i32
    %swap3A_2831 = arith.constant 27 : i32
    %swap3A_2832 = arith.index_cast %swap3A_2830 : i32 to index
    %swap3A_2833 = arith.index_cast %swap3A_2831 : i32 to index
    %swap3A_2834 = arith.constant 416 : index
    %swap3A_2835 = tpu.vector_load %arg5[%swap3A_2832, %swap3A_2833, %swap3A_2834] {strides = array<i32>} : memref<1x32x512xf32, #tpu.memory_space<vmem>>, vector<1x1x16xf32>,
    %swap3A_2836 = vector.shape_cast %swap3A_2835 : vector<1x1x16xf32> to vector<16xf32>
    %swap3A_2837 = vector.shape_cast %get3A_2613 : vector<16xf32> to vector<1x1x16xf32>
    tpu.vector_store %arg5[%swap3A_2832, %swap3A_2833, %swap3A_2834], %swap3A_2837 {strides = array<i32>} : memref<1x32x512xf32, #tpu.memory_space<vmem>>, vector<1x1x16xf32>,
    %swap3A_2838 = arith.constant 0 : i32
    %swap3A_2839 = arith.constant 28 : i32
    %swap3A_2840 = arith.index_cast %swap3A_2838 : i32 to index
    %swap3A_2841 = arith.index_cast %swap3A_2839 : i32 to index
    %swap3A_2842 = arith.constant 416 : index
    %swap3A_2843 = tpu.vector_load %arg5[%swap3A_2840, %swap3A_2841, %swap3A_2842] {strides = array<i32>} : memref<1x32x512xf32, #tpu.memory_space<vmem>>, vector<1x1x16xf32>,
    %swap3A_2844 = vector.shape_cast %swap3A_2843 : vector<1x1x16xf32> to vector<16xf32>
    %swap3A_2845 = vector.shape_cast %get3A_2613 : vector<16xf32> to vector<1x1x16xf32>
    tpu.vector_store %arg5[%swap3A_2840, %swap3A_2841, %swap3A_2842], %swap3A_2845 {strides = array<i32>} : memref<1x32x512xf32, #tpu.memory_space<vmem>>, vector<1x1x16xf32>,
    %swap3A_2846 = arith.constant 0 : i32
    %swap3A_2847 = arith.constant 29 : i32
    %swap3A_2848 = arith.index_cast %swap3A_2846 : i32 to index
    %swap3A_2849 = arith.index_cast %swap3A_2847 : i32 to index
    %swap3A_2850 = arith.constant 416 : index
    %swap3A_2851 = tpu.vector_load %arg5[%swap3A_2848, %swap3A_2849, %swap3A_2850] {strides = array<i32>} : memref<1x32x512xf32, #tpu.memory_space<vmem>>, vector<1x1x16xf32>,
    %swap3A_2852 = vector.shape_cast %swap3A_2851 : vector<1x1x16xf32> to vector<16xf32>
    %swap3A_2853 = vector.shape_cast %get3A_2613 : vector<16xf32> to vector<1x1x16xf32>
    tpu.vector_store %arg5[%swap3A_2848, %swap3A_2849, %swap3A_2850], %swap3A_2853 {strides = array<i32>} : memref<1x32x512xf32, #tpu.memory_space<vmem>>, vector<1x1x16xf32>,
    %swap3A_2854 = arith.constant 0 : i32
    %swap3A_2855 = arith.constant 30 : i32
    %swap3A_2856 = arith.index_cast %swap3A_2854 : i32 to index
    %swap3A_2857 = arith.index_cast %swap3A_2855 : i32 to index
    %swap3A_2858 = arith.constant 416 : index
    %swap3A_2859 = tpu.vector_load %arg5[%swap3A_2856, %swap3A_2857, %swap3A_2858] {strides = array<i32>} : memref<1x32x512xf32, #tpu.memory_space<vmem>>, vector<1x1x16xf32>,
    %swap3A_2860 = vector.shape_cast %swap3A_2859 : vector<1x1x16xf32> to vector<16xf32>
    %swap3A_2861 = vector.shape_cast %get3A_2613 : vector<16xf32> to vector<1x1x16xf32>
    tpu.vector_store %arg5[%swap3A_2856, %swap3A_2857, %swap3A_2858], %swap3A_2861 {strides = array<i32>} : memref<1x32x512xf32, #tpu.memory_space<vmem>>, vector<1x1x16xf32>,
    %swap3A_2862 = arith.constant 0 : i32
    %swap3A_2863 = arith.constant 31 : i32
    %swap3A_2864 = arith.index_cast %swap3A_2862 : i32 to index
    %swap3A_2865 = arith.index_cast %swap3A_2863 : i32 to index
    %swap3A_2866 = arith.constant 416 : index
    %swap3A_2867 = tpu.vector_load %arg5[%swap3A_2864, %swap3A_2865, %swap3A_2866] {strides = array<i32>} : memref<1x32x512xf32, #tpu.memory_space<vmem>>, vector<1x1x16xf32>,
    %swap3A_2868 = vector.shape_cast %swap3A_2867 : vector<1x1x16xf32> to vector<16xf32>
    %swap3A_2869 = vector.shape_cast %get3A_2613 : vector<16xf32> to vector<1x1x16xf32>
    tpu.vector_store %arg5[%swap3A_2864, %swap3A_2865, %swap3A_2866], %swap3A_2869 {strides = array<i32>} : memref<1x32x512xf32, #tpu.memory_space<vmem>>, vector<1x1x16xf32>,
    %get3A_2870 = arith.constant 0 : i32
    %get3A_2871 = arith.index_cast %get3A_2870 : i32 to index
    %get3A_2872 = arith.constant 176 : index
    %get3A_2873 = tpu.vector_load %arg6[%get3A_2871, %get3A_2872] {strides = array<i32>} : memref<1x256xf32, #tpu.memory_space<vmem>>, vector<1x16xf32>,
    %get3A_2874 = vector.shape_cast %get3A_2873 : vector<1x16xf32> to vector<16xf32>
    %swap3A_2875 = arith.constant 0 : i32
    %swap3A_2876 = arith.constant 0 : i32
    %swap3A_2877 = arith.index_cast %swap3A_2875 : i32 to index
    %swap3A_2878 = arith.index_cast %swap3A_2876 : i32 to index
    %swap3A_2879 = arith.constant 432 : index
    %swap3A_2880 = tpu.vector_load %arg5[%swap3A_2877, %swap3A_2878, %swap3A_2879] {strides = array<i32>} : memref<1x32x512xf32, #tpu.memory_space<vmem>>, vector<1x1x16xf32>,
    %swap3A_2881 = vector.shape_cast %swap3A_2880 : vector<1x1x16xf32> to vector<16xf32>
    %swap3A_2882 = vector.shape_cast %get3A_2874 : vector<16xf32> to vector<1x1x16xf32>
    tpu.vector_store %arg5[%swap3A_2877, %swap3A_2878, %swap3A_2879], %swap3A_2882 {strides = array<i32>} : memref<1x32x512xf32, #tpu.memory_space<vmem>>, vector<1x1x16xf32>,
    %swap3A_2883 = arith.constant 0 : i32
    %swap3A_2884 = arith.constant 1 : i32
    %swap3A_2885 = arith.index_cast %swap3A_2883 : i32 to index
    %swap3A_2886 = arith.index_cast %swap3A_2884 : i32 to index
    %swap3A_2887 = arith.constant 432 : index
    %swap3A_2888 = tpu.vector_load %arg5[%swap3A_2885, %swap3A_2886, %swap3A_2887] {strides = array<i32>} : memref<1x32x512xf32, #tpu.memory_space<vmem>>, vector<1x1x16xf32>,
    %swap3A_2889 = vector.shape_cast %swap3A_2888 : vector<1x1x16xf32> to vector<16xf32>
    %swap3A_2890 = vector.shape_cast %get3A_2874 : vector<16xf32> to vector<1x1x16xf32>
    tpu.vector_store %arg5[%swap3A_2885, %swap3A_2886, %swap3A_2887], %swap3A_2890 {strides = array<i32>} : memref<1x32x512xf32, #tpu.memory_space<vmem>>, vector<1x1x16xf32>,
    %swap3A_2891 = arith.constant 0 : i32
    %swap3A_2892 = arith.constant 2 : i32
    %swap3A_2893 = arith.index_cast %swap3A_2891 : i32 to index
    %swap3A_2894 = arith.index_cast %swap3A_2892 : i32 to index
    %swap3A_2895 = arith.constant 432 : index
    %swap3A_2896 = tpu.vector_load %arg5[%swap3A_2893, %swap3A_2894, %swap3A_2895] {strides = array<i32>} : memref<1x32x512xf32, #tpu.memory_space<vmem>>, vector<1x1x16xf32>,
    %swap3A_2897 = vector.shape_cast %swap3A_2896 : vector<1x1x16xf32> to vector<16xf32>
    %swap3A_2898 = vector.shape_cast %get3A_2874 : vector<16xf32> to vector<1x1x16xf32>
    tpu.vector_store %arg5[%swap3A_2893, %swap3A_2894, %swap3A_2895], %swap3A_2898 {strides = array<i32>} : memref<1x32x512xf32, #tpu.memory_space<vmem>>, vector<1x1x16xf32>,
    %swap3A_2899 = arith.constant 0 : i32
    %swap3A_2900 = arith.constant 3 : i32
    %swap3A_2901 = arith.index_cast %swap3A_2899 : i32 to index
    %swap3A_2902 = arith.index_cast %swap3A_2900 : i32 to index
    %swap3A_2903 = arith.constant 432 : index
    %swap3A_2904 = tpu.vector_load %arg5[%swap3A_2901, %swap3A_2902, %swap3A_2903] {strides = array<i32>} : memref<1x32x512xf32, #tpu.memory_space<vmem>>, vector<1x1x16xf32>,
    %swap3A_2905 = vector.shape_cast %swap3A_2904 : vector<1x1x16xf32> to vector<16xf32>
    %swap3A_2906 = vector.shape_cast %get3A_2874 : vector<16xf32> to vector<1x1x16xf32>
    tpu.vector_store %arg5[%swap3A_2901, %swap3A_2902, %swap3A_2903], %swap3A_2906 {strides = array<i32>} : memref<1x32x512xf32, #tpu.memory_space<vmem>>, vector<1x1x16xf32>,
    %swap3A_2907 = arith.constant 0 : i32
    %swap3A_2908 = arith.constant 4 : i32
    %swap3A_2909 = arith.index_cast %swap3A_2907 : i32 to index
    %swap3A_2910 = arith.index_cast %swap3A_2908 : i32 to index
    %swap3A_2911 = arith.constant 432 : index
    %swap3A_2912 = tpu.vector_load %arg5[%swap3A_2909, %swap3A_2910, %swap3A_2911] {strides = array<i32>} : memref<1x32x512xf32, #tpu.memory_space<vmem>>, vector<1x1x16xf32>,
    %swap3A_2913 = vector.shape_cast %swap3A_2912 : vector<1x1x16xf32> to vector<16xf32>
    %swap3A_2914 = vector.shape_cast %get3A_2874 : vector<16xf32> to vector<1x1x16xf32>
    tpu.vector_store %arg5[%swap3A_2909, %swap3A_2910, %swap3A_2911], %swap3A_2914 {strides = array<i32>} : memref<1x32x512xf32, #tpu.memory_space<vmem>>, vector<1x1x16xf32>,
    %swap3A_2915 = arith.constant 0 : i32
    %swap3A_2916 = arith.constant 5 : i32
    %swap3A_2917 = arith.index_cast %swap3A_2915 : i32 to index
    %swap3A_2918 = arith.index_cast %swap3A_2916 : i32 to index
    %swap3A_2919 = arith.constant 432 : index
    %swap3A_2920 = tpu.vector_load %arg5[%swap3A_2917, %swap3A_2918, %swap3A_2919] {strides = array<i32>} : memref<1x32x512xf32, #tpu.memory_space<vmem>>, vector<1x1x16xf32>,
    %swap3A_2921 = vector.shape_cast %swap3A_2920 : vector<1x1x16xf32> to vector<16xf32>
    %swap3A_2922 = vector.shape_cast %get3A_2874 : vector<16xf32> to vector<1x1x16xf32>
    tpu.vector_store %arg5[%swap3A_2917, %swap3A_2918, %swap3A_2919], %swap3A_2922 {strides = array<i32>} : memref<1x32x512xf32, #tpu.memory_space<vmem>>, vector<1x1x16xf32>,
    %swap3A_2923 = arith.constant 0 : i32
    %swap3A_2924 = arith.constant 6 : i32
    %swap3A_2925 = arith.index_cast %swap3A_2923 : i32 to index
    %swap3A_2926 = arith.index_cast %swap3A_2924 : i32 to index
    %swap3A_2927 = arith.constant 432 : index
    %swap3A_2928 = tpu.vector_load %arg5[%swap3A_2925, %swap3A_2926, %swap3A_2927] {strides = array<i32>} : memref<1x32x512xf32, #tpu.memory_space<vmem>>, vector<1x1x16xf32>,
    %swap3A_2929 = vector.shape_cast %swap3A_2928 : vector<1x1x16xf32> to vector<16xf32>
    %swap3A_2930 = vector.shape_cast %get3A_2874 : vector<16xf32> to vector<1x1x16xf32>
    tpu.vector_store %arg5[%swap3A_2925, %swap3A_2926, %swap3A_2927], %swap3A_2930 {strides = array<i32>} : memref<1x32x512xf32, #tpu.memory_space<vmem>>, vector<1x1x16xf32>,
    %swap3A_2931 = arith.constant 0 : i32
    %swap3A_2932 = arith.constant 7 : i32
    %swap3A_2933 = arith.index_cast %swap3A_2931 : i32 to index
    %swap3A_2934 = arith.index_cast %swap3A_2932 : i32 to index
    %swap3A_2935 = arith.constant 432 : index
    %swap3A_2936 = tpu.vector_load %arg5[%swap3A_2933, %swap3A_2934, %swap3A_2935] {strides = array<i32>} : memref<1x32x512xf32, #tpu.memory_space<vmem>>, vector<1x1x16xf32>,
    %swap3A_2937 = vector.shape_cast %swap3A_2936 : vector<1x1x16xf32> to vector<16xf32>
    %swap3A_2938 = vector.shape_cast %get3A_2874 : vector<16xf32> to vector<1x1x16xf32>
    tpu.vector_store %arg5[%swap3A_2933, %swap3A_2934, %swap3A_2935], %swap3A_2938 {strides = array<i32>} : memref<1x32x512xf32, #tpu.memory_space<vmem>>, vector<1x1x16xf32>,
    %swap3A_2939 = arith.constant 0 : i32
    %swap3A_2940 = arith.constant 8 : i32
    %swap3A_2941 = arith.index_cast %swap3A_2939 : i32 to index
    %swap3A_2942 = arith.index_cast %swap3A_2940 : i32 to index
    %swap3A_2943 = arith.constant 432 : index
    %swap3A_2944 = tpu.vector_load %arg5[%swap3A_2941, %swap3A_2942, %swap3A_2943] {strides = array<i32>} : memref<1x32x512xf32, #tpu.memory_space<vmem>>, vector<1x1x16xf32>,
    %swap3A_2945 = vector.shape_cast %swap3A_2944 : vector<1x1x16xf32> to vector<16xf32>
    %swap3A_2946 = vector.shape_cast %get3A_2874 : vector<16xf32> to vector<1x1x16xf32>
    tpu.vector_store %arg5[%swap3A_2941, %swap3A_2942, %swap3A_2943], %swap3A_2946 {strides = array<i32>} : memref<1x32x512xf32, #tpu.memory_space<vmem>>, vector<1x1x16xf32>,
    %swap3A_2947 = arith.constant 0 : i32
    %swap3A_2948 = arith.constant 9 : i32
    %swap3A_2949 = arith.index_cast %swap3A_2947 : i32 to index
    %swap3A_2950 = arith.index_cast %swap3A_2948 : i32 to index
    %swap3A_2951 = arith.constant 432 : index
    %swap3A_2952 = tpu.vector_load %arg5[%swap3A_2949, %swap3A_2950, %swap3A_2951] {strides = array<i32>} : memref<1x32x512xf32, #tpu.memory_space<vmem>>, vector<1x1x16xf32>,
    %swap3A_2953 = vector.shape_cast %swap3A_2952 : vector<1x1x16xf32> to vector<16xf32>
    %swap3A_2954 = vector.shape_cast %get3A_2874 : vector<16xf32> to vector<1x1x16xf32>
    tpu.vector_store %arg5[%swap3A_2949, %swap3A_2950, %swap3A_2951], %swap3A_2954 {strides = array<i32>} : memref<1x32x512xf32, #tpu.memory_space<vmem>>, vector<1x1x16xf32>,
    %swap3A_2955 = arith.constant 0 : i32
    %swap3A_2956 = arith.constant 10 : i32
    %swap3A_2957 = arith.index_cast %swap3A_2955 : i32 to index
    %swap3A_2958 = arith.index_cast %swap3A_2956 : i32 to index
    %swap3A_2959 = arith.constant 432 : index
    %swap3A_2960 = tpu.vector_load %arg5[%swap3A_2957, %swap3A_2958, %swap3A_2959] {strides = array<i32>} : memref<1x32x512xf32, #tpu.memory_space<vmem>>, vector<1x1x16xf32>,
    %swap3A_2961 = vector.shape_cast %swap3A_2960 : vector<1x1x16xf32> to vector<16xf32>
    %swap3A_2962 = vector.shape_cast %get3A_2874 : vector<16xf32> to vector<1x1x16xf32>
    tpu.vector_store %arg5[%swap3A_2957, %swap3A_2958, %swap3A_2959], %swap3A_2962 {strides = array<i32>} : memref<1x32x512xf32, #tpu.memory_space<vmem>>, vector<1x1x16xf32>,
    %swap3A_2963 = arith.constant 0 : i32
    %swap3A_2964 = arith.constant 11 : i32
    %swap3A_2965 = arith.index_cast %swap3A_2963 : i32 to index
    %swap3A_2966 = arith.index_cast %swap3A_2964 : i32 to index
    %swap3A_2967 = arith.constant 432 : index
    %swap3A_2968 = tpu.vector_load %arg5[%swap3A_2965, %swap3A_2966, %swap3A_2967] {strides = array<i32>} : memref<1x32x512xf32, #tpu.memory_space<vmem>>, vector<1x1x16xf32>,
    %swap3A_2969 = vector.shape_cast %swap3A_2968 : vector<1x1x16xf32> to vector<16xf32>
    %swap3A_2970 = vector.shape_cast %get3A_2874 : vector<16xf32> to vector<1x1x16xf32>
    tpu.vector_store %arg5[%swap3A_2965, %swap3A_2966, %swap3A_2967], %swap3A_2970 {strides = array<i32>} : memref<1x32x512xf32, #tpu.memory_space<vmem>>, vector<1x1x16xf32>,
    %swap3A_2971 = arith.constant 0 : i32
    %swap3A_2972 = arith.constant 12 : i32
    %swap3A_2973 = arith.index_cast %swap3A_2971 : i32 to index
    %swap3A_2974 = arith.index_cast %swap3A_2972 : i32 to index
    %swap3A_2975 = arith.constant 432 : index
    %swap3A_2976 = tpu.vector_load %arg5[%swap3A_2973, %swap3A_2974, %swap3A_2975] {strides = array<i32>} : memref<1x32x512xf32, #tpu.memory_space<vmem>>, vector<1x1x16xf32>,
    %swap3A_2977 = vector.shape_cast %swap3A_2976 : vector<1x1x16xf32> to vector<16xf32>
    %swap3A_2978 = vector.shape_cast %get3A_2874 : vector<16xf32> to vector<1x1x16xf32>
    tpu.vector_store %arg5[%swap3A_2973, %swap3A_2974, %swap3A_2975], %swap3A_2978 {strides = array<i32>} : memref<1x32x512xf32, #tpu.memory_space<vmem>>, vector<1x1x16xf32>,
    %swap3A_2979 = arith.constant 0 : i32
    %swap3A_2980 = arith.constant 13 : i32
    %swap3A_2981 = arith.index_cast %swap3A_2979 : i32 to index
    %swap3A_2982 = arith.index_cast %swap3A_2980 : i32 to index
    %swap3A_2983 = arith.constant 432 : index
    %swap3A_2984 = tpu.vector_load %arg5[%swap3A_2981, %swap3A_2982, %swap3A_2983] {strides = array<i32>} : memref<1x32x512xf32, #tpu.memory_space<vmem>>, vector<1x1x16xf32>,
    %swap3A_2985 = vector.shape_cast %swap3A_2984 : vector<1x1x16xf32> to vector<16xf32>
    %swap3A_2986 = vector.shape_cast %get3A_2874 : vector<16xf32> to vector<1x1x16xf32>
    tpu.vector_store %arg5[%swap3A_2981, %swap3A_2982, %swap3A_2983], %swap3A_2986 {strides = array<i32>} : memref<1x32x512xf32, #tpu.memory_space<vmem>>, vector<1x1x16xf32>,
    %swap3A_2987 = arith.constant 0 : i32
    %swap3A_2988 = arith.constant 14 : i32
    %swap3A_2989 = arith.index_cast %swap3A_2987 : i32 to index
    %swap3A_2990 = arith.index_cast %swap3A_2988 : i32 to index
    %swap3A_2991 = arith.constant 432 : index
    %swap3A_2992 = tpu.vector_load %arg5[%swap3A_2989, %swap3A_2990, %swap3A_2991] {strides = array<i32>} : memref<1x32x512xf32, #tpu.memory_space<vmem>>, vector<1x1x16xf32>,
    %swap3A_2993 = vector.shape_cast %swap3A_2992 : vector<1x1x16xf32> to vector<16xf32>
    %swap3A_2994 = vector.shape_cast %get3A_2874 : vector<16xf32> to vector<1x1x16xf32>
    tpu.vector_store %arg5[%swap3A_2989, %swap3A_2990, %swap3A_2991], %swap3A_2994 {strides = array<i32>} : memref<1x32x512xf32, #tpu.memory_space<vmem>>, vector<1x1x16xf32>,
    %swap3A_2995 = arith.constant 0 : i32
    %swap3A_2996 = arith.constant 15 : i32
    %swap3A_2997 = arith.index_cast %swap3A_2995 : i32 to index
    %swap3A_2998 = arith.index_cast %swap3A_2996 : i32 to index
    %swap3A_2999 = arith.constant 432 : index
    %swap3A_3000 = tpu.vector_load %arg5[%swap3A_2997, %swap3A_2998, %swap3A_2999] {strides = array<i32>} : memref<1x32x512xf32, #tpu.memory_space<vmem>>, vector<1x1x16xf32>,
    %swap3A_3001 = vector.shape_cast %swap3A_3000 : vector<1x1x16xf32> to vector<16xf32>
    %swap3A_3002 = vector.shape_cast %get3A_2874 : vector<16xf32> to vector<1x1x16xf32>
    tpu.vector_store %arg5[%swap3A_2997, %swap3A_2998, %swap3A_2999], %swap3A_3002 {strides = array<i32>} : memref<1x32x512xf32, #tpu.memory_space<vmem>>, vector<1x1x16xf32>,
    %swap3A_3003 = arith.constant 0 : i32
    %swap3A_3004 = arith.constant 16 : i32
    %swap3A_3005 = arith.index_cast %swap3A_3003 : i32 to index
    %swap3A_3006 = arith.index_cast %swap3A_3004 : i32 to index
    %swap3A_3007 = arith.constant 432 : index
    %swap3A_3008 = tpu.vector_load %arg5[%swap3A_3005, %swap3A_3006, %swap3A_3007] {strides = array<i32>} : memref<1x32x512xf32, #tpu.memory_space<vmem>>, vector<1x1x16xf32>,
    %swap3A_3009 = vector.shape_cast %swap3A_3008 : vector<1x1x16xf32> to vector<16xf32>
    %swap3A_3010 = vector.shape_cast %get3A_2874 : vector<16xf32> to vector<1x1x16xf32>
    tpu.vector_store %arg5[%swap3A_3005, %swap3A_3006, %swap3A_3007], %swap3A_3010 {strides = array<i32>} : memref<1x32x512xf32, #tpu.memory_space<vmem>>, vector<1x1x16xf32>,
    %swap3A_3011 = arith.constant 0 : i32
    %swap3A_3012 = arith.constant 17 : i32
    %swap3A_3013 = arith.index_cast %swap3A_3011 : i32 to index
    %swap3A_3014 = arith.index_cast %swap3A_3012 : i32 to index
    %swap3A_3015 = arith.constant 432 : index
    %swap3A_3016 = tpu.vector_load %arg5[%swap3A_3013, %swap3A_3014, %swap3A_3015] {strides = array<i32>} : memref<1x32x512xf32, #tpu.memory_space<vmem>>, vector<1x1x16xf32>,
    %swap3A_3017 = vector.shape_cast %swap3A_3016 : vector<1x1x16xf32> to vector<16xf32>
    %swap3A_3018 = vector.shape_cast %get3A_2874 : vector<16xf32> to vector<1x1x16xf32>
    tpu.vector_store %arg5[%swap3A_3013, %swap3A_3014, %swap3A_3015], %swap3A_3018 {strides = array<i32>} : memref<1x32x512xf32, #tpu.memory_space<vmem>>, vector<1x1x16xf32>,
    %swap3A_3019 = arith.constant 0 : i32
    %swap3A_3020 = arith.constant 18 : i32
    %swap3A_3021 = arith.index_cast %swap3A_3019 : i32 to index
    %swap3A_3022 = arith.index_cast %swap3A_3020 : i32 to index
    %swap3A_3023 = arith.constant 432 : index
    %swap3A_3024 = tpu.vector_load %arg5[%swap3A_3021, %swap3A_3022, %swap3A_3023] {strides = array<i32>} : memref<1x32x512xf32, #tpu.memory_space<vmem>>, vector<1x1x16xf32>,
    %swap3A_3025 = vector.shape_cast %swap3A_3024 : vector<1x1x16xf32> to vector<16xf32>
    %swap3A_3026 = vector.shape_cast %get3A_2874 : vector<16xf32> to vector<1x1x16xf32>
    tpu.vector_store %arg5[%swap3A_3021, %swap3A_3022, %swap3A_3023], %swap3A_3026 {strides = array<i32>} : memref<1x32x512xf32, #tpu.memory_space<vmem>>, vector<1x1x16xf32>,
    %swap3A_3027 = arith.constant 0 : i32
    %swap3A_3028 = arith.constant 19 : i32
    %swap3A_3029 = arith.index_cast %swap3A_3027 : i32 to index
    %swap3A_3030 = arith.index_cast %swap3A_3028 : i32 to index
    %swap3A_3031 = arith.constant 432 : index
    %swap3A_3032 = tpu.vector_load %arg5[%swap3A_3029, %swap3A_3030, %swap3A_3031] {strides = array<i32>} : memref<1x32x512xf32, #tpu.memory_space<vmem>>, vector<1x1x16xf32>,
    %swap3A_3033 = vector.shape_cast %swap3A_3032 : vector<1x1x16xf32> to vector<16xf32>
    %swap3A_3034 = vector.shape_cast %get3A_2874 : vector<16xf32> to vector<1x1x16xf32>
    tpu.vector_store %arg5[%swap3A_3029, %swap3A_3030, %swap3A_3031], %swap3A_3034 {strides = array<i32>} : memref<1x32x512xf32, #tpu.memory_space<vmem>>, vector<1x1x16xf32>,
    %swap3A_3035 = arith.constant 0 : i32
    %swap3A_3036 = arith.constant 20 : i32
    %swap3A_3037 = arith.index_cast %swap3A_3035 : i32 to index
    %swap3A_3038 = arith.index_cast %swap3A_3036 : i32 to index
    %swap3A_3039 = arith.constant 432 : index
    %swap3A_3040 = tpu.vector_load %arg5[%swap3A_3037, %swap3A_3038, %swap3A_3039] {strides = array<i32>} : memref<1x32x512xf32, #tpu.memory_space<vmem>>, vector<1x1x16xf32>,
    %swap3A_3041 = vector.shape_cast %swap3A_3040 : vector<1x1x16xf32> to vector<16xf32>
    %swap3A_3042 = vector.shape_cast %get3A_2874 : vector<16xf32> to vector<1x1x16xf32>
    tpu.vector_store %arg5[%swap3A_3037, %swap3A_3038, %swap3A_3039], %swap3A_3042 {strides = array<i32>} : memref<1x32x512xf32, #tpu.memory_space<vmem>>, vector<1x1x16xf32>,
    %swap3A_3043 = arith.constant 0 : i32
    %swap3A_3044 = arith.constant 21 : i32
    %swap3A_3045 = arith.index_cast %swap3A_3043 : i32 to index
    %swap3A_3046 = arith.index_cast %swap3A_3044 : i32 to index
    %swap3A_3047 = arith.constant 432 : index
    %swap3A_3048 = tpu.vector_load %arg5[%swap3A_3045, %swap3A_3046, %swap3A_3047] {strides = array<i32>} : memref<1x32x512xf32, #tpu.memory_space<vmem>>, vector<1x1x16xf32>,
    %swap3A_3049 = vector.shape_cast %swap3A_3048 : vector<1x1x16xf32> to vector<16xf32>
    %swap3A_3050 = vector.shape_cast %get3A_2874 : vector<16xf32> to vector<1x1x16xf32>
    tpu.vector_store %arg5[%swap3A_3045, %swap3A_3046, %swap3A_3047], %swap3A_3050 {strides = array<i32>} : memref<1x32x512xf32, #tpu.memory_space<vmem>>, vector<1x1x16xf32>,
    %swap3A_3051 = arith.constant 0 : i32
    %swap3A_3052 = arith.constant 22 : i32
    %swap3A_3053 = arith.index_cast %swap3A_3051 : i32 to index
    %swap3A_3054 = arith.index_cast %swap3A_3052 : i32 to index
    %swap3A_3055 = arith.constant 432 : index
    %swap3A_3056 = tpu.vector_load %arg5[%swap3A_3053, %swap3A_3054, %swap3A_3055] {strides = array<i32>} : memref<1x32x512xf32, #tpu.memory_space<vmem>>, vector<1x1x16xf32>,
    %swap3A_3057 = vector.shape_cast %swap3A_3056 : vector<1x1x16xf32> to vector<16xf32>
    %swap3A_3058 = vector.shape_cast %get3A_2874 : vector<16xf32> to vector<1x1x16xf32>
    tpu.vector_store %arg5[%swap3A_3053, %swap3A_3054, %swap3A_3055], %swap3A_3058 {strides = array<i32>} : memref<1x32x512xf32, #tpu.memory_space<vmem>>, vector<1x1x16xf32>,
    %swap3A_3059 = arith.constant 0 : i32
    %swap3A_3060 = arith.constant 23 : i32
    %swap3A_3061 = arith.index_cast %swap3A_3059 : i32 to index
    %swap3A_3062 = arith.index_cast %swap3A_3060 : i32 to index
    %swap3A_3063 = arith.constant 432 : index
    %swap3A_3064 = tpu.vector_load %arg5[%swap3A_3061, %swap3A_3062, %swap3A_3063] {strides = array<i32>} : memref<1x32x512xf32, #tpu.memory_space<vmem>>, vector<1x1x16xf32>,
    %swap3A_3065 = vector.shape_cast %swap3A_3064 : vector<1x1x16xf32> to vector<16xf32>
    %swap3A_3066 = vector.shape_cast %get3A_2874 : vector<16xf32> to vector<1x1x16xf32>
    tpu.vector_store %arg5[%swap3A_3061, %swap3A_3062, %swap3A_3063], %swap3A_3066 {strides = array<i32>} : memref<1x32x512xf32, #tpu.memory_space<vmem>>, vector<1x1x16xf32>,
    %swap3A_3067 = arith.constant 0 : i32
    %swap3A_3068 = arith.constant 24 : i32
    %swap3A_3069 = arith.index_cast %swap3A_3067 : i32 to index
    %swap3A_3070 = arith.index_cast %swap3A_3068 : i32 to index
    %swap3A_3071 = arith.constant 432 : index
    %swap3A_3072 = tpu.vector_load %arg5[%swap3A_3069, %swap3A_3070, %swap3A_3071] {strides = array<i32>} : memref<1x32x512xf32, #tpu.memory_space<vmem>>, vector<1x1x16xf32>,
    %swap3A_3073 = vector.shape_cast %swap3A_3072 : vector<1x1x16xf32> to vector<16xf32>
    %swap3A_3074 = vector.shape_cast %get3A_2874 : vector<16xf32> to vector<1x1x16xf32>
    tpu.vector_store %arg5[%swap3A_3069, %swap3A_3070, %swap3A_3071], %swap3A_3074 {strides = array<i32>} : memref<1x32x512xf32, #tpu.memory_space<vmem>>, vector<1x1x16xf32>,
    %swap3A_3075 = arith.constant 0 : i32
    %swap3A_3076 = arith.constant 25 : i32
    %swap3A_3077 = arith.index_cast %swap3A_3075 : i32 to index
    %swap3A_3078 = arith.index_cast %swap3A_3076 : i32 to index
    %swap3A_3079 = arith.constant 432 : index
    %swap3A_3080 = tpu.vector_load %arg5[%swap3A_3077, %swap3A_3078, %swap3A_3079] {strides = array<i32>} : memref<1x32x512xf32, #tpu.memory_space<vmem>>, vector<1x1x16xf32>,
    %swap3A_3081 = vector.shape_cast %swap3A_3080 : vector<1x1x16xf32> to vector<16xf32>
    %swap3A_3082 = vector.shape_cast %get3A_2874 : vector<16xf32> to vector<1x1x16xf32>
    tpu.vector_store %arg5[%swap3A_3077, %swap3A_3078, %swap3A_3079], %swap3A_3082 {strides = array<i32>} : memref<1x32x512xf32, #tpu.memory_space<vmem>>, vector<1x1x16xf32>,
    %swap3A_3083 = arith.constant 0 : i32
    %swap3A_3084 = arith.constant 26 : i32
    %swap3A_3085 = arith.index_cast %swap3A_3083 : i32 to index
    %swap3A_3086 = arith.index_cast %swap3A_3084 : i32 to index
    %swap3A_3087 = arith.constant 432 : index
    %swap3A_3088 = tpu.vector_load %arg5[%swap3A_3085, %swap3A_3086, %swap3A_3087] {strides = array<i32>} : memref<1x32x512xf32, #tpu.memory_space<vmem>>, vector<1x1x16xf32>,
    %swap3A_3089 = vector.shape_cast %swap3A_3088 : vector<1x1x16xf32> to vector<16xf32>
    %swap3A_3090 = vector.shape_cast %get3A_2874 : vector<16xf32> to vector<1x1x16xf32>
    tpu.vector_store %arg5[%swap3A_3085, %swap3A_3086, %swap3A_3087], %swap3A_3090 {strides = array<i32>} : memref<1x32x512xf32, #tpu.memory_space<vmem>>, vector<1x1x16xf32>,
    %swap3A_3091 = arith.constant 0 : i32
    %swap3A_3092 = arith.constant 27 : i32
    %swap3A_3093 = arith.index_cast %swap3A_3091 : i32 to index
    %swap3A_3094 = arith.index_cast %swap3A_3092 : i32 to index
    %swap3A_3095 = arith.constant 432 : index
    %swap3A_3096 = tpu.vector_load %arg5[%swap3A_3093, %swap3A_3094, %swap3A_3095] {strides = array<i32>} : memref<1x32x512xf32, #tpu.memory_space<vmem>>, vector<1x1x16xf32>,
    %swap3A_3097 = vector.shape_cast %swap3A_3096 : vector<1x1x16xf32> to vector<16xf32>
    %swap3A_3098 = vector.shape_cast %get3A_2874 : vector<16xf32> to vector<1x1x16xf32>
    tpu.vector_store %arg5[%swap3A_3093, %swap3A_3094, %swap3A_3095], %swap3A_3098 {strides = array<i32>} : memref<1x32x512xf32, #tpu.memory_space<vmem>>, vector<1x1x16xf32>,
    %swap3A_3099 = arith.constant 0 : i32
    %swap3A_3100 = arith.constant 28 : i32
    %swap3A_3101 = arith.index_cast %swap3A_3099 : i32 to index
    %swap3A_3102 = arith.index_cast %swap3A_3100 : i32 to index
    %swap3A_3103 = arith.constant 432 : index
    %swap3A_3104 = tpu.vector_load %arg5[%swap3A_3101, %swap3A_3102, %swap3A_3103] {strides = array<i32>} : memref<1x32x512xf32, #tpu.memory_space<vmem>>, vector<1x1x16xf32>,
    %swap3A_3105 = vector.shape_cast %swap3A_3104 : vector<1x1x16xf32> to vector<16xf32>
    %swap3A_3106 = vector.shape_cast %get3A_2874 : vector<16xf32> to vector<1x1x16xf32>
    tpu.vector_store %arg5[%swap3A_3101, %swap3A_3102, %swap3A_3103], %swap3A_3106 {strides = array<i32>} : memref<1x32x512xf32, #tpu.memory_space<vmem>>, vector<1x1x16xf32>,
    %swap3A_3107 = arith.constant 0 : i32
    %swap3A_3108 = arith.constant 29 : i32
    %swap3A_3109 = arith.index_cast %swap3A_3107 : i32 to index
    %swap3A_3110 = arith.index_cast %swap3A_3108 : i32 to index
    %swap3A_3111 = arith.constant 432 : index
    %swap3A_3112 = tpu.vector_load %arg5[%swap3A_3109, %swap3A_3110, %swap3A_3111] {strides = array<i32>} : memref<1x32x512xf32, #tpu.memory_space<vmem>>, vector<1x1x16xf32>,
    %swap3A_3113 = vector.shape_cast %swap3A_3112 : vector<1x1x16xf32> to vector<16xf32>
    %swap3A_3114 = vector.shape_cast %get3A_2874 : vector<16xf32> to vector<1x1x16xf32>
    tpu.vector_store %arg5[%swap3A_3109, %swap3A_3110, %swap3A_3111], %swap3A_3114 {strides = array<i32>} : memref<1x32x512xf32, #tpu.memory_space<vmem>>, vector<1x1x16xf32>,
    %swap3A_3115 = arith.constant 0 : i32
    %swap3A_3116 = arith.constant 30 : i32
    %swap3A_3117 = arith.index_cast %swap3A_3115 : i32 to index
    %swap3A_3118 = arith.index_cast %swap3A_3116 : i32 to index
    %swap3A_3119 = arith.constant 432 : index
    %swap3A_3120 = tpu.vector_load %arg5[%swap3A_3117, %swap3A_3118, %swap3A_3119] {strides = array<i32>} : memref<1x32x512xf32, #tpu.memory_space<vmem>>, vector<1x1x16xf32>,
    %swap3A_3121 = vector.shape_cast %swap3A_3120 : vector<1x1x16xf32> to vector<16xf32>
    %swap3A_3122 = vector.shape_cast %get3A_2874 : vector<16xf32> to vector<1x1x16xf32>
    tpu.vector_store %arg5[%swap3A_3117, %swap3A_3118, %swap3A_3119], %swap3A_3122 {strides = array<i32>} : memref<1x32x512xf32, #tpu.memory_space<vmem>>, vector<1x1x16xf32>,
    %swap3A_3123 = arith.constant 0 : i32
    %swap3A_3124 = arith.constant 31 : i32
    %swap3A_3125 = arith.index_cast %swap3A_3123 : i32 to index
    %swap3A_3126 = arith.index_cast %swap3A_3124 : i32 to index
    %swap3A_3127 = arith.constant 432 : index
    %swap3A_3128 = tpu.vector_load %arg5[%swap3A_3125, %swap3A_3126, %swap3A_3127] {strides = array<i32>} : memref<1x32x512xf32, #tpu.memory_space<vmem>>, vector<1x1x16xf32>,
    %swap3A_3129 = vector.shape_cast %swap3A_3128 : vector<1x1x16xf32> to vector<16xf32>
    %swap3A_3130 = vector.shape_cast %get3A_2874 : vector<16xf32> to vector<1x1x16xf32>
    tpu.vector_store %arg5[%swap3A_3125, %swap3A_3126, %swap3A_3127], %swap3A_3130 {strides = array<i32>} : memref<1x32x512xf32, #tpu.memory_space<vmem>>, vector<1x1x16xf32>,
    %get3A_3131 = arith.constant 0 : i32
    %get3A_3132 = arith.index_cast %get3A_3131 : i32 to index
    %get3A_3133 = arith.constant 192 : index
    %get3A_3134 = tpu.vector_load %arg6[%get3A_3132, %get3A_3133] {strides = array<i32>} : memref<1x256xf32, #tpu.memory_space<vmem>>, vector<1x16xf32>,
    %get3A_3135 = vector.shape_cast %get3A_3134 : vector<1x16xf32> to vector<16xf32>
    %swap3A_3136 = arith.constant 0 : i32
    %swap3A_3137 = arith.constant 0 : i32
    %swap3A_3138 = arith.index_cast %swap3A_3136 : i32 to index
    %swap3A_3139 = arith.index_cast %swap3A_3137 : i32 to index
    %swap3A_3140 = arith.constant 448 : index
    %swap3A_3141 = tpu.vector_load %arg5[%swap3A_3138, %swap3A_3139, %swap3A_3140] {strides = array<i32>} : memref<1x32x512xf32, #tpu.memory_space<vmem>>, vector<1x1x16xf32>,
    %swap3A_3142 = vector.shape_cast %swap3A_3141 : vector<1x1x16xf32> to vector<16xf32>
    %swap3A_3143 = vector.shape_cast %get3A_3135 : vector<16xf32> to vector<1x1x16xf32>
    tpu.vector_store %arg5[%swap3A_3138, %swap3A_3139, %swap3A_3140], %swap3A_3143 {strides = array<i32>} : memref<1x32x512xf32, #tpu.memory_space<vmem>>, vector<1x1x16xf32>,
    %swap3A_3144 = arith.constant 0 : i32
    %swap3A_3145 = arith.constant 1 : i32
    %swap3A_3146 = arith.index_cast %swap3A_3144 : i32 to index
    %swap3A_3147 = arith.index_cast %swap3A_3145 : i32 to index
    %swap3A_3148 = arith.constant 448 : index
    %swap3A_3149 = tpu.vector_load %arg5[%swap3A_3146, %swap3A_3147, %swap3A_3148] {strides = array<i32>} : memref<1x32x512xf32, #tpu.memory_space<vmem>>, vector<1x1x16xf32>,
    %swap3A_3150 = vector.shape_cast %swap3A_3149 : vector<1x1x16xf32> to vector<16xf32>
    %swap3A_3151 = vector.shape_cast %get3A_3135 : vector<16xf32> to vector<1x1x16xf32>
    tpu.vector_store %arg5[%swap3A_3146, %swap3A_3147, %swap3A_3148], %swap3A_3151 {strides = array<i32>} : memref<1x32x512xf32, #tpu.memory_space<vmem>>, vector<1x1x16xf32>,
    %swap3A_3152 = arith.constant 0 : i32
    %swap3A_3153 = arith.constant 2 : i32
    %swap3A_3154 = arith.index_cast %swap3A_3152 : i32 to index
    %swap3A_3155 = arith.index_cast %swap3A_3153 : i32 to index
    %swap3A_3156 = arith.constant 448 : index
    %swap3A_3157 = tpu.vector_load %arg5[%swap3A_3154, %swap3A_3155, %swap3A_3156] {strides = array<i32>} : memref<1x32x512xf32, #tpu.memory_space<vmem>>, vector<1x1x16xf32>,
    %swap3A_3158 = vector.shape_cast %swap3A_3157 : vector<1x1x16xf32> to vector<16xf32>
    %swap3A_3159 = vector.shape_cast %get3A_3135 : vector<16xf32> to vector<1x1x16xf32>
    tpu.vector_store %arg5[%swap3A_3154, %swap3A_3155, %swap3A_3156], %swap3A_3159 {strides = array<i32>} : memref<1x32x512xf32, #tpu.memory_space<vmem>>, vector<1x1x16xf32>,
    %swap3A_3160 = arith.constant 0 : i32
    %swap3A_3161 = arith.constant 3 : i32
    %swap3A_3162 = arith.index_cast %swap3A_3160 : i32 to index
    %swap3A_3163 = arith.index_cast %swap3A_3161 : i32 to index
    %swap3A_3164 = arith.constant 448 : index
    %swap3A_3165 = tpu.vector_load %arg5[%swap3A_3162, %swap3A_3163, %swap3A_3164] {strides = array<i32>} : memref<1x32x512xf32, #tpu.memory_space<vmem>>, vector<1x1x16xf32>,
    %swap3A_3166 = vector.shape_cast %swap3A_3165 : vector<1x1x16xf32> to vector<16xf32>
    %swap3A_3167 = vector.shape_cast %get3A_3135 : vector<16xf32> to vector<1x1x16xf32>
    tpu.vector_store %arg5[%swap3A_3162, %swap3A_3163, %swap3A_3164], %swap3A_3167 {strides = array<i32>} : memref<1x32x512xf32, #tpu.memory_space<vmem>>, vector<1x1x16xf32>,
    %swap3A_3168 = arith.constant 0 : i32
    %swap3A_3169 = arith.constant 4 : i32
    %swap3A_3170 = arith.index_cast %swap3A_3168 : i32 to index
    %swap3A_3171 = arith.index_cast %swap3A_3169 : i32 to index
    %swap3A_3172 = arith.constant 448 : index
    %swap3A_3173 = tpu.vector_load %arg5[%swap3A_3170, %swap3A_3171, %swap3A_3172] {strides = array<i32>} : memref<1x32x512xf32, #tpu.memory_space<vmem>>, vector<1x1x16xf32>,
    %swap3A_3174 = vector.shape_cast %swap3A_3173 : vector<1x1x16xf32> to vector<16xf32>
    %swap3A_3175 = vector.shape_cast %get3A_3135 : vector<16xf32> to vector<1x1x16xf32>
    tpu.vector_store %arg5[%swap3A_3170, %swap3A_3171, %swap3A_3172], %swap3A_3175 {strides = array<i32>} : memref<1x32x512xf32, #tpu.memory_space<vmem>>, vector<1x1x16xf32>,
    %swap3A_3176 = arith.constant 0 : i32
    %swap3A_3177 = arith.constant 5 : i32
    %swap3A_3178 = arith.index_cast %swap3A_3176 : i32 to index
    %swap3A_3179 = arith.index_cast %swap3A_3177 : i32 to index
    %swap3A_3180 = arith.constant 448 : index
    %swap3A_3181 = tpu.vector_load %arg5[%swap3A_3178, %swap3A_3179, %swap3A_3180] {strides = array<i32>} : memref<1x32x512xf32, #tpu.memory_space<vmem>>, vector<1x1x16xf32>,
    %swap3A_3182 = vector.shape_cast %swap3A_3181 : vector<1x1x16xf32> to vector<16xf32>
    %swap3A_3183 = vector.shape_cast %get3A_3135 : vector<16xf32> to vector<1x1x16xf32>
    tpu.vector_store %arg5[%swap3A_3178, %swap3A_3179, %swap3A_3180], %swap3A_3183 {strides = array<i32>} : memref<1x32x512xf32, #tpu.memory_space<vmem>>, vector<1x1x16xf32>,
    %swap3A_3184 = arith.constant 0 : i32
    %swap3A_3185 = arith.constant 6 : i32
    %swap3A_3186 = arith.index_cast %swap3A_3184 : i32 to index
    %swap3A_3187 = arith.index_cast %swap3A_3185 : i32 to index
    %swap3A_3188 = arith.constant 448 : index
    %swap3A_3189 = tpu.vector_load %arg5[%swap3A_3186, %swap3A_3187, %swap3A_3188] {strides = array<i32>} : memref<1x32x512xf32, #tpu.memory_space<vmem>>, vector<1x1x16xf32>,
    %swap3A_3190 = vector.shape_cast %swap3A_3189 : vector<1x1x16xf32> to vector<16xf32>
    %swap3A_3191 = vector.shape_cast %get3A_3135 : vector<16xf32> to vector<1x1x16xf32>
    tpu.vector_store %arg5[%swap3A_3186, %swap3A_3187, %swap3A_3188], %swap3A_3191 {strides = array<i32>} : memref<1x32x512xf32, #tpu.memory_space<vmem>>, vector<1x1x16xf32>,
    %swap3A_3192 = arith.constant 0 : i32
    %swap3A_3193 = arith.constant 7 : i32
    %swap3A_3194 = arith.index_cast %swap3A_3192 : i32 to index
    %swap3A_3195 = arith.index_cast %swap3A_3193 : i32 to index
    %swap3A_3196 = arith.constant 448 : index
    %swap3A_3197 = tpu.vector_load %arg5[%swap3A_3194, %swap3A_3195, %swap3A_3196] {strides = array<i32>} : memref<1x32x512xf32, #tpu.memory_space<vmem>>, vector<1x1x16xf32>,
    %swap3A_3198 = vector.shape_cast %swap3A_3197 : vector<1x1x16xf32> to vector<16xf32>
    %swap3A_3199 = vector.shape_cast %get3A_3135 : vector<16xf32> to vector<1x1x16xf32>
    tpu.vector_store %arg5[%swap3A_3194, %swap3A_3195, %swap3A_3196], %swap3A_3199 {strides = array<i32>} : memref<1x32x512xf32, #tpu.memory_space<vmem>>, vector<1x1x16xf32>,
    %swap3A_3200 = arith.constant 0 : i32
    %swap3A_3201 = arith.constant 8 : i32
    %swap3A_3202 = arith.index_cast %swap3A_3200 : i32 to index
    %swap3A_3203 = arith.index_cast %swap3A_3201 : i32 to index
    %swap3A_3204 = arith.constant 448 : index
    %swap3A_3205 = tpu.vector_load %arg5[%swap3A_3202, %swap3A_3203, %swap3A_3204] {strides = array<i32>} : memref<1x32x512xf32, #tpu.memory_space<vmem>>, vector<1x1x16xf32>,
    %swap3A_3206 = vector.shape_cast %swap3A_3205 : vector<1x1x16xf32> to vector<16xf32>
    %swap3A_3207 = vector.shape_cast %get3A_3135 : vector<16xf32> to vector<1x1x16xf32>
    tpu.vector_store %arg5[%swap3A_3202, %swap3A_3203, %swap3A_3204], %swap3A_3207 {strides = array<i32>} : memref<1x32x512xf32, #tpu.memory_space<vmem>>, vector<1x1x16xf32>,
    %swap3A_3208 = arith.constant 0 : i32
    %swap3A_3209 = arith.constant 9 : i32
    %swap3A_3210 = arith.index_cast %swap3A_3208 : i32 to index
    %swap3A_3211 = arith.index_cast %swap3A_3209 : i32 to index
    %swap3A_3212 = arith.constant 448 : index
    %swap3A_3213 = tpu.vector_load %arg5[%swap3A_3210, %swap3A_3211, %swap3A_3212] {strides = array<i32>} : memref<1x32x512xf32, #tpu.memory_space<vmem>>, vector<1x1x16xf32>,
    %swap3A_3214 = vector.shape_cast %swap3A_3213 : vector<1x1x16xf32> to vector<16xf32>
    %swap3A_3215 = vector.shape_cast %get3A_3135 : vector<16xf32> to vector<1x1x16xf32>
    tpu.vector_store %arg5[%swap3A_3210, %swap3A_3211, %swap3A_3212], %swap3A_3215 {strides = array<i32>} : memref<1x32x512xf32, #tpu.memory_space<vmem>>, vector<1x1x16xf32>,
    %swap3A_3216 = arith.constant 0 : i32
    %swap3A_3217 = arith.constant 10 : i32
    %swap3A_3218 = arith.index_cast %swap3A_3216 : i32 to index
    %swap3A_3219 = arith.index_cast %swap3A_3217 : i32 to index
    %swap3A_3220 = arith.constant 448 : index
    %swap3A_3221 = tpu.vector_load %arg5[%swap3A_3218, %swap3A_3219, %swap3A_3220] {strides = array<i32>} : memref<1x32x512xf32, #tpu.memory_space<vmem>>, vector<1x1x16xf32>,
    %swap3A_3222 = vector.shape_cast %swap3A_3221 : vector<1x1x16xf32> to vector<16xf32>
    %swap3A_3223 = vector.shape_cast %get3A_3135 : vector<16xf32> to vector<1x1x16xf32>
    tpu.vector_store %arg5[%swap3A_3218, %swap3A_3219, %swap3A_3220], %swap3A_3223 {strides = array<i32>} : memref<1x32x512xf32, #tpu.memory_space<vmem>>, vector<1x1x16xf32>,
    %swap3A_3224 = arith.constant 0 : i32
    %swap3A_3225 = arith.constant 11 : i32
    %swap3A_3226 = arith.index_cast %swap3A_3224 : i32 to index
    %swap3A_3227 = arith.index_cast %swap3A_3225 : i32 to index
    %swap3A_3228 = arith.constant 448 : index
    %swap3A_3229 = tpu.vector_load %arg5[%swap3A_3226, %swap3A_3227, %swap3A_3228] {strides = array<i32>} : memref<1x32x512xf32, #tpu.memory_space<vmem>>, vector<1x1x16xf32>,
    %swap3A_3230 = vector.shape_cast %swap3A_3229 : vector<1x1x16xf32> to vector<16xf32>
    %swap3A_3231 = vector.shape_cast %get3A_3135 : vector<16xf32> to vector<1x1x16xf32>
    tpu.vector_store %arg5[%swap3A_3226, %swap3A_3227, %swap3A_3228], %swap3A_3231 {strides = array<i32>} : memref<1x32x512xf32, #tpu.memory_space<vmem>>, vector<1x1x16xf32>,
    %swap3A_3232 = arith.constant 0 : i32
    %swap3A_3233 = arith.constant 12 : i32
    %swap3A_3234 = arith.index_cast %swap3A_3232 : i32 to index
    %swap3A_3235 = arith.index_cast %swap3A_3233 : i32 to index
    %swap3A_3236 = arith.constant 448 : index
    %swap3A_3237 = tpu.vector_load %arg5[%swap3A_3234, %swap3A_3235, %swap3A_3236] {strides = array<i32>} : memref<1x32x512xf32, #tpu.memory_space<vmem>>, vector<1x1x16xf32>,
    %swap3A_3238 = vector.shape_cast %swap3A_3237 : vector<1x1x16xf32> to vector<16xf32>
    %swap3A_3239 = vector.shape_cast %get3A_3135 : vector<16xf32> to vector<1x1x16xf32>
    tpu.vector_store %arg5[%swap3A_3234, %swap3A_3235, %swap3A_3236], %swap3A_3239 {strides = array<i32>} : memref<1x32x512xf32, #tpu.memory_space<vmem>>, vector<1x1x16xf32>,
    %swap3A_3240 = arith.constant 0 : i32
    %swap3A_3241 = arith.constant 13 : i32
    %swap3A_3242 = arith.index_cast %swap3A_3240 : i32 to index
    %swap3A_3243 = arith.index_cast %swap3A_3241 : i32 to index
    %swap3A_3244 = arith.constant 448 : index
    %swap3A_3245 = tpu.vector_load %arg5[%swap3A_3242, %swap3A_3243, %swap3A_3244] {strides = array<i32>} : memref<1x32x512xf32, #tpu.memory_space<vmem>>, vector<1x1x16xf32>,
    %swap3A_3246 = vector.shape_cast %swap3A_3245 : vector<1x1x16xf32> to vector<16xf32>
    %swap3A_3247 = vector.shape_cast %get3A_3135 : vector<16xf32> to vector<1x1x16xf32>
    tpu.vector_store %arg5[%swap3A_3242, %swap3A_3243, %swap3A_3244], %swap3A_3247 {strides = array<i32>} : memref<1x32x512xf32, #tpu.memory_space<vmem>>, vector<1x1x16xf32>,
    %swap3A_3248 = arith.constant 0 : i32
    %swap3A_3249 = arith.constant 14 : i32
    %swap3A_3250 = arith.index_cast %swap3A_3248 : i32 to index
    %swap3A_3251 = arith.index_cast %swap3A_3249 : i32 to index
    %swap3A_3252 = arith.constant 448 : index
    %swap3A_3253 = tpu.vector_load %arg5[%swap3A_3250, %swap3A_3251, %swap3A_3252] {strides = array<i32>} : memref<1x32x512xf32, #tpu.memory_space<vmem>>, vector<1x1x16xf32>,
    %swap3A_3254 = vector.shape_cast %swap3A_3253 : vector<1x1x16xf32> to vector<16xf32>
    %swap3A_3255 = vector.shape_cast %get3A_3135 : vector<16xf32> to vector<1x1x16xf32>
    tpu.vector_store %arg5[%swap3A_3250, %swap3A_3251, %swap3A_3252], %swap3A_3255 {strides = array<i32>} : memref<1x32x512xf32, #tpu.memory_space<vmem>>, vector<1x1x16xf32>,
    %swap3A_3256 = arith.constant 0 : i32
    %swap3A_3257 = arith.constant 15 : i32
    %swap3A_3258 = arith.index_cast %swap3A_3256 : i32 to index
    %swap3A_3259 = arith.index_cast %swap3A_3257 : i32 to index
    %swap3A_3260 = arith.constant 448 : index
    %swap3A_3261 = tpu.vector_load %arg5[%swap3A_3258, %swap3A_3259, %swap3A_3260] {strides = array<i32>} : memref<1x32x512xf32, #tpu.memory_space<vmem>>, vector<1x1x16xf32>,
    %swap3A_3262 = vector.shape_cast %swap3A_3261 : vector<1x1x16xf32> to vector<16xf32>
    %swap3A_3263 = vector.shape_cast %get3A_3135 : vector<16xf32> to vector<1x1x16xf32>
    tpu.vector_store %arg5[%swap3A_3258, %swap3A_3259, %swap3A_3260], %swap3A_3263 {strides = array<i32>} : memref<1x32x512xf32, #tpu.memory_space<vmem>>, vector<1x1x16xf32>,
    %swap3A_3264 = arith.constant 0 : i32
    %swap3A_3265 = arith.constant 16 : i32
    %swap3A_3266 = arith.index_cast %swap3A_3264 : i32 to index
    %swap3A_3267 = arith.index_cast %swap3A_3265 : i32 to index
    %swap3A_3268 = arith.constant 448 : index
    %swap3A_3269 = tpu.vector_load %arg5[%swap3A_3266, %swap3A_3267, %swap3A_3268] {strides = array<i32>} : memref<1x32x512xf32, #tpu.memory_space<vmem>>, vector<1x1x16xf32>,
    %swap3A_3270 = vector.shape_cast %swap3A_3269 : vector<1x1x16xf32> to vector<16xf32>
    %swap3A_3271 = vector.shape_cast %get3A_3135 : vector<16xf32> to vector<1x1x16xf32>
    tpu.vector_store %arg5[%swap3A_3266, %swap3A_3267, %swap3A_3268], %swap3A_3271 {strides = array<i32>} : memref<1x32x512xf32, #tpu.memory_space<vmem>>, vector<1x1x16xf32>,
    %swap3A_3272 = arith.constant 0 : i32
    %swap3A_3273 = arith.constant 17 : i32
    %swap3A_3274 = arith.index_cast %swap3A_3272 : i32 to index
    %swap3A_3275 = arith.index_cast %swap3A_3273 : i32 to index
    %swap3A_3276 = arith.constant 448 : index
    %swap3A_3277 = tpu.vector_load %arg5[%swap3A_3274, %swap3A_3275, %swap3A_3276] {strides = array<i32>} : memref<1x32x512xf32, #tpu.memory_space<vmem>>, vector<1x1x16xf32>,
    %swap3A_3278 = vector.shape_cast %swap3A_3277 : vector<1x1x16xf32> to vector<16xf32>
    %swap3A_3279 = vector.shape_cast %get3A_3135 : vector<16xf32> to vector<1x1x16xf32>
    tpu.vector_store %arg5[%swap3A_3274, %swap3A_3275, %swap3A_3276], %swap3A_3279 {strides = array<i32>} : memref<1x32x512xf32, #tpu.memory_space<vmem>>, vector<1x1x16xf32>,
    %swap3A_3280 = arith.constant 0 : i32
    %swap3A_3281 = arith.constant 18 : i32
    %swap3A_3282 = arith.index_cast %swap3A_3280 : i32 to index
    %swap3A_3283 = arith.index_cast %swap3A_3281 : i32 to index
    %swap3A_3284 = arith.constant 448 : index
    %swap3A_3285 = tpu.vector_load %arg5[%swap3A_3282, %swap3A_3283, %swap3A_3284] {strides = array<i32>} : memref<1x32x512xf32, #tpu.memory_space<vmem>>, vector<1x1x16xf32>,
    %swap3A_3286 = vector.shape_cast %swap3A_3285 : vector<1x1x16xf32> to vector<16xf32>
    %swap3A_3287 = vector.shape_cast %get3A_3135 : vector<16xf32> to vector<1x1x16xf32>
    tpu.vector_store %arg5[%swap3A_3282, %swap3A_3283, %swap3A_3284], %swap3A_3287 {strides = array<i32>} : memref<1x32x512xf32, #tpu.memory_space<vmem>>, vector<1x1x16xf32>,
    %swap3A_3288 = arith.constant 0 : i32
    %swap3A_3289 = arith.constant 19 : i32
    %swap3A_3290 = arith.index_cast %swap3A_3288 : i32 to index
    %swap3A_3291 = arith.index_cast %swap3A_3289 : i32 to index
    %swap3A_3292 = arith.constant 448 : index
    %swap3A_3293 = tpu.vector_load %arg5[%swap3A_3290, %swap3A_3291, %swap3A_3292] {strides = array<i32>} : memref<1x32x512xf32, #tpu.memory_space<vmem>>, vector<1x1x16xf32>,
    %swap3A_3294 = vector.shape_cast %swap3A_3293 : vector<1x1x16xf32> to vector<16xf32>
    %swap3A_3295 = vector.shape_cast %get3A_3135 : vector<16xf32> to vector<1x1x16xf32>
    tpu.vector_store %arg5[%swap3A_3290, %swap3A_3291, %swap3A_3292], %swap3A_3295 {strides = array<i32>} : memref<1x32x512xf32, #tpu.memory_space<vmem>>, vector<1x1x16xf32>,
    %swap3A_3296 = arith.constant 0 : i32
    %swap3A_3297 = arith.constant 20 : i32
    %swap3A_3298 = arith.index_cast %swap3A_3296 : i32 to index
    %swap3A_3299 = arith.index_cast %swap3A_3297 : i32 to index
    %swap3A_3300 = arith.constant 448 : index
    %swap3A_3301 = tpu.vector_load %arg5[%swap3A_3298, %swap3A_3299, %swap3A_3300] {strides = array<i32>} : memref<1x32x512xf32, #tpu.memory_space<vmem>>, vector<1x1x16xf32>,
    %swap3A_3302 = vector.shape_cast %swap3A_3301 : vector<1x1x16xf32> to vector<16xf32>
    %swap3A_3303 = vector.shape_cast %get3A_3135 : vector<16xf32> to vector<1x1x16xf32>
    tpu.vector_store %arg5[%swap3A_3298, %swap3A_3299, %swap3A_3300], %swap3A_3303 {strides = array<i32>} : memref<1x32x512xf32, #tpu.memory_space<vmem>>, vector<1x1x16xf32>,
    %swap3A_3304 = arith.constant 0 : i32
    %swap3A_3305 = arith.constant 21 : i32
    %swap3A_3306 = arith.index_cast %swap3A_3304 : i32 to index
    %swap3A_3307 = arith.index_cast %swap3A_3305 : i32 to index
    %swap3A_3308 = arith.constant 448 : index
    %swap3A_3309 = tpu.vector_load %arg5[%swap3A_3306, %swap3A_3307, %swap3A_3308] {strides = array<i32>} : memref<1x32x512xf32, #tpu.memory_space<vmem>>, vector<1x1x16xf32>,
    %swap3A_3310 = vector.shape_cast %swap3A_3309 : vector<1x1x16xf32> to vector<16xf32>
    %swap3A_3311 = vector.shape_cast %get3A_3135 : vector<16xf32> to vector<1x1x16xf32>
    tpu.vector_store %arg5[%swap3A_3306, %swap3A_3307, %swap3A_3308], %swap3A_3311 {strides = array<i32>} : memref<1x32x512xf32, #tpu.memory_space<vmem>>, vector<1x1x16xf32>,
    %swap3A_3312 = arith.constant 0 : i32
    %swap3A_3313 = arith.constant 22 : i32
    %swap3A_3314 = arith.index_cast %swap3A_3312 : i32 to index
    %swap3A_3315 = arith.index_cast %swap3A_3313 : i32 to index
    %swap3A_3316 = arith.constant 448 : index
    %swap3A_3317 = tpu.vector_load %arg5[%swap3A_3314, %swap3A_3315, %swap3A_3316] {strides = array<i32>} : memref<1x32x512xf32, #tpu.memory_space<vmem>>, vector<1x1x16xf32>,
    %swap3A_3318 = vector.shape_cast %swap3A_3317 : vector<1x1x16xf32> to vector<16xf32>
    %swap3A_3319 = vector.shape_cast %get3A_3135 : vector<16xf32> to vector<1x1x16xf32>
    tpu.vector_store %arg5[%swap3A_3314, %swap3A_3315, %swap3A_3316], %swap3A_3319 {strides = array<i32>} : memref<1x32x512xf32, #tpu.memory_space<vmem>>, vector<1x1x16xf32>,
    %swap3A_3320 = arith.constant 0 : i32
    %swap3A_3321 = arith.constant 23 : i32
    %swap3A_3322 = arith.index_cast %swap3A_3320 : i32 to index
    %swap3A_3323 = arith.index_cast %swap3A_3321 : i32 to index
    %swap3A_3324 = arith.constant 448 : index
    %swap3A_3325 = tpu.vector_load %arg5[%swap3A_3322, %swap3A_3323, %swap3A_3324] {strides = array<i32>} : memref<1x32x512xf32, #tpu.memory_space<vmem>>, vector<1x1x16xf32>,
    %swap3A_3326 = vector.shape_cast %swap3A_3325 : vector<1x1x16xf32> to vector<16xf32>
    %swap3A_3327 = vector.shape_cast %get3A_3135 : vector<16xf32> to vector<1x1x16xf32>
    tpu.vector_store %arg5[%swap3A_3322, %swap3A_3323, %swap3A_3324], %swap3A_3327 {strides = array<i32>} : memref<1x32x512xf32, #tpu.memory_space<vmem>>, vector<1x1x16xf32>,
    %swap3A_3328 = arith.constant 0 : i32
    %swap3A_3329 = arith.constant 24 : i32
    %swap3A_3330 = arith.index_cast %swap3A_3328 : i32 to index
    %swap3A_3331 = arith.index_cast %swap3A_3329 : i32 to index
    %swap3A_3332 = arith.constant 448 : index
    %swap3A_3333 = tpu.vector_load %arg5[%swap3A_3330, %swap3A_3331, %swap3A_3332] {strides = array<i32>} : memref<1x32x512xf32, #tpu.memory_space<vmem>>, vector<1x1x16xf32>,
    %swap3A_3334 = vector.shape_cast %swap3A_3333 : vector<1x1x16xf32> to vector<16xf32>
    %swap3A_3335 = vector.shape_cast %get3A_3135 : vector<16xf32> to vector<1x1x16xf32>
    tpu.vector_store %arg5[%swap3A_3330, %swap3A_3331, %swap3A_3332], %swap3A_3335 {strides = array<i32>} : memref<1x32x512xf32, #tpu.memory_space<vmem>>, vector<1x1x16xf32>,
    %swap3A_3336 = arith.constant 0 : i32
    %swap3A_3337 = arith.constant 25 : i32
    %swap3A_3338 = arith.index_cast %swap3A_3336 : i32 to index
    %swap3A_3339 = arith.index_cast %swap3A_3337 : i32 to index
    %swap3A_3340 = arith.constant 448 : index
    %swap3A_3341 = tpu.vector_load %arg5[%swap3A_3338, %swap3A_3339, %swap3A_3340] {strides = array<i32>} : memref<1x32x512xf32, #tpu.memory_space<vmem>>, vector<1x1x16xf32>,
    %swap3A_3342 = vector.shape_cast %swap3A_3341 : vector<1x1x16xf32> to vector<16xf32>
    %swap3A_3343 = vector.shape_cast %get3A_3135 : vector<16xf32> to vector<1x1x16xf32>
    tpu.vector_store %arg5[%swap3A_3338, %swap3A_3339, %swap3A_3340], %swap3A_3343 {strides = array<i32>} : memref<1x32x512xf32, #tpu.memory_space<vmem>>, vector<1x1x16xf32>,
    %swap3A_3344 = arith.constant 0 : i32
    %swap3A_3345 = arith.constant 26 : i32
    %swap3A_3346 = arith.index_cast %swap3A_3344 : i32 to index
    %swap3A_3347 = arith.index_cast %swap3A_3345 : i32 to index
    %swap3A_3348 = arith.constant 448 : index
    %swap3A_3349 = tpu.vector_load %arg5[%swap3A_3346, %swap3A_3347, %swap3A_3348] {strides = array<i32>} : memref<1x32x512xf32, #tpu.memory_space<vmem>>, vector<1x1x16xf32>,
    %swap3A_3350 = vector.shape_cast %swap3A_3349 : vector<1x1x16xf32> to vector<16xf32>
    %swap3A_3351 = vector.shape_cast %get3A_3135 : vector<16xf32> to vector<1x1x16xf32>
    tpu.vector_store %arg5[%swap3A_3346, %swap3A_3347, %swap3A_3348], %swap3A_3351 {strides = array<i32>} : memref<1x32x512xf32, #tpu.memory_space<vmem>>, vector<1x1x16xf32>,
    %swap3A_3352 = arith.constant 0 : i32
    %swap3A_3353 = arith.constant 27 : i32
    %swap3A_3354 = arith.index_cast %swap3A_3352 : i32 to index
    %swap3A_3355 = arith.index_cast %swap3A_3353 : i32 to index
    %swap3A_3356 = arith.constant 448 : index
    %swap3A_3357 = tpu.vector_load %arg5[%swap3A_3354, %swap3A_3355, %swap3A_3356] {strides = array<i32>} : memref<1x32x512xf32, #tpu.memory_space<vmem>>, vector<1x1x16xf32>,
    %swap3A_3358 = vector.shape_cast %swap3A_3357 : vector<1x1x16xf32> to vector<16xf32>
    %swap3A_3359 = vector.shape_cast %get3A_3135 : vector<16xf32> to vector<1x1x16xf32>
    tpu.vector_store %arg5[%swap3A_3354, %swap3A_3355, %swap3A_3356], %swap3A_3359 {strides = array<i32>} : memref<1x32x512xf32, #tpu.memory_space<vmem>>, vector<1x1x16xf32>,
    %swap3A_3360 = arith.constant 0 : i32
    %swap3A_3361 = arith.constant 28 : i32
    %swap3A_3362 = arith.index_cast %swap3A_3360 : i32 to index
    %swap3A_3363 = arith.index_cast %swap3A_3361 : i32 to index
    %swap3A_3364 = arith.constant 448 : index
    %swap3A_3365 = tpu.vector_load %arg5[%swap3A_3362, %swap3A_3363, %swap3A_3364] {strides = array<i32>} : memref<1x32x512xf32, #tpu.memory_space<vmem>>, vector<1x1x16xf32>,
    %swap3A_3366 = vector.shape_cast %swap3A_3365 : vector<1x1x16xf32> to vector<16xf32>
    %swap3A_3367 = vector.shape_cast %get3A_3135 : vector<16xf32> to vector<1x1x16xf32>
    tpu.vector_store %arg5[%swap3A_3362, %swap3A_3363, %swap3A_3364], %swap3A_3367 {strides = array<i32>} : memref<1x32x512xf32, #tpu.memory_space<vmem>>, vector<1x1x16xf32>,
    %swap3A_3368 = arith.constant 0 : i32
    %swap3A_3369 = arith.constant 29 : i32
    %swap3A_3370 = arith.index_cast %swap3A_3368 : i32 to index
    %swap3A_3371 = arith.index_cast %swap3A_3369 : i32 to index
    %swap3A_3372 = arith.constant 448 : index
    %swap3A_3373 = tpu.vector_load %arg5[%swap3A_3370, %swap3A_3371, %swap3A_3372] {strides = array<i32>} : memref<1x32x512xf32, #tpu.memory_space<vmem>>, vector<1x1x16xf32>,
    %swap3A_3374 = vector.shape_cast %swap3A_3373 : vector<1x1x16xf32> to vector<16xf32>
    %swap3A_3375 = vector.shape_cast %get3A_3135 : vector<16xf32> to vector<1x1x16xf32>
    tpu.vector_store %arg5[%swap3A_3370, %swap3A_3371, %swap3A_3372], %swap3A_3375 {strides = array<i32>} : memref<1x32x512xf32, #tpu.memory_space<vmem>>, vector<1x1x16xf32>,
    %swap3A_3376 = arith.constant 0 : i32
    %swap3A_3377 = arith.constant 30 : i32
    %swap3A_3378 = arith.index_cast %swap3A_3376 : i32 to index
    %swap3A_3379 = arith.index_cast %swap3A_3377 : i32 to index
    %swap3A_3380 = arith.constant 448 : index
    %swap3A_3381 = tpu.vector_load %arg5[%swap3A_3378, %swap3A_3379, %swap3A_3380] {strides = array<i32>} : memref<1x32x512xf32, #tpu.memory_space<vmem>>, vector<1x1x16xf32>,
    %swap3A_3382 = vector.shape_cast %swap3A_3381 : vector<1x1x16xf32> to vector<16xf32>
    %swap3A_3383 = vector.shape_cast %get3A_3135 : vector<16xf32> to vector<1x1x16xf32>
    tpu.vector_store %arg5[%swap3A_3378, %swap3A_3379, %swap3A_3380], %swap3A_3383 {strides = array<i32>} : memref<1x32x512xf32, #tpu.memory_space<vmem>>, vector<1x1x16xf32>,
    %swap3A_3384 = arith.constant 0 : i32
    %swap3A_3385 = arith.constant 31 : i32
    %swap3A_3386 = arith.index_cast %swap3A_3384 : i32 to index
    %swap3A_3387 = arith.index_cast %swap3A_3385 : i32 to index
    %swap3A_3388 = arith.constant 448 : index
    %swap3A_3389 = tpu.vector_load %arg5[%swap3A_3386, %swap3A_3387, %swap3A_3388] {strides = array<i32>} : memref<1x32x512xf32, #tpu.memory_space<vmem>>, vector<1x1x16xf32>,
    %swap3A_3390 = vector.shape_cast %swap3A_3389 : vector<1x1x16xf32> to vector<16xf32>
    %swap3A_3391 = vector.shape_cast %get3A_3135 : vector<16xf32> to vector<1x1x16xf32>
    tpu.vector_store %arg5[%swap3A_3386, %swap3A_3387, %swap3A_3388], %swap3A_3391 {strides = array<i32>} : memref<1x32x512xf32, #tpu.memory_space<vmem>>, vector<1x1x16xf32>,
    %get3A_3392 = arith.constant 0 : i32
    %get3A_3393 = arith.index_cast %get3A_3392 : i32 to index
    %get3A_3394 = arith.constant 208 : index
    %get3A_3395 = tpu.vector_load %arg6[%get3A_3393, %get3A_3394] {strides = array<i32>} : memref<1x256xf32, #tpu.memory_space<vmem>>, vector<1x16xf32>,
    %get3A_3396 = vector.shape_cast %get3A_3395 : vector<1x16xf32> to vector<16xf32>
    %swap3A_3397 = arith.constant 0 : i32
    %swap3A_3398 = arith.constant 0 : i32
    %swap3A_3399 = arith.index_cast %swap3A_3397 : i32 to index
    %swap3A_3400 = arith.index_cast %swap3A_3398 : i32 to index
    %swap3A_3401 = arith.constant 464 : index
    %swap3A_3402 = tpu.vector_load %arg5[%swap3A_3399, %swap3A_3400, %swap3A_3401] {strides = array<i32>} : memref<1x32x512xf32, #tpu.memory_space<vmem>>, vector<1x1x16xf32>,
    %swap3A_3403 = vector.shape_cast %swap3A_3402 : vector<1x1x16xf32> to vector<16xf32>
    %swap3A_3404 = vector.shape_cast %get3A_3396 : vector<16xf32> to vector<1x1x16xf32>
    tpu.vector_store %arg5[%swap3A_3399, %swap3A_3400, %swap3A_3401], %swap3A_3404 {strides = array<i32>} : memref<1x32x512xf32, #tpu.memory_space<vmem>>, vector<1x1x16xf32>,
    %swap3A_3405 = arith.constant 0 : i32
    %swap3A_3406 = arith.constant 1 : i32
    %swap3A_3407 = arith.index_cast %swap3A_3405 : i32 to index
    %swap3A_3408 = arith.index_cast %swap3A_3406 : i32 to index
    %swap3A_3409 = arith.constant 464 : index
    %swap3A_3410 = tpu.vector_load %arg5[%swap3A_3407, %swap3A_3408, %swap3A_3409] {strides = array<i32>} : memref<1x32x512xf32, #tpu.memory_space<vmem>>, vector<1x1x16xf32>,
    %swap3A_3411 = vector.shape_cast %swap3A_3410 : vector<1x1x16xf32> to vector<16xf32>
    %swap3A_3412 = vector.shape_cast %get3A_3396 : vector<16xf32> to vector<1x1x16xf32>
    tpu.vector_store %arg5[%swap3A_3407, %swap3A_3408, %swap3A_3409], %swap3A_3412 {strides = array<i32>} : memref<1x32x512xf32, #tpu.memory_space<vmem>>, vector<1x1x16xf32>,
    %swap3A_3413 = arith.constant 0 : i32
    %swap3A_3414 = arith.constant 2 : i32
    %swap3A_3415 = arith.index_cast %swap3A_3413 : i32 to index
    %swap3A_3416 = arith.index_cast %swap3A_3414 : i32 to index
    %swap3A_3417 = arith.constant 464 : index
    %swap3A_3418 = tpu.vector_load %arg5[%swap3A_3415, %swap3A_3416, %swap3A_3417] {strides = array<i32>} : memref<1x32x512xf32, #tpu.memory_space<vmem>>, vector<1x1x16xf32>,
    %swap3A_3419 = vector.shape_cast %swap3A_3418 : vector<1x1x16xf32> to vector<16xf32>
    %swap3A_3420 = vector.shape_cast %get3A_3396 : vector<16xf32> to vector<1x1x16xf32>
    tpu.vector_store %arg5[%swap3A_3415, %swap3A_3416, %swap3A_3417], %swap3A_3420 {strides = array<i32>} : memref<1x32x512xf32, #tpu.memory_space<vmem>>, vector<1x1x16xf32>,
    %swap3A_3421 = arith.constant 0 : i32
    %swap3A_3422 = arith.constant 3 : i32
    %swap3A_3423 = arith.index_cast %swap3A_3421 : i32 to index
    %swap3A_3424 = arith.index_cast %swap3A_3422 : i32 to index
    %swap3A_3425 = arith.constant 464 : index
    %swap3A_3426 = tpu.vector_load %arg5[%swap3A_3423, %swap3A_3424, %swap3A_3425] {strides = array<i32>} : memref<1x32x512xf32, #tpu.memory_space<vmem>>, vector<1x1x16xf32>,
    %swap3A_3427 = vector.shape_cast %swap3A_3426 : vector<1x1x16xf32> to vector<16xf32>
    %swap3A_3428 = vector.shape_cast %get3A_3396 : vector<16xf32> to vector<1x1x16xf32>
    tpu.vector_store %arg5[%swap3A_3423, %swap3A_3424, %swap3A_3425], %swap3A_3428 {strides = array<i32>} : memref<1x32x512xf32, #tpu.memory_space<vmem>>, vector<1x1x16xf32>,
    %swap3A_3429 = arith.constant 0 : i32
    %swap3A_3430 = arith.constant 4 : i32
    %swap3A_3431 = arith.index_cast %swap3A_3429 : i32 to index
    %swap3A_3432 = arith.index_cast %swap3A_3430 : i32 to index
    %swap3A_3433 = arith.constant 464 : index
    %swap3A_3434 = tpu.vector_load %arg5[%swap3A_3431, %swap3A_3432, %swap3A_3433] {strides = array<i32>} : memref<1x32x512xf32, #tpu.memory_space<vmem>>, vector<1x1x16xf32>,
    %swap3A_3435 = vector.shape_cast %swap3A_3434 : vector<1x1x16xf32> to vector<16xf32>
    %swap3A_3436 = vector.shape_cast %get3A_3396 : vector<16xf32> to vector<1x1x16xf32>
    tpu.vector_store %arg5[%swap3A_3431, %swap3A_3432, %swap3A_3433], %swap3A_3436 {strides = array<i32>} : memref<1x32x512xf32, #tpu.memory_space<vmem>>, vector<1x1x16xf32>,
    %swap3A_3437 = arith.constant 0 : i32
    %swap3A_3438 = arith.constant 5 : i32
    %swap3A_3439 = arith.index_cast %swap3A_3437 : i32 to index
    %swap3A_3440 = arith.index_cast %swap3A_3438 : i32 to index
    %swap3A_3441 = arith.constant 464 : index
    %swap3A_3442 = tpu.vector_load %arg5[%swap3A_3439, %swap3A_3440, %swap3A_3441] {strides = array<i32>} : memref<1x32x512xf32, #tpu.memory_space<vmem>>, vector<1x1x16xf32>,
    %swap3A_3443 = vector.shape_cast %swap3A_3442 : vector<1x1x16xf32> to vector<16xf32>
    %swap3A_3444 = vector.shape_cast %get3A_3396 : vector<16xf32> to vector<1x1x16xf32>
    tpu.vector_store %arg5[%swap3A_3439, %swap3A_3440, %swap3A_3441], %swap3A_3444 {strides = array<i32>} : memref<1x32x512xf32, #tpu.memory_space<vmem>>, vector<1x1x16xf32>,
    %swap3A_3445 = arith.constant 0 : i32
    %swap3A_3446 = arith.constant 6 : i32
    %swap3A_3447 = arith.index_cast %swap3A_3445 : i32 to index
    %swap3A_3448 = arith.index_cast %swap3A_3446 : i32 to index
    %swap3A_3449 = arith.constant 464 : index
    %swap3A_3450 = tpu.vector_load %arg5[%swap3A_3447, %swap3A_3448, %swap3A_3449] {strides = array<i32>} : memref<1x32x512xf32, #tpu.memory_space<vmem>>, vector<1x1x16xf32>,
    %swap3A_3451 = vector.shape_cast %swap3A_3450 : vector<1x1x16xf32> to vector<16xf32>
    %swap3A_3452 = vector.shape_cast %get3A_3396 : vector<16xf32> to vector<1x1x16xf32>
    tpu.vector_store %arg5[%swap3A_3447, %swap3A_3448, %swap3A_3449], %swap3A_3452 {strides = array<i32>} : memref<1x32x512xf32, #tpu.memory_space<vmem>>, vector<1x1x16xf32>,
    %swap3A_3453 = arith.constant 0 : i32
    %swap3A_3454 = arith.constant 7 : i32
    %swap3A_3455 = arith.index_cast %swap3A_3453 : i32 to index
    %swap3A_3456 = arith.index_cast %swap3A_3454 : i32 to index
    %swap3A_3457 = arith.constant 464 : index
    %swap3A_3458 = tpu.vector_load %arg5[%swap3A_3455, %swap3A_3456, %swap3A_3457] {strides = array<i32>} : memref<1x32x512xf32, #tpu.memory_space<vmem>>, vector<1x1x16xf32>,
    %swap3A_3459 = vector.shape_cast %swap3A_3458 : vector<1x1x16xf32> to vector<16xf32>
    %swap3A_3460 = vector.shape_cast %get3A_3396 : vector<16xf32> to vector<1x1x16xf32>
    tpu.vector_store %arg5[%swap3A_3455, %swap3A_3456, %swap3A_3457], %swap3A_3460 {strides = array<i32>} : memref<1x32x512xf32, #tpu.memory_space<vmem>>, vector<1x1x16xf32>,
    %swap3A_3461 = arith.constant 0 : i32
    %swap3A_3462 = arith.constant 8 : i32
    %swap3A_3463 = arith.index_cast %swap3A_3461 : i32 to index
    %swap3A_3464 = arith.index_cast %swap3A_3462 : i32 to index
    %swap3A_3465 = arith.constant 464 : index
    %swap3A_3466 = tpu.vector_load %arg5[%swap3A_3463, %swap3A_3464, %swap3A_3465] {strides = array<i32>} : memref<1x32x512xf32, #tpu.memory_space<vmem>>, vector<1x1x16xf32>,
    %swap3A_3467 = vector.shape_cast %swap3A_3466 : vector<1x1x16xf32> to vector<16xf32>
    %swap3A_3468 = vector.shape_cast %get3A_3396 : vector<16xf32> to vector<1x1x16xf32>
    tpu.vector_store %arg5[%swap3A_3463, %swap3A_3464, %swap3A_3465], %swap3A_3468 {strides = array<i32>} : memref<1x32x512xf32, #tpu.memory_space<vmem>>, vector<1x1x16xf32>,
    %swap3A_3469 = arith.constant 0 : i32
    %swap3A_3470 = arith.constant 9 : i32
    %swap3A_3471 = arith.index_cast %swap3A_3469 : i32 to index
    %swap3A_3472 = arith.index_cast %swap3A_3470 : i32 to index
    %swap3A_3473 = arith.constant 464 : index
    %swap3A_3474 = tpu.vector_load %arg5[%swap3A_3471, %swap3A_3472, %swap3A_3473] {strides = array<i32>} : memref<1x32x512xf32, #tpu.memory_space<vmem>>, vector<1x1x16xf32>,
    %swap3A_3475 = vector.shape_cast %swap3A_3474 : vector<1x1x16xf32> to vector<16xf32>
    %swap3A_3476 = vector.shape_cast %get3A_3396 : vector<16xf32> to vector<1x1x16xf32>
    tpu.vector_store %arg5[%swap3A_3471, %swap3A_3472, %swap3A_3473], %swap3A_3476 {strides = array<i32>} : memref<1x32x512xf32, #tpu.memory_space<vmem>>, vector<1x1x16xf32>,
    %swap3A_3477 = arith.constant 0 : i32
    %swap3A_3478 = arith.constant 10 : i32
    %swap3A_3479 = arith.index_cast %swap3A_3477 : i32 to index
    %swap3A_3480 = arith.index_cast %swap3A_3478 : i32 to index
    %swap3A_3481 = arith.constant 464 : index
    %swap3A_3482 = tpu.vector_load %arg5[%swap3A_3479, %swap3A_3480, %swap3A_3481] {strides = array<i32>} : memref<1x32x512xf32, #tpu.memory_space<vmem>>, vector<1x1x16xf32>,
    %swap3A_3483 = vector.shape_cast %swap3A_3482 : vector<1x1x16xf32> to vector<16xf32>
    %swap3A_3484 = vector.shape_cast %get3A_3396 : vector<16xf32> to vector<1x1x16xf32>
    tpu.vector_store %arg5[%swap3A_3479, %swap3A_3480, %swap3A_3481], %swap3A_3484 {strides = array<i32>} : memref<1x32x512xf32, #tpu.memory_space<vmem>>, vector<1x1x16xf32>,
    %swap3A_3485 = arith.constant 0 : i32
    %swap3A_3486 = arith.constant 11 : i32
    %swap3A_3487 = arith.index_cast %swap3A_3485 : i32 to index
    %swap3A_3488 = arith.index_cast %swap3A_3486 : i32 to index
    %swap3A_3489 = arith.constant 464 : index
    %swap3A_3490 = tpu.vector_load %arg5[%swap3A_3487, %swap3A_3488, %swap3A_3489] {strides = array<i32>} : memref<1x32x512xf32, #tpu.memory_space<vmem>>, vector<1x1x16xf32>,
    %swap3A_3491 = vector.shape_cast %swap3A_3490 : vector<1x1x16xf32> to vector<16xf32>
    %swap3A_3492 = vector.shape_cast %get3A_3396 : vector<16xf32> to vector<1x1x16xf32>
    tpu.vector_store %arg5[%swap3A_3487, %swap3A_3488, %swap3A_3489], %swap3A_3492 {strides = array<i32>} : memref<1x32x512xf32, #tpu.memory_space<vmem>>, vector<1x1x16xf32>,
    %swap3A_3493 = arith.constant 0 : i32
    %swap3A_3494 = arith.constant 12 : i32
    %swap3A_3495 = arith.index_cast %swap3A_3493 : i32 to index
    %swap3A_3496 = arith.index_cast %swap3A_3494 : i32 to index
    %swap3A_3497 = arith.constant 464 : index
    %swap3A_3498 = tpu.vector_load %arg5[%swap3A_3495, %swap3A_3496, %swap3A_3497] {strides = array<i32>} : memref<1x32x512xf32, #tpu.memory_space<vmem>>, vector<1x1x16xf32>,
    %swap3A_3499 = vector.shape_cast %swap3A_3498 : vector<1x1x16xf32> to vector<16xf32>
    %swap3A_3500 = vector.shape_cast %get3A_3396 : vector<16xf32> to vector<1x1x16xf32>
    tpu.vector_store %arg5[%swap3A_3495, %swap3A_3496, %swap3A_3497], %swap3A_3500 {strides = array<i32>} : memref<1x32x512xf32, #tpu.memory_space<vmem>>, vector<1x1x16xf32>,
    %swap3A_3501 = arith.constant 0 : i32
    %swap3A_3502 = arith.constant 13 : i32
    %swap3A_3503 = arith.index_cast %swap3A_3501 : i32 to index
    %swap3A_3504 = arith.index_cast %swap3A_3502 : i32 to index
    %swap3A_3505 = arith.constant 464 : index
    %swap3A_3506 = tpu.vector_load %arg5[%swap3A_3503, %swap3A_3504, %swap3A_3505] {strides = array<i32>} : memref<1x32x512xf32, #tpu.memory_space<vmem>>, vector<1x1x16xf32>,
    %swap3A_3507 = vector.shape_cast %swap3A_3506 : vector<1x1x16xf32> to vector<16xf32>
    %swap3A_3508 = vector.shape_cast %get3A_3396 : vector<16xf32> to vector<1x1x16xf32>
    tpu.vector_store %arg5[%swap3A_3503, %swap3A_3504, %swap3A_3505], %swap3A_3508 {strides = array<i32>} : memref<1x32x512xf32, #tpu.memory_space<vmem>>, vector<1x1x16xf32>,
    %swap3A_3509 = arith.constant 0 : i32
    %swap3A_3510 = arith.constant 14 : i32
    %swap3A_3511 = arith.index_cast %swap3A_3509 : i32 to index
    %swap3A_3512 = arith.index_cast %swap3A_3510 : i32 to index
    %swap3A_3513 = arith.constant 464 : index
    %swap3A_3514 = tpu.vector_load %arg5[%swap3A_3511, %swap3A_3512, %swap3A_3513] {strides = array<i32>} : memref<1x32x512xf32, #tpu.memory_space<vmem>>, vector<1x1x16xf32>,
    %swap3A_3515 = vector.shape_cast %swap3A_3514 : vector<1x1x16xf32> to vector<16xf32>
    %swap3A_3516 = vector.shape_cast %get3A_3396 : vector<16xf32> to vector<1x1x16xf32>
    tpu.vector_store %arg5[%swap3A_3511, %swap3A_3512, %swap3A_3513], %swap3A_3516 {strides = array<i32>} : memref<1x32x512xf32, #tpu.memory_space<vmem>>, vector<1x1x16xf32>,
    %swap3A_3517 = arith.constant 0 : i32
    %swap3A_3518 = arith.constant 15 : i32
    %swap3A_3519 = arith.index_cast %swap3A_3517 : i32 to index
    %swap3A_3520 = arith.index_cast %swap3A_3518 : i32 to index
    %swap3A_3521 = arith.constant 464 : index
    %swap3A_3522 = tpu.vector_load %arg5[%swap3A_3519, %swap3A_3520, %swap3A_3521] {strides = array<i32>} : memref<1x32x512xf32, #tpu.memory_space<vmem>>, vector<1x1x16xf32>,
    %swap3A_3523 = vector.shape_cast %swap3A_3522 : vector<1x1x16xf32> to vector<16xf32>
    %swap3A_3524 = vector.shape_cast %get3A_3396 : vector<16xf32> to vector<1x1x16xf32>
    tpu.vector_store %arg5[%swap3A_3519, %swap3A_3520, %swap3A_3521], %swap3A_3524 {strides = array<i32>} : memref<1x32x512xf32, #tpu.memory_space<vmem>>, vector<1x1x16xf32>,
    %swap3A_3525 = arith.constant 0 : i32
    %swap3A_3526 = arith.constant 16 : i32
    %swap3A_3527 = arith.index_cast %swap3A_3525 : i32 to index
    %swap3A_3528 = arith.index_cast %swap3A_3526 : i32 to index
    %swap3A_3529 = arith.constant 464 : index
    %swap3A_3530 = tpu.vector_load %arg5[%swap3A_3527, %swap3A_3528, %swap3A_3529] {strides = array<i32>} : memref<1x32x512xf32, #tpu.memory_space<vmem>>, vector<1x1x16xf32>,
    %swap3A_3531 = vector.shape_cast %swap3A_3530 : vector<1x1x16xf32> to vector<16xf32>
    %swap3A_3532 = vector.shape_cast %get3A_3396 : vector<16xf32> to vector<1x1x16xf32>
    tpu.vector_store %arg5[%swap3A_3527, %swap3A_3528, %swap3A_3529], %swap3A_3532 {strides = array<i32>} : memref<1x32x512xf32, #tpu.memory_space<vmem>>, vector<1x1x16xf32>,
    %swap3A_3533 = arith.constant 0 : i32
    %swap3A_3534 = arith.constant 17 : i32
    %swap3A_3535 = arith.index_cast %swap3A_3533 : i32 to index
    %swap3A_3536 = arith.index_cast %swap3A_3534 : i32 to index
    %swap3A_3537 = arith.constant 464 : index
    %swap3A_3538 = tpu.vector_load %arg5[%swap3A_3535, %swap3A_3536, %swap3A_3537] {strides = array<i32>} : memref<1x32x512xf32, #tpu.memory_space<vmem>>, vector<1x1x16xf32>,
    %swap3A_3539 = vector.shape_cast %swap3A_3538 : vector<1x1x16xf32> to vector<16xf32>
    %swap3A_3540 = vector.shape_cast %get3A_3396 : vector<16xf32> to vector<1x1x16xf32>
    tpu.vector_store %arg5[%swap3A_3535, %swap3A_3536, %swap3A_3537], %swap3A_3540 {strides = array<i32>} : memref<1x32x512xf32, #tpu.memory_space<vmem>>, vector<1x1x16xf32>,
    %swap3A_3541 = arith.constant 0 : i32
    %swap3A_3542 = arith.constant 18 : i32
    %swap3A_3543 = arith.index_cast %swap3A_3541 : i32 to index
    %swap3A_3544 = arith.index_cast %swap3A_3542 : i32 to index
    %swap3A_3545 = arith.constant 464 : index
    %swap3A_3546 = tpu.vector_load %arg5[%swap3A_3543, %swap3A_3544, %swap3A_3545] {strides = array<i32>} : memref<1x32x512xf32, #tpu.memory_space<vmem>>, vector<1x1x16xf32>,
    %swap3A_3547 = vector.shape_cast %swap3A_3546 : vector<1x1x16xf32> to vector<16xf32>
    %swap3A_3548 = vector.shape_cast %get3A_3396 : vector<16xf32> to vector<1x1x16xf32>
    tpu.vector_store %arg5[%swap3A_3543, %swap3A_3544, %swap3A_3545], %swap3A_3548 {strides = array<i32>} : memref<1x32x512xf32, #tpu.memory_space<vmem>>, vector<1x1x16xf32>,
    %swap3A_3549 = arith.constant 0 : i32
    %swap3A_3550 = arith.constant 19 : i32
    %swap3A_3551 = arith.index_cast %swap3A_3549 : i32 to index
    %swap3A_3552 = arith.index_cast %swap3A_3550 : i32 to index
    %swap3A_3553 = arith.constant 464 : index
    %swap3A_3554 = tpu.vector_load %arg5[%swap3A_3551, %swap3A_3552, %swap3A_3553] {strides = array<i32>} : memref<1x32x512xf32, #tpu.memory_space<vmem>>, vector<1x1x16xf32>,
    %swap3A_3555 = vector.shape_cast %swap3A_3554 : vector<1x1x16xf32> to vector<16xf32>
    %swap3A_3556 = vector.shape_cast %get3A_3396 : vector<16xf32> to vector<1x1x16xf32>
    tpu.vector_store %arg5[%swap3A_3551, %swap3A_3552, %swap3A_3553], %swap3A_3556 {strides = array<i32>} : memref<1x32x512xf32, #tpu.memory_space<vmem>>, vector<1x1x16xf32>,
    %swap3A_3557 = arith.constant 0 : i32
    %swap3A_3558 = arith.constant 20 : i32
    %swap3A_3559 = arith.index_cast %swap3A_3557 : i32 to index
    %swap3A_3560 = arith.index_cast %swap3A_3558 : i32 to index
    %swap3A_3561 = arith.constant 464 : index
    %swap3A_3562 = tpu.vector_load %arg5[%swap3A_3559, %swap3A_3560, %swap3A_3561] {strides = array<i32>} : memref<1x32x512xf32, #tpu.memory_space<vmem>>, vector<1x1x16xf32>,
    %swap3A_3563 = vector.shape_cast %swap3A_3562 : vector<1x1x16xf32> to vector<16xf32>
    %swap3A_3564 = vector.shape_cast %get3A_3396 : vector<16xf32> to vector<1x1x16xf32>
    tpu.vector_store %arg5[%swap3A_3559, %swap3A_3560, %swap3A_3561], %swap3A_3564 {strides = array<i32>} : memref<1x32x512xf32, #tpu.memory_space<vmem>>, vector<1x1x16xf32>,
    %swap3A_3565 = arith.constant 0 : i32
    %swap3A_3566 = arith.constant 21 : i32
    %swap3A_3567 = arith.index_cast %swap3A_3565 : i32 to index
    %swap3A_3568 = arith.index_cast %swap3A_3566 : i32 to index
    %swap3A_3569 = arith.constant 464 : index
    %swap3A_3570 = tpu.vector_load %arg5[%swap3A_3567, %swap3A_3568, %swap3A_3569] {strides = array<i32>} : memref<1x32x512xf32, #tpu.memory_space<vmem>>, vector<1x1x16xf32>,
    %swap3A_3571 = vector.shape_cast %swap3A_3570 : vector<1x1x16xf32> to vector<16xf32>
    %swap3A_3572 = vector.shape_cast %get3A_3396 : vector<16xf32> to vector<1x1x16xf32>
    tpu.vector_store %arg5[%swap3A_3567, %swap3A_3568, %swap3A_3569], %swap3A_3572 {strides = array<i32>} : memref<1x32x512xf32, #tpu.memory_space<vmem>>, vector<1x1x16xf32>,
    %swap3A_3573 = arith.constant 0 : i32
    %swap3A_3574 = arith.constant 22 : i32
    %swap3A_3575 = arith.index_cast %swap3A_3573 : i32 to index
    %swap3A_3576 = arith.index_cast %swap3A_3574 : i32 to index
    %swap3A_3577 = arith.constant 464 : index
    %swap3A_3578 = tpu.vector_load %arg5[%swap3A_3575, %swap3A_3576, %swap3A_3577] {strides = array<i32>} : memref<1x32x512xf32, #tpu.memory_space<vmem>>, vector<1x1x16xf32>,
    %swap3A_3579 = vector.shape_cast %swap3A_3578 : vector<1x1x16xf32> to vector<16xf32>
    %swap3A_3580 = vector.shape_cast %get3A_3396 : vector<16xf32> to vector<1x1x16xf32>
    tpu.vector_store %arg5[%swap3A_3575, %swap3A_3576, %swap3A_3577], %swap3A_3580 {strides = array<i32>} : memref<1x32x512xf32, #tpu.memory_space<vmem>>, vector<1x1x16xf32>,
    %swap3A_3581 = arith.constant 0 : i32
    %swap3A_3582 = arith.constant 23 : i32
    %swap3A_3583 = arith.index_cast %swap3A_3581 : i32 to index
    %swap3A_3584 = arith.index_cast %swap3A_3582 : i32 to index
    %swap3A_3585 = arith.constant 464 : index
    %swap3A_3586 = tpu.vector_load %arg5[%swap3A_3583, %swap3A_3584, %swap3A_3585] {strides = array<i32>} : memref<1x32x512xf32, #tpu.memory_space<vmem>>, vector<1x1x16xf32>,
    %swap3A_3587 = vector.shape_cast %swap3A_3586 : vector<1x1x16xf32> to vector<16xf32>
    %swap3A_3588 = vector.shape_cast %get3A_3396 : vector<16xf32> to vector<1x1x16xf32>
    tpu.vector_store %arg5[%swap3A_3583, %swap3A_3584, %swap3A_3585], %swap3A_3588 {strides = array<i32>} : memref<1x32x512xf32, #tpu.memory_space<vmem>>, vector<1x1x16xf32>,
    %swap3A_3589 = arith.constant 0 : i32
    %swap3A_3590 = arith.constant 24 : i32
    %swap3A_3591 = arith.index_cast %swap3A_3589 : i32 to index
    %swap3A_3592 = arith.index_cast %swap3A_3590 : i32 to index
    %swap3A_3593 = arith.constant 464 : index
    %swap3A_3594 = tpu.vector_load %arg5[%swap3A_3591, %swap3A_3592, %swap3A_3593] {strides = array<i32>} : memref<1x32x512xf32, #tpu.memory_space<vmem>>, vector<1x1x16xf32>,
    %swap3A_3595 = vector.shape_cast %swap3A_3594 : vector<1x1x16xf32> to vector<16xf32>
    %swap3A_3596 = vector.shape_cast %get3A_3396 : vector<16xf32> to vector<1x1x16xf32>
    tpu.vector_store %arg5[%swap3A_3591, %swap3A_3592, %swap3A_3593], %swap3A_3596 {strides = array<i32>} : memref<1x32x512xf32, #tpu.memory_space<vmem>>, vector<1x1x16xf32>,
    %swap3A_3597 = arith.constant 0 : i32
    %swap3A_3598 = arith.constant 25 : i32
    %swap3A_3599 = arith.index_cast %swap3A_3597 : i32 to index
    %swap3A_3600 = arith.index_cast %swap3A_3598 : i32 to index
    %swap3A_3601 = arith.constant 464 : index
    %swap3A_3602 = tpu.vector_load %arg5[%swap3A_3599, %swap3A_3600, %swap3A_3601] {strides = array<i32>} : memref<1x32x512xf32, #tpu.memory_space<vmem>>, vector<1x1x16xf32>,
    %swap3A_3603 = vector.shape_cast %swap3A_3602 : vector<1x1x16xf32> to vector<16xf32>
    %swap3A_3604 = vector.shape_cast %get3A_3396 : vector<16xf32> to vector<1x1x16xf32>
    tpu.vector_store %arg5[%swap3A_3599, %swap3A_3600, %swap3A_3601], %swap3A_3604 {strides = array<i32>} : memref<1x32x512xf32, #tpu.memory_space<vmem>>, vector<1x1x16xf32>,
    %swap3A_3605 = arith.constant 0 : i32
    %swap3A_3606 = arith.constant 26 : i32
    %swap3A_3607 = arith.index_cast %swap3A_3605 : i32 to index
    %swap3A_3608 = arith.index_cast %swap3A_3606 : i32 to index
    %swap3A_3609 = arith.constant 464 : index
    %swap3A_3610 = tpu.vector_load %arg5[%swap3A_3607, %swap3A_3608, %swap3A_3609] {strides = array<i32>} : memref<1x32x512xf32, #tpu.memory_space<vmem>>, vector<1x1x16xf32>,
    %swap3A_3611 = vector.shape_cast %swap3A_3610 : vector<1x1x16xf32> to vector<16xf32>
    %swap3A_3612 = vector.shape_cast %get3A_3396 : vector<16xf32> to vector<1x1x16xf32>
    tpu.vector_store %arg5[%swap3A_3607, %swap3A_3608, %swap3A_3609], %swap3A_3612 {strides = array<i32>} : memref<1x32x512xf32, #tpu.memory_space<vmem>>, vector<1x1x16xf32>,
    %swap3A_3613 = arith.constant 0 : i32
    %swap3A_3614 = arith.constant 27 : i32
    %swap3A_3615 = arith.index_cast %swap3A_3613 : i32 to index
    %swap3A_3616 = arith.index_cast %swap3A_3614 : i32 to index
    %swap3A_3617 = arith.constant 464 : index
    %swap3A_3618 = tpu.vector_load %arg5[%swap3A_3615, %swap3A_3616, %swap3A_3617] {strides = array<i32>} : memref<1x32x512xf32, #tpu.memory_space<vmem>>, vector<1x1x16xf32>,
    %swap3A_3619 = vector.shape_cast %swap3A_3618 : vector<1x1x16xf32> to vector<16xf32>
    %swap3A_3620 = vector.shape_cast %get3A_3396 : vector<16xf32> to vector<1x1x16xf32>
    tpu.vector_store %arg5[%swap3A_3615, %swap3A_3616, %swap3A_3617], %swap3A_3620 {strides = array<i32>} : memref<1x32x512xf32, #tpu.memory_space<vmem>>, vector<1x1x16xf32>,
    %swap3A_3621 = arith.constant 0 : i32
    %swap3A_3622 = arith.constant 28 : i32
    %swap3A_3623 = arith.index_cast %swap3A_3621 : i32 to index
    %swap3A_3624 = arith.index_cast %swap3A_3622 : i32 to index
    %swap3A_3625 = arith.constant 464 : index
    %swap3A_3626 = tpu.vector_load %arg5[%swap3A_3623, %swap3A_3624, %swap3A_3625] {strides = array<i32>} : memref<1x32x512xf32, #tpu.memory_space<vmem>>, vector<1x1x16xf32>,
    %swap3A_3627 = vector.shape_cast %swap3A_3626 : vector<1x1x16xf32> to vector<16xf32>
    %swap3A_3628 = vector.shape_cast %get3A_3396 : vector<16xf32> to vector<1x1x16xf32>
    tpu.vector_store %arg5[%swap3A_3623, %swap3A_3624, %swap3A_3625], %swap3A_3628 {strides = array<i32>} : memref<1x32x512xf32, #tpu.memory_space<vmem>>, vector<1x1x16xf32>,
    %swap3A_3629 = arith.constant 0 : i32
    %swap3A_3630 = arith.constant 29 : i32
    %swap3A_3631 = arith.index_cast %swap3A_3629 : i32 to index
    %swap3A_3632 = arith.index_cast %swap3A_3630 : i32 to index
    %swap3A_3633 = arith.constant 464 : index
    %swap3A_3634 = tpu.vector_load %arg5[%swap3A_3631, %swap3A_3632, %swap3A_3633] {strides = array<i32>} : memref<1x32x512xf32, #tpu.memory_space<vmem>>, vector<1x1x16xf32>,
    %swap3A_3635 = vector.shape_cast %swap3A_3634 : vector<1x1x16xf32> to vector<16xf32>
    %swap3A_3636 = vector.shape_cast %get3A_3396 : vector<16xf32> to vector<1x1x16xf32>
    tpu.vector_store %arg5[%swap3A_3631, %swap3A_3632, %swap3A_3633], %swap3A_3636 {strides = array<i32>} : memref<1x32x512xf32, #tpu.memory_space<vmem>>, vector<1x1x16xf32>,
    %swap3A_3637 = arith.constant 0 : i32
    %swap3A_3638 = arith.constant 30 : i32
    %swap3A_3639 = arith.index_cast %swap3A_3637 : i32 to index
    %swap3A_3640 = arith.index_cast %swap3A_3638 : i32 to index
    %swap3A_3641 = arith.constant 464 : index
    %swap3A_3642 = tpu.vector_load %arg5[%swap3A_3639, %swap3A_3640, %swap3A_3641] {strides = array<i32>} : memref<1x32x512xf32, #tpu.memory_space<vmem>>, vector<1x1x16xf32>,
    %swap3A_3643 = vector.shape_cast %swap3A_3642 : vector<1x1x16xf32> to vector<16xf32>
    %swap3A_3644 = vector.shape_cast %get3A_3396 : vector<16xf32> to vector<1x1x16xf32>
    tpu.vector_store %arg5[%swap3A_3639, %swap3A_3640, %swap3A_3641], %swap3A_3644 {strides = array<i32>} : memref<1x32x512xf32, #tpu.memory_space<vmem>>, vector<1x1x16xf32>,
    %swap3A_3645 = arith.constant 0 : i32
    %swap3A_3646 = arith.constant 31 : i32
    %swap3A_3647 = arith.index_cast %swap3A_3645 : i32 to index
    %swap3A_3648 = arith.index_cast %swap3A_3646 : i32 to index
    %swap3A_3649 = arith.constant 464 : index
    %swap3A_3650 = tpu.vector_load %arg5[%swap3A_3647, %swap3A_3648, %swap3A_3649] {strides = array<i32>} : memref<1x32x512xf32, #tpu.memory_space<vmem>>, vector<1x1x16xf32>,
    %swap3A_3651 = vector.shape_cast %swap3A_3650 : vector<1x1x16xf32> to vector<16xf32>
    %swap3A_3652 = vector.shape_cast %get3A_3396 : vector<16xf32> to vector<1x1x16xf32>
    tpu.vector_store %arg5[%swap3A_3647, %swap3A_3648, %swap3A_3649], %swap3A_3652 {strides = array<i32>} : memref<1x32x512xf32, #tpu.memory_space<vmem>>, vector<1x1x16xf32>,
    %get3A_3653 = arith.constant 0 : i32
    %get3A_3654 = arith.index_cast %get3A_3653 : i32 to index
    %get3A_3655 = arith.constant 224 : index
    %get3A_3656 = tpu.vector_load %arg6[%get3A_3654, %get3A_3655] {strides = array<i32>} : memref<1x256xf32, #tpu.memory_space<vmem>>, vector<1x16xf32>,
    %get3A_3657 = vector.shape_cast %get3A_3656 : vector<1x16xf32> to vector<16xf32>
    %swap3A_3658 = arith.constant 0 : i32
    %swap3A_3659 = arith.constant 0 : i32
    %swap3A_3660 = arith.index_cast %swap3A_3658 : i32 to index
    %swap3A_3661 = arith.index_cast %swap3A_3659 : i32 to index
    %swap3A_3662 = arith.constant 480 : index
    %swap3A_3663 = tpu.vector_load %arg5[%swap3A_3660, %swap3A_3661, %swap3A_3662] {strides = array<i32>} : memref<1x32x512xf32, #tpu.memory_space<vmem>>, vector<1x1x16xf32>,
    %swap3A_3664 = vector.shape_cast %swap3A_3663 : vector<1x1x16xf32> to vector<16xf32>
    %swap3A_3665 = vector.shape_cast %get3A_3657 : vector<16xf32> to vector<1x1x16xf32>
    tpu.vector_store %arg5[%swap3A_3660, %swap3A_3661, %swap3A_3662], %swap3A_3665 {strides = array<i32>} : memref<1x32x512xf32, #tpu.memory_space<vmem>>, vector<1x1x16xf32>,
    %swap3A_3666 = arith.constant 0 : i32
    %swap3A_3667 = arith.constant 1 : i32
    %swap3A_3668 = arith.index_cast %swap3A_3666 : i32 to index
    %swap3A_3669 = arith.index_cast %swap3A_3667 : i32 to index
    %swap3A_3670 = arith.constant 480 : index
    %swap3A_3671 = tpu.vector_load %arg5[%swap3A_3668, %swap3A_3669, %swap3A_3670] {strides = array<i32>} : memref<1x32x512xf32, #tpu.memory_space<vmem>>, vector<1x1x16xf32>,
    %swap3A_3672 = vector.shape_cast %swap3A_3671 : vector<1x1x16xf32> to vector<16xf32>
    %swap3A_3673 = vector.shape_cast %get3A_3657 : vector<16xf32> to vector<1x1x16xf32>
    tpu.vector_store %arg5[%swap3A_3668, %swap3A_3669, %swap3A_3670], %swap3A_3673 {strides = array<i32>} : memref<1x32x512xf32, #tpu.memory_space<vmem>>, vector<1x1x16xf32>,
    %swap3A_3674 = arith.constant 0 : i32
    %swap3A_3675 = arith.constant 2 : i32
    %swap3A_3676 = arith.index_cast %swap3A_3674 : i32 to index
    %swap3A_3677 = arith.index_cast %swap3A_3675 : i32 to index
    %swap3A_3678 = arith.constant 480 : index
    %swap3A_3679 = tpu.vector_load %arg5[%swap3A_3676, %swap3A_3677, %swap3A_3678] {strides = array<i32>} : memref<1x32x512xf32, #tpu.memory_space<vmem>>, vector<1x1x16xf32>,
    %swap3A_3680 = vector.shape_cast %swap3A_3679 : vector<1x1x16xf32> to vector<16xf32>
    %swap3A_3681 = vector.shape_cast %get3A_3657 : vector<16xf32> to vector<1x1x16xf32>
    tpu.vector_store %arg5[%swap3A_3676, %swap3A_3677, %swap3A_3678], %swap3A_3681 {strides = array<i32>} : memref<1x32x512xf32, #tpu.memory_space<vmem>>, vector<1x1x16xf32>,
    %swap3A_3682 = arith.constant 0 : i32
    %swap3A_3683 = arith.constant 3 : i32
    %swap3A_3684 = arith.index_cast %swap3A_3682 : i32 to index
    %swap3A_3685 = arith.index_cast %swap3A_3683 : i32 to index
    %swap3A_3686 = arith.constant 480 : index
    %swap3A_3687 = tpu.vector_load %arg5[%swap3A_3684, %swap3A_3685, %swap3A_3686] {strides = array<i32>} : memref<1x32x512xf32, #tpu.memory_space<vmem>>, vector<1x1x16xf32>,
    %swap3A_3688 = vector.shape_cast %swap3A_3687 : vector<1x1x16xf32> to vector<16xf32>
    %swap3A_3689 = vector.shape_cast %get3A_3657 : vector<16xf32> to vector<1x1x16xf32>
    tpu.vector_store %arg5[%swap3A_3684, %swap3A_3685, %swap3A_3686], %swap3A_3689 {strides = array<i32>} : memref<1x32x512xf32, #tpu.memory_space<vmem>>, vector<1x1x16xf32>,
    %swap3A_3690 = arith.constant 0 : i32
    %swap3A_3691 = arith.constant 4 : i32
    %swap3A_3692 = arith.index_cast %swap3A_3690 : i32 to index
    %swap3A_3693 = arith.index_cast %swap3A_3691 : i32 to index
    %swap3A_3694 = arith.constant 480 : index
    %swap3A_3695 = tpu.vector_load %arg5[%swap3A_3692, %swap3A_3693, %swap3A_3694] {strides = array<i32>} : memref<1x32x512xf32, #tpu.memory_space<vmem>>, vector<1x1x16xf32>,
    %swap3A_3696 = vector.shape_cast %swap3A_3695 : vector<1x1x16xf32> to vector<16xf32>
    %swap3A_3697 = vector.shape_cast %get3A_3657 : vector<16xf32> to vector<1x1x16xf32>
    tpu.vector_store %arg5[%swap3A_3692, %swap3A_3693, %swap3A_3694], %swap3A_3697 {strides = array<i32>} : memref<1x32x512xf32, #tpu.memory_space<vmem>>, vector<1x1x16xf32>,
    %swap3A_3698 = arith.constant 0 : i32
    %swap3A_3699 = arith.constant 5 : i32
    %swap3A_3700 = arith.index_cast %swap3A_3698 : i32 to index
    %swap3A_3701 = arith.index_cast %swap3A_3699 : i32 to index
    %swap3A_3702 = arith.constant 480 : index
    %swap3A_3703 = tpu.vector_load %arg5[%swap3A_3700, %swap3A_3701, %swap3A_3702] {strides = array<i32>} : memref<1x32x512xf32, #tpu.memory_space<vmem>>, vector<1x1x16xf32>,
    %swap3A_3704 = vector.shape_cast %swap3A_3703 : vector<1x1x16xf32> to vector<16xf32>
    %swap3A_3705 = vector.shape_cast %get3A_3657 : vector<16xf32> to vector<1x1x16xf32>
    tpu.vector_store %arg5[%swap3A_3700, %swap3A_3701, %swap3A_3702], %swap3A_3705 {strides = array<i32>} : memref<1x32x512xf32, #tpu.memory_space<vmem>>, vector<1x1x16xf32>,
    %swap3A_3706 = arith.constant 0 : i32
    %swap3A_3707 = arith.constant 6 : i32
    %swap3A_3708 = arith.index_cast %swap3A_3706 : i32 to index
    %swap3A_3709 = arith.index_cast %swap3A_3707 : i32 to index
    %swap3A_3710 = arith.constant 480 : index
    %swap3A_3711 = tpu.vector_load %arg5[%swap3A_3708, %swap3A_3709, %swap3A_3710] {strides = array<i32>} : memref<1x32x512xf32, #tpu.memory_space<vmem>>, vector<1x1x16xf32>,
    %swap3A_3712 = vector.shape_cast %swap3A_3711 : vector<1x1x16xf32> to vector<16xf32>
    %swap3A_3713 = vector.shape_cast %get3A_3657 : vector<16xf32> to vector<1x1x16xf32>
    tpu.vector_store %arg5[%swap3A_3708, %swap3A_3709, %swap3A_3710], %swap3A_3713 {strides = array<i32>} : memref<1x32x512xf32, #tpu.memory_space<vmem>>, vector<1x1x16xf32>,
    %swap3A_3714 = arith.constant 0 : i32
    %swap3A_3715 = arith.constant 7 : i32
    %swap3A_3716 = arith.index_cast %swap3A_3714 : i32 to index
    %swap3A_3717 = arith.index_cast %swap3A_3715 : i32 to index
    %swap3A_3718 = arith.constant 480 : index
    %swap3A_3719 = tpu.vector_load %arg5[%swap3A_3716, %swap3A_3717, %swap3A_3718] {strides = array<i32>} : memref<1x32x512xf32, #tpu.memory_space<vmem>>, vector<1x1x16xf32>,
    %swap3A_3720 = vector.shape_cast %swap3A_3719 : vector<1x1x16xf32> to vector<16xf32>
    %swap3A_3721 = vector.shape_cast %get3A_3657 : vector<16xf32> to vector<1x1x16xf32>
    tpu.vector_store %arg5[%swap3A_3716, %swap3A_3717, %swap3A_3718], %swap3A_3721 {strides = array<i32>} : memref<1x32x512xf32, #tpu.memory_space<vmem>>, vector<1x1x16xf32>,
    %swap3A_3722 = arith.constant 0 : i32
    %swap3A_3723 = arith.constant 8 : i32
    %swap3A_3724 = arith.index_cast %swap3A_3722 : i32 to index
    %swap3A_3725 = arith.index_cast %swap3A_3723 : i32 to index
    %swap3A_3726 = arith.constant 480 : index
    %swap3A_3727 = tpu.vector_load %arg5[%swap3A_3724, %swap3A_3725, %swap3A_3726] {strides = array<i32>} : memref<1x32x512xf32, #tpu.memory_space<vmem>>, vector<1x1x16xf32>,
    %swap3A_3728 = vector.shape_cast %swap3A_3727 : vector<1x1x16xf32> to vector<16xf32>
    %swap3A_3729 = vector.shape_cast %get3A_3657 : vector<16xf32> to vector<1x1x16xf32>
    tpu.vector_store %arg5[%swap3A_3724, %swap3A_3725, %swap3A_3726], %swap3A_3729 {strides = array<i32>} : memref<1x32x512xf32, #tpu.memory_space<vmem>>, vector<1x1x16xf32>,
    %swap3A_3730 = arith.constant 0 : i32
    %swap3A_3731 = arith.constant 9 : i32
    %swap3A_3732 = arith.index_cast %swap3A_3730 : i32 to index
    %swap3A_3733 = arith.index_cast %swap3A_3731 : i32 to index
    %swap3A_3734 = arith.constant 480 : index
    %swap3A_3735 = tpu.vector_load %arg5[%swap3A_3732, %swap3A_3733, %swap3A_3734] {strides = array<i32>} : memref<1x32x512xf32, #tpu.memory_space<vmem>>, vector<1x1x16xf32>,
    %swap3A_3736 = vector.shape_cast %swap3A_3735 : vector<1x1x16xf32> to vector<16xf32>
    %swap3A_3737 = vector.shape_cast %get3A_3657 : vector<16xf32> to vector<1x1x16xf32>
    tpu.vector_store %arg5[%swap3A_3732, %swap3A_3733, %swap3A_3734], %swap3A_3737 {strides = array<i32>} : memref<1x32x512xf32, #tpu.memory_space<vmem>>, vector<1x1x16xf32>,
    %swap3A_3738 = arith.constant 0 : i32
    %swap3A_3739 = arith.constant 10 : i32
    %swap3A_3740 = arith.index_cast %swap3A_3738 : i32 to index
    %swap3A_3741 = arith.index_cast %swap3A_3739 : i32 to index
    %swap3A_3742 = arith.constant 480 : index
    %swap3A_3743 = tpu.vector_load %arg5[%swap3A_3740, %swap3A_3741, %swap3A_3742] {strides = array<i32>} : memref<1x32x512xf32, #tpu.memory_space<vmem>>, vector<1x1x16xf32>,
    %swap3A_3744 = vector.shape_cast %swap3A_3743 : vector<1x1x16xf32> to vector<16xf32>
    %swap3A_3745 = vector.shape_cast %get3A_3657 : vector<16xf32> to vector<1x1x16xf32>
    tpu.vector_store %arg5[%swap3A_3740, %swap3A_3741, %swap3A_3742], %swap3A_3745 {strides = array<i32>} : memref<1x32x512xf32, #tpu.memory_space<vmem>>, vector<1x1x16xf32>,
    %swap3A_3746 = arith.constant 0 : i32
    %swap3A_3747 = arith.constant 11 : i32
    %swap3A_3748 = arith.index_cast %swap3A_3746 : i32 to index
    %swap3A_3749 = arith.index_cast %swap3A_3747 : i32 to index
    %swap3A_3750 = arith.constant 480 : index
    %swap3A_3751 = tpu.vector_load %arg5[%swap3A_3748, %swap3A_3749, %swap3A_3750] {strides = array<i32>} : memref<1x32x512xf32, #tpu.memory_space<vmem>>, vector<1x1x16xf32>,
    %swap3A_3752 = vector.shape_cast %swap3A_3751 : vector<1x1x16xf32> to vector<16xf32>
    %swap3A_3753 = vector.shape_cast %get3A_3657 : vector<16xf32> to vector<1x1x16xf32>
    tpu.vector_store %arg5[%swap3A_3748, %swap3A_3749, %swap3A_3750], %swap3A_3753 {strides = array<i32>} : memref<1x32x512xf32, #tpu.memory_space<vmem>>, vector<1x1x16xf32>,
    %swap3A_3754 = arith.constant 0 : i32
    %swap3A_3755 = arith.constant 12 : i32
    %swap3A_3756 = arith.index_cast %swap3A_3754 : i32 to index
    %swap3A_3757 = arith.index_cast %swap3A_3755 : i32 to index
    %swap3A_3758 = arith.constant 480 : index
    %swap3A_3759 = tpu.vector_load %arg5[%swap3A_3756, %swap3A_3757, %swap3A_3758] {strides = array<i32>} : memref<1x32x512xf32, #tpu.memory_space<vmem>>, vector<1x1x16xf32>,
    %swap3A_3760 = vector.shape_cast %swap3A_3759 : vector<1x1x16xf32> to vector<16xf32>
    %swap3A_3761 = vector.shape_cast %get3A_3657 : vector<16xf32> to vector<1x1x16xf32>
    tpu.vector_store %arg5[%swap3A_3756, %swap3A_3757, %swap3A_3758], %swap3A_3761 {strides = array<i32>} : memref<1x32x512xf32, #tpu.memory_space<vmem>>, vector<1x1x16xf32>,
    %swap3A_3762 = arith.constant 0 : i32
    %swap3A_3763 = arith.constant 13 : i32
    %swap3A_3764 = arith.index_cast %swap3A_3762 : i32 to index
    %swap3A_3765 = arith.index_cast %swap3A_3763 : i32 to index
    %swap3A_3766 = arith.constant 480 : index
    %swap3A_3767 = tpu.vector_load %arg5[%swap3A_3764, %swap3A_3765, %swap3A_3766] {strides = array<i32>} : memref<1x32x512xf32, #tpu.memory_space<vmem>>, vector<1x1x16xf32>,
    %swap3A_3768 = vector.shape_cast %swap3A_3767 : vector<1x1x16xf32> to vector<16xf32>
    %swap3A_3769 = vector.shape_cast %get3A_3657 : vector<16xf32> to vector<1x1x16xf32>
    tpu.vector_store %arg5[%swap3A_3764, %swap3A_3765, %swap3A_3766], %swap3A_3769 {strides = array<i32>} : memref<1x32x512xf32, #tpu.memory_space<vmem>>, vector<1x1x16xf32>,
    %swap3A_3770 = arith.constant 0 : i32
    %swap3A_3771 = arith.constant 14 : i32
    %swap3A_3772 = arith.index_cast %swap3A_3770 : i32 to index
    %swap3A_3773 = arith.index_cast %swap3A_3771 : i32 to index
    %swap3A_3774 = arith.constant 480 : index
    %swap3A_3775 = tpu.vector_load %arg5[%swap3A_3772, %swap3A_3773, %swap3A_3774] {strides = array<i32>} : memref<1x32x512xf32, #tpu.memory_space<vmem>>, vector<1x1x16xf32>,
    %swap3A_3776 = vector.shape_cast %swap3A_3775 : vector<1x1x16xf32> to vector<16xf32>
    %swap3A_3777 = vector.shape_cast %get3A_3657 : vector<16xf32> to vector<1x1x16xf32>
    tpu.vector_store %arg5[%swap3A_3772, %swap3A_3773, %swap3A_3774], %swap3A_3777 {strides = array<i32>} : memref<1x32x512xf32, #tpu.memory_space<vmem>>, vector<1x1x16xf32>,
    %swap3A_3778 = arith.constant 0 : i32
    %swap3A_3779 = arith.constant 15 : i32
    %swap3A_3780 = arith.index_cast %swap3A_3778 : i32 to index
    %swap3A_3781 = arith.index_cast %swap3A_3779 : i32 to index
    %swap3A_3782 = arith.constant 480 : index
    %swap3A_3783 = tpu.vector_load %arg5[%swap3A_3780, %swap3A_3781, %swap3A_3782] {strides = array<i32>} : memref<1x32x512xf32, #tpu.memory_space<vmem>>, vector<1x1x16xf32>,
    %swap3A_3784 = vector.shape_cast %swap3A_3783 : vector<1x1x16xf32> to vector<16xf32>
    %swap3A_3785 = vector.shape_cast %get3A_3657 : vector<16xf32> to vector<1x1x16xf32>
    tpu.vector_store %arg5[%swap3A_3780, %swap3A_3781, %swap3A_3782], %swap3A_3785 {strides = array<i32>} : memref<1x32x512xf32, #tpu.memory_space<vmem>>, vector<1x1x16xf32>,
    %swap3A_3786 = arith.constant 0 : i32
    %swap3A_3787 = arith.constant 16 : i32
    %swap3A_3788 = arith.index_cast %swap3A_3786 : i32 to index
    %swap3A_3789 = arith.index_cast %swap3A_3787 : i32 to index
    %swap3A_3790 = arith.constant 480 : index
    %swap3A_3791 = tpu.vector_load %arg5[%swap3A_3788, %swap3A_3789, %swap3A_3790] {strides = array<i32>} : memref<1x32x512xf32, #tpu.memory_space<vmem>>, vector<1x1x16xf32>,
    %swap3A_3792 = vector.shape_cast %swap3A_3791 : vector<1x1x16xf32> to vector<16xf32>
    %swap3A_3793 = vector.shape_cast %get3A_3657 : vector<16xf32> to vector<1x1x16xf32>
    tpu.vector_store %arg5[%swap3A_3788, %swap3A_3789, %swap3A_3790], %swap3A_3793 {strides = array<i32>} : memref<1x32x512xf32, #tpu.memory_space<vmem>>, vector<1x1x16xf32>,
    %swap3A_3794 = arith.constant 0 : i32
    %swap3A_3795 = arith.constant 17 : i32
    %swap3A_3796 = arith.index_cast %swap3A_3794 : i32 to index
    %swap3A_3797 = arith.index_cast %swap3A_3795 : i32 to index
    %swap3A_3798 = arith.constant 480 : index
    %swap3A_3799 = tpu.vector_load %arg5[%swap3A_3796, %swap3A_3797, %swap3A_3798] {strides = array<i32>} : memref<1x32x512xf32, #tpu.memory_space<vmem>>, vector<1x1x16xf32>,
    %swap3A_3800 = vector.shape_cast %swap3A_3799 : vector<1x1x16xf32> to vector<16xf32>
    %swap3A_3801 = vector.shape_cast %get3A_3657 : vector<16xf32> to vector<1x1x16xf32>
    tpu.vector_store %arg5[%swap3A_3796, %swap3A_3797, %swap3A_3798], %swap3A_3801 {strides = array<i32>} : memref<1x32x512xf32, #tpu.memory_space<vmem>>, vector<1x1x16xf32>,
    %swap3A_3802 = arith.constant 0 : i32
    %swap3A_3803 = arith.constant 18 : i32
    %swap3A_3804 = arith.index_cast %swap3A_3802 : i32 to index
    %swap3A_3805 = arith.index_cast %swap3A_3803 : i32 to index
    %swap3A_3806 = arith.constant 480 : index
    %swap3A_3807 = tpu.vector_load %arg5[%swap3A_3804, %swap3A_3805, %swap3A_3806] {strides = array<i32>} : memref<1x32x512xf32, #tpu.memory_space<vmem>>, vector<1x1x16xf32>,
    %swap3A_3808 = vector.shape_cast %swap3A_3807 : vector<1x1x16xf32> to vector<16xf32>
    %swap3A_3809 = vector.shape_cast %get3A_3657 : vector<16xf32> to vector<1x1x16xf32>
    tpu.vector_store %arg5[%swap3A_3804, %swap3A_3805, %swap3A_3806], %swap3A_3809 {strides = array<i32>} : memref<1x32x512xf32, #tpu.memory_space<vmem>>, vector<1x1x16xf32>,
    %swap3A_3810 = arith.constant 0 : i32
    %swap3A_3811 = arith.constant 19 : i32
    %swap3A_3812 = arith.index_cast %swap3A_3810 : i32 to index
    %swap3A_3813 = arith.index_cast %swap3A_3811 : i32 to index
    %swap3A_3814 = arith.constant 480 : index
    %swap3A_3815 = tpu.vector_load %arg5[%swap3A_3812, %swap3A_3813, %swap3A_3814] {strides = array<i32>} : memref<1x32x512xf32, #tpu.memory_space<vmem>>, vector<1x1x16xf32>,
    %swap3A_3816 = vector.shape_cast %swap3A_3815 : vector<1x1x16xf32> to vector<16xf32>
    %swap3A_3817 = vector.shape_cast %get3A_3657 : vector<16xf32> to vector<1x1x16xf32>
    tpu.vector_store %arg5[%swap3A_3812, %swap3A_3813, %swap3A_3814], %swap3A_3817 {strides = array<i32>} : memref<1x32x512xf32, #tpu.memory_space<vmem>>, vector<1x1x16xf32>,
    %swap3A_3818 = arith.constant 0 : i32
    %swap3A_3819 = arith.constant 20 : i32
    %swap3A_3820 = arith.index_cast %swap3A_3818 : i32 to index
    %swap3A_3821 = arith.index_cast %swap3A_3819 : i32 to index
    %swap3A_3822 = arith.constant 480 : index
    %swap3A_3823 = tpu.vector_load %arg5[%swap3A_3820, %swap3A_3821, %swap3A_3822] {strides = array<i32>} : memref<1x32x512xf32, #tpu.memory_space<vmem>>, vector<1x1x16xf32>,
    %swap3A_3824 = vector.shape_cast %swap3A_3823 : vector<1x1x16xf32> to vector<16xf32>
    %swap3A_3825 = vector.shape_cast %get3A_3657 : vector<16xf32> to vector<1x1x16xf32>
    tpu.vector_store %arg5[%swap3A_3820, %swap3A_3821, %swap3A_3822], %swap3A_3825 {strides = array<i32>} : memref<1x32x512xf32, #tpu.memory_space<vmem>>, vector<1x1x16xf32>,
    %swap3A_3826 = arith.constant 0 : i32
    %swap3A_3827 = arith.constant 21 : i32
    %swap3A_3828 = arith.index_cast %swap3A_3826 : i32 to index
    %swap3A_3829 = arith.index_cast %swap3A_3827 : i32 to index
    %swap3A_3830 = arith.constant 480 : index
    %swap3A_3831 = tpu.vector_load %arg5[%swap3A_3828, %swap3A_3829, %swap3A_3830] {strides = array<i32>} : memref<1x32x512xf32, #tpu.memory_space<vmem>>, vector<1x1x16xf32>,
    %swap3A_3832 = vector.shape_cast %swap3A_3831 : vector<1x1x16xf32> to vector<16xf32>
    %swap3A_3833 = vector.shape_cast %get3A_3657 : vector<16xf32> to vector<1x1x16xf32>
    tpu.vector_store %arg5[%swap3A_3828, %swap3A_3829, %swap3A_3830], %swap3A_3833 {strides = array<i32>} : memref<1x32x512xf32, #tpu.memory_space<vmem>>, vector<1x1x16xf32>,
    %swap3A_3834 = arith.constant 0 : i32
    %swap3A_3835 = arith.constant 22 : i32
    %swap3A_3836 = arith.index_cast %swap3A_3834 : i32 to index
    %swap3A_3837 = arith.index_cast %swap3A_3835 : i32 to index
    %swap3A_3838 = arith.constant 480 : index
    %swap3A_3839 = tpu.vector_load %arg5[%swap3A_3836, %swap3A_3837, %swap3A_3838] {strides = array<i32>} : memref<1x32x512xf32, #tpu.memory_space<vmem>>, vector<1x1x16xf32>,
    %swap3A_3840 = vector.shape_cast %swap3A_3839 : vector<1x1x16xf32> to vector<16xf32>
    %swap3A_3841 = vector.shape_cast %get3A_3657 : vector<16xf32> to vector<1x1x16xf32>
    tpu.vector_store %arg5[%swap3A_3836, %swap3A_3837, %swap3A_3838], %swap3A_3841 {strides = array<i32>} : memref<1x32x512xf32, #tpu.memory_space<vmem>>, vector<1x1x16xf32>,
    %swap3A_3842 = arith.constant 0 : i32
    %swap3A_3843 = arith.constant 23 : i32
    %swap3A_3844 = arith.index_cast %swap3A_3842 : i32 to index
    %swap3A_3845 = arith.index_cast %swap3A_3843 : i32 to index
    %swap3A_3846 = arith.constant 480 : index
    %swap3A_3847 = tpu.vector_load %arg5[%swap3A_3844, %swap3A_3845, %swap3A_3846] {strides = array<i32>} : memref<1x32x512xf32, #tpu.memory_space<vmem>>, vector<1x1x16xf32>,
    %swap3A_3848 = vector.shape_cast %swap3A_3847 : vector<1x1x16xf32> to vector<16xf32>
    %swap3A_3849 = vector.shape_cast %get3A_3657 : vector<16xf32> to vector<1x1x16xf32>
    tpu.vector_store %arg5[%swap3A_3844, %swap3A_3845, %swap3A_3846], %swap3A_3849 {strides = array<i32>} : memref<1x32x512xf32, #tpu.memory_space<vmem>>, vector<1x1x16xf32>,
    %swap3A_3850 = arith.constant 0 : i32
    %swap3A_3851 = arith.constant 24 : i32
    %swap3A_3852 = arith.index_cast %swap3A_3850 : i32 to index
    %swap3A_3853 = arith.index_cast %swap3A_3851 : i32 to index
    %swap3A_3854 = arith.constant 480 : index
    %swap3A_3855 = tpu.vector_load %arg5[%swap3A_3852, %swap3A_3853, %swap3A_3854] {strides = array<i32>} : memref<1x32x512xf32, #tpu.memory_space<vmem>>, vector<1x1x16xf32>,
    %swap3A_3856 = vector.shape_cast %swap3A_3855 : vector<1x1x16xf32> to vector<16xf32>
    %swap3A_3857 = vector.shape_cast %get3A_3657 : vector<16xf32> to vector<1x1x16xf32>
    tpu.vector_store %arg5[%swap3A_3852, %swap3A_3853, %swap3A_3854], %swap3A_3857 {strides = array<i32>} : memref<1x32x512xf32, #tpu.memory_space<vmem>>, vector<1x1x16xf32>,
    %swap3A_3858 = arith.constant 0 : i32
    %swap3A_3859 = arith.constant 25 : i32
    %swap3A_3860 = arith.index_cast %swap3A_3858 : i32 to index
    %swap3A_3861 = arith.index_cast %swap3A_3859 : i32 to index
    %swap3A_3862 = arith.constant 480 : index
    %swap3A_3863 = tpu.vector_load %arg5[%swap3A_3860, %swap3A_3861, %swap3A_3862] {strides = array<i32>} : memref<1x32x512xf32, #tpu.memory_space<vmem>>, vector<1x1x16xf32>,
    %swap3A_3864 = vector.shape_cast %swap3A_3863 : vector<1x1x16xf32> to vector<16xf32>
    %swap3A_3865 = vector.shape_cast %get3A_3657 : vector<16xf32> to vector<1x1x16xf32>
    tpu.vector_store %arg5[%swap3A_3860, %swap3A_3861, %swap3A_3862], %swap3A_3865 {strides = array<i32>} : memref<1x32x512xf32, #tpu.memory_space<vmem>>, vector<1x1x16xf32>,
    %swap3A_3866 = arith.constant 0 : i32
    %swap3A_3867 = arith.constant 26 : i32
    %swap3A_3868 = arith.index_cast %swap3A_3866 : i32 to index
    %swap3A_3869 = arith.index_cast %swap3A_3867 : i32 to index
    %swap3A_3870 = arith.constant 480 : index
    %swap3A_3871 = tpu.vector_load %arg5[%swap3A_3868, %swap3A_3869, %swap3A_3870] {strides = array<i32>} : memref<1x32x512xf32, #tpu.memory_space<vmem>>, vector<1x1x16xf32>,
    %swap3A_3872 = vector.shape_cast %swap3A_3871 : vector<1x1x16xf32> to vector<16xf32>
    %swap3A_3873 = vector.shape_cast %get3A_3657 : vector<16xf32> to vector<1x1x16xf32>
    tpu.vector_store %arg5[%swap3A_3868, %swap3A_3869, %swap3A_3870], %swap3A_3873 {strides = array<i32>} : memref<1x32x512xf32, #tpu.memory_space<vmem>>, vector<1x1x16xf32>,
    %swap3A_3874 = arith.constant 0 : i32
    %swap3A_3875 = arith.constant 27 : i32
    %swap3A_3876 = arith.index_cast %swap3A_3874 : i32 to index
    %swap3A_3877 = arith.index_cast %swap3A_3875 : i32 to index
    %swap3A_3878 = arith.constant 480 : index
    %swap3A_3879 = tpu.vector_load %arg5[%swap3A_3876, %swap3A_3877, %swap3A_3878] {strides = array<i32>} : memref<1x32x512xf32, #tpu.memory_space<vmem>>, vector<1x1x16xf32>,
    %swap3A_3880 = vector.shape_cast %swap3A_3879 : vector<1x1x16xf32> to vector<16xf32>
    %swap3A_3881 = vector.shape_cast %get3A_3657 : vector<16xf32> to vector<1x1x16xf32>
    tpu.vector_store %arg5[%swap3A_3876, %swap3A_3877, %swap3A_3878], %swap3A_3881 {strides = array<i32>} : memref<1x32x512xf32, #tpu.memory_space<vmem>>, vector<1x1x16xf32>,
    %swap3A_3882 = arith.constant 0 : i32
    %swap3A_3883 = arith.constant 28 : i32
    %swap3A_3884 = arith.index_cast %swap3A_3882 : i32 to index
    %swap3A_3885 = arith.index_cast %swap3A_3883 : i32 to index
    %swap3A_3886 = arith.constant 480 : index
    %swap3A_3887 = tpu.vector_load %arg5[%swap3A_3884, %swap3A_3885, %swap3A_3886] {strides = array<i32>} : memref<1x32x512xf32, #tpu.memory_space<vmem>>, vector<1x1x16xf32>,
    %swap3A_3888 = vector.shape_cast %swap3A_3887 : vector<1x1x16xf32> to vector<16xf32>
    %swap3A_3889 = vector.shape_cast %get3A_3657 : vector<16xf32> to vector<1x1x16xf32>
    tpu.vector_store %arg5[%swap3A_3884, %swap3A_3885, %swap3A_3886], %swap3A_3889 {strides = array<i32>} : memref<1x32x512xf32, #tpu.memory_space<vmem>>, vector<1x1x16xf32>,
    %swap3A_3890 = arith.constant 0 : i32
    %swap3A_3891 = arith.constant 29 : i32
    %swap3A_3892 = arith.index_cast %swap3A_3890 : i32 to index
    %swap3A_3893 = arith.index_cast %swap3A_3891 : i32 to index
    %swap3A_3894 = arith.constant 480 : index
    %swap3A_3895 = tpu.vector_load %arg5[%swap3A_3892, %swap3A_3893, %swap3A_3894] {strides = array<i32>} : memref<1x32x512xf32, #tpu.memory_space<vmem>>, vector<1x1x16xf32>,
    %swap3A_3896 = vector.shape_cast %swap3A_3895 : vector<1x1x16xf32> to vector<16xf32>
    %swap3A_3897 = vector.shape_cast %get3A_3657 : vector<16xf32> to vector<1x1x16xf32>
    tpu.vector_store %arg5[%swap3A_3892, %swap3A_3893, %swap3A_3894], %swap3A_3897 {strides = array<i32>} : memref<1x32x512xf32, #tpu.memory_space<vmem>>, vector<1x1x16xf32>,
    %swap3A_3898 = arith.constant 0 : i32
    %swap3A_3899 = arith.constant 30 : i32
    %swap3A_3900 = arith.index_cast %swap3A_3898 : i32 to index
    %swap3A_3901 = arith.index_cast %swap3A_3899 : i32 to index
    %swap3A_3902 = arith.constant 480 : index
    %swap3A_3903 = tpu.vector_load %arg5[%swap3A_3900, %swap3A_3901, %swap3A_3902] {strides = array<i32>} : memref<1x32x512xf32, #tpu.memory_space<vmem>>, vector<1x1x16xf32>,
    %swap3A_3904 = vector.shape_cast %swap3A_3903 : vector<1x1x16xf32> to vector<16xf32>
    %swap3A_3905 = vector.shape_cast %get3A_3657 : vector<16xf32> to vector<1x1x16xf32>
    tpu.vector_store %arg5[%swap3A_3900, %swap3A_3901, %swap3A_3902], %swap3A_3905 {strides = array<i32>} : memref<1x32x512xf32, #tpu.memory_space<vmem>>, vector<1x1x16xf32>,
    %swap3A_3906 = arith.constant 0 : i32
    %swap3A_3907 = arith.constant 31 : i32
    %swap3A_3908 = arith.index_cast %swap3A_3906 : i32 to index
    %swap3A_3909 = arith.index_cast %swap3A_3907 : i32 to index
    %swap3A_3910 = arith.constant 480 : index
    %swap3A_3911 = tpu.vector_load %arg5[%swap3A_3908, %swap3A_3909, %swap3A_3910] {strides = array<i32>} : memref<1x32x512xf32, #tpu.memory_space<vmem>>, vector<1x1x16xf32>,
    %swap3A_3912 = vector.shape_cast %swap3A_3911 : vector<1x1x16xf32> to vector<16xf32>
    %swap3A_3913 = vector.shape_cast %get3A_3657 : vector<16xf32> to vector<1x1x16xf32>
    tpu.vector_store %arg5[%swap3A_3908, %swap3A_3909, %swap3A_3910], %swap3A_3913 {strides = array<i32>} : memref<1x32x512xf32, #tpu.memory_space<vmem>>, vector<1x1x16xf32>,
    %get3A_3914 = arith.constant 0 : i32
    %get3A_3915 = arith.index_cast %get3A_3914 : i32 to index
    %get3A_3916 = arith.constant 240 : index
    %get3A_3917 = tpu.vector_load %arg6[%get3A_3915, %get3A_3916] {strides = array<i32>} : memref<1x256xf32, #tpu.memory_space<vmem>>, vector<1x16xf32>,
    %get3A_3918 = vector.shape_cast %get3A_3917 : vector<1x16xf32> to vector<16xf32>
    %swap3A_3919 = arith.constant 0 : i32
    %swap3A_3920 = arith.constant 0 : i32
    %swap3A_3921 = arith.index_cast %swap3A_3919 : i32 to index
    %swap3A_3922 = arith.index_cast %swap3A_3920 : i32 to index
    %swap3A_3923 = arith.constant 496 : index
    %swap3A_3924 = tpu.vector_load %arg5[%swap3A_3921, %swap3A_3922, %swap3A_3923] {strides = array<i32>} : memref<1x32x512xf32, #tpu.memory_space<vmem>>, vector<1x1x16xf32>,
    %swap3A_3925 = vector.shape_cast %swap3A_3924 : vector<1x1x16xf32> to vector<16xf32>
    %swap3A_3926 = vector.shape_cast %get3A_3918 : vector<16xf32> to vector<1x1x16xf32>
    tpu.vector_store %arg5[%swap3A_3921, %swap3A_3922, %swap3A_3923], %swap3A_3926 {strides = array<i32>} : memref<1x32x512xf32, #tpu.memory_space<vmem>>, vector<1x1x16xf32>,
    %swap3A_3927 = arith.constant 0 : i32
    %swap3A_3928 = arith.constant 1 : i32
    %swap3A_3929 = arith.index_cast %swap3A_3927 : i32 to index
    %swap3A_3930 = arith.index_cast %swap3A_3928 : i32 to index
    %swap3A_3931 = arith.constant 496 : index
    %swap3A_3932 = tpu.vector_load %arg5[%swap3A_3929, %swap3A_3930, %swap3A_3931] {strides = array<i32>} : memref<1x32x512xf32, #tpu.memory_space<vmem>>, vector<1x1x16xf32>,
    %swap3A_3933 = vector.shape_cast %swap3A_3932 : vector<1x1x16xf32> to vector<16xf32>
    %swap3A_3934 = vector.shape_cast %get3A_3918 : vector<16xf32> to vector<1x1x16xf32>
    tpu.vector_store %arg5[%swap3A_3929, %swap3A_3930, %swap3A_3931], %swap3A_3934 {strides = array<i32>} : memref<1x32x512xf32, #tpu.memory_space<vmem>>, vector<1x1x16xf32>,
    %swap3A_3935 = arith.constant 0 : i32
    %swap3A_3936 = arith.constant 2 : i32
    %swap3A_3937 = arith.index_cast %swap3A_3935 : i32 to index
    %swap3A_3938 = arith.index_cast %swap3A_3936 : i32 to index
    %swap3A_3939 = arith.constant 496 : index
    %swap3A_3940 = tpu.vector_load %arg5[%swap3A_3937, %swap3A_3938, %swap3A_3939] {strides = array<i32>} : memref<1x32x512xf32, #tpu.memory_space<vmem>>, vector<1x1x16xf32>,
    %swap3A_3941 = vector.shape_cast %swap3A_3940 : vector<1x1x16xf32> to vector<16xf32>
    %swap3A_3942 = vector.shape_cast %get3A_3918 : vector<16xf32> to vector<1x1x16xf32>
    tpu.vector_store %arg5[%swap3A_3937, %swap3A_3938, %swap3A_3939], %swap3A_3942 {strides = array<i32>} : memref<1x32x512xf32, #tpu.memory_space<vmem>>, vector<1x1x16xf32>,
    %swap3A_3943 = arith.constant 0 : i32
    %swap3A_3944 = arith.constant 3 : i32
    %swap3A_3945 = arith.index_cast %swap3A_3943 : i32 to index
    %swap3A_3946 = arith.index_cast %swap3A_3944 : i32 to index
    %swap3A_3947 = arith.constant 496 : index
    %swap3A_3948 = tpu.vector_load %arg5[%swap3A_3945, %swap3A_3946, %swap3A_3947] {strides = array<i32>} : memref<1x32x512xf32, #tpu.memory_space<vmem>>, vector<1x1x16xf32>,
    %swap3A_3949 = vector.shape_cast %swap3A_3948 : vector<1x1x16xf32> to vector<16xf32>
    %swap3A_3950 = vector.shape_cast %get3A_3918 : vector<16xf32> to vector<1x1x16xf32>
    tpu.vector_store %arg5[%swap3A_3945, %swap3A_3946, %swap3A_3947], %swap3A_3950 {strides = array<i32>} : memref<1x32x512xf32, #tpu.memory_space<vmem>>, vector<1x1x16xf32>,
    %swap3A_3951 = arith.constant 0 : i32
    %swap3A_3952 = arith.constant 4 : i32
    %swap3A_3953 = arith.index_cast %swap3A_3951 : i32 to index
    %swap3A_3954 = arith.index_cast %swap3A_3952 : i32 to index
    %swap3A_3955 = arith.constant 496 : index
    %swap3A_3956 = tpu.vector_load %arg5[%swap3A_3953, %swap3A_3954, %swap3A_3955] {strides = array<i32>} : memref<1x32x512xf32, #tpu.memory_space<vmem>>, vector<1x1x16xf32>,
    %swap3A_3957 = vector.shape_cast %swap3A_3956 : vector<1x1x16xf32> to vector<16xf32>
    %swap3A_3958 = vector.shape_cast %get3A_3918 : vector<16xf32> to vector<1x1x16xf32>
    tpu.vector_store %arg5[%swap3A_3953, %swap3A_3954, %swap3A_3955], %swap3A_3958 {strides = array<i32>} : memref<1x32x512xf32, #tpu.memory_space<vmem>>, vector<1x1x16xf32>,
    %swap3A_3959 = arith.constant 0 : i32
    %swap3A_3960 = arith.constant 5 : i32
    %swap3A_3961 = arith.index_cast %swap3A_3959 : i32 to index
    %swap3A_3962 = arith.index_cast %swap3A_3960 : i32 to index
    %swap3A_3963 = arith.constant 496 : index
    %swap3A_3964 = tpu.vector_load %arg5[%swap3A_3961, %swap3A_3962, %swap3A_3963] {strides = array<i32>} : memref<1x32x512xf32, #tpu.memory_space<vmem>>, vector<1x1x16xf32>,
    %swap3A_3965 = vector.shape_cast %swap3A_3964 : vector<1x1x16xf32> to vector<16xf32>
    %swap3A_3966 = vector.shape_cast %get3A_3918 : vector<16xf32> to vector<1x1x16xf32>
    tpu.vector_store %arg5[%swap3A_3961, %swap3A_3962, %swap3A_3963], %swap3A_3966 {strides = array<i32>} : memref<1x32x512xf32, #tpu.memory_space<vmem>>, vector<1x1x16xf32>,
    %swap3A_3967 = arith.constant 0 : i32
    %swap3A_3968 = arith.constant 6 : i32
    %swap3A_3969 = arith.index_cast %swap3A_3967 : i32 to index
    %swap3A_3970 = arith.index_cast %swap3A_3968 : i32 to index
    %swap3A_3971 = arith.constant 496 : index
    %swap3A_3972 = tpu.vector_load %arg5[%swap3A_3969, %swap3A_3970, %swap3A_3971] {strides = array<i32>} : memref<1x32x512xf32, #tpu.memory_space<vmem>>, vector<1x1x16xf32>,
    %swap3A_3973 = vector.shape_cast %swap3A_3972 : vector<1x1x16xf32> to vector<16xf32>
    %swap3A_3974 = vector.shape_cast %get3A_3918 : vector<16xf32> to vector<1x1x16xf32>
    tpu.vector_store %arg5[%swap3A_3969, %swap3A_3970, %swap3A_3971], %swap3A_3974 {strides = array<i32>} : memref<1x32x512xf32, #tpu.memory_space<vmem>>, vector<1x1x16xf32>,
    %swap3A_3975 = arith.constant 0 : i32
    %swap3A_3976 = arith.constant 7 : i32
    %swap3A_3977 = arith.index_cast %swap3A_3975 : i32 to index
    %swap3A_3978 = arith.index_cast %swap3A_3976 : i32 to index
    %swap3A_3979 = arith.constant 496 : index
    %swap3A_3980 = tpu.vector_load %arg5[%swap3A_3977, %swap3A_3978, %swap3A_3979] {strides = array<i32>} : memref<1x32x512xf32, #tpu.memory_space<vmem>>, vector<1x1x16xf32>,
    %swap3A_3981 = vector.shape_cast %swap3A_3980 : vector<1x1x16xf32> to vector<16xf32>
    %swap3A_3982 = vector.shape_cast %get3A_3918 : vector<16xf32> to vector<1x1x16xf32>
    tpu.vector_store %arg5[%swap3A_3977, %swap3A_3978, %swap3A_3979], %swap3A_3982 {strides = array<i32>} : memref<1x32x512xf32, #tpu.memory_space<vmem>>, vector<1x1x16xf32>,
    %swap3A_3983 = arith.constant 0 : i32
    %swap3A_3984 = arith.constant 8 : i32
    %swap3A_3985 = arith.index_cast %swap3A_3983 : i32 to index
    %swap3A_3986 = arith.index_cast %swap3A_3984 : i32 to index
    %swap3A_3987 = arith.constant 496 : index
    %swap3A_3988 = tpu.vector_load %arg5[%swap3A_3985, %swap3A_3986, %swap3A_3987] {strides = array<i32>} : memref<1x32x512xf32, #tpu.memory_space<vmem>>, vector<1x1x16xf32>,
    %swap3A_3989 = vector.shape_cast %swap3A_3988 : vector<1x1x16xf32> to vector<16xf32>
    %swap3A_3990 = vector.shape_cast %get3A_3918 : vector<16xf32> to vector<1x1x16xf32>
    tpu.vector_store %arg5[%swap3A_3985, %swap3A_3986, %swap3A_3987], %swap3A_3990 {strides = array<i32>} : memref<1x32x512xf32, #tpu.memory_space<vmem>>, vector<1x1x16xf32>,
    %swap3A_3991 = arith.constant 0 : i32
    %swap3A_3992 = arith.constant 9 : i32
    %swap3A_3993 = arith.index_cast %swap3A_3991 : i32 to index
    %swap3A_3994 = arith.index_cast %swap3A_3992 : i32 to index
    %swap3A_3995 = arith.constant 496 : index
    %swap3A_3996 = tpu.vector_load %arg5[%swap3A_3993, %swap3A_3994, %swap3A_3995] {strides = array<i32>} : memref<1x32x512xf32, #tpu.memory_space<vmem>>, vector<1x1x16xf32>,
    %swap3A_3997 = vector.shape_cast %swap3A_3996 : vector<1x1x16xf32> to vector<16xf32>
    %swap3A_3998 = vector.shape_cast %get3A_3918 : vector<16xf32> to vector<1x1x16xf32>
    tpu.vector_store %arg5[%swap3A_3993, %swap3A_3994, %swap3A_3995], %swap3A_3998 {strides = array<i32>} : memref<1x32x512xf32, #tpu.memory_space<vmem>>, vector<1x1x16xf32>,
    %swap3A_3999 = arith.constant 0 : i32
    %swap3A_4000 = arith.constant 10 : i32
    %swap3A_4001 = arith.index_cast %swap3A_3999 : i32 to index
    %swap3A_4002 = arith.index_cast %swap3A_4000 : i32 to index
    %swap3A_4003 = arith.constant 496 : index
    %swap3A_4004 = tpu.vector_load %arg5[%swap3A_4001, %swap3A_4002, %swap3A_4003] {strides = array<i32>} : memref<1x32x512xf32, #tpu.memory_space<vmem>>, vector<1x1x16xf32>,
    %swap3A_4005 = vector.shape_cast %swap3A_4004 : vector<1x1x16xf32> to vector<16xf32>
    %swap3A_4006 = vector.shape_cast %get3A_3918 : vector<16xf32> to vector<1x1x16xf32>
    tpu.vector_store %arg5[%swap3A_4001, %swap3A_4002, %swap3A_4003], %swap3A_4006 {strides = array<i32>} : memref<1x32x512xf32, #tpu.memory_space<vmem>>, vector<1x1x16xf32>,
    %swap3A_4007 = arith.constant 0 : i32
    %swap3A_4008 = arith.constant 11 : i32
    %swap3A_4009 = arith.index_cast %swap3A_4007 : i32 to index
    %swap3A_4010 = arith.index_cast %swap3A_4008 : i32 to index
    %swap3A_4011 = arith.constant 496 : index
    %swap3A_4012 = tpu.vector_load %arg5[%swap3A_4009, %swap3A_4010, %swap3A_4011] {strides = array<i32>} : memref<1x32x512xf32, #tpu.memory_space<vmem>>, vector<1x1x16xf32>,
    %swap3A_4013 = vector.shape_cast %swap3A_4012 : vector<1x1x16xf32> to vector<16xf32>
    %swap3A_4014 = vector.shape_cast %get3A_3918 : vector<16xf32> to vector<1x1x16xf32>
    tpu.vector_store %arg5[%swap3A_4009, %swap3A_4010, %swap3A_4011], %swap3A_4014 {strides = array<i32>} : memref<1x32x512xf32, #tpu.memory_space<vmem>>, vector<1x1x16xf32>,
    %swap3A_4015 = arith.constant 0 : i32
    %swap3A_4016 = arith.constant 12 : i32
    %swap3A_4017 = arith.index_cast %swap3A_4015 : i32 to index
    %swap3A_4018 = arith.index_cast %swap3A_4016 : i32 to index
    %swap3A_4019 = arith.constant 496 : index
    %swap3A_4020 = tpu.vector_load %arg5[%swap3A_4017, %swap3A_4018, %swap3A_4019] {strides = array<i32>} : memref<1x32x512xf32, #tpu.memory_space<vmem>>, vector<1x1x16xf32>,
    %swap3A_4021 = vector.shape_cast %swap3A_4020 : vector<1x1x16xf32> to vector<16xf32>
    %swap3A_4022 = vector.shape_cast %get3A_3918 : vector<16xf32> to vector<1x1x16xf32>
    tpu.vector_store %arg5[%swap3A_4017, %swap3A_4018, %swap3A_4019], %swap3A_4022 {strides = array<i32>} : memref<1x32x512xf32, #tpu.memory_space<vmem>>, vector<1x1x16xf32>,
    %swap3A_4023 = arith.constant 0 : i32
    %swap3A_4024 = arith.constant 13 : i32
    %swap3A_4025 = arith.index_cast %swap3A_4023 : i32 to index
    %swap3A_4026 = arith.index_cast %swap3A_4024 : i32 to index
    %swap3A_4027 = arith.constant 496 : index
    %swap3A_4028 = tpu.vector_load %arg5[%swap3A_4025, %swap3A_4026, %swap3A_4027] {strides = array<i32>} : memref<1x32x512xf32, #tpu.memory_space<vmem>>, vector<1x1x16xf32>,
    %swap3A_4029 = vector.shape_cast %swap3A_4028 : vector<1x1x16xf32> to vector<16xf32>
    %swap3A_4030 = vector.shape_cast %get3A_3918 : vector<16xf32> to vector<1x1x16xf32>
    tpu.vector_store %arg5[%swap3A_4025, %swap3A_4026, %swap3A_4027], %swap3A_4030 {strides = array<i32>} : memref<1x32x512xf32, #tpu.memory_space<vmem>>, vector<1x1x16xf32>,
    %swap3A_4031 = arith.constant 0 : i32
    %swap3A_4032 = arith.constant 14 : i32
    %swap3A_4033 = arith.index_cast %swap3A_4031 : i32 to index
    %swap3A_4034 = arith.index_cast %swap3A_4032 : i32 to index
    %swap3A_4035 = arith.constant 496 : index
    %swap3A_4036 = tpu.vector_load %arg5[%swap3A_4033, %swap3A_4034, %swap3A_4035] {strides = array<i32>} : memref<1x32x512xf32, #tpu.memory_space<vmem>>, vector<1x1x16xf32>,
    %swap3A_4037 = vector.shape_cast %swap3A_4036 : vector<1x1x16xf32> to vector<16xf32>
    %swap3A_4038 = vector.shape_cast %get3A_3918 : vector<16xf32> to vector<1x1x16xf32>
    tpu.vector_store %arg5[%swap3A_4033, %swap3A_4034, %swap3A_4035], %swap3A_4038 {strides = array<i32>} : memref<1x32x512xf32, #tpu.memory_space<vmem>>, vector<1x1x16xf32>,
    %swap3A_4039 = arith.constant 0 : i32
    %swap3A_4040 = arith.constant 15 : i32
    %swap3A_4041 = arith.index_cast %swap3A_4039 : i32 to index
    %swap3A_4042 = arith.index_cast %swap3A_4040 : i32 to index
    %swap3A_4043 = arith.constant 496 : index
    %swap3A_4044 = tpu.vector_load %arg5[%swap3A_4041, %swap3A_4042, %swap3A_4043] {strides = array<i32>} : memref<1x32x512xf32, #tpu.memory_space<vmem>>, vector<1x1x16xf32>,
    %swap3A_4045 = vector.shape_cast %swap3A_4044 : vector<1x1x16xf32> to vector<16xf32>
    %swap3A_4046 = vector.shape_cast %get3A_3918 : vector<16xf32> to vector<1x1x16xf32>
    tpu.vector_store %arg5[%swap3A_4041, %swap3A_4042, %swap3A_4043], %swap3A_4046 {strides = array<i32>} : memref<1x32x512xf32, #tpu.memory_space<vmem>>, vector<1x1x16xf32>,
    %swap3A_4047 = arith.constant 0 : i32
    %swap3A_4048 = arith.constant 16 : i32
    %swap3A_4049 = arith.index_cast %swap3A_4047 : i32 to index
    %swap3A_4050 = arith.index_cast %swap3A_4048 : i32 to index
    %swap3A_4051 = arith.constant 496 : index
    %swap3A_4052 = tpu.vector_load %arg5[%swap3A_4049, %swap3A_4050, %swap3A_4051] {strides = array<i32>} : memref<1x32x512xf32, #tpu.memory_space<vmem>>, vector<1x1x16xf32>,
    %swap3A_4053 = vector.shape_cast %swap3A_4052 : vector<1x1x16xf32> to vector<16xf32>
    %swap3A_4054 = vector.shape_cast %get3A_3918 : vector<16xf32> to vector<1x1x16xf32>
    tpu.vector_store %arg5[%swap3A_4049, %swap3A_4050, %swap3A_4051], %swap3A_4054 {strides = array<i32>} : memref<1x32x512xf32, #tpu.memory_space<vmem>>, vector<1x1x16xf32>,
    %swap3A_4055 = arith.constant 0 : i32
    %swap3A_4056 = arith.constant 17 : i32
    %swap3A_4057 = arith.index_cast %swap3A_4055 : i32 to index
    %swap3A_4058 = arith.index_cast %swap3A_4056 : i32 to index
    %swap3A_4059 = arith.constant 496 : index
    %swap3A_4060 = tpu.vector_load %arg5[%swap3A_4057, %swap3A_4058, %swap3A_4059] {strides = array<i32>} : memref<1x32x512xf32, #tpu.memory_space<vmem>>, vector<1x1x16xf32>,
    %swap3A_4061 = vector.shape_cast %swap3A_4060 : vector<1x1x16xf32> to vector<16xf32>
    %swap3A_4062 = vector.shape_cast %get3A_3918 : vector<16xf32> to vector<1x1x16xf32>
    tpu.vector_store %arg5[%swap3A_4057, %swap3A_4058, %swap3A_4059], %swap3A_4062 {strides = array<i32>} : memref<1x32x512xf32, #tpu.memory_space<vmem>>, vector<1x1x16xf32>,
    %swap3A_4063 = arith.constant 0 : i32
    %swap3A_4064 = arith.constant 18 : i32
    %swap3A_4065 = arith.index_cast %swap3A_4063 : i32 to index
    %swap3A_4066 = arith.index_cast %swap3A_4064 : i32 to index
    %swap3A_4067 = arith.constant 496 : index
    %swap3A_4068 = tpu.vector_load %arg5[%swap3A_4065, %swap3A_4066, %swap3A_4067] {strides = array<i32>} : memref<1x32x512xf32, #tpu.memory_space<vmem>>, vector<1x1x16xf32>,
    %swap3A_4069 = vector.shape_cast %swap3A_4068 : vector<1x1x16xf32> to vector<16xf32>
    %swap3A_4070 = vector.shape_cast %get3A_3918 : vector<16xf32> to vector<1x1x16xf32>
    tpu.vector_store %arg5[%swap3A_4065, %swap3A_4066, %swap3A_4067], %swap3A_4070 {strides = array<i32>} : memref<1x32x512xf32, #tpu.memory_space<vmem>>, vector<1x1x16xf32>,
    %swap3A_4071 = arith.constant 0 : i32
    %swap3A_4072 = arith.constant 19 : i32
    %swap3A_4073 = arith.index_cast %swap3A_4071 : i32 to index
    %swap3A_4074 = arith.index_cast %swap3A_4072 : i32 to index
    %swap3A_4075 = arith.constant 496 : index
    %swap3A_4076 = tpu.vector_load %arg5[%swap3A_4073, %swap3A_4074, %swap3A_4075] {strides = array<i32>} : memref<1x32x512xf32, #tpu.memory_space<vmem>>, vector<1x1x16xf32>,
    %swap3A_4077 = vector.shape_cast %swap3A_4076 : vector<1x1x16xf32> to vector<16xf32>
    %swap3A_4078 = vector.shape_cast %get3A_3918 : vector<16xf32> to vector<1x1x16xf32>
    tpu.vector_store %arg5[%swap3A_4073, %swap3A_4074, %swap3A_4075], %swap3A_4078 {strides = array<i32>} : memref<1x32x512xf32, #tpu.memory_space<vmem>>, vector<1x1x16xf32>,
    %swap3A_4079 = arith.constant 0 : i32
    %swap3A_4080 = arith.constant 20 : i32
    %swap3A_4081 = arith.index_cast %swap3A_4079 : i32 to index
    %swap3A_4082 = arith.index_cast %swap3A_4080 : i32 to index
    %swap3A_4083 = arith.constant 496 : index
    %swap3A_4084 = tpu.vector_load %arg5[%swap3A_4081, %swap3A_4082, %swap3A_4083] {strides = array<i32>} : memref<1x32x512xf32, #tpu.memory_space<vmem>>, vector<1x1x16xf32>,
    %swap3A_4085 = vector.shape_cast %swap3A_4084 : vector<1x1x16xf32> to vector<16xf32>
    %swap3A_4086 = vector.shape_cast %get3A_3918 : vector<16xf32> to vector<1x1x16xf32>
    tpu.vector_store %arg5[%swap3A_4081, %swap3A_4082, %swap3A_4083], %swap3A_4086 {strides = array<i32>} : memref<1x32x512xf32, #tpu.memory_space<vmem>>, vector<1x1x16xf32>,
    %swap3A_4087 = arith.constant 0 : i32
    %swap3A_4088 = arith.constant 21 : i32
    %swap3A_4089 = arith.index_cast %swap3A_4087 : i32 to index
    %swap3A_4090 = arith.index_cast %swap3A_4088 : i32 to index
    %swap3A_4091 = arith.constant 496 : index
    %swap3A_4092 = tpu.vector_load %arg5[%swap3A_4089, %swap3A_4090, %swap3A_4091] {strides = array<i32>} : memref<1x32x512xf32, #tpu.memory_space<vmem>>, vector<1x1x16xf32>,
    %swap3A_4093 = vector.shape_cast %swap3A_4092 : vector<1x1x16xf32> to vector<16xf32>
    %swap3A_4094 = vector.shape_cast %get3A_3918 : vector<16xf32> to vector<1x1x16xf32>
    tpu.vector_store %arg5[%swap3A_4089, %swap3A_4090, %swap3A_4091], %swap3A_4094 {strides = array<i32>} : memref<1x32x512xf32, #tpu.memory_space<vmem>>, vector<1x1x16xf32>,
    %swap3A_4095 = arith.constant 0 : i32
    %swap3A_4096 = arith.constant 22 : i32
    %swap3A_4097 = arith.index_cast %swap3A_4095 : i32 to index
    %swap3A_4098 = arith.index_cast %swap3A_4096 : i32 to index
    %swap3A_4099 = arith.constant 496 : index
    %swap3A_4100 = tpu.vector_load %arg5[%swap3A_4097, %swap3A_4098, %swap3A_4099] {strides = array<i32>} : memref<1x32x512xf32, #tpu.memory_space<vmem>>, vector<1x1x16xf32>,
    %swap3A_4101 = vector.shape_cast %swap3A_4100 : vector<1x1x16xf32> to vector<16xf32>
    %swap3A_4102 = vector.shape_cast %get3A_3918 : vector<16xf32> to vector<1x1x16xf32>
    tpu.vector_store %arg5[%swap3A_4097, %swap3A_4098, %swap3A_4099], %swap3A_4102 {strides = array<i32>} : memref<1x32x512xf32, #tpu.memory_space<vmem>>, vector<1x1x16xf32>,
    %swap3A_4103 = arith.constant 0 : i32
    %swap3A_4104 = arith.constant 23 : i32
    %swap3A_4105 = arith.index_cast %swap3A_4103 : i32 to index
    %swap3A_4106 = arith.index_cast %swap3A_4104 : i32 to index
    %swap3A_4107 = arith.constant 496 : index
    %swap3A_4108 = tpu.vector_load %arg5[%swap3A_4105, %swap3A_4106, %swap3A_4107] {strides = array<i32>} : memref<1x32x512xf32, #tpu.memory_space<vmem>>, vector<1x1x16xf32>,
    %swap3A_4109 = vector.shape_cast %swap3A_4108 : vector<1x1x16xf32> to vector<16xf32>
    %swap3A_4110 = vector.shape_cast %get3A_3918 : vector<16xf32> to vector<1x1x16xf32>
    tpu.vector_store %arg5[%swap3A_4105, %swap3A_4106, %swap3A_4107], %swap3A_4110 {strides = array<i32>} : memref<1x32x512xf32, #tpu.memory_space<vmem>>, vector<1x1x16xf32>,
    %swap3A_4111 = arith.constant 0 : i32
    %swap3A_4112 = arith.constant 24 : i32
    %swap3A_4113 = arith.index_cast %swap3A_4111 : i32 to index
    %swap3A_4114 = arith.index_cast %swap3A_4112 : i32 to index
    %swap3A_4115 = arith.constant 496 : index
    %swap3A_4116 = tpu.vector_load %arg5[%swap3A_4113, %swap3A_4114, %swap3A_4115] {strides = array<i32>} : memref<1x32x512xf32, #tpu.memory_space<vmem>>, vector<1x1x16xf32>,
    %swap3A_4117 = vector.shape_cast %swap3A_4116 : vector<1x1x16xf32> to vector<16xf32>
    %swap3A_4118 = vector.shape_cast %get3A_3918 : vector<16xf32> to vector<1x1x16xf32>
    tpu.vector_store %arg5[%swap3A_4113, %swap3A_4114, %swap3A_4115], %swap3A_4118 {strides = array<i32>} : memref<1x32x512xf32, #tpu.memory_space<vmem>>, vector<1x1x16xf32>,
    %swap3A_4119 = arith.constant 0 : i32
    %swap3A_4120 = arith.constant 25 : i32
    %swap3A_4121 = arith.index_cast %swap3A_4119 : i32 to index
    %swap3A_4122 = arith.index_cast %swap3A_4120 : i32 to index
    %swap3A_4123 = arith.constant 496 : index
    %swap3A_4124 = tpu.vector_load %arg5[%swap3A_4121, %swap3A_4122, %swap3A_4123] {strides = array<i32>} : memref<1x32x512xf32, #tpu.memory_space<vmem>>, vector<1x1x16xf32>,
    %swap3A_4125 = vector.shape_cast %swap3A_4124 : vector<1x1x16xf32> to vector<16xf32>
    %swap3A_4126 = vector.shape_cast %get3A_3918 : vector<16xf32> to vector<1x1x16xf32>
    tpu.vector_store %arg5[%swap3A_4121, %swap3A_4122, %swap3A_4123], %swap3A_4126 {strides = array<i32>} : memref<1x32x512xf32, #tpu.memory_space<vmem>>, vector<1x1x16xf32>,
    %swap3A_4127 = arith.constant 0 : i32
    %swap3A_4128 = arith.constant 26 : i32
    %swap3A_4129 = arith.index_cast %swap3A_4127 : i32 to index
    %swap3A_4130 = arith.index_cast %swap3A_4128 : i32 to index
    %swap3A_4131 = arith.constant 496 : index
    %swap3A_4132 = tpu.vector_load %arg5[%swap3A_4129, %swap3A_4130, %swap3A_4131] {strides = array<i32>} : memref<1x32x512xf32, #tpu.memory_space<vmem>>, vector<1x1x16xf32>,
    %swap3A_4133 = vector.shape_cast %swap3A_4132 : vector<1x1x16xf32> to vector<16xf32>
    %swap3A_4134 = vector.shape_cast %get3A_3918 : vector<16xf32> to vector<1x1x16xf32>
    tpu.vector_store %arg5[%swap3A_4129, %swap3A_4130, %swap3A_4131], %swap3A_4134 {strides = array<i32>} : memref<1x32x512xf32, #tpu.memory_space<vmem>>, vector<1x1x16xf32>,
    %swap3A_4135 = arith.constant 0 : i32
    %swap3A_4136 = arith.constant 27 : i32
    %swap3A_4137 = arith.index_cast %swap3A_4135 : i32 to index
    %swap3A_4138 = arith.index_cast %swap3A_4136 : i32 to index
    %swap3A_4139 = arith.constant 496 : index
    %swap3A_4140 = tpu.vector_load %arg5[%swap3A_4137, %swap3A_4138, %swap3A_4139] {strides = array<i32>} : memref<1x32x512xf32, #tpu.memory_space<vmem>>, vector<1x1x16xf32>,
    %swap3A_4141 = vector.shape_cast %swap3A_4140 : vector<1x1x16xf32> to vector<16xf32>
    %swap3A_4142 = vector.shape_cast %get3A_3918 : vector<16xf32> to vector<1x1x16xf32>
    tpu.vector_store %arg5[%swap3A_4137, %swap3A_4138, %swap3A_4139], %swap3A_4142 {strides = array<i32>} : memref<1x32x512xf32, #tpu.memory_space<vmem>>, vector<1x1x16xf32>,
    %swap3A_4143 = arith.constant 0 : i32
    %swap3A_4144 = arith.constant 28 : i32
    %swap3A_4145 = arith.index_cast %swap3A_4143 : i32 to index
    %swap3A_4146 = arith.index_cast %swap3A_4144 : i32 to index
    %swap3A_4147 = arith.constant 496 : index
    %swap3A_4148 = tpu.vector_load %arg5[%swap3A_4145, %swap3A_4146, %swap3A_4147] {strides = array<i32>} : memref<1x32x512xf32, #tpu.memory_space<vmem>>, vector<1x1x16xf32>,
    %swap3A_4149 = vector.shape_cast %swap3A_4148 : vector<1x1x16xf32> to vector<16xf32>
    %swap3A_4150 = vector.shape_cast %get3A_3918 : vector<16xf32> to vector<1x1x16xf32>
    tpu.vector_store %arg5[%swap3A_4145, %swap3A_4146, %swap3A_4147], %swap3A_4150 {strides = array<i32>} : memref<1x32x512xf32, #tpu.memory_space<vmem>>, vector<1x1x16xf32>,
    %swap3A_4151 = arith.constant 0 : i32
    %swap3A_4152 = arith.constant 29 : i32
    %swap3A_4153 = arith.index_cast %swap3A_4151 : i32 to index
    %swap3A_4154 = arith.index_cast %swap3A_4152 : i32 to index
    %swap3A_4155 = arith.constant 496 : index
    %swap3A_4156 = tpu.vector_load %arg5[%swap3A_4153, %swap3A_4154, %swap3A_4155] {strides = array<i32>} : memref<1x32x512xf32, #tpu.memory_space<vmem>>, vector<1x1x16xf32>,
    %swap3A_4157 = vector.shape_cast %swap3A_4156 : vector<1x1x16xf32> to vector<16xf32>
    %swap3A_4158 = vector.shape_cast %get3A_3918 : vector<16xf32> to vector<1x1x16xf32>
    tpu.vector_store %arg5[%swap3A_4153, %swap3A_4154, %swap3A_4155], %swap3A_4158 {strides = array<i32>} : memref<1x32x512xf32, #tpu.memory_space<vmem>>, vector<1x1x16xf32>,
    %swap3A_4159 = arith.constant 0 : i32
    %swap3A_4160 = arith.constant 30 : i32
    %swap3A_4161 = arith.index_cast %swap3A_4159 : i32 to index
    %swap3A_4162 = arith.index_cast %swap3A_4160 : i32 to index
    %swap3A_4163 = arith.constant 496 : index
    %swap3A_4164 = tpu.vector_load %arg5[%swap3A_4161, %swap3A_4162, %swap3A_4163] {strides = array<i32>} : memref<1x32x512xf32, #tpu.memory_space<vmem>>, vector<1x1x16xf32>,
    %swap3A_4165 = vector.shape_cast %swap3A_4164 : vector<1x1x16xf32> to vector<16xf32>
    %swap3A_4166 = vector.shape_cast %get3A_3918 : vector<16xf32> to vector<1x1x16xf32>
    tpu.vector_store %arg5[%swap3A_4161, %swap3A_4162, %swap3A_4163], %swap3A_4166 {strides = array<i32>} : memref<1x32x512xf32, #tpu.memory_space<vmem>>, vector<1x1x16xf32>,
    %swap3A_4167 = arith.constant 0 : i32
    %swap3A_4168 = arith.constant 31 : i32
    %swap3A_4169 = arith.index_cast %swap3A_4167 : i32 to index
    %swap3A_4170 = arith.index_cast %swap3A_4168 : i32 to index
    %swap3A_4171 = arith.constant 496 : index
    %swap3A_4172 = tpu.vector_load %arg5[%swap3A_4169, %swap3A_4170, %swap3A_4171] {strides = array<i32>} : memref<1x32x512xf32, #tpu.memory_space<vmem>>, vector<1x1x16xf32>,
    %swap3A_4173 = vector.shape_cast %swap3A_4172 : vector<1x1x16xf32> to vector<16xf32>
    %swap3A_4174 = vector.shape_cast %get3A_3918 : vector<16xf32> to vector<1x1x16xf32>
    tpu.vector_store %arg5[%swap3A_4169, %swap3A_4170, %swap3A_4171], %swap3A_4174 {strides = array<i32>} : memref<1x32x512xf32, #tpu.memory_space<vmem>>, vector<1x1x16xf32>,
    %dma_start3A = arith.constant 0 : i32
    %dma_start3A_4175 = arith.constant 0 : i32
    %dma_start3A_4176 = arith.constant 0 : i32
    %dma_start3A_4177 = tpu.memref_slice %arg4[%dma_start3A, %add3A, %dma_start3A_4175, %dma_start3A_4176] : memref<16x32x32x512xf32, #tpu.memory_space<hbm>> -> memref<1x1x32x512xf32, #tpu.memory_space<hbm>>
    %dma_start3A_4178 = tpu.memref_squeeze %dma_start3A_4177 : memref<1x1x32x512xf32, #tpu.memory_space<hbm>> -> memref<1x32x512xf32, #tpu.memory_space<hbm>>
    %dma_start3A_4179 = arith.constant 0 : i32
    %dma_start3A_4180 = arith.constant 0 : i32
    %dma_start3A_4181 = tpu.memref_slice %arg4[%dma_start3A, %add3A, %dma_start3A_4179, %dma_start3A_4180] : memref<16x32x32x512xf32, #tpu.memory_space<hbm>> -> memref<1x1x32x512xf32, #tpu.memory_space<hbm>>
    %dma_start3A_4182 = tpu.memref_squeeze %dma_start3A_4181 : memref<1x1x32x512xf32, #tpu.memory_space<hbm>> -> memref<1x32x512xf32, #tpu.memory_space<hbm>>
    tpu.enqueue_dma source(%arg5 : memref<1x32x512xf32, #tpu.memory_space<vmem>>) target(%dma_start3A_4182 : memref<1x32x512xf32, #tpu.memory_space<hbm>>) target_semaphore(%arg7 : memref<!tpu.dma_semaphore, #tpu.memory_space<semaphore_mem>>)
    %dma_start3A_4183 = arith.constant 1 : i32
    %dma_start3A_4184 = arith.constant 0 : i32
    %dma_start3A_4185 = arith.constant 0 : i32
    %dma_start3A_4186 = tpu.memref_slice %arg4[%dma_start3A_4183, %add3A, %dma_start3A_4184, %dma_start3A_4185] : memref<16x32x32x512xf32, #tpu.memory_space<hbm>> -> memref<1x1x32x512xf32, #tpu.memory_space<hbm>>
    %dma_start3A_4187 = tpu.memref_squeeze %dma_start3A_4186 : memref<1x1x32x512xf32, #tpu.memory_space<hbm>> -> memref<1x32x512xf32, #tpu.memory_space<hbm>>
    %dma_start3A_4188 = arith.constant 0 : i32
    %dma_start3A_4189 = arith.constant 0 : i32
    %dma_start3A_4190 = tpu.memref_slice %arg4[%dma_start3A_4183, %add3A, %dma_start3A_4188, %dma_start3A_4189] : memref<16x32x32x512xf32, #tpu.memory_space<hbm>> -> memref<1x1x32x512xf32, #tpu.memory_space<hbm>>
    %dma_start3A_4191 = tpu.memref_squeeze %dma_start3A_4190 : memref<1x1x32x512xf32, #tpu.memory_space<hbm>> -> memref<1x32x512xf32, #tpu.memory_space<hbm>>
    tpu.enqueue_dma source(%arg5 : memref<1x32x512xf32, #tpu.memory_space<vmem>>) target(%dma_start3A_4191 : memref<1x32x512xf32, #tpu.memory_space<hbm>>) target_semaphore(%arg7 : memref<!tpu.dma_semaphore, #tpu.memory_space<semaphore_mem>>)
    %dma_start3A_4192 = arith.constant 2 : i32
    %dma_start3A_4193 = arith.constant 0 : i32
    %dma_start3A_4194 = arith.constant 0 : i32
    %dma_start3A_4195 = tpu.memref_slice %arg4[%dma_start3A_4192, %add3A, %dma_start3A_4193, %dma_start3A_4194] : memref<16x32x32x512xf32, #tpu.memory_space<hbm>> -> memref<1x1x32x512xf32, #tpu.memory_space<hbm>>
    %dma_start3A_4196 = tpu.memref_squeeze %dma_start3A_4195 : memref<1x1x32x512xf32, #tpu.memory_space<hbm>> -> memref<1x32x512xf32, #tpu.memory_space<hbm>>
    %dma_start3A_4197 = arith.constant 0 : i32
    %dma_start3A_4198 = arith.constant 0 : i32
    %dma_start3A_4199 = tpu.memref_slice %arg4[%dma_start3A_4192, %add3A, %dma_start3A_4197, %dma_start3A_4198] : memref<16x32x32x512xf32, #tpu.memory_space<hbm>> -> memref<1x1x32x512xf32, #tpu.memory_space<hbm>>
    %dma_start3A_4200 = tpu.memref_squeeze %dma_start3A_4199 : memref<1x1x32x512xf32, #tpu.memory_space<hbm>> -> memref<1x32x512xf32, #tpu.memory_space<hbm>>
    tpu.enqueue_dma source(%arg5 : memref<1x32x512xf32, #tpu.memory_space<vmem>>) target(%dma_start3A_4200 : memref<1x32x512xf32, #tpu.memory_space<hbm>>) target_semaphore(%arg7 : memref<!tpu.dma_semaphore, #tpu.memory_space<semaphore_mem>>)
    %dma_start3A_4201 = arith.constant 3 : i32
    %dma_start3A_4202 = arith.constant 0 : i32
    %dma_start3A_4203 = arith.constant 0 : i32
    %dma_start3A_4204 = tpu.memref_slice %arg4[%dma_start3A_4201, %add3A, %dma_start3A_4202, %dma_start3A_4203] : memref<16x32x32x512xf32, #tpu.memory_space<hbm>> -> memref<1x1x32x512xf32, #tpu.memory_space<hbm>>
    %dma_start3A_4205 = tpu.memref_squeeze %dma_start3A_4204 : memref<1x1x32x512xf32, #tpu.memory_space<hbm>> -> memref<1x32x512xf32, #tpu.memory_space<hbm>>
    %dma_start3A_4206 = arith.constant 0 : i32
    %dma_start3A_4207 = arith.constant 0 : i32
    %dma_start3A_4208 = tpu.memref_slice %arg4[%dma_start3A_4201, %add3A, %dma_start3A_4206, %dma_start3A_4207] : memref<16x32x32x512xf32, #tpu.memory_space<hbm>> -> memref<1x1x32x512xf32, #tpu.memory_space<hbm>>
    %dma_start3A_4209 = tpu.memref_squeeze %dma_start3A_4208 : memref<1x1x32x512xf32, #tpu.memory_space<hbm>> -> memref<1x32x512xf32, #tpu.memory_space<hbm>>
    tpu.enqueue_dma source(%arg5 : memref<1x32x512xf32, #tpu.memory_space<vmem>>) target(%dma_start3A_4209 : memref<1x32x512xf32, #tpu.memory_space<hbm>>) target_semaphore(%arg7 : memref<!tpu.dma_semaphore, #tpu.memory_space<semaphore_mem>>)
    %dma_start3A_4210 = arith.constant 4 : i32
    %dma_start3A_4211 = arith.constant 0 : i32
    %dma_start3A_4212 = arith.constant 0 : i32
    %dma_start3A_4213 = tpu.memref_slice %arg4[%dma_start3A_4210, %add3A, %dma_start3A_4211, %dma_start3A_4212] : memref<16x32x32x512xf32, #tpu.memory_space<hbm>> -> memref<1x1x32x512xf32, #tpu.memory_space<hbm>>
    %dma_start3A_4214 = tpu.memref_squeeze %dma_start3A_4213 : memref<1x1x32x512xf32, #tpu.memory_space<hbm>> -> memref<1x32x512xf32, #tpu.memory_space<hbm>>
    %dma_start3A_4215 = arith.constant 0 : i32
    %dma_start3A_4216 = arith.constant 0 : i32
    %dma_start3A_4217 = tpu.memref_slice %arg4[%dma_start3A_4210, %add3A, %dma_start3A_4215, %dma_start3A_4216] : memref<16x32x32x512xf32, #tpu.memory_space<hbm>> -> memref<1x1x32x512xf32, #tpu.memory_space<hbm>>
    %dma_start3A_4218 = tpu.memref_squeeze %dma_start3A_4217 : memref<1x1x32x512xf32, #tpu.memory_space<hbm>> -> memref<1x32x512xf32, #tpu.memory_space<hbm>>
    tpu.enqueue_dma source(%arg5 : memref<1x32x512xf32, #tpu.memory_space<vmem>>) target(%dma_start3A_4218 : memref<1x32x512xf32, #tpu.memory_space<hbm>>) target_semaphore(%arg7 : memref<!tpu.dma_semaphore, #tpu.memory_space<semaphore_mem>>)
    %dma_start3A_4219 = arith.constant 5 : i32
    %dma_start3A_4220 = arith.constant 0 : i32
    %dma_start3A_4221 = arith.constant 0 : i32
    %dma_start3A_4222 = tpu.memref_slice %arg4[%dma_start3A_4219, %add3A, %dma_start3A_4220, %dma_start3A_4221] : memref<16x32x32x512xf32, #tpu.memory_space<hbm>> -> memref<1x1x32x512xf32, #tpu.memory_space<hbm>>
    %dma_start3A_4223 = tpu.memref_squeeze %dma_start3A_4222 : memref<1x1x32x512xf32, #tpu.memory_space<hbm>> -> memref<1x32x512xf32, #tpu.memory_space<hbm>>
    %dma_start3A_4224 = arith.constant 0 : i32
    %dma_start3A_4225 = arith.constant 0 : i32
    %dma_start3A_4226 = tpu.memref_slice %arg4[%dma_start3A_4219, %add3A, %dma_start3A_4224, %dma_start3A_4225] : memref<16x32x32x512xf32, #tpu.memory_space<hbm>> -> memref<1x1x32x512xf32, #tpu.memory_space<hbm>>
    %dma_start3A_4227 = tpu.memref_squeeze %dma_start3A_4226 : memref<1x1x32x512xf32, #tpu.memory_space<hbm>> -> memref<1x32x512xf32, #tpu.memory_space<hbm>>
    tpu.enqueue_dma source(%arg5 : memref<1x32x512xf32, #tpu.memory_space<vmem>>) target(%dma_start3A_4227 : memref<1x32x512xf32, #tpu.memory_space<hbm>>) target_semaphore(%arg7 : memref<!tpu.dma_semaphore, #tpu.memory_space<semaphore_mem>>)
    %dma_start3A_4228 = arith.constant 6 : i32
    %dma_start3A_4229 = arith.constant 0 : i32
    %dma_start3A_4230 = arith.constant 0 : i32
    %dma_start3A_4231 = tpu.memref_slice %arg4[%dma_start3A_4228, %add3A, %dma_start3A_4229, %dma_start3A_4230] : memref<16x32x32x512xf32, #tpu.memory_space<hbm>> -> memref<1x1x32x512xf32, #tpu.memory_space<hbm>>
    %dma_start3A_4232 = tpu.memref_squeeze %dma_start3A_4231 : memref<1x1x32x512xf32, #tpu.memory_space<hbm>> -> memref<1x32x512xf32, #tpu.memory_space<hbm>>
    %dma_start3A_4233 = arith.constant 0 : i32
    %dma_start3A_4234 = arith.constant 0 : i32
    %dma_start3A_4235 = tpu.memref_slice %arg4[%dma_start3A_4228, %add3A, %dma_start3A_4233, %dma_start3A_4234] : memref<16x32x32x512xf32, #tpu.memory_space<hbm>> -> memref<1x1x32x512xf32, #tpu.memory_space<hbm>>
    %dma_start3A_4236 = tpu.memref_squeeze %dma_start3A_4235 : memref<1x1x32x512xf32, #tpu.memory_space<hbm>> -> memref<1x32x512xf32, #tpu.memory_space<hbm>>
    tpu.enqueue_dma source(%arg5 : memref<1x32x512xf32, #tpu.memory_space<vmem>>) target(%dma_start3A_4236 : memref<1x32x512xf32, #tpu.memory_space<hbm>>) target_semaphore(%arg7 : memref<!tpu.dma_semaphore, #tpu.memory_space<semaphore_mem>>)
    %dma_start3A_4237 = arith.constant 7 : i32
    %dma_start3A_4238 = arith.constant 0 : i32
    %dma_start3A_4239 = arith.constant 0 : i32
    %dma_start3A_4240 = tpu.memref_slice %arg4[%dma_start3A_4237, %add3A, %dma_start3A_4238, %dma_start3A_4239] : memref<16x32x32x512xf32, #tpu.memory_space<hbm>> -> memref<1x1x32x512xf32, #tpu.memory_space<hbm>>
    %dma_start3A_4241 = tpu.memref_squeeze %dma_start3A_4240 : memref<1x1x32x512xf32, #tpu.memory_space<hbm>> -> memref<1x32x512xf32, #tpu.memory_space<hbm>>
    %dma_start3A_4242 = arith.constant 0 : i32
    %dma_start3A_4243 = arith.constant 0 : i32
    %dma_start3A_4244 = tpu.memref_slice %arg4[%dma_start3A_4237, %add3A, %dma_start3A_4242, %dma_start3A_4243] : memref<16x32x32x512xf32, #tpu.memory_space<hbm>> -> memref<1x1x32x512xf32, #tpu.memory_space<hbm>>
    %dma_start3A_4245 = tpu.memref_squeeze %dma_start3A_4244 : memref<1x1x32x512xf32, #tpu.memory_space<hbm>> -> memref<1x32x512xf32, #tpu.memory_space<hbm>>
    tpu.enqueue_dma source(%arg5 : memref<1x32x512xf32, #tpu.memory_space<vmem>>) target(%dma_start3A_4245 : memref<1x32x512xf32, #tpu.memory_space<hbm>>) target_semaphore(%arg7 : memref<!tpu.dma_semaphore, #tpu.memory_space<semaphore_mem>>)
    %dma_start3A_4246 = arith.constant 8 : i32
    %dma_start3A_4247 = arith.constant 0 : i32
    %dma_start3A_4248 = arith.constant 0 : i32
    %dma_start3A_4249 = tpu.memref_slice %arg4[%dma_start3A_4246, %add3A, %dma_start3A_4247, %dma_start3A_4248] : memref<16x32x32x512xf32, #tpu.memory_space<hbm>> -> memref<1x1x32x512xf32, #tpu.memory_space<hbm>>
    %dma_start3A_4250 = tpu.memref_squeeze %dma_start3A_4249 : memref<1x1x32x512xf32, #tpu.memory_space<hbm>> -> memref<1x32x512xf32, #tpu.memory_space<hbm>>
    %dma_start3A_4251 = arith.constant 0 : i32
    %dma_start3A_4252 = arith.constant 0 : i32
    %dma_start3A_4253 = tpu.memref_slice %arg4[%dma_start3A_4246, %add3A, %dma_start3A_4251, %dma_start3A_4252] : memref<16x32x32x512xf32, #tpu.memory_space<hbm>> -> memref<1x1x32x512xf32, #tpu.memory_space<hbm>>
    %dma_start3A_4254 = tpu.memref_squeeze %dma_start3A_4253 : memref<1x1x32x512xf32, #tpu.memory_space<hbm>> -> memref<1x32x512xf32, #tpu.memory_space<hbm>>
    tpu.enqueue_dma source(%arg5 : memref<1x32x512xf32, #tpu.memory_space<vmem>>) target(%dma_start3A_4254 : memref<1x32x512xf32, #tpu.memory_space<hbm>>) target_semaphore(%arg7 : memref<!tpu.dma_semaphore, #tpu.memory_space<semaphore_mem>>)
    %dma_start3A_4255 = arith.constant 9 : i32
    %dma_start3A_4256 = arith.constant 0 : i32
    %dma_start3A_4257 = arith.constant 0 : i32
    %dma_start3A_4258 = tpu.memref_slice %arg4[%dma_start3A_4255, %add3A, %dma_start3A_4256, %dma_start3A_4257] : memref<16x32x32x512xf32, #tpu.memory_space<hbm>> -> memref<1x1x32x512xf32, #tpu.memory_space<hbm>>
    %dma_start3A_4259 = tpu.memref_squeeze %dma_start3A_4258 : memref<1x1x32x512xf32, #tpu.memory_space<hbm>> -> memref<1x32x512xf32, #tpu.memory_space<hbm>>
    %dma_start3A_4260 = arith.constant 0 : i32
    %dma_start3A_4261 = arith.constant 0 : i32
    %dma_start3A_4262 = tpu.memref_slice %arg4[%dma_start3A_4255, %add3A, %dma_start3A_4260, %dma_start3A_4261] : memref<16x32x32x512xf32, #tpu.memory_space<hbm>> -> memref<1x1x32x512xf32, #tpu.memory_space<hbm>>
    %dma_start3A_4263 = tpu.memref_squeeze %dma_start3A_4262 : memref<1x1x32x512xf32, #tpu.memory_space<hbm>> -> memref<1x32x512xf32, #tpu.memory_space<hbm>>
    tpu.enqueue_dma source(%arg5 : memref<1x32x512xf32, #tpu.memory_space<vmem>>) target(%dma_start3A_4263 : memref<1x32x512xf32, #tpu.memory_space<hbm>>) target_semaphore(%arg7 : memref<!tpu.dma_semaphore, #tpu.memory_space<semaphore_mem>>)
    %dma_start3A_4264 = arith.constant 10 : i32
    %dma_start3A_4265 = arith.constant 0 : i32
    %dma_start3A_4266 = arith.constant 0 : i32
    %dma_start3A_4267 = tpu.memref_slice %arg4[%dma_start3A_4264, %add3A, %dma_start3A_4265, %dma_start3A_4266] : memref<16x32x32x512xf32, #tpu.memory_space<hbm>> -> memref<1x1x32x512xf32, #tpu.memory_space<hbm>>
    %dma_start3A_4268 = tpu.memref_squeeze %dma_start3A_4267 : memref<1x1x32x512xf32, #tpu.memory_space<hbm>> -> memref<1x32x512xf32, #tpu.memory_space<hbm>>
    %dma_start3A_4269 = arith.constant 0 : i32
    %dma_start3A_4270 = arith.constant 0 : i32
    %dma_start3A_4271 = tpu.memref_slice %arg4[%dma_start3A_4264, %add3A, %dma_start3A_4269, %dma_start3A_4270] : memref<16x32x32x512xf32, #tpu.memory_space<hbm>> -> memref<1x1x32x512xf32, #tpu.memory_space<hbm>>
    %dma_start3A_4272 = tpu.memref_squeeze %dma_start3A_4271 : memref<1x1x32x512xf32, #tpu.memory_space<hbm>> -> memref<1x32x512xf32, #tpu.memory_space<hbm>>
    tpu.enqueue_dma source(%arg5 : memref<1x32x512xf32, #tpu.memory_space<vmem>>) target(%dma_start3A_4272 : memref<1x32x512xf32, #tpu.memory_space<hbm>>) target_semaphore(%arg7 : memref<!tpu.dma_semaphore, #tpu.memory_space<semaphore_mem>>)
    %dma_start3A_4273 = arith.constant 11 : i32
    %dma_start3A_4274 = arith.constant 0 : i32
    %dma_start3A_4275 = arith.constant 0 : i32
    %dma_start3A_4276 = tpu.memref_slice %arg4[%dma_start3A_4273, %add3A, %dma_start3A_4274, %dma_start3A_4275] : memref<16x32x32x512xf32, #tpu.memory_space<hbm>> -> memref<1x1x32x512xf32, #tpu.memory_space<hbm>>
    %dma_start3A_4277 = tpu.memref_squeeze %dma_start3A_4276 : memref<1x1x32x512xf32, #tpu.memory_space<hbm>> -> memref<1x32x512xf32, #tpu.memory_space<hbm>>
    %dma_start3A_4278 = arith.constant 0 : i32
    %dma_start3A_4279 = arith.constant 0 : i32
    %dma_start3A_4280 = tpu.memref_slice %arg4[%dma_start3A_4273, %add3A, %dma_start3A_4278, %dma_start3A_4279] : memref<16x32x32x512xf32, #tpu.memory_space<hbm>> -> memref<1x1x32x512xf32, #tpu.memory_space<hbm>>
    %dma_start3A_4281 = tpu.memref_squeeze %dma_start3A_4280 : memref<1x1x32x512xf32, #tpu.memory_space<hbm>> -> memref<1x32x512xf32, #tpu.memory_space<hbm>>
    tpu.enqueue_dma source(%arg5 : memref<1x32x512xf32, #tpu.memory_space<vmem>>) target(%dma_start3A_4281 : memref<1x32x512xf32, #tpu.memory_space<hbm>>) target_semaphore(%arg7 : memref<!tpu.dma_semaphore, #tpu.memory_space<semaphore_mem>>)
    %dma_start3A_4282 = arith.constant 12 : i32
    %dma_start3A_4283 = arith.constant 0 : i32
    %dma_start3A_4284 = arith.constant 0 : i32
    %dma_start3A_4285 = tpu.memref_slice %arg4[%dma_start3A_4282, %add3A, %dma_start3A_4283, %dma_start3A_4284] : memref<16x32x32x512xf32, #tpu.memory_space<hbm>> -> memref<1x1x32x512xf32, #tpu.memory_space<hbm>>
    %dma_start3A_4286 = tpu.memref_squeeze %dma_start3A_4285 : memref<1x1x32x512xf32, #tpu.memory_space<hbm>> -> memref<1x32x512xf32, #tpu.memory_space<hbm>>
    %dma_start3A_4287 = arith.constant 0 : i32
    %dma_start3A_4288 = arith.constant 0 : i32
    %dma_start3A_4289 = tpu.memref_slice %arg4[%dma_start3A_4282, %add3A, %dma_start3A_4287, %dma_start3A_4288] : memref<16x32x32x512xf32, #tpu.memory_space<hbm>> -> memref<1x1x32x512xf32, #tpu.memory_space<hbm>>
    %dma_start3A_4290 = tpu.memref_squeeze %dma_start3A_4289 : memref<1x1x32x512xf32, #tpu.memory_space<hbm>> -> memref<1x32x512xf32, #tpu.memory_space<hbm>>
    tpu.enqueue_dma source(%arg5 : memref<1x32x512xf32, #tpu.memory_space<vmem>>) target(%dma_start3A_4290 : memref<1x32x512xf32, #tpu.memory_space<hbm>>) target_semaphore(%arg7 : memref<!tpu.dma_semaphore, #tpu.memory_space<semaphore_mem>>)
    %dma_start3A_4291 = arith.constant 13 : i32
    %dma_start3A_4292 = arith.constant 0 : i32
    %dma_start3A_4293 = arith.constant 0 : i32
    %dma_start3A_4294 = tpu.memref_slice %arg4[%dma_start3A_4291, %add3A, %dma_start3A_4292, %dma_start3A_4293] : memref<16x32x32x512xf32, #tpu.memory_space<hbm>> -> memref<1x1x32x512xf32, #tpu.memory_space<hbm>>
    %dma_start3A_4295 = tpu.memref_squeeze %dma_start3A_4294 : memref<1x1x32x512xf32, #tpu.memory_space<hbm>> -> memref<1x32x512xf32, #tpu.memory_space<hbm>>
    %dma_start3A_4296 = arith.constant 0 : i32
    %dma_start3A_4297 = arith.constant 0 : i32
    %dma_start3A_4298 = tpu.memref_slice %arg4[%dma_start3A_4291, %add3A, %dma_start3A_4296, %dma_start3A_4297] : memref<16x32x32x512xf32, #tpu.memory_space<hbm>> -> memref<1x1x32x512xf32, #tpu.memory_space<hbm>>
    %dma_start3A_4299 = tpu.memref_squeeze %dma_start3A_4298 : memref<1x1x32x512xf32, #tpu.memory_space<hbm>> -> memref<1x32x512xf32, #tpu.memory_space<hbm>>
    tpu.enqueue_dma source(%arg5 : memref<1x32x512xf32, #tpu.memory_space<vmem>>) target(%dma_start3A_4299 : memref<1x32x512xf32, #tpu.memory_space<hbm>>) target_semaphore(%arg7 : memref<!tpu.dma_semaphore, #tpu.memory_space<semaphore_mem>>)
    %dma_start3A_4300 = arith.constant 14 : i32
    %dma_start3A_4301 = arith.constant 0 : i32
    %dma_start3A_4302 = arith.constant 0 : i32
    %dma_start3A_4303 = tpu.memref_slice %arg4[%dma_start3A_4300, %add3A, %dma_start3A_4301, %dma_start3A_4302] : memref<16x32x32x512xf32, #tpu.memory_space<hbm>> -> memref<1x1x32x512xf32, #tpu.memory_space<hbm>>
    %dma_start3A_4304 = tpu.memref_squeeze %dma_start3A_4303 : memref<1x1x32x512xf32, #tpu.memory_space<hbm>> -> memref<1x32x512xf32, #tpu.memory_space<hbm>>
    %dma_start3A_4305 = arith.constant 0 : i32
    %dma_start3A_4306 = arith.constant 0 : i32
    %dma_start3A_4307 = tpu.memref_slice %arg4[%dma_start3A_4300, %add3A, %dma_start3A_4305, %dma_start3A_4306] : memref<16x32x32x512xf32, #tpu.memory_space<hbm>> -> memref<1x1x32x512xf32, #tpu.memory_space<hbm>>
    %dma_start3A_4308 = tpu.memref_squeeze %dma_start3A_4307 : memref<1x1x32x512xf32, #tpu.memory_space<hbm>> -> memref<1x32x512xf32, #tpu.memory_space<hbm>>
    tpu.enqueue_dma source(%arg5 : memref<1x32x512xf32, #tpu.memory_space<vmem>>) target(%dma_start3A_4308 : memref<1x32x512xf32, #tpu.memory_space<hbm>>) target_semaphore(%arg7 : memref<!tpu.dma_semaphore, #tpu.memory_space<semaphore_mem>>)
    %dma_start3A_4309 = arith.constant 15 : i32
    %dma_start3A_4310 = arith.constant 0 : i32
    %dma_start3A_4311 = arith.constant 0 : i32
    %dma_start3A_4312 = tpu.memref_slice %arg4[%dma_start3A_4309, %add3A, %dma_start3A_4310, %dma_start3A_4311] : memref<16x32x32x512xf32, #tpu.memory_space<hbm>> -> memref<1x1x32x512xf32, #tpu.memory_space<hbm>>
    %dma_start3A_4313 = tpu.memref_squeeze %dma_start3A_4312 : memref<1x1x32x512xf32, #tpu.memory_space<hbm>> -> memref<1x32x512xf32, #tpu.memory_space<hbm>>
    %dma_start3A_4314 = arith.constant 0 : i32
    %dma_start3A_4315 = arith.constant 0 : i32
    %dma_start3A_4316 = tpu.memref_slice %arg4[%dma_start3A_4309, %add3A, %dma_start3A_4314, %dma_start3A_4315] : memref<16x32x32x512xf32, #tpu.memory_space<hbm>> -> memref<1x1x32x512xf32, #tpu.memory_space<hbm>>
    %dma_start3A_4317 = tpu.memref_squeeze %dma_start3A_4316 : memref<1x1x32x512xf32, #tpu.memory_space<hbm>> -> memref<1x32x512xf32, #tpu.memory_space<hbm>>
    tpu.enqueue_dma source(%arg5 : memref<1x32x512xf32, #tpu.memory_space<vmem>>) target(%dma_start3A_4317 : memref<1x32x512xf32, #tpu.memory_space<hbm>>) target_semaphore(%arg7 : memref<!tpu.dma_semaphore, #tpu.memory_space<semaphore_mem>>)
    %dma_wait3A = arith.constant 0 : i32
    %dma_wait3A_4318 = arith.constant 0 : i32
    %dma_wait3A_4319 = arith.constant 0 : i32
    %dma_wait3A_4320 = tpu.memref_slice %arg4[%dma_wait3A, %add3A, %dma_wait3A_4318, %dma_wait3A_4319] : memref<16x32x32x512xf32, #tpu.memory_space<hbm>> -> memref<1x1x32x512xf32, #tpu.memory_space<hbm>>
    %dma_wait3A_4321 = tpu.memref_squeeze %dma_wait3A_4320 : memref<1x1x32x512xf32, #tpu.memory_space<hbm>> -> memref<1x32x512xf32, #tpu.memory_space<hbm>>
    %dma_wait3A_4322 = arith.constant 0 : i32
    %dma_wait3A_4323 = arith.constant 0 : i32
    %dma_wait3A_4324 = tpu.memref_slice %arg4[%dma_wait3A, %add3A, %dma_wait3A_4322, %dma_wait3A_4323] : memref<16x32x32x512xf32, #tpu.memory_space<hbm>> -> memref<1x1x32x512xf32, #tpu.memory_space<hbm>>
    %dma_wait3A_4325 = tpu.memref_squeeze %dma_wait3A_4324 : memref<1x1x32x512xf32, #tpu.memory_space<hbm>> -> memref<1x32x512xf32, #tpu.memory_space<hbm>>
    tpu.wait_dma2 semaphore(%arg7 : memref<!tpu.dma_semaphore, #tpu.memory_space<semaphore_mem>>) src(%arg5 : memref<1x32x512xf32, #tpu.memory_space<vmem>>) dst(%dma_wait3A_4325 : memref<1x32x512xf32, #tpu.memory_space<hbm>>)
    %dma_wait3A_4326 = arith.constant 1 : i32
    %dma_wait3A_4327 = arith.constant 0 : i32
    %dma_wait3A_4328 = arith.constant 0 : i32
    %dma_wait3A_4329 = tpu.memref_slice %arg4[%dma_wait3A_4326, %add3A, %dma_wait3A_4327, %dma_wait3A_4328] : memref<16x32x32x512xf32, #tpu.memory_space<hbm>> -> memref<1x1x32x512xf32, #tpu.memory_space<hbm>>
    %dma_wait3A_4330 = tpu.memref_squeeze %dma_wait3A_4329 : memref<1x1x32x512xf32, #tpu.memory_space<hbm>> -> memref<1x32x512xf32, #tpu.memory_space<hbm>>
    %dma_wait3A_4331 = arith.constant 0 : i32
    %dma_wait3A_4332 = arith.constant 0 : i32
    %dma_wait3A_4333 = tpu.memref_slice %arg4[%dma_wait3A_4326, %add3A, %dma_wait3A_4331, %dma_wait3A_4332] : memref<16x32x32x512xf32, #tpu.memory_space<hbm>> -> memref<1x1x32x512xf32, #tpu.memory_space<hbm>>
    %dma_wait3A_4334 = tpu.memref_squeeze %dma_wait3A_4333 : memref<1x1x32x512xf32, #tpu.memory_space<hbm>> -> memref<1x32x512xf32, #tpu.memory_space<hbm>>
    tpu.wait_dma2 semaphore(%arg7 : memref<!tpu.dma_semaphore, #tpu.memory_space<semaphore_mem>>) src(%arg5 : memref<1x32x512xf32, #tpu.memory_space<vmem>>) dst(%dma_wait3A_4334 : memref<1x32x512xf32, #tpu.memory_space<hbm>>)
    %dma_wait3A_4335 = arith.constant 2 : i32
    %dma_wait3A_4336 = arith.constant 0 : i32
    %dma_wait3A_4337 = arith.constant 0 : i32
    %dma_wait3A_4338 = tpu.memref_slice %arg4[%dma_wait3A_4335, %add3A, %dma_wait3A_4336, %dma_wait3A_4337] : memref<16x32x32x512xf32, #tpu.memory_space<hbm>> -> memref<1x1x32x512xf32, #tpu.memory_space<hbm>>
    %dma_wait3A_4339 = tpu.memref_squeeze %dma_wait3A_4338 : memref<1x1x32x512xf32, #tpu.memory_space<hbm>> -> memref<1x32x512xf32, #tpu.memory_space<hbm>>
    %dma_wait3A_4340 = arith.constant 0 : i32
    %dma_wait3A_4341 = arith.constant 0 : i32
    %dma_wait3A_4342 = tpu.memref_slice %arg4[%dma_wait3A_4335, %add3A, %dma_wait3A_4340, %dma_wait3A_4341] : memref<16x32x32x512xf32, #tpu.memory_space<hbm>> -> memref<1x1x32x512xf32, #tpu.memory_space<hbm>>
    %dma_wait3A_4343 = tpu.memref_squeeze %dma_wait3A_4342 : memref<1x1x32x512xf32, #tpu.memory_space<hbm>> -> memref<1x32x512xf32, #tpu.memory_space<hbm>>
    tpu.wait_dma2 semaphore(%arg7 : memref<!tpu.dma_semaphore, #tpu.memory_space<semaphore_mem>>) src(%arg5 : memref<1x32x512xf32, #tpu.memory_space<vmem>>) dst(%dma_wait3A_4343 : memref<1x32x512xf32, #tpu.memory_space<hbm>>)
    %dma_wait3A_4344 = arith.constant 3 : i32
    %dma_wait3A_4345 = arith.constant 0 : i32
    %dma_wait3A_4346 = arith.constant 0 : i32
    %dma_wait3A_4347 = tpu.memref_slice %arg4[%dma_wait3A_4344, %add3A, %dma_wait3A_4345, %dma_wait3A_4346] : memref<16x32x32x512xf32, #tpu.memory_space<hbm>> -> memref<1x1x32x512xf32, #tpu.memory_space<hbm>>
    %dma_wait3A_4348 = tpu.memref_squeeze %dma_wait3A_4347 : memref<1x1x32x512xf32, #tpu.memory_space<hbm>> -> memref<1x32x512xf32, #tpu.memory_space<hbm>>
    %dma_wait3A_4349 = arith.constant 0 : i32
    %dma_wait3A_4350 = arith.constant 0 : i32
    %dma_wait3A_4351 = tpu.memref_slice %arg4[%dma_wait3A_4344, %add3A, %dma_wait3A_4349, %dma_wait3A_4350] : memref<16x32x32x512xf32, #tpu.memory_space<hbm>> -> memref<1x1x32x512xf32, #tpu.memory_space<hbm>>
    %dma_wait3A_4352 = tpu.memref_squeeze %dma_wait3A_4351 : memref<1x1x32x512xf32, #tpu.memory_space<hbm>> -> memref<1x32x512xf32, #tpu.memory_space<hbm>>
    tpu.wait_dma2 semaphore(%arg7 : memref<!tpu.dma_semaphore, #tpu.memory_space<semaphore_mem>>) src(%arg5 : memref<1x32x512xf32, #tpu.memory_space<vmem>>) dst(%dma_wait3A_4352 : memref<1x32x512xf32, #tpu.memory_space<hbm>>)
    %dma_wait3A_4353 = arith.constant 4 : i32
    %dma_wait3A_4354 = arith.constant 0 : i32
    %dma_wait3A_4355 = arith.constant 0 : i32
    %dma_wait3A_4356 = tpu.memref_slice %arg4[%dma_wait3A_4353, %add3A, %dma_wait3A_4354, %dma_wait3A_4355] : memref<16x32x32x512xf32, #tpu.memory_space<hbm>> -> memref<1x1x32x512xf32, #tpu.memory_space<hbm>>
    %dma_wait3A_4357 = tpu.memref_squeeze %dma_wait3A_4356 : memref<1x1x32x512xf32, #tpu.memory_space<hbm>> -> memref<1x32x512xf32, #tpu.memory_space<hbm>>
    %dma_wait3A_4358 = arith.constant 0 : i32
    %dma_wait3A_4359 = arith.constant 0 : i32
    %dma_wait3A_4360 = tpu.memref_slice %arg4[%dma_wait3A_4353, %add3A, %dma_wait3A_4358, %dma_wait3A_4359] : memref<16x32x32x512xf32, #tpu.memory_space<hbm>> -> memref<1x1x32x512xf32, #tpu.memory_space<hbm>>
    %dma_wait3A_4361 = tpu.memref_squeeze %dma_wait3A_4360 : memref<1x1x32x512xf32, #tpu.memory_space<hbm>> -> memref<1x32x512xf32, #tpu.memory_space<hbm>>
    tpu.wait_dma2 semaphore(%arg7 : memref<!tpu.dma_semaphore, #tpu.memory_space<semaphore_mem>>) src(%arg5 : memref<1x32x512xf32, #tpu.memory_space<vmem>>) dst(%dma_wait3A_4361 : memref<1x32x512xf32, #tpu.memory_space<hbm>>)
    %dma_wait3A_4362 = arith.constant 5 : i32
    %dma_wait3A_4363 = arith.constant 0 : i32
    %dma_wait3A_4364 = arith.constant 0 : i32
    %dma_wait3A_4365 = tpu.memref_slice %arg4[%dma_wait3A_4362, %add3A, %dma_wait3A_4363, %dma_wait3A_4364] : memref<16x32x32x512xf32, #tpu.memory_space<hbm>> -> memref<1x1x32x512xf32, #tpu.memory_space<hbm>>
    %dma_wait3A_4366 = tpu.memref_squeeze %dma_wait3A_4365 : memref<1x1x32x512xf32, #tpu.memory_space<hbm>> -> memref<1x32x512xf32, #tpu.memory_space<hbm>>
    %dma_wait3A_4367 = arith.constant 0 : i32
    %dma_wait3A_4368 = arith.constant 0 : i32
    %dma_wait3A_4369 = tpu.memref_slice %arg4[%dma_wait3A_4362, %add3A, %dma_wait3A_4367, %dma_wait3A_4368] : memref<16x32x32x512xf32, #tpu.memory_space<hbm>> -> memref<1x1x32x512xf32, #tpu.memory_space<hbm>>
    %dma_wait3A_4370 = tpu.memref_squeeze %dma_wait3A_4369 : memref<1x1x32x512xf32, #tpu.memory_space<hbm>> -> memref<1x32x512xf32, #tpu.memory_space<hbm>>
    tpu.wait_dma2 semaphore(%arg7 : memref<!tpu.dma_semaphore, #tpu.memory_space<semaphore_mem>>) src(%arg5 : memref<1x32x512xf32, #tpu.memory_space<vmem>>) dst(%dma_wait3A_4370 : memref<1x32x512xf32, #tpu.memory_space<hbm>>)
    %dma_wait3A_4371 = arith.constant 6 : i32
    %dma_wait3A_4372 = arith.constant 0 : i32
    %dma_wait3A_4373 = arith.constant 0 : i32
    %dma_wait3A_4374 = tpu.memref_slice %arg4[%dma_wait3A_4371, %add3A, %dma_wait3A_4372, %dma_wait3A_4373] : memref<16x32x32x512xf32, #tpu.memory_space<hbm>> -> memref<1x1x32x512xf32, #tpu.memory_space<hbm>>
    %dma_wait3A_4375 = tpu.memref_squeeze %dma_wait3A_4374 : memref<1x1x32x512xf32, #tpu.memory_space<hbm>> -> memref<1x32x512xf32, #tpu.memory_space<hbm>>
    %dma_wait3A_4376 = arith.constant 0 : i32
    %dma_wait3A_4377 = arith.constant 0 : i32
    %dma_wait3A_4378 = tpu.memref_slice %arg4[%dma_wait3A_4371, %add3A, %dma_wait3A_4376, %dma_wait3A_4377] : memref<16x32x32x512xf32, #tpu.memory_space<hbm>> -> memref<1x1x32x512xf32, #tpu.memory_space<hbm>>
    %dma_wait3A_4379 = tpu.memref_squeeze %dma_wait3A_4378 : memref<1x1x32x512xf32, #tpu.memory_space<hbm>> -> memref<1x32x512xf32, #tpu.memory_space<hbm>>
    tpu.wait_dma2 semaphore(%arg7 : memref<!tpu.dma_semaphore, #tpu.memory_space<semaphore_mem>>) src(%arg5 : memref<1x32x512xf32, #tpu.memory_space<vmem>>) dst(%dma_wait3A_4379 : memref<1x32x512xf32, #tpu.memory_space<hbm>>)
    %dma_wait3A_4380 = arith.constant 7 : i32
    %dma_wait3A_4381 = arith.constant 0 : i32
    %dma_wait3A_4382 = arith.constant 0 : i32
    %dma_wait3A_4383 = tpu.memref_slice %arg4[%dma_wait3A_4380, %add3A, %dma_wait3A_4381, %dma_wait3A_4382] : memref<16x32x32x512xf32, #tpu.memory_space<hbm>> -> memref<1x1x32x512xf32, #tpu.memory_space<hbm>>
    %dma_wait3A_4384 = tpu.memref_squeeze %dma_wait3A_4383 : memref<1x1x32x512xf32, #tpu.memory_space<hbm>> -> memref<1x32x512xf32, #tpu.memory_space<hbm>>
    %dma_wait3A_4385 = arith.constant 0 : i32
    %dma_wait3A_4386 = arith.constant 0 : i32
    %dma_wait3A_4387 = tpu.memref_slice %arg4[%dma_wait3A_4380, %add3A, %dma_wait3A_4385, %dma_wait3A_4386] : memref<16x32x32x512xf32, #tpu.memory_space<hbm>> -> memref<1x1x32x512xf32, #tpu.memory_space<hbm>>
    %dma_wait3A_4388 = tpu.memref_squeeze %dma_wait3A_4387 : memref<1x1x32x512xf32, #tpu.memory_space<hbm>> -> memref<1x32x512xf32, #tpu.memory_space<hbm>>
    tpu.wait_dma2 semaphore(%arg7 : memref<!tpu.dma_semaphore, #tpu.memory_space<semaphore_mem>>) src(%arg5 : memref<1x32x512xf32, #tpu.memory_space<vmem>>) dst(%dma_wait3A_4388 : memref<1x32x512xf32, #tpu.memory_space<hbm>>)
    %dma_wait3A_4389 = arith.constant 8 : i32
    %dma_wait3A_4390 = arith.constant 0 : i32
    %dma_wait3A_4391 = arith.constant 0 : i32
    %dma_wait3A_4392 = tpu.memref_slice %arg4[%dma_wait3A_4389, %add3A, %dma_wait3A_4390, %dma_wait3A_4391] : memref<16x32x32x512xf32, #tpu.memory_space<hbm>> -> memref<1x1x32x512xf32, #tpu.memory_space<hbm>>
    %dma_wait3A_4393 = tpu.memref_squeeze %dma_wait3A_4392 : memref<1x1x32x512xf32, #tpu.memory_space<hbm>> -> memref<1x32x512xf32, #tpu.memory_space<hbm>>
    %dma_wait3A_4394 = arith.constant 0 : i32
    %dma_wait3A_4395 = arith.constant 0 : i32
    %dma_wait3A_4396 = tpu.memref_slice %arg4[%dma_wait3A_4389, %add3A, %dma_wait3A_4394, %dma_wait3A_4395] : memref<16x32x32x512xf32, #tpu.memory_space<hbm>> -> memref<1x1x32x512xf32, #tpu.memory_space<hbm>>
    %dma_wait3A_4397 = tpu.memref_squeeze %dma_wait3A_4396 : memref<1x1x32x512xf32, #tpu.memory_space<hbm>> -> memref<1x32x512xf32, #tpu.memory_space<hbm>>
    tpu.wait_dma2 semaphore(%arg7 : memref<!tpu.dma_semaphore, #tpu.memory_space<semaphore_mem>>) src(%arg5 : memref<1x32x512xf32, #tpu.memory_space<vmem>>) dst(%dma_wait3A_4397 : memref<1x32x512xf32, #tpu.memory_space<hbm>>)
    %dma_wait3A_4398 = arith.constant 9 : i32
    %dma_wait3A_4399 = arith.constant 0 : i32
    %dma_wait3A_4400 = arith.constant 0 : i32
    %dma_wait3A_4401 = tpu.memref_slice %arg4[%dma_wait3A_4398, %add3A, %dma_wait3A_4399, %dma_wait3A_4400] : memref<16x32x32x512xf32, #tpu.memory_space<hbm>> -> memref<1x1x32x512xf32, #tpu.memory_space<hbm>>
    %dma_wait3A_4402 = tpu.memref_squeeze %dma_wait3A_4401 : memref<1x1x32x512xf32, #tpu.memory_space<hbm>> -> memref<1x32x512xf32, #tpu.memory_space<hbm>>
    %dma_wait3A_4403 = arith.constant 0 : i32
    %dma_wait3A_4404 = arith.constant 0 : i32
    %dma_wait3A_4405 = tpu.memref_slice %arg4[%dma_wait3A_4398, %add3A, %dma_wait3A_4403, %dma_wait3A_4404] : memref<16x32x32x512xf32, #tpu.memory_space<hbm>> -> memref<1x1x32x512xf32, #tpu.memory_space<hbm>>
    %dma_wait3A_4406 = tpu.memref_squeeze %dma_wait3A_4405 : memref<1x1x32x512xf32, #tpu.memory_space<hbm>> -> memref<1x32x512xf32, #tpu.memory_space<hbm>>
    tpu.wait_dma2 semaphore(%arg7 : memref<!tpu.dma_semaphore, #tpu.memory_space<semaphore_mem>>) src(%arg5 : memref<1x32x512xf32, #tpu.memory_space<vmem>>) dst(%dma_wait3A_4406 : memref<1x32x512xf32, #tpu.memory_space<hbm>>)
    %dma_wait3A_4407 = arith.constant 10 : i32
    %dma_wait3A_4408 = arith.constant 0 : i32
    %dma_wait3A_4409 = arith.constant 0 : i32
    %dma_wait3A_4410 = tpu.memref_slice %arg4[%dma_wait3A_4407, %add3A, %dma_wait3A_4408, %dma_wait3A_4409] : memref<16x32x32x512xf32, #tpu.memory_space<hbm>> -> memref<1x1x32x512xf32, #tpu.memory_space<hbm>>
    %dma_wait3A_4411 = tpu.memref_squeeze %dma_wait3A_4410 : memref<1x1x32x512xf32, #tpu.memory_space<hbm>> -> memref<1x32x512xf32, #tpu.memory_space<hbm>>
    %dma_wait3A_4412 = arith.constant 0 : i32
    %dma_wait3A_4413 = arith.constant 0 : i32
    %dma_wait3A_4414 = tpu.memref_slice %arg4[%dma_wait3A_4407, %add3A, %dma_wait3A_4412, %dma_wait3A_4413] : memref<16x32x32x512xf32, #tpu.memory_space<hbm>> -> memref<1x1x32x512xf32, #tpu.memory_space<hbm>>
    %dma_wait3A_4415 = tpu.memref_squeeze %dma_wait3A_4414 : memref<1x1x32x512xf32, #tpu.memory_space<hbm>> -> memref<1x32x512xf32, #tpu.memory_space<hbm>>
    tpu.wait_dma2 semaphore(%arg7 : memref<!tpu.dma_semaphore, #tpu.memory_space<semaphore_mem>>) src(%arg5 : memref<1x32x512xf32, #tpu.memory_space<vmem>>) dst(%dma_wait3A_4415 : memref<1x32x512xf32, #tpu.memory_space<hbm>>)
    %dma_wait3A_4416 = arith.constant 11 : i32
    %dma_wait3A_4417 = arith.constant 0 : i32
    %dma_wait3A_4418 = arith.constant 0 : i32
    %dma_wait3A_4419 = tpu.memref_slice %arg4[%dma_wait3A_4416, %add3A, %dma_wait3A_4417, %dma_wait3A_4418] : memref<16x32x32x512xf32, #tpu.memory_space<hbm>> -> memref<1x1x32x512xf32, #tpu.memory_space<hbm>>
    %dma_wait3A_4420 = tpu.memref_squeeze %dma_wait3A_4419 : memref<1x1x32x512xf32, #tpu.memory_space<hbm>> -> memref<1x32x512xf32, #tpu.memory_space<hbm>>
    %dma_wait3A_4421 = arith.constant 0 : i32
    %dma_wait3A_4422 = arith.constant 0 : i32
    %dma_wait3A_4423 = tpu.memref_slice %arg4[%dma_wait3A_4416, %add3A, %dma_wait3A_4421, %dma_wait3A_4422] : memref<16x32x32x512xf32, #tpu.memory_space<hbm>> -> memref<1x1x32x512xf32, #tpu.memory_space<hbm>>
    %dma_wait3A_4424 = tpu.memref_squeeze %dma_wait3A_4423 : memref<1x1x32x512xf32, #tpu.memory_space<hbm>> -> memref<1x32x512xf32, #tpu.memory_space<hbm>>
    tpu.wait_dma2 semaphore(%arg7 : memref<!tpu.dma_semaphore, #tpu.memory_space<semaphore_mem>>) src(%arg5 : memref<1x32x512xf32, #tpu.memory_space<vmem>>) dst(%dma_wait3A_4424 : memref<1x32x512xf32, #tpu.memory_space<hbm>>)
    %dma_wait3A_4425 = arith.constant 12 : i32
    %dma_wait3A_4426 = arith.constant 0 : i32
    %dma_wait3A_4427 = arith.constant 0 : i32
    %dma_wait3A_4428 = tpu.memref_slice %arg4[%dma_wait3A_4425, %add3A, %dma_wait3A_4426, %dma_wait3A_4427] : memref<16x32x32x512xf32, #tpu.memory_space<hbm>> -> memref<1x1x32x512xf32, #tpu.memory_space<hbm>>
    %dma_wait3A_4429 = tpu.memref_squeeze %dma_wait3A_4428 : memref<1x1x32x512xf32, #tpu.memory_space<hbm>> -> memref<1x32x512xf32, #tpu.memory_space<hbm>>
    %dma_wait3A_4430 = arith.constant 0 : i32
    %dma_wait3A_4431 = arith.constant 0 : i32
    %dma_wait3A_4432 = tpu.memref_slice %arg4[%dma_wait3A_4425, %add3A, %dma_wait3A_4430, %dma_wait3A_4431] : memref<16x32x32x512xf32, #tpu.memory_space<hbm>> -> memref<1x1x32x512xf32, #tpu.memory_space<hbm>>
    %dma_wait3A_4433 = tpu.memref_squeeze %dma_wait3A_4432 : memref<1x1x32x512xf32, #tpu.memory_space<hbm>> -> memref<1x32x512xf32, #tpu.memory_space<hbm>>
    tpu.wait_dma2 semaphore(%arg7 : memref<!tpu.dma_semaphore, #tpu.memory_space<semaphore_mem>>) src(%arg5 : memref<1x32x512xf32, #tpu.memory_space<vmem>>) dst(%dma_wait3A_4433 : memref<1x32x512xf32, #tpu.memory_space<hbm>>)
    %dma_wait3A_4434 = arith.constant 13 : i32
    %dma_wait3A_4435 = arith.constant 0 : i32
    %dma_wait3A_4436 = arith.constant 0 : i32
    %dma_wait3A_4437 = tpu.memref_slice %arg4[%dma_wait3A_4434, %add3A, %dma_wait3A_4435, %dma_wait3A_4436] : memref<16x32x32x512xf32, #tpu.memory_space<hbm>> -> memref<1x1x32x512xf32, #tpu.memory_space<hbm>>
    %dma_wait3A_4438 = tpu.memref_squeeze %dma_wait3A_4437 : memref<1x1x32x512xf32, #tpu.memory_space<hbm>> -> memref<1x32x512xf32, #tpu.memory_space<hbm>>
    %dma_wait3A_4439 = arith.constant 0 : i32
    %dma_wait3A_4440 = arith.constant 0 : i32
    %dma_wait3A_4441 = tpu.memref_slice %arg4[%dma_wait3A_4434, %add3A, %dma_wait3A_4439, %dma_wait3A_4440] : memref<16x32x32x512xf32, #tpu.memory_space<hbm>> -> memref<1x1x32x512xf32, #tpu.memory_space<hbm>>
    %dma_wait3A_4442 = tpu.memref_squeeze %dma_wait3A_4441 : memref<1x1x32x512xf32, #tpu.memory_space<hbm>> -> memref<1x32x512xf32, #tpu.memory_space<hbm>>
    tpu.wait_dma2 semaphore(%arg7 : memref<!tpu.dma_semaphore, #tpu.memory_space<semaphore_mem>>) src(%arg5 : memref<1x32x512xf32, #tpu.memory_space<vmem>>) dst(%dma_wait3A_4442 : memref<1x32x512xf32, #tpu.memory_space<hbm>>)
    %dma_wait3A_4443 = arith.constant 14 : i32
    %dma_wait3A_4444 = arith.constant 0 : i32
    %dma_wait3A_4445 = arith.constant 0 : i32
    %dma_wait3A_4446 = tpu.memref_slice %arg4[%dma_wait3A_4443, %add3A, %dma_wait3A_4444, %dma_wait3A_4445] : memref<16x32x32x512xf32, #tpu.memory_space<hbm>> -> memref<1x1x32x512xf32, #tpu.memory_space<hbm>>
    %dma_wait3A_4447 = tpu.memref_squeeze %dma_wait3A_4446 : memref<1x1x32x512xf32, #tpu.memory_space<hbm>> -> memref<1x32x512xf32, #tpu.memory_space<hbm>>
    %dma_wait3A_4448 = arith.constant 0 : i32
    %dma_wait3A_4449 = arith.constant 0 : i32
    %dma_wait3A_4450 = tpu.memref_slice %arg4[%dma_wait3A_4443, %add3A, %dma_wait3A_4448, %dma_wait3A_4449] : memref<16x32x32x512xf32, #tpu.memory_space<hbm>> -> memref<1x1x32x512xf32, #tpu.memory_space<hbm>>
    %dma_wait3A_4451 = tpu.memref_squeeze %dma_wait3A_4450 : memref<1x1x32x512xf32, #tpu.memory_space<hbm>> -> memref<1x32x512xf32, #tpu.memory_space<hbm>>
    tpu.wait_dma2 semaphore(%arg7 : memref<!tpu.dma_semaphore, #tpu.memory_space<semaphore_mem>>) src(%arg5 : memref<1x32x512xf32, #tpu.memory_space<vmem>>) dst(%dma_wait3A_4451 : memref<1x32x512xf32, #tpu.memory_space<hbm>>)
    %dma_wait3A_4452 = arith.constant 15 : i32
    %dma_wait3A_4453 = arith.constant 0 : i32
    %dma_wait3A_4454 = arith.constant 0 : i32
    %dma_wait3A_4455 = tpu.memref_slice %arg4[%dma_wait3A_4452, %add3A, %dma_wait3A_4453, %dma_wait3A_4454] : memref<16x32x32x512xf32, #tpu.memory_space<hbm>> -> memref<1x1x32x512xf32, #tpu.memory_space<hbm>>
    %dma_wait3A_4456 = tpu.memref_squeeze %dma_wait3A_4455 : memref<1x1x32x512xf32, #tpu.memory_space<hbm>> -> memref<1x32x512xf32, #tpu.memory_space<hbm>>
    %dma_wait3A_4457 = arith.constant 0 : i32
    %dma_wait3A_4458 = arith.constant 0 : i32
    %dma_wait3A_4459 = tpu.memref_slice %arg4[%dma_wait3A_4452, %add3A, %dma_wait3A_4457, %dma_wait3A_4458] : memref<16x32x32x512xf32, #tpu.memory_space<hbm>> -> memref<1x1x32x512xf32, #tpu.memory_space<hbm>>
    %dma_wait3A_4460 = tpu.memref_squeeze %dma_wait3A_4459 : memref<1x1x32x512xf32, #tpu.memory_space<hbm>> -> memref<1x32x512xf32, #tpu.memory_space<hbm>>
    tpu.wait_dma2 semaphore(%arg7 : memref<!tpu.dma_semaphore, #tpu.memory_space<semaphore_mem>>) src(%arg5 : memref<1x32x512xf32, #tpu.memory_space<vmem>>) dst(%dma_wait3A_4460 : memref<1x32x512xf32, #tpu.memory_space<hbm>>)
    return
  }
}

</mosaic_0001>

<sc_bundles>
// kernel: kernel.3.cloned.1.call-start
scs
__scs_entry_jumppad:
0x0: {  	(pc) =	sbr.rel $0x88, $3  }
0x1: {  	(tag) =	ssettag $0x0;
	lr =	simm.s32 $0x1  }
0x2: {  	[smem:$0x3F9F] =	sst lr;
	_ =	strace $0xD0000000  }
0x3: {  	_ = 	snop  }
0x4: {  	_ = 	snop  }
0x5: {  	_ = 	snop  }
0x6: {  	_ = 	snop  }
0x7: {  	_ = 	snop  }
__scs_overlays_trampoline_lowered:
0x8: {  	[smem:$0x3FAE] =	sst s0  }
0x9: {  	[smem:$0x3FAF] =	sst s1  }
0xa: {  	[smem:$0x3FB0] =	sst s2  }
0xb: {  	[smem:$0x3FB1] =	sst s3  }
0xc: {  	[smem:$0x3FB2] =	sst s4  }
0xd: {  	[smem:$0x3FB3] =	sst s5  }
0xe: {  	[smem:$0x3FB4] =	sst s6  }
0xf: {  	[smem:$0x3FB5] =	sst s7  }
0x10: {  	[smem:$0x3FB6] =	sst s8  }
0x11: {  	[smem:$0x3FB7] =	sst s9;
	s0 =	simm.s32 @!p0 $0x0  }
0x12: {  	s1 =	sld [smem:$0x3F9D];
	s0 =	simm.s32 @p0 $0x1  }
0x13: {  	[smem:$0x3FB8] =	sst s0;
	s0 =	simm.s32 @!p1 $0x0  }
0x14: {  	s2 =	sld [smem:$0x3F9C];
	s0 =	simm.s32 @p1 $0x1  }
0x15: {  	[smem:$0x3FB9] =	sst s0;
	s0 =	simm.s32 @!p2 $0x0  }
0x16: {  	s3 =	sld [smem:$0x3FDB];
	s0 =	simm.s32 @p2 $0x1  }
0x17: {  	s4 =	simm.s32 $0x1BF5;
	[smem:$0x3FBB] =	sst s0  }
0x18: {  	s0 =	sld [smem:$0x3F9E];
	_ =	swait.ge [sflag:s4], $0x0  }
0x19: {  	s7 =	sld [smem:$0x3F9F]  }
0x1a: {  	s8 =	sadd.s32 $0xFFFFE003, lr  }
0x1b: {  	s9 =	sadd.s32 $0xFFFFFEF7, lr;
	s5 =	simm.s32 $0xFFFFFFFF;
	p2 =	slt.u32 s8, $0xFFFFF086  }
0x1c: {  	p1 =	slt.u32 s9, $0xF7A;
	s5 =	simm.s32 @!p2 $0x0  }
0x1d: {  	s5 =	simm.s32 @p1 $0x1;
	p0 =	seq.s32 s7, s2  }
0x1e: {  	s7 =	smul.u32 @!p0 $0xF7A, s2;
	p2 =	seq.s32 @!p0 s5, $0x0  }
0x1f: {  	s9 =	smul.u32 $0xF7A, s1;
	s8 =	simm.s32 @!p0 $0x1BF5;
	p2 =	por !p2, p0  }
0x20: {  	[sflag:s8] =	ssyncset.s32 @!p0 $0xFFFFF086;
	s6 =	sadd.s32 @!p0 s3, s7;
	s7 =	simm.s32 @!p0 $0x108  }
0x21: {  	s3 =	sadd.s32 s3, s9;
	s6 =	sadd.s32 @!p0 $0x88, s6;
	s7 =	simm.s32 @p2 $0x1082  }
0x22: {  	[simem:s7], [sflag:s8] =	dma.local @!p0 [hbm:s6], $0xF7A  }
0x23: {  	s9 =	sor.u32 $0xD0000000, s2;
	s6 =	simm.s32 $0x108;
	_ =	swait.ge @!p0 [sflag:s8], $0x0  }
0x24: {  	s3 =	sadd.s32 $0x88, s3;
	s6 =	simm.s32 @!p1 $0x1082;
	[sflag:s4] =	ssyncset.s32 $0xFFFFF086  }
0x25: {  	[simem:s6], [sflag:s4] =	dma.local [hbm:s3], $0xF7A  }
0x26: {  	[smem:$0x3F9F] =	sst s1;
	(tag) =	ssettag s2;
	_ =	strace s9  }
0x27: {  	s1 =	sld [smem:$0x3FAF]  }
0x28: {  	s2 =	sld [smem:$0x3FB0]  }
0x29: {  	s4 =	sld [smem:$0x3FB2]  }
0x2a: {  	p0 =	seq.s32 s5, $0x0;
	s5 =	sld [smem:$0x3FB3]  }
0x2b: {  	s6 =	sld [smem:$0x3FB4]  }
0x2c: {  	s7 =	sld [smem:$0x3FB5]  }
0x2d: {  	s3 =	simm.s32 $0x108;
	s8 =	sld [smem:$0x3FB6]  }
0x2e: {  	s3 =	simm.s32 @!p0 $0x1082;
	s9 =	sld [smem:$0x3FB7]  }
0x2f: {  	lr =	sadd.s32 s0, s3;
	s0 =	sld [smem:$0x3FAE]  }
0x30: {  	s3 =	sld [smem:$0x3FB1]  }
0x31: {  	[smem:$0x3FBA] =	sst s10  }
0x32: {  	s10 =	sld [smem:$0x3FB8];
	_ =	sdelay $0x3  }
0x33: {  	p0 =	seq.s32 s10, $0x1;
	s10 =	sld [smem:$0x3FBA];
	_ =	sdelay $0x3  }
0x34: {  	[smem:$0x3FBA] =	sst s10  }
0x35: {  	s10 =	sld [smem:$0x3FB9];
	_ =	sdelay $0x3  }
0x36: {  	p1 =	seq.s32 s10, $0x1;
	s10 =	sld [smem:$0x3FBA];
	_ =	sdelay $0x3  }
0x37: {  	[smem:$0x3FBA] =	sst s10  }
0x38: {  	s10 =	sld [smem:$0x3FBB]  }
0x39: {  	_ = 	snop;
	(pc) =	sbr.ind lr, $3  }
0x3a: {  	_ = 	snop  }
0x3b: {  	_ = 	snop  }
0x3c: {  	p2 =	seq.s32 s10, $0x1;
	s10 =	sld [smem:$0x3FBA]  }
0x3d: {  	_ =	shalt  }
0x3e: {  	_ =	shalt  }
0x3f: {  	_ =	shalt  }
0x40: {  	_ =	shalt  }
0x41: {  	_ =	shalt  }
0x42: {  	_ =	shalt  }
0x43: {  	_ =	shalt  }
0x44: {  	_ =	shalt  }
0x45: {  	_ =	shalt  }
0x46: {  	_ =	shalt  }
0x47: {  	_ =	shalt  }
0x48: {  	_ =	shalt  }
0x49: {  	_ =	shalt  }
0x4a: {  	_ =	shalt  }
0x4b: {  	_ =	shalt  }
0x4c: {  	_ =	shalt  }
0x4d: {  	_ =	shalt  }
0x4e: {  	_ =	shalt  }
0x4f: {  	_ =	shalt  }
0x50: {  	_ =	shalt  }
0x51: {  	_ =	shalt  }
0x52: {  	_ =	shalt  }
0x53: {  	_ =	shalt  }
0x54: {  	_ =	shalt  }
0x55: {  	_ =	shalt  }
0x56: {  	_ =	shalt  }
0x57: {  	_ =	shalt  }
0x58: {  	_ =	shalt  }
0x59: {  	_ =	shalt  }
0x5a: {  	_ =	shalt  }
0x5b: {  	_ =	shalt  }
0x5c: {  	_ =	shalt  }
0x5d: {  	_ =	shalt  }
0x5e: {  	_ =	shalt  }
0x5f: {  	_ =	shalt  }
0x60: {  	_ =	shalt  }
0x61: {  	_ =	shalt  }
0x62: {  	_ =	shalt  }
0x63: {  	_ =	shalt  }
0x64: {  	_ =	shalt  }
0x65: {  	_ =	shalt  }
0x66: {  	_ =	shalt  }
0x67: {  	_ =	shalt  }
0x68: {  	_ =	shalt  }
0x69: {  	_ =	shalt  }
0x6a: {  	_ =	shalt  }
0x6b: {  	_ =	shalt  }
0x6c: {  	_ =	shalt  }
0x6d: {  	_ =	shalt  }
0x6e: {  	_ =	shalt  }
0x6f: {  	_ =	shalt  }
0x70: {  	_ =	shalt  }
0x71: {  	_ =	shalt  }
0x72: {  	_ =	shalt  }
0x73: {  	_ =	shalt  }
0x74: {  	_ =	shalt  }
0x75: {  	_ =	shalt  }
0x76: {  	_ =	shalt  }
0x77: {  	_ =	shalt  }
0x78: {  	_ =	shalt  }
0x79: {  	_ =	shalt  }
0x7a: {  	_ =	shalt  }
0x7b: {  	_ =	shalt  }
0x7c: {  	_ =	shalt  }
0x7d: {  	_ =	shalt  }
0x7e: {  	_ =	shalt  }
0x7f: {  	_ =	shalt  }
0x80: {  	_ =	shalt  }
0x81: {  	_ =	shalt  }
0x82: {  	_ =	shalt  }
0x83: {  	_ =	shalt  }
0x84: {  	_ =	shalt  }
0x85: {  	_ =	shalt  }
0x86: {  	_ =	shalt  }
0x87: {  	_ =	shalt  }
.Lfunc_end0:
.L_simem_size_0:
called_computation_lowered:
.L_overlay_start_0:
0x88: {  	s2 =	sld [smem:$0x3FD9]  }
0x89: {  	s3 =	sld [smem:$0x3FFE];
	_ =	sdelay $0x1  }
0x8a: {  	s1 =	srdreg.scid  }
0x8b: {  	s0 =	sand.u32 $0x1, s1  }
0x8c: {  	s18 =	sshll.u32 s0, $0xA;
	s2 =	sadd.s32 s3, s2  }
0x8d: {  	s2 =	sadd.s32 s2, s18  }
0x8e: {  	[smem:$0x3FC6] =	sst s2  }
0x8f: {  	_ = 	snop  }
0x90: {  	s2 =	sld [smem:$0x3FC9]  }
0x91: {  	s19 =	sld [smem:$0x3FC8]  }
0x92: {  	s4 =	sld [smem:$0x3FD0];
	(tm) =	ssettm $0x1  }
0x93: {  	s5 =	sld [smem:$0x3FFB];
	_ =	sdelay $0x3  }
0x94: {  	_ =	strace s5  }
0x95: {  	s5 =	sld [smem:$0x3FFC];
	_ =	sdelay $0x3  }
0x96: {  	_ =	strace s5  }
0x97: {  	s5 =	sld [smem:$0x3FFD];
	_ =	sdelay $0x3  }
0x98: {  	_ =	strace s5  }
0x99: {  	_ =	strace $0x8FFFFFFF  }
0x9a: {  	s20 =	sld [smem:$0x3FDB];
	_ =	sdelay $0x1  }
0x9b: {  	s6 =	simm.s32 $_scs_section_size  }
0x9c: {  	s7 =	simm.s32 $_size__tile_overlayer_lowered;
	s8 =	simm.s32 $_tile_overlayer_lowered  }
0x9d: {  	s23 =	simm.s32 $0x1BFF;
	s22 =	sshll.u32 s8, $0x1;
	s5 =	sadd.s32 s6, s20  }
0x9e: {  	s9 =	simm.s32 $0x0;
	s21 =	sshll.u32 s7, $0x1;
	s7 =	sadd.s32 s22, s5  }
0x9f: {  	[timem:s9], [sflag:s23] =	dma.local [hbm:s7], s21  }
0xa0: {  	_ =	swait.ge [sflag:s23], s21  }
0xa1: {  	s6 =	ssub.s32 $0x0, s21;
	[sflag:s23] =	ssyncset.done $0x0  }
0xa2: {  	[sflag:s23] =	ssyncadd.s32 s6;
	_ =	sdelay $0x1  }
0xa3: {  	s24 =	simm.s32 $0x1B8B  }
0xa4: {  	_ =	swait.ge [sflag:s24], $0x1  }
0xa5: {  	[sflag:s24] =	ssyncset.done $0x0  }
0xa6: {  	s25 =	simm.s32 $0x1B8E;
	[sflag:s24] =	ssyncadd.s32 $0xFFFFFFFF  }
0xa7: {  	s26 =	simm.s32 $execute0_lowered;
	[smem:$0x3FD2] =	sst s25  }
0xa8: {  	s6 =	sshll.u32 s26, $0x1;
	_ =	strace $0x80000046;
	[dreg:$0x1] =	wrdreg $0xFFFFFFFF  }
0xa9: {  	s28 =	simm.s32 $_size_execute0_lowered;
	s5 =	sadd.s32 s5, s6;
	[dreg:$0x0] =	wrdreg $0x0  }
0xaa: {  	s6 =	sshll.u32 s28, $0x1;
	[dreg:$0x2] =	wrdreg s5  }
0xab: {  	[dreg:$0x3] =	wrdreg s6  }
0xac: {  	[dreg:$0x4] =	wrdreg $0xC0  }
0xad: {  	_ =	task [dreg:s9], $0x5FFFF  }
0xae: {  	[dreg:$0x1] =	wrdreg $0xFFFFFFFF  }
0xaf: {  	[dreg:$0x0] =	wrdreg $0x60  }
0xb0: {  	[dreg:$0x2] =	wrdreg s19  }
0xb1: {  	[dreg:$0x3] =	wrdreg s2  }
0xb2: {  	[dreg:$0x4] =	wrdreg s4  }
0xb3: {  	[dreg:$0x5] =	wrdreg $0x9  }
0xb4: {  	_ =	task.clear_ibuf [dreg:s9], $0x6FFFF;
	_ =	strace $0x90000046  }
0xb5: {  	s29 =	simm.s32 $0x9;
	_ =	strace $0x80000048  }
0xb6: {  	_ =	swait.ge [sflag:s29], $0x1  }
0xb7: {  	[sflag:s29] =	ssyncadd.s32 $0xFFFFFFFF  }
0xb8: {  	_ =	strace $0x90000048  }
0xb9: {  	_ =	sfence  }
0xba: {  	s30 =	sld [smem:$0x0];
	_ =	sdelay $0x2  }
0xbb: {  	s31 =	sshll.u32 s1, $0xD;
	s1 =	sshrl.u32 s1, $0x2  }
0xbc: {  	s3 =	sand.u32 $0x4000, s31;
	s1 =	sadd.s32 s1, s30  }
0xbd: {  	s0 =	sor.u32 s3, s0;
	s1 =	sshll.u32 s1, $0x11  }
0xbe: {  	s0 =	sor.u32 s1, s0  }
0xbf: {  	s0 =	sadd.s32 $0x8F2B, s0  }
0xc0: {  	[sflag:s0] =	ssyncadd.remote.s32 $0x1  }
0xc1: {  	_ =	sfence.sel $0xFFFF  }
0xc2: {  	[dreg:$0x0] =	wrdreg $0xFFFFFFFF;
	(pc) =	sbr.abs _section_cstart, $3  }
0xc3: {  	[dreg:$0x1] =	wrdreg $0xFFFFFFFF  }
0xc4: {  	_ =	task.clear_ibuf [dreg:s9], $0x2FFFF;
	_ =	strace $0x9FFFFFFF  }
0xc5: {  	(tm) =	ssettm $0x7FFFFFFF  }
tec
execute0_lowered:
.L_overlay_start_1:
0x0: {  	(tag) =	ssettag $0x1  }
0x1: {  	s1 =	rddreg [dreg:$0x0]  }
0x2: {  	s0 =	rddreg [dreg:$0x1]  }
0x3: {  	s4 =	rddreg [dreg:$0x2]  }
0x4: {  	s5 =	srdreg.scid;
	s2 =	stileid.u32  }
0x5: {  	s3 =	simm.s32 $0x0;
	s24 =	simm.s32 $0x1000;
	s25 =	simm.s32 $0x2000  }
0x6: {  	s28 =	simm.s32 $0x2;
	s29 =	simm.s32 $0x80;
	s30 =	simm.s32 $0x400  }
0x7: {  	s31 =	simm.s32 $0x4000;
	s5 =	sand.u32 $0x1, s5;
	s6 =	sshll.u32 s2, $0x1  }
0x8: {  	[smem:$0x7FF] =	sst s3;
	s7 =	sshll.u32 s2, $0x6;
	s21 =	sadd.s32 $0x100, s1  }
0x9: {  	s22 =	sadd.s32 $0x200, s1;
	s23 =	sadd.s32 $0x300, s1;
	s6 =	sor.u32 s5, s6  }
0xa: {  	_ =	strace $0x80000047;
	s7 =	sand.u32 $0x300, s7;
	s5 =	ssub.s32 $0x2, s5  }
0xb: {  	s8 =	sshll.u32 s6, $0x4;
	s0 =	sadd.s32 s0, s7;
	s26 =	sshrl.u32 s5, $0x1  }
0xc: {  	s6 =	sshll.u32 s6, $0xB;
	s8 =	sand.u32 $0x70, s8;
	s20 =	ssub.s32 s5, s26  }
0xd: {  	s4 =	sadd.s32 s4, s6;
	s26 =	simm.s32 $0x3000;
	s0 =	sadd.s32 s8, s0  }
0xe: {  	s5 =	sadd.s32 $0x10000, s4;
	s6 =	sadd.s32 $0x20000, s4;
	s7 =	sadd.s32 $0x30000, s4  }
0xf: {  	s8 =	sadd.s32 $0x40000, s4;
	s9 =	sadd.s32 $0x50000, s4;
	s10 =	sadd.s32 $0x60000, s4  }
0x10: {  	s11 =	sadd.s32 $0x70000, s4;
	s12 =	sadd.s32 $0x80000, s4;
	s13 =	sadd.s32 $0x90000, s4  }
0x11: {  	s14 =	sadd.s32 $0xA0000, s4;
	s15 =	sadd.s32 $0xB0000, s4;
	s16 =	sadd.s32 $0xC0000, s4  }
0x12: {  	s17 =	sadd.s32 $0xD0000, s4;
	s18 =	sadd.s32 $0xE0000, s4;
	s19 =	sadd.s32 $0xF0000, s4  }
0x13: {  	s20 =	smax.u32 s20, $0x1;
	[dreg:$0x4] =	wrdreg s0;
	s0 =	simm.s32 $0x1  }
.LBB2_1:
0x14: {  	[tilespmem:s3], [sflag:$0x2] =	stream.linear.gather [hbm4b:s1+s3], $0x800, $0x38;
	[tilespmem:$0x4100] =	vst v63  }
0x15: {  	_ = 	snop  }
0x16: {  	[tilespmem:s24], [sflag:$0x2] =	stream.linear.gather [hbm4b:s21+s3], $0x800, $0x38;
	[tilespmem:$0x4100] =	vst v63  }
0x17: {  	_ = 	snop  }
0x18: {  	[tilespmem:s25], [sflag:$0x2] =	stream.linear.gather [hbm4b:s22+s3], $0x800, $0x38;
	[tilespmem:$0x4100] =	vst v63  }
0x19: {  	_ = 	snop  }
0x1a: {  	[tilespmem:s26], [sflag:$0x2] =	stream.linear.gather [hbm4b:s23+s3], $0x800, $0x38;
	[tilespmem:$0x4100] =	vst v63  }
0x1b: {  	_ =	swait.ge [sflag:s28], $0x2000  }
0x1c: {  	[sflag:s28] =	ssyncset.done $0x0  }
0x1d: {  	s2 =	rddreg [dreg:$0x4];
	[sflag:s28] =	ssyncadd.s32 $0xFFFFE000  }
0x1e: {  	[tilespmem:s31], [sflag:$0x2] =	stream.strided.gather [hbm4b:s2+s29], $0x100, s30, s29, $0x38;
	[tilespmem:$0x4100] =	vst v63  }
0x1f: {  	_ =	swait.ge [sflag:s28], $0x100  }
0x20: {  	[sflag:s28] =	ssyncset.done $0x0  }
0x21: {  	[sflag:s28] =	ssyncadd.s32 $0xFFFFFF00  }
0x22: {  	v0 =	vld [tilespmem:$0x4000];
	_ =	sdelay $0x4  }
0x23: {  	[tilespmem:$0x800] =	vst v0  }
0x24: {  	[tilespmem:$0x880] =	vst v0  }
0x25: {  	[tilespmem:$0x900] =	vst v0  }
0x26: {  	[tilespmem:$0x980] =	vst v0  }
0x27: {  	[tilespmem:$0xA00] =	vst v0  }
0x28: {  	[tilespmem:$0xA80] =	vst v0  }
0x29: {  	[tilespmem:$0xB00] =	vst v0  }
0x2a: {  	[tilespmem:$0xB80] =	vst v0  }
0x2b: {  	[tilespmem:$0x1800] =	vst v0  }
0x2c: {  	[tilespmem:$0x1880] =	vst v0  }
0x2d: {  	[tilespmem:$0x1900] =	vst v0  }
0x2e: {  	[tilespmem:$0x1980] =	vst v0  }
0x2f: {  	[tilespmem:$0x1A00] =	vst v0  }
0x30: {  	[tilespmem:$0x1A80] =	vst v0  }
0x31: {  	[tilespmem:$0x1B00] =	vst v0  }
0x32: {  	[tilespmem:$0x1B80] =	vst v0  }
0x33: {  	[tilespmem:$0x2800] =	vst v0  }
0x34: {  	[tilespmem:$0x2880] =	vst v0  }
0x35: {  	[tilespmem:$0x2900] =	vst v0  }
0x36: {  	[tilespmem:$0x2980] =	vst v0  }
0x37: {  	[tilespmem:$0x2A00] =	vst v0  }
0x38: {  	[tilespmem:$0x2A80] =	vst v0  }
0x39: {  	[tilespmem:$0x2B00] =	vst v0  }
0x3a: {  	[tilespmem:$0x2B80] =	vst v0  }
0x3b: {  	[tilespmem:$0x3800] =	vst v0  }
0x3c: {  	[tilespmem:$0x3880] =	vst v0  }
0x3d: {  	[tilespmem:$0x3900] =	vst v0  }
0x3e: {  	v1 =	vld [tilespmem:$0x4010];
	[tilespmem:$0x3980] =	vst v0  }
0x3f: {  	[tilespmem:$0x3A00] =	vst v0  }
0x40: {  	[tilespmem:$0x3A80] =	vst v0  }
0x41: {  	[tilespmem:$0x3B00] =	vst v0  }
0x42: {  	[tilespmem:$0x3B80] =	vst v0  }
0x43: {  	[tilespmem:$0x810] =	vst v1  }
0x44: {  	[tilespmem:$0x890] =	vst v1  }
0x45: {  	[tilespmem:$0x910] =	vst v1  }
0x46: {  	[tilespmem:$0x990] =	vst v1  }
0x47: {  	[tilespmem:$0xA10] =	vst v1  }
0x48: {  	[tilespmem:$0xA90] =	vst v1  }
0x49: {  	[tilespmem:$0xB10] =	vst v1  }
0x4a: {  	[tilespmem:$0xB90] =	vst v1  }
0x4b: {  	[tilespmem:$0x1810] =	vst v1  }
0x4c: {  	[tilespmem:$0x1890] =	vst v1  }
0x4d: {  	[tilespmem:$0x1910] =	vst v1  }
0x4e: {  	[tilespmem:$0x1990] =	vst v1  }
0x4f: {  	[tilespmem:$0x1A10] =	vst v1  }
0x50: {  	[tilespmem:$0x1A90] =	vst v1  }
0x51: {  	[tilespmem:$0x1B10] =	vst v1  }
0x52: {  	[tilespmem:$0x1B90] =	vst v1  }
0x53: {  	[tilespmem:$0x2810] =	vst v1  }
0x54: {  	[tilespmem:$0x2890] =	vst v1  }
0x55: {  	[tilespmem:$0x2910] =	vst v1  }
0x56: {  	[tilespmem:$0x2990] =	vst v1  }
0x57: {  	[tilespmem:$0x2A10] =	vst v1  }
0x58: {  	[tilespmem:$0x2A90] =	vst v1  }
0x59: {  	[tilespmem:$0x2B10] =	vst v1  }
0x5a: {  	[tilespmem:$0x2B90] =	vst v1  }
0x5b: {  	[tilespmem:$0x3810] =	vst v1  }
0x5c: {  	[tilespmem:$0x3890] =	vst v1  }
0x5d: {  	[tilespmem:$0x3910] =	vst v1  }
0x5e: {  	v52 =	vld [tilespmem:$0x4020];
	[tilespmem:$0x3990] =	vst v1  }
0x5f: {  	[tilespmem:$0x3A10] =	vst v1  }
0x60: {  	[tilespmem:$0x3A90] =	vst v1  }
0x61: {  	[tilespmem:$0x3B10] =	vst v1  }
0x62: {  	[tilespmem:$0x3B90] =	vst v1  }
0x63: {  	[tilespmem:$0x820] =	vst v52  }
0x64: {  	[tilespmem:$0x8A0] =	vst v52  }
0x65: {  	[tilespmem:$0x920] =	vst v52  }
0x66: {  	[tilespmem:$0x9A0] =	vst v52  }
0x67: {  	[tilespmem:$0xA20] =	vst v52  }
0x68: {  	[tilespmem:$0xAA0] =	vst v52  }
0x69: {  	[tilespmem:$0xB20] =	vst v52  }
0x6a: {  	[tilespmem:$0xBA0] =	vst v52  }
0x6b: {  	[tilespmem:$0x1820] =	vst v52  }
0x6c: {  	[tilespmem:$0x18A0] =	vst v52  }
0x6d: {  	[tilespmem:$0x1920] =	vst v52  }
0x6e: {  	[tilespmem:$0x19A0] =	vst v52  }
0x6f: {  	[tilespmem:$0x1A20] =	vst v52  }
0x70: {  	[tilespmem:$0x1AA0] =	vst v52  }
0x71: {  	[tilespmem:$0x1B20] =	vst v52  }
0x72: {  	[tilespmem:$0x1BA0] =	vst v52  }
0x73: {  	[tilespmem:$0x2820] =	vst v52  }
0x74: {  	[tilespmem:$0x28A0] =	vst v52  }
0x75: {  	[tilespmem:$0x2920] =	vst v52  }
0x76: {  	[tilespmem:$0x29A0] =	vst v52  }
0x77: {  	[tilespmem:$0x2A20] =	vst v52  }
0x78: {  	[tilespmem:$0x2AA0] =	vst v52  }
0x79: {  	[tilespmem:$0x2B20] =	vst v52  }
0x7a: {  	[tilespmem:$0x2BA0] =	vst v52  }
0x7b: {  	[tilespmem:$0x3820] =	vst v52  }
0x7c: {  	[tilespmem:$0x38A0] =	vst v52  }
0x7d: {  	[tilespmem:$0x3920] =	vst v52  }
0x7e: {  	[tilespmem:$0x39A0] =	vst v52;
	v53 =	vld [tilespmem:$0x4030]  }
0x7f: {  	[tilespmem:$0x3A20] =	vst v52  }
0x80: {  	[tilespmem:$0x3AA0] =	vst v52  }
0x81: {  	[tilespmem:$0x3B20] =	vst v52  }
0x82: {  	[tilespmem:$0x3BA0] =	vst v52  }
0x83: {  	[tilespmem:$0x830] =	vst v53  }
0x84: {  	[tilespmem:$0x8B0] =	vst v53  }
0x85: {  	[tilespmem:$0x930] =	vst v53  }
0x86: {  	[tilespmem:$0x9B0] =	vst v53  }
0x87: {  	[tilespmem:$0xA30] =	vst v53  }
0x88: {  	[tilespmem:$0xAB0] =	vst v53  }
0x89: {  	[tilespmem:$0xB30] =	vst v53  }
0x8a: {  	[tilespmem:$0xBB0] =	vst v53  }
0x8b: {  	[tilespmem:$0x1830] =	vst v53  }
0x8c: {  	[tilespmem:$0x18B0] =	vst v53  }
0x8d: {  	[tilespmem:$0x1930] =	vst v53  }
0x8e: {  	[tilespmem:$0x19B0] =	vst v53  }
0x8f: {  	[tilespmem:$0x1A30] =	vst v53  }
0x90: {  	[tilespmem:$0x1AB0] =	vst v53  }
0x91: {  	[tilespmem:$0x1B30] =	vst v53  }
0x92: {  	[tilespmem:$0x1BB0] =	vst v53  }
0x93: {  	[tilespmem:$0x2830] =	vst v53  }
0x94: {  	[tilespmem:$0x28B0] =	vst v53  }
0x95: {  	[tilespmem:$0x2930] =	vst v53  }
0x96: {  	[tilespmem:$0x29B0] =	vst v53  }
0x97: {  	[tilespmem:$0x2A30] =	vst v53  }
0x98: {  	[tilespmem:$0x2AB0] =	vst v53  }
0x99: {  	[tilespmem:$0x2B30] =	vst v53  }
0x9a: {  	[tilespmem:$0x2BB0] =	vst v53  }
0x9b: {  	[tilespmem:$0x3830] =	vst v53  }
0x9c: {  	[tilespmem:$0x38B0] =	vst v53  }
0x9d: {  	[tilespmem:$0x3930] =	vst v53  }
0x9e: {  	v54 =	vld [tilespmem:$0x4040];
	[tilespmem:$0x39B0] =	vst v53  }
0x9f: {  	[tilespmem:$0x3A30] =	vst v53  }
0xa0: {  	[tilespmem:$0x3AB0] =	vst v53  }
0xa1: {  	[tilespmem:$0x3B30] =	vst v53  }
0xa2: {  	[tilespmem:$0x3BB0] =	vst v53  }
0xa3: {  	[tilespmem:$0x840] =	vst v54  }
0xa4: {  	[tilespmem:$0x8C0] =	vst v54  }
0xa5: {  	[tilespmem:$0x940] =	vst v54  }
0xa6: {  	[tilespmem:$0x9C0] =	vst v54  }
0xa7: {  	[tilespmem:$0xA40] =	vst v54  }
0xa8: {  	[tilespmem:$0xAC0] =	vst v54  }
0xa9: {  	[tilespmem:$0xB40] =	vst v54  }
0xaa: {  	[tilespmem:$0xBC0] =	vst v54  }
0xab: {  	[tilespmem:$0x1840] =	vst v54  }
0xac: {  	[tilespmem:$0x18C0] =	vst v54  }
0xad: {  	[tilespmem:$0x1940] =	vst v54  }
0xae: {  	[tilespmem:$0x19C0] =	vst v54  }
0xaf: {  	[tilespmem:$0x1A40] =	vst v54  }
0xb0: {  	[tilespmem:$0x1AC0] =	vst v54  }
0xb1: {  	[tilespmem:$0x1B40] =	vst v54  }
0xb2: {  	[tilespmem:$0x1BC0] =	vst v54  }
0xb3: {  	[tilespmem:$0x2840] =	vst v54  }
0xb4: {  	[tilespmem:$0x28C0] =	vst v54  }
0xb5: {  	[tilespmem:$0x2940] =	vst v54  }
0xb6: {  	[tilespmem:$0x29C0] =	vst v54  }
0xb7: {  	[tilespmem:$0x2A40] =	vst v54  }
0xb8: {  	[tilespmem:$0x2AC0] =	vst v54  }
0xb9: {  	[tilespmem:$0x2B40] =	vst v54  }
0xba: {  	[tilespmem:$0x2BC0] =	vst v54  }
0xbb: {  	[tilespmem:$0x3840] =	vst v54  }
0xbc: {  	[tilespmem:$0x38C0] =	vst v54  }
0xbd: {  	[tilespmem:$0x3940] =	vst v54  }
0xbe: {  	v55 =	vld [tilespmem:$0x4050];
	[tilespmem:$0x39C0] =	vst v54  }
0xbf: {  	[tilespmem:$0x3A40] =	vst v54  }
0xc0: {  	[tilespmem:$0x3AC0] =	vst v54  }
0xc1: {  	[tilespmem:$0x3B40] =	vst v54  }
0xc2: {  	[tilespmem:$0x3BC0] =	vst v54  }
0xc3: {  	[tilespmem:$0x850] =	vst v55  }
0xc4: {  	[tilespmem:$0x8D0] =	vst v55  }
0xc5: {  	[tilespmem:$0x950] =	vst v55  }
0xc6: {  	[tilespmem:$0x9D0] =	vst v55  }
0xc7: {  	[tilespmem:$0xA50] =	vst v55  }
0xc8: {  	[tilespmem:$0xAD0] =	vst v55  }
0xc9: {  	[tilespmem:$0xB50] =	vst v55  }
0xca: {  	[tilespmem:$0xBD0] =	vst v55  }
0xcb: {  	[tilespmem:$0x1850] =	vst v55  }
0xcc: {  	[tilespmem:$0x18D0] =	vst v55  }
0xcd: {  	[tilespmem:$0x1950] =	vst v55  }
0xce: {  	[tilespmem:$0x19D0] =	vst v55  }
0xcf: {  	[tilespmem:$0x1A50] =	vst v55  }
0xd0: {  	[tilespmem:$0x1AD0] =	vst v55  }
0xd1: {  	[tilespmem:$0x1B50] =	vst v55  }
0xd2: {  	[tilespmem:$0x1BD0] =	vst v55  }
0xd3: {  	[tilespmem:$0x2850] =	vst v55  }
0xd4: {  	[tilespmem:$0x28D0] =	vst v55  }
0xd5: {  	[tilespmem:$0x2950] =	vst v55  }
0xd6: {  	[tilespmem:$0x29D0] =	vst v55  }
0xd7: {  	[tilespmem:$0x2A50] =	vst v55  }
0xd8: {  	[tilespmem:$0x2AD0] =	vst v55  }
0xd9: {  	[tilespmem:$0x2B50] =	vst v55  }
0xda: {  	[tilespmem:$0x2BD0] =	vst v55  }
0xdb: {  	[tilespmem:$0x3850] =	vst v55  }
0xdc: {  	[tilespmem:$0x38D0] =	vst v55  }
0xdd: {  	[tilespmem:$0x3950] =	vst v55  }
0xde: {  	v56 =	vld [tilespmem:$0x4060];
	[tilespmem:$0x39D0] =	vst v55  }
0xdf: {  	[tilespmem:$0x3A50] =	vst v55  }
0xe0: {  	[tilespmem:$0x3AD0] =	vst v55  }
0xe1: {  	[tilespmem:$0x3B50] =	vst v55  }
0xe2: {  	[tilespmem:$0x3BD0] =	vst v55  }
0xe3: {  	[tilespmem:$0x860] =	vst v56  }
0xe4: {  	[tilespmem:$0x8E0] =	vst v56  }
0xe5: {  	[tilespmem:$0x960] =	vst v56  }
0xe6: {  	[tilespmem:$0x9E0] =	vst v56  }
0xe7: {  	[tilespmem:$0xA60] =	vst v56  }
0xe8: {  	[tilespmem:$0xAE0] =	vst v56  }
0xe9: {  	[tilespmem:$0xB60] =	vst v56  }
0xea: {  	[tilespmem:$0xBE0] =	vst v56  }
0xeb: {  	[tilespmem:$0x1860] =	vst v56  }
0xec: {  	[tilespmem:$0x18E0] =	vst v56  }
0xed: {  	[tilespmem:$0x1960] =	vst v56  }
0xee: {  	[tilespmem:$0x19E0] =	vst v56  }
0xef: {  	[tilespmem:$0x1A60] =	vst v56  }
0xf0: {  	[tilespmem:$0x1AE0] =	vst v56  }
0xf1: {  	[tilespmem:$0x1B60] =	vst v56  }
0xf2: {  	[tilespmem:$0x1BE0] =	vst v56  }
0xf3: {  	[tilespmem:$0x2860] =	vst v56  }
0xf4: {  	[tilespmem:$0x28E0] =	vst v56  }
0xf5: {  	[tilespmem:$0x2960] =	vst v56  }
0xf6: {  	[tilespmem:$0x29E0] =	vst v56  }
0xf7: {  	[tilespmem:$0x2A60] =	vst v56  }
0xf8: {  	[tilespmem:$0x2AE0] =	vst v56  }
0xf9: {  	[tilespmem:$0x2B60] =	vst v56  }
0xfa: {  	[tilespmem:$0x2BE0] =	vst v56  }
0xfb: {  	[tilespmem:$0x3860] =	vst v56  }
0xfc: {  	[tilespmem:$0x38E0] =	vst v56  }
0xfd: {  	[tilespmem:$0x3960] =	vst v56  }
0xfe: {  	v57 =	vld [tilespmem:$0x4070];
	[tilespmem:$0x39E0] =	vst v56  }
0xff: {  	[tilespmem:$0x3A60] =	vst v56  }
0x100: {  	[tilespmem:$0x3AE0] =	vst v56  }
0x101: {  	[tilespmem:$0x3B60] =	vst v56  }
0x102: {  	[tilespmem:$0x3BE0] =	vst v56  }
0x103: {  	[tilespmem:$0x870] =	vst v57  }
0x104: {  	[tilespmem:$0x8F0] =	vst v57  }
0x105: {  	[tilespmem:$0x970] =	vst v57  }
0x106: {  	[tilespmem:$0x9F0] =	vst v57  }
0x107: {  	[tilespmem:$0xA70] =	vst v57  }
0x108: {  	[tilespmem:$0xAF0] =	vst v57  }
0x109: {  	[tilespmem:$0xB70] =	vst v57  }
0x10a: {  	[tilespmem:$0xBF0] =	vst v57  }
0x10b: {  	[tilespmem:$0x1870] =	vst v57  }
0x10c: {  	[tilespmem:$0x18F0] =	vst v57  }
0x10d: {  	[tilespmem:$0x1970] =	vst v57  }
0x10e: {  	[tilespmem:$0x19F0] =	vst v57  }
0x10f: {  	[tilespmem:$0x1A70] =	vst v57  }
0x110: {  	[tilespmem:$0x1AF0] =	vst v57  }
0x111: {  	[tilespmem:$0x1B70] =	vst v57  }
0x112: {  	[tilespmem:$0x1BF0] =	vst v57  }
0x113: {  	[tilespmem:$0x2870] =	vst v57  }
0x114: {  	[tilespmem:$0x28F0] =	vst v57  }
0x115: {  	[tilespmem:$0x2970] =	vst v57  }
0x116: {  	[tilespmem:$0x29F0] =	vst v57  }
0x117: {  	[tilespmem:$0x2A70] =	vst v57  }
0x118: {  	[tilespmem:$0x2AF0] =	vst v57  }
0x119: {  	[tilespmem:$0x2B70] =	vst v57  }
0x11a: {  	[tilespmem:$0x2BF0] =	vst v57  }
0x11b: {  	[tilespmem:$0x3870] =	vst v57  }
0x11c: {  	[tilespmem:$0x38F0] =	vst v57  }
0x11d: {  	[tilespmem:$0x3970] =	vst v57  }
0x11e: {  	v58 =	vld [tilespmem:$0x4080];
	[tilespmem:$0x39F0] =	vst v57  }
0x11f: {  	[tilespmem:$0x3A70] =	vst v57  }
0x120: {  	[tilespmem:$0x3AF0] =	vst v57  }
0x121: {  	[tilespmem:$0x3B70] =	vst v57  }
0x122: {  	[tilespmem:$0x3BF0] =	vst v57  }
0x123: {  	[tilespmem:$0xC00] =	vst v58  }
0x124: {  	[tilespmem:$0xC80] =	vst v58  }
0x125: {  	[tilespmem:$0xD00] =	vst v58  }
0x126: {  	[tilespmem:$0xD80] =	vst v58  }
0x127: {  	[tilespmem:$0xE00] =	vst v58  }
0x128: {  	[tilespmem:$0xE80] =	vst v58  }
0x129: {  	[tilespmem:$0xF00] =	vst v58  }
0x12a: {  	[tilespmem:$0xF80] =	vst v58  }
0x12b: {  	[tilespmem:$0x1C00] =	vst v58  }
0x12c: {  	[tilespmem:$0x1C80] =	vst v58  }
0x12d: {  	[tilespmem:$0x1D00] =	vst v58  }
0x12e: {  	[tilespmem:$0x1D80] =	vst v58  }
0x12f: {  	[tilespmem:$0x1E00] =	vst v58  }
0x130: {  	[tilespmem:$0x1E80] =	vst v58  }
0x131: {  	[tilespmem:$0x1F00] =	vst v58  }
0x132: {  	[tilespmem:$0x1F80] =	vst v58  }
0x133: {  	[tilespmem:$0x2C00] =	vst v58  }
0x134: {  	[tilespmem:$0x2C80] =	vst v58  }
0x135: {  	[tilespmem:$0x2D00] =	vst v58  }
0x136: {  	[tilespmem:$0x2D80] =	vst v58  }
0x137: {  	[tilespmem:$0x2E00] =	vst v58  }
0x138: {  	[tilespmem:$0x2E80] =	vst v58  }
0x139: {  	[tilespmem:$0x2F00] =	vst v58  }
0x13a: {  	[tilespmem:$0x2F80] =	vst v58  }
0x13b: {  	[tilespmem:$0x3C00] =	vst v58  }
0x13c: {  	[tilespmem:$0x3C80] =	vst v58  }
0x13d: {  	[tilespmem:$0x3D00] =	vst v58  }
0x13e: {  	v59 =	vld [tilespmem:$0x4090];
	[tilespmem:$0x3D80] =	vst v58  }
0x13f: {  	[tilespmem:$0x3E00] =	vst v58  }
0x140: {  	[tilespmem:$0x3E80] =	vst v58  }
0x141: {  	[tilespmem:$0x3F00] =	vst v58  }
0x142: {  	[tilespmem:$0x3F80] =	vst v58  }
0x143: {  	[tilespmem:$0xC10] =	vst v59  }
0x144: {  	[tilespmem:$0xC90] =	vst v59  }
0x145: {  	[tilespmem:$0xD10] =	vst v59  }
0x146: {  	[tilespmem:$0xD90] =	vst v59  }
0x147: {  	[tilespmem:$0xE10] =	vst v59  }
0x148: {  	[tilespmem:$0xE90] =	vst v59  }
0x149: {  	[tilespmem:$0xF10] =	vst v59  }
0x14a: {  	[tilespmem:$0xF90] =	vst v59  }
0x14b: {  	[tilespmem:$0x1C10] =	vst v59  }
0x14c: {  	[tilespmem:$0x1C90] =	vst v59  }
0x14d: {  	[tilespmem:$0x1D10] =	vst v59  }
0x14e: {  	[tilespmem:$0x1D90] =	vst v59  }
0x14f: {  	[tilespmem:$0x1E10] =	vst v59  }
0x150: {  	[tilespmem:$0x1E90] =	vst v59  }
0x151: {  	[tilespmem:$0x1F10] =	vst v59  }
0x152: {  	[tilespmem:$0x1F90] =	vst v59  }
0x153: {  	[tilespmem:$0x2C10] =	vst v59  }
0x154: {  	[tilespmem:$0x2C90] =	vst v59  }
0x155: {  	[tilespmem:$0x2D10] =	vst v59  }
0x156: {  	[tilespmem:$0x2D90] =	vst v59  }
0x157: {  	[tilespmem:$0x2E10] =	vst v59  }
0x158: {  	[tilespmem:$0x2E90] =	vst v59  }
0x159: {  	[tilespmem:$0x2F10] =	vst v59  }
0x15a: {  	[tilespmem:$0x2F90] =	vst v59  }
0x15b: {  	[tilespmem:$0x3C10] =	vst v59  }
0x15c: {  	[tilespmem:$0x3C90] =	vst v59  }
0x15d: {  	[tilespmem:$0x3D10] =	vst v59  }
0x15e: {  	v2 =	vld [tilespmem:$0x40D0];
	[tilespmem:$0x3D90] =	vst v59  }
0x15f: {  	v3 =	vld [tilespmem:$0x40E0];
	[tilespmem:$0x3E10] =	vst v59  }
0x160: {  	[tilespmem:$0x3E90] =	vst v59  }
0x161: {  	[tilespmem:$0x3F10] =	vst v59  }
0x162: {  	[tilespmem:$0x3F90] =	vst v59  }
0x163: {  	[tilespmem:$0xDD0] =	vst v2  }
0x164: {  	[tilespmem:$0xC60] =	vst v3  }
0x165: {  	[tilespmem:$0xCE0] =	vst v3  }
0x166: {  	v63 =	vld [tilespmem:$0x40A0];
	[tilespmem:$0xD60] =	vst v3  }
0x167: {  	[tilespmem:$0xDE0] =	vst v3  }
0x168: {  	[tilespmem:$0xE60] =	vst v3  }
0x169: {  	[tilespmem:$0xEE0] =	vst v3  }
0x16a: {  	[tilespmem:$0xF60] =	vst v3  }
0x16b: {  	[tilespmem:$0xFA0] =	vst v63  }
0x16c: {  	[tilespmem:$0x1C20] =	vst v63  }
0x16d: {  	[tilespmem:$0x1D20] =	vst v63  }
0x16e: {  	[tilespmem:$0x1DA0] =	vst v63  }
0x16f: {  	[tilespmem:$0x1E20] =	vst v63  }
0x170: {  	[tilespmem:$0x1EA0] =	vst v63  }
0x171: {  	[tilespmem:$0x1F20] =	vst v63  }
0x172: {  	[tilespmem:$0x1FA0] =	vst v63  }
0x173: {  	[tilespmem:$0x2C20] =	vst v63  }
0x174: {  	[tilespmem:$0x2CA0] =	vst v63  }
0x175: {  	[tilespmem:$0x2D20] =	vst v63  }
0x176: {  	[tilespmem:$0x2DA0] =	vst v63  }
0x177: {  	[tilespmem:$0x2E20] =	vst v63  }
0x178: {  	[tilespmem:$0x2EA0] =	vst v63  }
0x179: {  	[tilespmem:$0x2F20] =	vst v63  }
0x17a: {  	[tilespmem:$0x2FA0] =	vst v63  }
0x17b: {  	[tilespmem:$0x3C20] =	vst v63  }
0x17c: {  	[tilespmem:$0x3CA0] =	vst v63  }
0x17d: {  	[tilespmem:$0x3D20] =	vst v63  }
0x17e: {  	[tilespmem:$0x3DA0] =	vst v63  }
0x17f: {  	[tilespmem:$0x3E20] =	vst v63  }
0x180: {  	[tilespmem:$0x3EA0] =	vst v63  }
0x181: {  	[tilespmem:$0x3F20] =	vst v63  }
0x182: {  	[tilespmem:$0x3FA0] =	vst v63  }
0x183: {  	v61 =	vld [tilespmem:$0x40B0];
	[tilespmem:$0xD20] =	vst v63  }
0x184: {  	[tilespmem:$0xF20] =	vst v63  }
0x185: {  	[tilespmem:$0xEA0] =	vst v63  }
0x186: {  	[tilespmem:$0xE20] =	vst v63  }
0x187: {  	[tilespmem:$0xDA0] =	vst v63  }
0x188: {  	v60 =	vld [tilespmem:$0x40F0];
	[tilespmem:$0x3E30] =	vst v61  }
0x189: {  	[tilespmem:$0xCA0] =	vst v63  }
0x18a: {  	[tilespmem:$0xC20] =	vst v63  }
0x18b: {  	[tilespmem:$0x3DB0] =	vst v61  }
0x18c: {  	[tilespmem:$0x1CB0] =	vst v61  }
0x18d: {  	[tilespmem:$0x3F70] =	vst v60  }
0x18e: {  	[tilespmem:$0x1D30] =	vst v61  }
0x18f: {  	[tilespmem:$0x1DB0] =	vst v61  }
0x190: {  	[tilespmem:$0x1C30] =	vst v61  }
0x191: {  	[tilespmem:$0x1F30] =	vst v61  }
0x192: {  	[tilespmem:$0x1FB0] =	vst v61  }
0x193: {  	[tilespmem:$0x2C30] =	vst v61  }
0x194: {  	[tilespmem:$0x2CB0] =	vst v61  }
0x195: {  	[tilespmem:$0x2D30] =	vst v61  }
0x196: {  	[tilespmem:$0x2DB0] =	vst v61  }
0x197: {  	[tilespmem:$0x2E30] =	vst v61  }
0x198: {  	[tilespmem:$0x2EB0] =	vst v61  }
0x199: {  	[tilespmem:$0x2F30] =	vst v61  }
0x19a: {  	[tilespmem:$0x2FB0] =	vst v61  }
0x19b: {  	[tilespmem:$0x3C30] =	vst v61  }
0x19c: {  	[tilespmem:$0x3CB0] =	vst v61  }
0x19d: {  	[tilespmem:$0x3D30] =	vst v61  }
0x19e: {  	v62 =	vld [tilespmem:$0x40C0];
	[tilespmem:$0x1E60] =	vst v3  }
0x19f: {  	[tilespmem:$0x3EB0] =	vst v61  }
0x1a0: {  	[tilespmem:$0x3F30] =	vst v61  }
0x1a1: {  	[tilespmem:$0x1CA0] =	vst v63  }
0x1a2: {  	[tilespmem:$0x3FB0] =	vst v61  }
0x1a3: {  	[tilespmem:$0xC40] =	vst v62  }
0x1a4: {  	[tilespmem:$0xCC0] =	vst v62  }
0x1a5: {  	[tilespmem:$0xD40] =	vst v62  }
0x1a6: {  	[tilespmem:$0xDC0] =	vst v62  }
0x1a7: {  	[tilespmem:$0xE40] =	vst v62  }
0x1a8: {  	[tilespmem:$0xEC0] =	vst v62  }
0x1a9: {  	[tilespmem:$0xF40] =	vst v62  }
0x1aa: {  	[tilespmem:$0xFC0] =	vst v62  }
0x1ab: {  	[tilespmem:$0x1C40] =	vst v62  }
0x1ac: {  	[tilespmem:$0x1CC0] =	vst v62  }
0x1ad: {  	[tilespmem:$0x1D40] =	vst v62  }
0x1ae: {  	[tilespmem:$0x1DC0] =	vst v62  }
0x1af: {  	[tilespmem:$0x1E40] =	vst v62  }
0x1b0: {  	[tilespmem:$0x1EC0] =	vst v62  }
0x1b1: {  	[tilespmem:$0x1F40] =	vst v62  }
0x1b2: {  	[tilespmem:$0x1FC0] =	vst v62  }
0x1b3: {  	[tilespmem:$0x2C40] =	vst v62  }
0x1b4: {  	[tilespmem:$0x2CC0] =	vst v62  }
0x1b5: {  	[tilespmem:$0x2D40] =	vst v62  }
0x1b6: {  	[tilespmem:$0x2DC0] =	vst v62  }
0x1b7: {  	[tilespmem:$0x2E40] =	vst v62  }
0x1b8: {  	[tilespmem:$0x2EC0] =	vst v62  }
0x1b9: {  	[tilespmem:$0x2F40] =	vst v62  }
0x1ba: {  	[tilespmem:$0x2FC0] =	vst v62  }
0x1bb: {  	[tilespmem:$0x3C40] =	vst v62  }
0x1bc: {  	[tilespmem:$0x3CC0] =	vst v62  }
0x1bd: {  	[tilespmem:$0x3D40] =	vst v62  }
0x1be: {  	[tilespmem:$0x3DC0] =	vst v62  }
0x1bf: {  	[tilespmem:$0x3E40] =	vst v62  }
0x1c0: {  	[tilespmem:$0x3EC0] =	vst v62  }
0x1c1: {  	[tilespmem:$0x3F40] =	vst v62  }
0x1c2: {  	[tilespmem:$0x3FC0] =	vst v62  }
0x1c3: {  	[tilespmem:$0x1EB0] =	vst v61  }
0x1c4: {  	[tilespmem:$0x1E30] =	vst v61  }
0x1c5: {  	[tilespmem:$0xFB0] =	vst v61  }
0x1c6: {  	[tilespmem:$0xF30] =	vst v61  }
0x1c7: {  	[tilespmem:$0xE50] =	vst v2  }
0x1c8: {  	[tilespmem:$0xED0] =	vst v2  }
0x1c9: {  	[tilespmem:$0xF50] =	vst v2  }
0x1ca: {  	[tilespmem:$0xFD0] =	vst v2  }
0x1cb: {  	[tilespmem:$0x1C50] =	vst v2  }
0x1cc: {  	[tilespmem:$0x1CD0] =	vst v2  }
0x1cd: {  	[tilespmem:$0x1D50] =	vst v2  }
0x1ce: {  	[tilespmem:$0x1DD0] =	vst v2  }
0x1cf: {  	[tilespmem:$0x1E50] =	vst v2  }
0x1d0: {  	[tilespmem:$0x1ED0] =	vst v2  }
0x1d1: {  	[tilespmem:$0x1F50] =	vst v2  }
0x1d2: {  	[tilespmem:$0x1FD0] =	vst v2  }
0x1d3: {  	[tilespmem:$0x2C50] =	vst v2  }
0x1d4: {  	[tilespmem:$0x2CD0] =	vst v2  }
0x1d5: {  	[tilespmem:$0x2D50] =	vst v2  }
0x1d6: {  	[tilespmem:$0x2DD0] =	vst v2  }
0x1d7: {  	[tilespmem:$0x2E50] =	vst v2  }
0x1d8: {  	[tilespmem:$0x2ED0] =	vst v2  }
0x1d9: {  	[tilespmem:$0x2F50] =	vst v2  }
0x1da: {  	[tilespmem:$0x2FD0] =	vst v2  }
0x1db: {  	[tilespmem:$0x3C50] =	vst v2  }
0x1dc: {  	[tilespmem:$0x3CD0] =	vst v2  }
0x1dd: {  	[tilespmem:$0x3D50] =	vst v2  }
0x1de: {  	[tilespmem:$0x3DD0] =	vst v2  }
0x1df: {  	[tilespmem:$0x3E50] =	vst v2  }
0x1e0: {  	[tilespmem:$0x3ED0] =	vst v2  }
0x1e1: {  	[tilespmem:$0x3F50] =	vst v2  }
0x1e2: {  	[tilespmem:$0x3FD0] =	vst v2  }
0x1e3: {  	[tilespmem:$0xD50] =	vst v2  }
0x1e4: {  	[tilespmem:$0xCD0] =	vst v2  }
0x1e5: {  	[tilespmem:$0xC50] =	vst v2  }
0x1e6: {  	[tilespmem:$0xEB0] =	vst v61  }
0x1e7: {  	[tilespmem:$0xE30] =	vst v61  }
0x1e8: {  	[tilespmem:$0xDB0] =	vst v61  }
0x1e9: {  	[tilespmem:$0xD30] =	vst v61  }
0x1ea: {  	[tilespmem:$0xCB0] =	vst v61  }
0x1eb: {  	[tilespmem:$0xC30] =	vst v61  }
0x1ec: {  	[tilespmem:$0x1CE0] =	vst v3  }
0x1ed: {  	[tilespmem:$0x1C60] =	vst v3  }
0x1ee: {  	[tilespmem:$0x1D60] =	vst v3  }
0x1ef: {  	[tilespmem:$0x1DE0] =	vst v3  }
0x1f0: {  	[tilespmem:$0xFE0] =	vst v3  }
0x1f1: {  	[tilespmem:$0x1F60] =	vst v3  }
0x1f2: {  	[tilespmem:$0x1FE0] =	vst v3  }
0x1f3: {  	[tilespmem:$0x2C60] =	vst v3  }
0x1f4: {  	[tilespmem:$0x2CE0] =	vst v3  }
0x1f5: {  	[tilespmem:$0x2D60] =	vst v3  }
0x1f6: {  	[tilespmem:$0x2DE0] =	vst v3  }
0x1f7: {  	[tilespmem:$0x2E60] =	vst v3  }
0x1f8: {  	[tilespmem:$0x2EE0] =	vst v3  }
0x1f9: {  	[tilespmem:$0x2F60] =	vst v3  }
0x1fa: {  	[tilespmem:$0x2FE0] =	vst v3  }
0x1fb: {  	[tilespmem:$0x3C60] =	vst v3  }
0x1fc: {  	[tilespmem:$0x3CE0] =	vst v3  }
0x1fd: {  	[tilespmem:$0x3D60] =	vst v3  }
0x1fe: {  	[tilespmem:$0x3DE0] =	vst v3  }
0x1ff: {  	[tilespmem:$0x3E60] =	vst v3  }
0x200: {  	[tilespmem:$0x3EE0] =	vst v3  }
0x201: {  	[tilespmem:$0x3F60] =	vst v3  }
0x202: {  	[tilespmem:$0x3FE0] =	vst v3  }
0x203: {  	[tilespmem:$0xC70] =	vst v60  }
0x204: {  	[tilespmem:$0xCF0] =	vst v60  }
0x205: {  	[tilespmem:$0xD70] =	vst v60  }
0x206: {  	[tilespmem:$0xDF0] =	vst v60  }
0x207: {  	[tilespmem:$0xE70] =	vst v60  }
0x208: {  	[tilespmem:$0xEF0] =	vst v60  }
0x209: {  	[tilespmem:$0xF70] =	vst v60  }
0x20a: {  	[tilespmem:$0xFF0] =	vst v60  }
0x20b: {  	[tilespmem:$0x1C70] =	vst v60  }
0x20c: {  	[tilespmem:$0x1CF0] =	vst v60  }
0x20d: {  	[tilespmem:$0x1D70] =	vst v60  }
0x20e: {  	[tilespmem:$0x1DF0] =	vst v60  }
0x20f: {  	[tilespmem:$0x1E70] =	vst v60  }
0x210: {  	[tilespmem:$0x1EF0] =	vst v60  }
0x211: {  	[tilespmem:$0x1F70] =	vst v60  }
0x212: {  	[tilespmem:$0x1FF0] =	vst v60  }
0x213: {  	[tilespmem:$0x2C70] =	vst v60  }
0x214: {  	[tilespmem:$0x2CF0] =	vst v60  }
0x215: {  	[tilespmem:$0x2D70] =	vst v60  }
0x216: {  	[tilespmem:$0x2DF0] =	vst v60  }
0x217: {  	[tilespmem:$0x2E70] =	vst v60  }
0x218: {  	[tilespmem:$0x2EF0] =	vst v60  }
0x219: {  	[tilespmem:$0x2F70] =	vst v60  }
0x21a: {  	[tilespmem:$0x2FF0] =	vst v60  }
0x21b: {  	[tilespmem:$0x3C70] =	vst v60  }
0x21c: {  	[tilespmem:$0x3CF0] =	vst v60  }
0x21d: {  	[tilespmem:$0x3D70] =	vst v60  }
0x21e: {  	[tilespmem:$0x3DF0] =	vst v60  }
0x21f: {  	[tilespmem:$0x3E70] =	vst v60  }
0x220: {  	[tilespmem:$0x3EF0] =	vst v60  }
0x221: {  	[tilespmem:$0x1EE0] =	vst v3  }
0x222: {  	[tilespmem:$0x3FF0] =	vst v60  }
0x223: {  	[hbm4b:s4+s3] =	stream.linear.scatter [tilespmem:s3], [sflag:$0x1], $0x4000, $0x38;
	[tilespmem:$0x4100] =	vst v63  }
0x224: {  	_ = 	snop  }
0x225: {  	[hbm4b:s5+s3] =	stream.linear.scatter [tilespmem:s3], [sflag:$0x1], $0x4000, $0x38;
	[tilespmem:$0x4100] =	vst v63  }
0x226: {  	_ = 	snop  }
0x227: {  	[hbm4b:s6+s3] =	stream.linear.scatter [tilespmem:s3], [sflag:$0x1], $0x4000, $0x38;
	[tilespmem:$0x4100] =	vst v63  }
0x228: {  	_ = 	snop  }
0x229: {  	[hbm4b:s7+s3] =	stream.linear.scatter [tilespmem:s3], [sflag:$0x1], $0x4000, $0x38;
	[tilespmem:$0x4100] =	vst v63  }
0x22a: {  	_ = 	snop  }
0x22b: {  	[hbm4b:s8+s3] =	stream.linear.scatter [tilespmem:s3], [sflag:$0x1], $0x4000, $0x38;
	[tilespmem:$0x4100] =	vst v63  }
0x22c: {  	_ = 	snop  }
0x22d: {  	[hbm4b:s9+s3] =	stream.linear.scatter [tilespmem:s3], [sflag:$0x1], $0x4000, $0x38;
	[tilespmem:$0x4100] =	vst v63  }
0x22e: {  	_ = 	snop  }
0x22f: {  	[hbm4b:s10+s3] =	stream.linear.scatter [tilespmem:s3], [sflag:$0x1], $0x4000, $0x38;
	[tilespmem:$0x4100] =	vst v63  }
0x230: {  	_ = 	snop  }
0x231: {  	[hbm4b:s11+s3] =	stream.linear.scatter [tilespmem:s3], [sflag:$0x1], $0x4000, $0x38;
	[tilespmem:$0x4100] =	vst v63  }
0x232: {  	_ = 	snop  }
0x233: {  	[hbm4b:s12+s3] =	stream.linear.scatter [tilespmem:s3], [sflag:$0x1], $0x4000, $0x38;
	[tilespmem:$0x4100] =	vst v63  }
0x234: {  	_ = 	snop  }
0x235: {  	[hbm4b:s13+s3] =	stream.linear.scatter [tilespmem:s3], [sflag:$0x1], $0x4000, $0x38;
	[tilespmem:$0x4100] =	vst v63  }
0x236: {  	_ = 	snop  }
0x237: {  	[hbm4b:s14+s3] =	stream.linear.scatter [tilespmem:s3], [sflag:$0x1], $0x4000, $0x38;
	[tilespmem:$0x4100] =	vst v63  }
0x238: {  	_ = 	snop  }
0x239: {  	[hbm4b:s15+s3] =	stream.linear.scatter [tilespmem:s3], [sflag:$0x1], $0x4000, $0x38;
	[tilespmem:$0x4100] =	vst v63  }
0x23a: {  	_ = 	snop  }
0x23b: {  	[hbm4b:s16+s3] =	stream.linear.scatter [tilespmem:s3], [sflag:$0x1], $0x4000, $0x38;
	[tilespmem:$0x4100] =	vst v63  }
0x23c: {  	_ = 	snop  }
0x23d: {  	[hbm4b:s17+s3] =	stream.linear.scatter [tilespmem:s3], [sflag:$0x1], $0x4000, $0x38;
	[tilespmem:$0x4100] =	vst v63  }
0x23e: {  	_ = 	snop  }
0x23f: {  	[hbm4b:s18+s3] =	stream.linear.scatter [tilespmem:s3], [sflag:$0x1], $0x4000, $0x38;
	[tilespmem:$0x4100] =	vst v63  }
0x240: {  	_ = 	snop  }
0x241: {  	[hbm4b:s19+s3] =	stream.linear.scatter [tilespmem:s3], [sflag:$0x1], $0x4000, $0x38;
	[tilespmem:$0x4100] =	vst v63  }
0x242: {  	_ =	swait.ge [sflag:s0], $0x4000  }
0x243: {  	[sflag:s0] =	ssyncset.done $0x0  }
0x244: {  	[sflag:s0] =	ssyncadd.s32 $0xFFFFC000  }
0x245: {  	_ =	swait.ge [sflag:s0], $0x4000  }
0x246: {  	[sflag:s0] =	ssyncset.done $0x0  }
0x247: {  	[sflag:s0] =	ssyncadd.s32 $0xFFFFC000  }
0x248: {  	_ =	swait.ge [sflag:s0], $0x4000  }
0x249: {  	[sflag:s0] =	ssyncset.done $0x0  }
0x24a: {  	[sflag:s0] =	ssyncadd.s32 $0xFFFFC000  }
0x24b: {  	_ =	swait.ge [sflag:s0], $0x4000  }
0x24c: {  	[sflag:s0] =	ssyncset.done $0x0  }
0x24d: {  	[sflag:s0] =	ssyncadd.s32 $0xFFFFC000  }
0x24e: {  	_ =	swait.ge [sflag:s0], $0x4000  }
0x24f: {  	[sflag:s0] =	ssyncset.done $0x0  }
0x250: {  	[sflag:s0] =	ssyncadd.s32 $0xFFFFC000  }
0x251: {  	_ =	swait.ge [sflag:s0], $0x4000  }
0x252: {  	[sflag:s0] =	ssyncset.done $0x0  }
0x253: {  	[sflag:s0] =	ssyncadd.s32 $0xFFFFC000  }
0x254: {  	_ =	swait.ge [sflag:s0], $0x4000  }
0x255: {  	[sflag:s0] =	ssyncset.done $0x0  }
0x256: {  	[sflag:s0] =	ssyncadd.s32 $0xFFFFC000  }
0x257: {  	_ =	swait.ge [sflag:s0], $0x4000  }
0x258: {  	[sflag:s0] =	ssyncset.done $0x0  }
0x259: {  	[sflag:s0] =	ssyncadd.s32 $0xFFFFC000  }
0x25a: {  	_ =	swait.ge [sflag:s0], $0x4000  }
0x25b: {  	[sflag:s0] =	ssyncset.done $0x0  }
0x25c: {  	[sflag:s0] =	ssyncadd.s32 $0xFFFFC000  }
0x25d: {  	_ =	swait.ge [sflag:s0], $0x4000  }
0x25e: {  	[sflag:s0] =	ssyncset.done $0x0  }
0x25f: {  	[sflag:s0] =	ssyncadd.s32 $0xFFFFC000  }
0x260: {  	_ =	swait.ge [sflag:s0], $0x4000  }
0x261: {  	[sflag:s0] =	ssyncset.done $0x0  }
0x262: {  	[sflag:s0] =	ssyncadd.s32 $0xFFFFC000  }
0x263: {  	_ =	swait.ge [sflag:s0], $0x4000  }
0x264: {  	[sflag:s0] =	ssyncset.done $0x0  }
0x265: {  	[sflag:s0] =	ssyncadd.s32 $0xFFFFC000  }
0x266: {  	_ =	swait.ge [sflag:s0], $0x4000  }
0x267: {  	[sflag:s0] =	ssyncset.done $0x0  }
0x268: {  	[sflag:s0] =	ssyncadd.s32 $0xFFFFC000  }
0x269: {  	_ =	swait.ge [sflag:s0], $0x4000  }
0x26a: {  	[sflag:s0] =	ssyncset.done $0x0  }
0x26b: {  	[sflag:s0] =	ssyncadd.s32 $0xFFFFC000  }
0x26c: {  	p0 =	sne.s32 s20, $0x1;
	_ =	swait.ge [sflag:s0], $0x4000  }
.Ltmp0:
0x26d: {  	[sflag:s0] =	ssyncset.done $0x0;
	(pc) =	sbr.rel @p0 .LBB2_1-.Ltmp0, $4  }
0x26e: {  	[sflag:s0] =	ssyncadd.s32 $0xFFFFC000  }
0x26f: {  	_ =	swait.ge [sflag:s0], $0x4000  }
0x270: {  	[sflag:s0] =	ssyncset.done $0x0  }
0x271: {  	s20 =	sadd.s32 $0xFFFFFFFF, s20;
	[sflag:s0] =	ssyncadd.s32 $0xFFFFC000  }
0x272: {  	_ =	sfence.sel $0x180000  }
0x273: {  	[bflag:$0x0] =	sbarrier.arrive $0xFFFF  }
0x274: {  	_ =	strace $0x90000047  }
0x275: {  	s0 =	stileid.u32;
	[bflag:$0x2] =	sbarrier.arrive $0xFFFF  }
0x276: {  	p0 =	sne.s32 s0, $0x0;
	s0 =	rddreg [dreg:$0x3]  }
0x277: {  	s0 =	sadd.s32 @!p0 $0x100000, s0  }
0x278: {  	[sflag:s0] =	ssyncadd.tile.s32 @!p0 $0x1;
	_ =	shalt  }
.Lfunc_end2:
_tile_overlayer_lowered:
.L_overlay_start_2:
0x279: {  	(tag) =	ssettag $0x2  }
0x27a: {  	s0 =	rddreg [dreg:$0x0];
	s2 =	stileid.u32  }
0x27b: {  	s1 =	rddreg [dreg:$0x1];
	p0 =	sne.s32 s2, $0x0  }
0x27c: {  	s3 =	rddreg [dreg:$0x2];
	[bflag:$0x3] =	sbarrier.arrive $0xFFFF;
	s2 =	simm.s32 @!p0 $0x1C02  }
0x27d: {  	[timem:s3], [sflag:s2] =	dma.local @!p0 [hbm:s0], s1  }
0x27e: {  	s0 =	simm.s32 @!p0 $0x2  }
0x27f: {  	_ =	swait.ge @!p0 [sflag:s0], s1  }
0x280: {  	s1 =	ssub.s32 @!p0 $0x0, s1;
	[sflag:s0] =	ssyncset.done @!p0 $0x0  }
0x281: {  	[sflag:s0] =	ssyncadd.s32 @!p0 s1  }
0x282: {  	[bflag:$0x3] =	sbarrier.arrive $0xFFFF  }
0x283: {  	_ =	shalt  }

</sc_bundles>
